<compile_context>
chip_gen: v7x
topology: tpu7x:2x2x1
jax: 0.10.2.dev20260603
libtpu: 0.0.44.dev20260713+nightly
codegen_flags: <defaults>
</compile_context>

<pallas_src>
import jax
import jax.numpy as jnp
import numpy as np
from jax import lax
from jax.experimental import pallas as pl
from jax.experimental.pallas import tpu as pltpu
from jax.experimental.pallas import tpu_sc as plsc

B = 16384
S = 20
D = 64
NC = 2
NS = 16
NW = NC * NS
BPW = B // NW
L = 16
CH = 16
NCHUNK = BPW // CH
IPG = 80
GPC = CH * S // IPG
NBUF = 2

MASK_HI = np.int32(-65536)
MASK_LO = np.int32(65535)


def _bf16_pair(words):
    ev = plsc.bitcast(lax.shift_left(words, 16), jnp.float32)
    od = plsc.bitcast(lax.bitwise_and(words, MASK_HI), jnp.float32)
    return ev, od


def _body(title2d, tok2d, title_table, token_table, out,
          k0, k1, t0, t1,
          tok_idx16, tok_idx, title_idx, out_buf, inv_v, nzf_v, row0_v,
          s0, s1):
    wid = lax.axis_index("s") * NC + lax.axis_index("c")
    base = wid * BPW
    krows = (k0, k1)
    trows = (t0, t1)
    sems = (s0, s1)

    pltpu.sync_copy(tok2d.at[pl.ds(wid * (BPW * S), BPW * S)], tok_idx16)
    pltpu.sync_copy(title2d.at[pl.ds(wid * BPW, BPW)], title_idx)
    pltpu.sync_copy(token_table.at[0], row0_v)

    lanes = lax.iota(jnp.int32, L)

    def widen_body(m, carry):
        w = plsc.bitcast(tok_idx16[pl.ds(m * 2 * L, 2 * L)], jnp.int32)
        pos = m * 2 * L + lanes * 2
        plsc.store_scatter(tok_idx, [pos], lax.bitwise_and(w, MASK_LO))
        plsc.store_scatter(tok_idx, [pos + 1],
                           lax.shift_right_logical(w, 16))
        return carry
    lax.fori_loop(0, BPW * S // (2 * L), widen_body, 0)

    def fire(c, kb, tb, sm):
        for j in range(GPC):
            pltpu.async_copy(
                token_table.at[tok_idx.at[pl.ds(c * (CH * S) + j * IPG, IPG)]],
                kb.at[pl.ds(j * IPG, IPG)], sm)
        pltpu.async_copy(title_table.at[title_idx.at[pl.ds(c * CH, CH)]],
                         tb, sm)

    def drain(c, kb, tb, sm):
        for j in range(GPC):
            pltpu.make_async_copy(
                token_table.at[tok_idx.at[pl.ds(c * (CH * S) + j * IPG, IPG)]],
                kb.at[pl.ds(j * IPG, IPG)], sm).wait()
        pltpu.make_async_copy(title_table.at[title_idx.at[pl.ds(c * CH, CH)]],
                              tb, sm).wait()

    for c in range(NBUF - 1):
        fire(c, krows[c], trows[c], sems[c])

    def count_body(g, carry):
        flat0 = g * (L * S) + lanes * S
        cnt = jnp.zeros((L,), jnp.float32)
        for s in range(S):
            t = plsc.load_gather(tok_idx, [flat0 + s])
            cnt = cnt + (t != 0).astype(jnp.float32)
        inv_v[pl.ds(g * L, L)] = 1.0 / jnp.maximum(cnt, 1.0)
        nzf_v[pl.ds(g * L, L)] = float(S) - cnt
        return carry
    lax.fori_loop(0, BPW // L, count_body, 0)

    row0 = []
    for h in range(2):
        w = plsc.bitcast(row0_v[pl.ds(h * 2 * L, 2 * L)], jnp.int32)
        row0 += list(_bf16_pair(w))

    def outer_body(c0, carry):
        for lane in range(NBUF):
            c = c0 * NBUF + lane
            kb, tb, sm = krows[lane], trows[lane], sems[lane]
            nxt = (lane + NBUF - 1) % NBUF

            @pl.when(c < NCHUNK - (NBUF - 1))
            def _():
                fire(c + NBUF - 1, krows[nxt], trows[nxt], sems[nxt])

            drain(c, kb, tb, sm)

            @plsc.parallel_loop(0, CH, unroll=2)
            def row_body(b):
                gb = c * CH + b
                rb = b * S
                ob = gb * (2 * D)
                for dv in range(D // L):
                    out_buf[pl.ds(ob + dv * L, L)] = tb[b, pl.ds(dv * L, L)]
                gidx = jnp.full((L,), gb, jnp.int32)
                ib = plsc.load_gather(inv_v, [gidx])
                nb = plsc.load_gather(nzf_v, [gidx])
                for h in range(2):
                    acc_e = jnp.zeros((L,), jnp.float32)
                    acc_o = jnp.zeros((L,), jnp.float32)
                    for s in range(S):
                        w = plsc.bitcast(
                            kb[rb + s, pl.ds(h * 2 * L, 2 * L)], jnp.int32)
                        ev, od = _bf16_pair(w)
                        acc_e = acc_e + ev
                        acc_o = acc_o + od
                    cols = ob + D + h * 2 * L + lanes * 2
                    plsc.store_scatter(
                        out_buf, [cols],
                        (acc_e - nb * row0[2 * h]) * ib)
                    plsc.store_scatter(
                        out_buf, [cols + 1],
                        (acc_o - nb * row0[2 * h + 1]) * ib)
        return carry
    lax.fori_loop(0, NCHUNK // NBUF, outer_body, 0)

    pltpu.sync_copy(out_buf, out.at[pl.ds(base * 2 * D, BPW * 2 * D)])


def kernel(title_ids, token_ids, title_table, token_table):
    tok2d = token_ids.astype(jnp.int16).reshape(B * S)
    title2d = title_ids
    token_table = token_table.astype(jnp.bfloat16)
    mesh = plsc.VectorSubcoreMesh(core_axis_name="c", subcore_axis_name="s")
    f = pl.kernel(
        _body,
        out_type=jax.ShapeDtypeStruct((B * 2 * D,), jnp.float32),
        mesh=mesh,
        compiler_params=pltpu.CompilerParams(
            needs_layout_passes=False, use_tc_tiling_on_sc=False),
        scratch_types=(
            [pltpu.VMEM((CH * S, D), jnp.bfloat16) for _ in range(NBUF)] +
            [pltpu.VMEM((CH, D), jnp.float32) for _ in range(NBUF)] +
            [
                pltpu.VMEM((BPW * S,), jnp.int16),
                pltpu.VMEM((BPW * S,), jnp.int32),
                pltpu.VMEM((BPW,), jnp.int32),
                pltpu.VMEM((BPW * 2 * D,), jnp.float32),
                pltpu.VMEM((BPW,), jnp.float32),
                pltpu.VMEM((BPW,), jnp.float32),
                pltpu.VMEM((D,), jnp.bfloat16),
            ] +
            [pltpu.SemaphoreType.DMA for _ in range(NBUF)]
        ),
    )
    return f(title2d, tok2d, title_table, token_table).reshape(B, 2 * D)

# --- scband reference (transcript-rebuilt; emitter-appended) ---
"""Pipeline reference for scband-movie-model-31009663877811 (READ-ONLY COPY).

The authoritative reference and input builder live on the scoring server;
editing this copy changes nothing except your own understanding.
"""

import jax, jax.numpy as jnp
import numpy as np

NUM_MOVIES = 100000   # len(unique_movie_titles); table has NUM_MOVIES+1 rows (StringLookup OOV row)
TITLE_EMBED = 64
TEXT_EMBED = 64
MAX_TOKENS = 10000    # TextVectorization max_tokens; token id 0 is the mask token
BATCH = 16384
SEQ = 20

def setup_inputs(seed: int = 0) -> dict:
    key = jax.random.key(seed)
    k1, k2, k3, k4 = jax.random.split(key, 4)
    # StringLookup(title) -> integer id in [0, NUM_MOVIES] (0 reserved for OOV)
    title_ids = jax.random.randint(k1, (BATCH,), 0, NUM_MOVIES + 1, dtype=jnp.int32)
    # TextVectorization(title) -> padded token ids in [0, MAX_TOKENS); 0 = padding/mask
    token_ids = jax.random.randint(k2, (BATCH, SEQ), 0, MAX_TOKENS, dtype=jnp.int32)
    title_table = jax.random.normal(k3, (NUM_MOVIES + 1, TITLE_EMBED), dtype=jnp.float32) * 0.05
    token_table = jax.random.normal(k4, (MAX_TOKENS, TEXT_EMBED), dtype=jnp.float32) * 0.05
    return {"title_ids": title_ids, "token_ids": token_ids,
            "title_table": title_table, "token_table": token_table}

def reference(title_ids, token_ids, title_table, token_table):
    # Branch 1: StringLookup -> Embedding (plain row gather)
    title_emb = jnp.take(title_table, title_ids, axis=0)              # [B, TITLE_EMBED]
    # Branch 2: TextVectorization -> Embedding(mask_zero=True) -> GlobalAveragePooling1D
    tok_emb = jnp.take(token_table, token_ids, axis=0)                # [B, S, TEXT_EMBED]
    mask = (token_ids != 0).astype(jnp.float32)[..., None]            # [B, S, 1]
    summed = jnp.sum(tok_emb * mask, axis=1)                          # [B, TEXT_EMBED]
    count = jnp.maximum(jnp.sum(mask, axis=1), 1.0)                   # avoid div-by-zero
    text_emb = summed / count                                         # masked mean (Keras GAP1D w/ mask)
    return jnp.concatenate([title_emb, text_emb], axis=1)             # [B, 128]

if __name__ == "__main__":
    import jax
    _d = setup_inputs()
    print(jax.jit(kernel)(*tuple(_d.values())))

</pallas_src>

<mosaic_0001>
#map = affine_map<(d0, d1) -> (0)>
#map1 = affine_map<(d0, d1) -> (0, 0)>
module attributes {stable_mosaic.version = 14 : i64} {
  func.func @_body(%arg0: i32, %arg1: i32, %arg2: memref<16384xi32, #tpu.memory_space<hbm>>, %arg3: memref<327680xi16, #tpu.memory_space<hbm>>, %arg4: memref<100001x64xf32, #tpu.memory_space<hbm>>, %arg5: memref<10000x64xbf16, #tpu.memory_space<hbm>>, %arg6: memref<2097152xf32, #tpu.memory_space<hbm>>, %arg7: memref<320x64xbf16, #tpu.memory_space<vmem>>, %arg8: memref<320x64xbf16, #tpu.memory_space<vmem>>, %arg9: memref<16x64xf32, #tpu.memory_space<vmem>>, %arg10: memref<16x64xf32, #tpu.memory_space<vmem>>, %arg11: memref<10240xi16, #tpu.memory_space<vmem>>, %arg12: memref<10240xi32, #tpu.memory_space<vmem>>, %arg13: memref<512xi32, #tpu.memory_space<vmem>>, %arg14: memref<65536xf32, #tpu.memory_space<vmem>>, %arg15: memref<512xf32, #tpu.memory_space<vmem>>, %arg16: memref<512xf32, #tpu.memory_space<vmem>>, %arg17: memref<64xbf16, #tpu.memory_space<vmem>>, %arg18: memref<!tpu.dma_semaphore, #tpu.memory_space<semaphore_mem>>, %arg19: memref<!tpu.dma_semaphore, #tpu.memory_space<semaphore_mem>>) attributes {dimension_semantics = [#tpu.dimension_semantics<core_parallel>, #tpu.dimension_semantics<subcore_parallel>], iteration_bounds = array<i64: 2, 16>, scalar_prefetch = 0 : i64, scratch_operands = 13 : i64, tpu.core_type = #tpu.core_type<sc_vector_subcore>, window_params = [{transform_indices = #map}, {transform_indices = #map}, {transform_indices = #map1}, {transform_indices = #map1}, {transform_indices = #map}]} {
    %mul3A = arith.constant 2 : i32
    %mul3A_0 = arith.muli %arg1, %mul3A : i32
    %add3A = arith.addi %mul3A_0, %arg0 : i32
    %mul3A_1 = arith.constant 512 : i32
    %mul3A_2 = arith.muli %add3A, %mul3A_1 : i32
    %mul3A_3 = arith.constant 10240 : i32
    %mul3A_4 = arith.muli %add3A, %mul3A_3 : i32
    "tpu.region"() ({
      %run_scoped3A_82 = tpu.sem_alloc : memref<!tpu.dma_semaphore, #tpu.memory_space<semaphore_mem>>
      %dma_start3A_83 = tpu.memref_slice %arg3[%mul3A_4] : memref<327680xi16, #tpu.memory_space<hbm>> -> memref<10240xi16, #tpu.memory_space<hbm>>
      %dma_start3A_84 = tpu.memref_slice %arg3[%mul3A_4] : memref<327680xi16, #tpu.memory_space<hbm>> -> memref<10240xi16, #tpu.memory_space<hbm>>
      tpu.enqueue_dma source(%dma_start3A_84 : memref<10240xi16, #tpu.memory_space<hbm>>) target(%arg11 : memref<10240xi16, #tpu.memory_space<vmem>>) target_semaphore(%run_scoped3A_82 : memref<!tpu.dma_semaphore, #tpu.memory_space<semaphore_mem>>)
      %dma_wait3A = tpu.memref_slice %arg3[%mul3A_4] : memref<327680xi16, #tpu.memory_space<hbm>> -> memref<10240xi16, #tpu.memory_space<hbm>>
      %dma_wait3A_85 = tpu.memref_slice %arg3[%mul3A_4] : memref<327680xi16, #tpu.memory_space<hbm>> -> memref<10240xi16, #tpu.memory_space<hbm>>
      tpu.wait_dma2 semaphore(%run_scoped3A_82 : memref<!tpu.dma_semaphore, #tpu.memory_space<semaphore_mem>>) src(%dma_wait3A_85 : memref<10240xi16, #tpu.memory_space<hbm>>) dst(%arg11 : memref<10240xi16, #tpu.memory_space<vmem>>)
      tpu.yield
    }) : () -> ()
    %mul3A_5 = arith.constant 512 : i32
    %mul3A_6 = arith.muli %add3A, %mul3A_5 : i32
    "tpu.region"() ({
      %run_scoped3A_82 = tpu.sem_alloc : memref<!tpu.dma_semaphore, #tpu.memory_space<semaphore_mem>>
      %dma_start3A_83 = tpu.memref_slice %arg2[%mul3A_6] : memref<16384xi32, #tpu.memory_space<hbm>> -> memref<512xi32, #tpu.memory_space<hbm>>
      %dma_start3A_84 = tpu.memref_slice %arg2[%mul3A_6] : memref<16384xi32, #tpu.memory_space<hbm>> -> memref<512xi32, #tpu.memory_space<hbm>>
      tpu.enqueue_dma source(%dma_start3A_84 : memref<512xi32, #tpu.memory_space<hbm>>) target(%arg13 : memref<512xi32, #tpu.memory_space<vmem>>) target_semaphore(%run_scoped3A_82 : memref<!tpu.dma_semaphore, #tpu.memory_space<semaphore_mem>>)
      %dma_wait3A = tpu.memref_slice %arg2[%mul3A_6] : memref<16384xi32, #tpu.memory_space<hbm>> -> memref<512xi32, #tpu.memory_space<hbm>>
      %dma_wait3A_85 = tpu.memref_slice %arg2[%mul3A_6] : memref<16384xi32, #tpu.memory_space<hbm>> -> memref<512xi32, #tpu.memory_space<hbm>>
      tpu.wait_dma2 semaphore(%run_scoped3A_82 : memref<!tpu.dma_semaphore, #tpu.memory_space<semaphore_mem>>) src(%dma_wait3A_85 : memref<512xi32, #tpu.memory_space<hbm>>) dst(%arg13 : memref<512xi32, #tpu.memory_space<vmem>>)
      tpu.yield
    }) : () -> ()
    %run_scoped3A = arith.constant 0 : i32
    "tpu.region"() ({
      %run_scoped3A_82 = tpu.sem_alloc : memref<!tpu.dma_semaphore, #tpu.memory_space<semaphore_mem>>
      %dma_start3A_83 = arith.constant 0 : i32
      %dma_start3A_84 = tpu.memref_slice %arg5[%run_scoped3A, %dma_start3A_83] : memref<10000x64xbf16, #tpu.memory_space<hbm>> -> memref<1x64xbf16, #tpu.memory_space<hbm>>
      %dma_start3A_85 = tpu.memref_squeeze %dma_start3A_84 : memref<1x64xbf16, #tpu.memory_space<hbm>> -> memref<64xbf16, #tpu.memory_space<hbm>>
      %dma_start3A_86 = arith.constant 0 : i32
      %dma_start3A_87 = tpu.memref_slice %arg5[%run_scoped3A, %dma_start3A_86] : memref<10000x64xbf16, #tpu.memory_space<hbm>> -> memref<1x64xbf16, #tpu.memory_space<hbm>>
      %dma_start3A_88 = tpu.memref_squeeze %dma_start3A_87 : memref<1x64xbf16, #tpu.memory_space<hbm>> -> memref<64xbf16, #tpu.memory_space<hbm>>
      tpu.enqueue_dma source(%dma_start3A_88 : memref<64xbf16, #tpu.memory_space<hbm>>) target(%arg17 : memref<64xbf16, #tpu.memory_space<vmem>>) target_semaphore(%run_scoped3A_82 : memref<!tpu.dma_semaphore, #tpu.memory_space<semaphore_mem>>)
      %dma_wait3A = arith.constant 0 : i32
      %dma_wait3A_89 = tpu.memref_slice %arg5[%run_scoped3A, %dma_wait3A] : memref<10000x64xbf16, #tpu.memory_space<hbm>> -> memref<1x64xbf16, #tpu.memory_space<hbm>>
      %dma_wait3A_90 = tpu.memref_squeeze %dma_wait3A_89 : memref<1x64xbf16, #tpu.memory_space<hbm>> -> memref<64xbf16, #tpu.memory_space<hbm>>
      %dma_wait3A_91 = arith.constant 0 : i32
      %dma_wait3A_92 = tpu.memref_slice %arg5[%run_scoped3A, %dma_wait3A_91] : memref<10000x64xbf16, #tpu.memory_space<hbm>> -> memref<1x64xbf16, #tpu.memory_space<hbm>>
      %dma_wait3A_93 = tpu.memref_squeeze %dma_wait3A_92 : memref<1x64xbf16, #tpu.memory_space<hbm>> -> memref<64xbf16, #tpu.memory_space<hbm>>
      tpu.wait_dma2 semaphore(%run_scoped3A_82 : memref<!tpu.dma_semaphore, #tpu.memory_space<semaphore_mem>>) src(%dma_wait3A_93 : memref<64xbf16, #tpu.memory_space<hbm>>) dst(%arg17 : memref<64xbf16, #tpu.memory_space<vmem>>)
      tpu.yield
    }) : () -> ()
    %iota3A = tpu.iota {dimensions = array<i32: 0>} : vector<16xi32>
    %scan3A = arith.constant 0 : i32
    %scan3A_7 = arith.constant 0 : i32
    %scan3A_8 = arith.constant 320 : i32
    %scan3A_9 = arith.addi %scan3A_7, %scan3A_8 : i32
    %scan3A_10 = arith.constant 1 : i32
    scf.for %scan3A_82 = %scan3A_7 to %scan3A_9 step %scan3A_10  : i32 {
      %mul3A_83 = arith.constant 2 : i32
      %mul3A_84 = arith.muli %scan3A_82, %mul3A_83 : i32
      %mul3A_85 = arith.constant 16 : i32
      %mul3A_86 = arith.muli %mul3A_84, %mul3A_85 : i32
      %get3A_87 = arith.index_cast %mul3A_86 : i32 to index
      %get3A_88 = tpu.vector_load %arg11[%get3A_87] {strides = array<i32>} : memref<10240xi16, #tpu.memory_space<vmem>>, vector<32xi16>,
      %bitcast3A_89 = vector.bitcast %get3A_88 : vector<32xi16> to vector<16xi32>
      %mul3A_90 = arith.constant 2 : i32
      %mul3A_91 = arith.muli %scan3A_82, %mul3A_90 : i32
      %mul3A_92 = arith.constant 16 : i32
      %mul3A_93 = arith.muli %mul3A_91, %mul3A_92 : i32
      %mul3A_94 = arith.constant 2 : i32
      %mul3A_95 = vector.broadcast %mul3A_94 : i32 to vector<16xi32>
      %mul3A_96 = arith.muli %iota3A, %mul3A_95 : vector<16xi32>
      %add3A_97 = vector.broadcast %mul3A_93 : i32 to vector<16xi32>
      %add3A_98 = arith.addi %add3A_97, %mul3A_96 : vector<16xi32>
      %and3A_99 = arith.constant 65535 : i32
      %and3A_100 = vector.broadcast %and3A_99 : i32 to vector<16xi32>
      %and3A_101 = arith.andi %bitcast3A_89, %and3A_100 : vector<16xi32>
      tpu.vector_store_idx %arg12[%add3A_98], %and3A_101 : memref<10240xi32, #tpu.memory_space<vmem>>[vector<16xi32>], vector<16xi32>,
      %add3A_102 = arith.constant 1 : i32
      %add3A_103 = vector.broadcast %add3A_102 : i32 to vector<16xi32>
      %add3A_104 = arith.addi %add3A_98, %add3A_103 : vector<16xi32>
      %shift_right_logical3A = arith.constant 16 : i32
      %shift_right_logical3A_105 = vector.broadcast %shift_right_logical3A : i32 to vector<16xi32>
      %shift_right_logical3A_106 = arith.shrui %bitcast3A_89, %shift_right_logical3A_105 : vector<16xi32>
      tpu.vector_store_idx %arg12[%add3A_104], %shift_right_logical3A_106 : memref<10240xi32, #tpu.memory_space<vmem>>[vector<16xi32>], vector<16xi32>,
    }
    %scan3A_11 = arith.constant 320 : i32
    %dma_start3A = arith.constant 0 : i32
    %dma_start3A_12 = arith.constant 0 : i32
    %dma_start3A_13 = tpu.memref_slice %arg7[%dma_start3A, %dma_start3A_12] : memref<320x64xbf16, #tpu.memory_space<vmem>> -> memref<80x64xbf16, #tpu.memory_space<vmem>>
    %dma_start3A_14 = arith.constant 0 : i32
    %dma_start3A_15 = tpu.memref_slice %arg12[%dma_start3A_14] : memref<10240xi32, #tpu.memory_space<vmem>> -> memref<80xi32, #tpu.memory_space<vmem>>
    %dma_start3A_16 = arith.constant 0 : i32
    %dma_start3A_17 = arith.constant 0 : i32
    %dma_start3A_18 = tpu.memref_slice %arg5[%dma_start3A_16, %dma_start3A_17] : memref<10000x64xbf16, #tpu.memory_space<hbm>> -> memref<10000x64xbf16, #tpu.memory_space<hbm>>
    tpu.enqueue_indirect_dma source(%dma_start3A_18 : memref<10000x64xbf16, #tpu.memory_space<hbm>>) target(%dma_start3A_13 : memref<80x64xbf16, #tpu.memory_space<vmem>>) offsets(%dma_start3A_15 : memref<80xi32, #tpu.memory_space<vmem>>) semaphore(%arg18 : memref<!tpu.dma_semaphore, #tpu.memory_space<semaphore_mem>>)
    %dma_start3A_19 = arith.constant 80 : i32
    %dma_start3A_20 = arith.constant 0 : i32
    %dma_start3A_21 = tpu.memref_slice %arg7[%dma_start3A_19, %dma_start3A_20] : memref<320x64xbf16, #tpu.memory_space<vmem>> -> memref<80x64xbf16, #tpu.memory_space<vmem>>
    %dma_start3A_22 = arith.constant 80 : i32
    %dma_start3A_23 = tpu.memref_slice %arg12[%dma_start3A_22] : memref<10240xi32, #tpu.memory_space<vmem>> -> memref<80xi32, #tpu.memory_space<vmem>>
    %dma_start3A_24 = arith.constant 0 : i32
    %dma_start3A_25 = arith.constant 0 : i32
    %dma_start3A_26 = tpu.memref_slice %arg5[%dma_start3A_24, %dma_start3A_25] : memref<10000x64xbf16, #tpu.memory_space<hbm>> -> memref<10000x64xbf16, #tpu.memory_space<hbm>>
    tpu.enqueue_indirect_dma source(%dma_start3A_26 : memref<10000x64xbf16, #tpu.memory_space<hbm>>) target(%dma_start3A_21 : memref<80x64xbf16, #tpu.memory_space<vmem>>) offsets(%dma_start3A_23 : memref<80xi32, #tpu.memory_space<vmem>>) semaphore(%arg18 : memref<!tpu.dma_semaphore, #tpu.memory_space<semaphore_mem>>)
    %dma_start3A_27 = arith.constant 160 : i32
    %dma_start3A_28 = arith.constant 0 : i32
    %dma_start3A_29 = tpu.memref_slice %arg7[%dma_start3A_27, %dma_start3A_28] : memref<320x64xbf16, #tpu.memory_space<vmem>> -> memref<80x64xbf16, #tpu.memory_space<vmem>>
    %dma_start3A_30 = arith.constant 160 : i32
    %dma_start3A_31 = tpu.memref_slice %arg12[%dma_start3A_30] : memref<10240xi32, #tpu.memory_space<vmem>> -> memref<80xi32, #tpu.memory_space<vmem>>
    %dma_start3A_32 = arith.constant 0 : i32
    %dma_start3A_33 = arith.constant 0 : i32
    %dma_start3A_34 = tpu.memref_slice %arg5[%dma_start3A_32, %dma_start3A_33] : memref<10000x64xbf16, #tpu.memory_space<hbm>> -> memref<10000x64xbf16, #tpu.memory_space<hbm>>
    tpu.enqueue_indirect_dma source(%dma_start3A_34 : memref<10000x64xbf16, #tpu.memory_space<hbm>>) target(%dma_start3A_29 : memref<80x64xbf16, #tpu.memory_space<vmem>>) offsets(%dma_start3A_31 : memref<80xi32, #tpu.memory_space<vmem>>) semaphore(%arg18 : memref<!tpu.dma_semaphore, #tpu.memory_space<semaphore_mem>>)
    %dma_start3A_35 = arith.constant 240 : i32
    %dma_start3A_36 = arith.constant 0 : i32
    %dma_start3A_37 = tpu.memref_slice %arg7[%dma_start3A_35, %dma_start3A_36] : memref<320x64xbf16, #tpu.memory_space<vmem>> -> memref<80x64xbf16, #tpu.memory_space<vmem>>
    %dma_start3A_38 = arith.constant 240 : i32
    %dma_start3A_39 = tpu.memref_slice %arg12[%dma_start3A_38] : memref<10240xi32, #tpu.memory_space<vmem>> -> memref<80xi32, #tpu.memory_space<vmem>>
    %dma_start3A_40 = arith.constant 0 : i32
    %dma_start3A_41 = arith.constant 0 : i32
    %dma_start3A_42 = tpu.memref_slice %arg5[%dma_start3A_40, %dma_start3A_41] : memref<10000x64xbf16, #tpu.memory_space<hbm>> -> memref<10000x64xbf16, #tpu.memory_space<hbm>>
    tpu.enqueue_indirect_dma source(%dma_start3A_42 : memref<10000x64xbf16, #tpu.memory_space<hbm>>) target(%dma_start3A_37 : memref<80x64xbf16, #tpu.memory_space<vmem>>) offsets(%dma_start3A_39 : memref<80xi32, #tpu.memory_space<vmem>>) semaphore(%arg18 : memref<!tpu.dma_semaphore, #tpu.memory_space<semaphore_mem>>)
    %dma_start3A_43 = arith.constant 0 : i32
    %dma_start3A_44 = tpu.memref_slice %arg13[%dma_start3A_43] : memref<512xi32, #tpu.memory_space<vmem>> -> memref<16xi32, #tpu.memory_space<vmem>>
    %dma_start3A_45 = arith.constant 0 : i32
    %dma_start3A_46 = arith.constant 0 : i32
    %dma_start3A_47 = tpu.memref_slice %arg4[%dma_start3A_45, %dma_start3A_46] : memref<100001x64xf32, #tpu.memory_space<hbm>> -> memref<100001x64xf32, #tpu.memory_space<hbm>>
    tpu.enqueue_indirect_dma source(%dma_start3A_47 : memref<100001x64xf32, #tpu.memory_space<hbm>>) target(%arg9 : memref<16x64xf32, #tpu.memory_space<vmem>>) offsets(%dma_start3A_44 : memref<16xi32, #tpu.memory_space<vmem>>) semaphore(%arg18 : memref<!tpu.dma_semaphore, #tpu.memory_space<semaphore_mem>>)
    %scan3A_48 = arith.constant 0 : i32
    %scan3A_49 = arith.constant 0 : i32
    %scan3A_50 = arith.constant 32 : i32
    %scan3A_51 = arith.addi %scan3A_49, %scan3A_50 : i32
    %scan3A_52 = arith.constant 1 : i32
    scf.for %scan3A_82 = %scan3A_49 to %scan3A_51 step %scan3A_52  : i32 {
      %mul3A_83 = arith.constant 320 : i32
      %mul3A_84 = arith.muli %scan3A_82, %mul3A_83 : i32
      %mul3A_85 = arith.constant 20 : i32
      %mul3A_86 = vector.broadcast %mul3A_85 : i32 to vector<16xi32>
      %mul3A_87 = arith.muli %iota3A, %mul3A_86 : vector<16xi32>
      %add3A_88 = vector.broadcast %mul3A_84 : i32 to vector<16xi32>
      %add3A_89 = arith.addi %add3A_88, %mul3A_87 : vector<16xi32>
      %broadcast_in_dim3A = arith.constant 0.000000e+00 : f32
      %broadcast_in_dim3A_90 = vector.broadcast %broadcast_in_dim3A : f32 to vector<16xf32>
      %add3A_91 = arith.constant 0 : i32
      %add3A_92 = vector.broadcast %add3A_91 : i32 to vector<16xi32>
      %add3A_93 = arith.addi %add3A_89, %add3A_92 : vector<16xi32>
      %gather3A = tpu.vector_load_idx %arg12[%add3A_93] : memref<10240xi32, #tpu.memory_space<vmem>>[vector<16xi32>], vector<16xi32>,
      %ne3A = arith.constant 0 : i32
      %ne3A_94 = vector.broadcast %ne3A : i32 to vector<16xi32>
      %ne3A_95 = arith.cmpi ne, %gather3A, %ne3A_94 : vector<16xi32>
      %convert_element_type3A = arith.extui %ne3A_95 : vector<16xi1> to vector<16xi32>
      %convert_element_type3A_96 = arith.sitofp %convert_element_type3A : vector<16xi32> to vector<16xf32>
      %add3A_97 = arith.addf %broadcast_in_dim3A_90, %convert_element_type3A_96 : vector<16xf32>
      %add3A_98 = arith.constant 1 : i32
      %add3A_99 = vector.broadcast %add3A_98 : i32 to vector<16xi32>
      %add3A_100 = arith.addi %add3A_89, %add3A_99 : vector<16xi32>
      %gather3A_101 = tpu.vector_load_idx %arg12[%add3A_100] : memref<10240xi32, #tpu.memory_space<vmem>>[vector<16xi32>], vector<16xi32>,
      %ne3A_102 = arith.constant 0 : i32
      %ne3A_103 = vector.broadcast %ne3A_102 : i32 to vector<16xi32>
      %ne3A_104 = arith.cmpi ne, %gather3A_101, %ne3A_103 : vector<16xi32>
      %convert_element_type3A_105 = arith.extui %ne3A_104 : vector<16xi1> to vector<16xi32>
      %convert_element_type3A_106 = arith.sitofp %convert_element_type3A_105 : vector<16xi32> to vector<16xf32>
      %add3A_107 = arith.addf %add3A_97, %convert_element_type3A_106 : vector<16xf32>
      %add3A_108 = arith.constant 2 : i32
      %add3A_109 = vector.broadcast %add3A_108 : i32 to vector<16xi32>
      %add3A_110 = arith.addi %add3A_89, %add3A_109 : vector<16xi32>
      %gather3A_111 = tpu.vector_load_idx %arg12[%add3A_110] : memref<10240xi32, #tpu.memory_space<vmem>>[vector<16xi32>], vector<16xi32>,
      %ne3A_112 = arith.constant 0 : i32
      %ne3A_113 = vector.broadcast %ne3A_112 : i32 to vector<16xi32>
      %ne3A_114 = arith.cmpi ne, %gather3A_111, %ne3A_113 : vector<16xi32>
      %convert_element_type3A_115 = arith.extui %ne3A_114 : vector<16xi1> to vector<16xi32>
      %convert_element_type3A_116 = arith.sitofp %convert_element_type3A_115 : vector<16xi32> to vector<16xf32>
      %add3A_117 = arith.addf %add3A_107, %convert_element_type3A_116 : vector<16xf32>
      %add3A_118 = arith.constant 3 : i32
      %add3A_119 = vector.broadcast %add3A_118 : i32 to vector<16xi32>
      %add3A_120 = arith.addi %add3A_89, %add3A_119 : vector<16xi32>
      %gather3A_121 = tpu.vector_load_idx %arg12[%add3A_120] : memref<10240xi32, #tpu.memory_space<vmem>>[vector<16xi32>], vector<16xi32>,
      %ne3A_122 = arith.constant 0 : i32
      %ne3A_123 = vector.broadcast %ne3A_122 : i32 to vector<16xi32>
      %ne3A_124 = arith.cmpi ne, %gather3A_121, %ne3A_123 : vector<16xi32>
      %convert_element_type3A_125 = arith.extui %ne3A_124 : vector<16xi1> to vector<16xi32>
      %convert_element_type3A_126 = arith.sitofp %convert_element_type3A_125 : vector<16xi32> to vector<16xf32>
      %add3A_127 = arith.addf %add3A_117, %convert_element_type3A_126 : vector<16xf32>
      %add3A_128 = arith.constant 4 : i32
      %add3A_129 = vector.broadcast %add3A_128 : i32 to vector<16xi32>
      %add3A_130 = arith.addi %add3A_89, %add3A_129 : vector<16xi32>
      %gather3A_131 = tpu.vector_load_idx %arg12[%add3A_130] : memref<10240xi32, #tpu.memory_space<vmem>>[vector<16xi32>], vector<16xi32>,
      %ne3A_132 = arith.constant 0 : i32
      %ne3A_133 = vector.broadcast %ne3A_132 : i32 to vector<16xi32>
      %ne3A_134 = arith.cmpi ne, %gather3A_131, %ne3A_133 : vector<16xi32>
      %convert_element_type3A_135 = arith.extui %ne3A_134 : vector<16xi1> to vector<16xi32>
      %convert_element_type3A_136 = arith.sitofp %convert_element_type3A_135 : vector<16xi32> to vector<16xf32>
      %add3A_137 = arith.addf %add3A_127, %convert_element_type3A_136 : vector<16xf32>
      %add3A_138 = arith.constant 5 : i32
      %add3A_139 = vector.broadcast %add3A_138 : i32 to vector<16xi32>
      %add3A_140 = arith.addi %add3A_89, %add3A_139 : vector<16xi32>
      %gather3A_141 = tpu.vector_load_idx %arg12[%add3A_140] : memref<10240xi32, #tpu.memory_space<vmem>>[vector<16xi32>], vector<16xi32>,
      %ne3A_142 = arith.constant 0 : i32
      %ne3A_143 = vector.broadcast %ne3A_142 : i32 to vector<16xi32>
      %ne3A_144 = arith.cmpi ne, %gather3A_141, %ne3A_143 : vector<16xi32>
      %convert_element_type3A_145 = arith.extui %ne3A_144 : vector<16xi1> to vector<16xi32>
      %convert_element_type3A_146 = arith.sitofp %convert_element_type3A_145 : vector<16xi32> to vector<16xf32>
      %add3A_147 = arith.addf %add3A_137, %convert_element_type3A_146 : vector<16xf32>
      %add3A_148 = arith.constant 6 : i32
      %add3A_149 = vector.broadcast %add3A_148 : i32 to vector<16xi32>
      %add3A_150 = arith.addi %add3A_89, %add3A_149 : vector<16xi32>
      %gather3A_151 = tpu.vector_load_idx %arg12[%add3A_150] : memref<10240xi32, #tpu.memory_space<vmem>>[vector<16xi32>], vector<16xi32>,
      %ne3A_152 = arith.constant 0 : i32
      %ne3A_153 = vector.broadcast %ne3A_152 : i32 to vector<16xi32>
      %ne3A_154 = arith.cmpi ne, %gather3A_151, %ne3A_153 : vector<16xi32>
      %convert_element_type3A_155 = arith.extui %ne3A_154 : vector<16xi1> to vector<16xi32>
      %convert_element_type3A_156 = arith.sitofp %convert_element_type3A_155 : vector<16xi32> to vector<16xf32>
      %add3A_157 = arith.addf %add3A_147, %convert_element_type3A_156 : vector<16xf32>
      %add3A_158 = arith.constant 7 : i32
      %add3A_159 = vector.broadcast %add3A_158 : i32 to vector<16xi32>
      %add3A_160 = arith.addi %add3A_89, %add3A_159 : vector<16xi32>
      %gather3A_161 = tpu.vector_load_idx %arg12[%add3A_160] : memref<10240xi32, #tpu.memory_space<vmem>>[vector<16xi32>], vector<16xi32>,
      %ne3A_162 = arith.constant 0 : i32
      %ne3A_163 = vector.broadcast %ne3A_162 : i32 to vector<16xi32>
      %ne3A_164 = arith.cmpi ne, %gather3A_161, %ne3A_163 : vector<16xi32>
      %convert_element_type3A_165 = arith.extui %ne3A_164 : vector<16xi1> to vector<16xi32>
      %convert_element_type3A_166 = arith.sitofp %convert_element_type3A_165 : vector<16xi32> to vector<16xf32>
      %add3A_167 = arith.addf %add3A_157, %convert_element_type3A_166 : vector<16xf32>
      %add3A_168 = arith.constant 8 : i32
      %add3A_169 = vector.broadcast %add3A_168 : i32 to vector<16xi32>
      %add3A_170 = arith.addi %add3A_89, %add3A_169 : vector<16xi32>
      %gather3A_171 = tpu.vector_load_idx %arg12[%add3A_170] : memref<10240xi32, #tpu.memory_space<vmem>>[vector<16xi32>], vector<16xi32>,
      %ne3A_172 = arith.constant 0 : i32
      %ne3A_173 = vector.broadcast %ne3A_172 : i32 to vector<16xi32>
      %ne3A_174 = arith.cmpi ne, %gather3A_171, %ne3A_173 : vector<16xi32>
      %convert_element_type3A_175 = arith.extui %ne3A_174 : vector<16xi1> to vector<16xi32>
      %convert_element_type3A_176 = arith.sitofp %convert_element_type3A_175 : vector<16xi32> to vector<16xf32>
      %add3A_177 = arith.addf %add3A_167, %convert_element_type3A_176 : vector<16xf32>
      %add3A_178 = arith.constant 9 : i32
      %add3A_179 = vector.broadcast %add3A_178 : i32 to vector<16xi32>
      %add3A_180 = arith.addi %add3A_89, %add3A_179 : vector<16xi32>
      %gather3A_181 = tpu.vector_load_idx %arg12[%add3A_180] : memref<10240xi32, #tpu.memory_space<vmem>>[vector<16xi32>], vector<16xi32>,
      %ne3A_182 = arith.constant 0 : i32
      %ne3A_183 = vector.broadcast %ne3A_182 : i32 to vector<16xi32>
      %ne3A_184 = arith.cmpi ne, %gather3A_181, %ne3A_183 : vector<16xi32>
      %convert_element_type3A_185 = arith.extui %ne3A_184 : vector<16xi1> to vector<16xi32>
      %convert_element_type3A_186 = arith.sitofp %convert_element_type3A_185 : vector<16xi32> to vector<16xf32>
      %add3A_187 = arith.addf %add3A_177, %convert_element_type3A_186 : vector<16xf32>
      %add3A_188 = arith.constant 10 : i32
      %add3A_189 = vector.broadcast %add3A_188 : i32 to vector<16xi32>
      %add3A_190 = arith.addi %add3A_89, %add3A_189 : vector<16xi32>
      %gather3A_191 = tpu.vector_load_idx %arg12[%add3A_190] : memref<10240xi32, #tpu.memory_space<vmem>>[vector<16xi32>], vector<16xi32>,
      %ne3A_192 = arith.constant 0 : i32
      %ne3A_193 = vector.broadcast %ne3A_192 : i32 to vector<16xi32>
      %ne3A_194 = arith.cmpi ne, %gather3A_191, %ne3A_193 : vector<16xi32>
      %convert_element_type3A_195 = arith.extui %ne3A_194 : vector<16xi1> to vector<16xi32>
      %convert_element_type3A_196 = arith.sitofp %convert_element_type3A_195 : vector<16xi32> to vector<16xf32>
      %add3A_197 = arith.addf %add3A_187, %convert_element_type3A_196 : vector<16xf32>
      %add3A_198 = arith.constant 11 : i32
      %add3A_199 = vector.broadcast %add3A_198 : i32 to vector<16xi32>
      %add3A_200 = arith.addi %add3A_89, %add3A_199 : vector<16xi32>
      %gather3A_201 = tpu.vector_load_idx %arg12[%add3A_200] : memref<10240xi32, #tpu.memory_space<vmem>>[vector<16xi32>], vector<16xi32>,
      %ne3A_202 = arith.constant 0 : i32
      %ne3A_203 = vector.broadcast %ne3A_202 : i32 to vector<16xi32>
      %ne3A_204 = arith.cmpi ne, %gather3A_201, %ne3A_203 : vector<16xi32>
      %convert_element_type3A_205 = arith.extui %ne3A_204 : vector<16xi1> to vector<16xi32>
      %convert_element_type3A_206 = arith.sitofp %convert_element_type3A_205 : vector<16xi32> to vector<16xf32>
      %add3A_207 = arith.addf %add3A_197, %convert_element_type3A_206 : vector<16xf32>
      %add3A_208 = arith.constant 12 : i32
      %add3A_209 = vector.broadcast %add3A_208 : i32 to vector<16xi32>
      %add3A_210 = arith.addi %add3A_89, %add3A_209 : vector<16xi32>
      %gather3A_211 = tpu.vector_load_idx %arg12[%add3A_210] : memref<10240xi32, #tpu.memory_space<vmem>>[vector<16xi32>], vector<16xi32>,
      %ne3A_212 = arith.constant 0 : i32
      %ne3A_213 = vector.broadcast %ne3A_212 : i32 to vector<16xi32>
      %ne3A_214 = arith.cmpi ne, %gather3A_211, %ne3A_213 : vector<16xi32>
      %convert_element_type3A_215 = arith.extui %ne3A_214 : vector<16xi1> to vector<16xi32>
      %convert_element_type3A_216 = arith.sitofp %convert_element_type3A_215 : vector<16xi32> to vector<16xf32>
      %add3A_217 = arith.addf %add3A_207, %convert_element_type3A_216 : vector<16xf32>
      %add3A_218 = arith.constant 13 : i32
      %add3A_219 = vector.broadcast %add3A_218 : i32 to vector<16xi32>
      %add3A_220 = arith.addi %add3A_89, %add3A_219 : vector<16xi32>
      %gather3A_221 = tpu.vector_load_idx %arg12[%add3A_220] : memref<10240xi32, #tpu.memory_space<vmem>>[vector<16xi32>], vector<16xi32>,
      %ne3A_222 = arith.constant 0 : i32
      %ne3A_223 = vector.broadcast %ne3A_222 : i32 to vector<16xi32>
      %ne3A_224 = arith.cmpi ne, %gather3A_221, %ne3A_223 : vector<16xi32>
      %convert_element_type3A_225 = arith.extui %ne3A_224 : vector<16xi1> to vector<16xi32>
      %convert_element_type3A_226 = arith.sitofp %convert_element_type3A_225 : vector<16xi32> to vector<16xf32>
      %add3A_227 = arith.addf %add3A_217, %convert_element_type3A_226 : vector<16xf32>
      %add3A_228 = arith.constant 14 : i32
      %add3A_229 = vector.broadcast %add3A_228 : i32 to vector<16xi32>
      %add3A_230 = arith.addi %add3A_89, %add3A_229 : vector<16xi32>
      %gather3A_231 = tpu.vector_load_idx %arg12[%add3A_230] : memref<10240xi32, #tpu.memory_space<vmem>>[vector<16xi32>], vector<16xi32>,
      %ne3A_232 = arith.constant 0 : i32
      %ne3A_233 = vector.broadcast %ne3A_232 : i32 to vector<16xi32>
      %ne3A_234 = arith.cmpi ne, %gather3A_231, %ne3A_233 : vector<16xi32>
      %convert_element_type3A_235 = arith.extui %ne3A_234 : vector<16xi1> to vector<16xi32>
      %convert_element_type3A_236 = arith.sitofp %convert_element_type3A_235 : vector<16xi32> to vector<16xf32>
      %add3A_237 = arith.addf %add3A_227, %convert_element_type3A_236 : vector<16xf32>
      %add3A_238 = arith.constant 15 : i32
      %add3A_239 = vector.broadcast %add3A_238 : i32 to vector<16xi32>
      %add3A_240 = arith.addi %add3A_89, %add3A_239 : vector<16xi32>
      %gather3A_241 = tpu.vector_load_idx %arg12[%add3A_240] : memref<10240xi32, #tpu.memory_space<vmem>>[vector<16xi32>], vector<16xi32>,
      %ne3A_242 = arith.constant 0 : i32
      %ne3A_243 = vector.broadcast %ne3A_242 : i32 to vector<16xi32>
      %ne3A_244 = arith.cmpi ne, %gather3A_241, %ne3A_243 : vector<16xi32>
      %convert_element_type3A_245 = arith.extui %ne3A_244 : vector<16xi1> to vector<16xi32>
      %convert_element_type3A_246 = arith.sitofp %convert_element_type3A_245 : vector<16xi32> to vector<16xf32>
      %add3A_247 = arith.addf %add3A_237, %convert_element_type3A_246 : vector<16xf32>
      %add3A_248 = arith.constant 16 : i32
      %add3A_249 = vector.broadcast %add3A_248 : i32 to vector<16xi32>
      %add3A_250 = arith.addi %add3A_89, %add3A_249 : vector<16xi32>
      %gather3A_251 = tpu.vector_load_idx %arg12[%add3A_250] : memref<10240xi32, #tpu.memory_space<vmem>>[vector<16xi32>], vector<16xi32>,
      %ne3A_252 = arith.constant 0 : i32
      %ne3A_253 = vector.broadcast %ne3A_252 : i32 to vector<16xi32>
      %ne3A_254 = arith.cmpi ne, %gather3A_251, %ne3A_253 : vector<16xi32>
      %convert_element_type3A_255 = arith.extui %ne3A_254 : vector<16xi1> to vector<16xi32>
      %convert_element_type3A_256 = arith.sitofp %convert_element_type3A_255 : vector<16xi32> to vector<16xf32>
      %add3A_257 = arith.addf %add3A_247, %convert_element_type3A_256 : vector<16xf32>
      %add3A_258 = arith.constant 17 : i32
      %add3A_259 = vector.broadcast %add3A_258 : i32 to vector<16xi32>
      %add3A_260 = arith.addi %add3A_89, %add3A_259 : vector<16xi32>
      %gather3A_261 = tpu.vector_load_idx %arg12[%add3A_260] : memref<10240xi32, #tpu.memory_space<vmem>>[vector<16xi32>], vector<16xi32>,
      %ne3A_262 = arith.constant 0 : i32
      %ne3A_263 = vector.broadcast %ne3A_262 : i32 to vector<16xi32>
      %ne3A_264 = arith.cmpi ne, %gather3A_261, %ne3A_263 : vector<16xi32>
      %convert_element_type3A_265 = arith.extui %ne3A_264 : vector<16xi1> to vector<16xi32>
      %convert_element_type3A_266 = arith.sitofp %convert_element_type3A_265 : vector<16xi32> to vector<16xf32>
      %add3A_267 = arith.addf %add3A_257, %convert_element_type3A_266 : vector<16xf32>
      %add3A_268 = arith.constant 18 : i32
      %add3A_269 = vector.broadcast %add3A_268 : i32 to vector<16xi32>
      %add3A_270 = arith.addi %add3A_89, %add3A_269 : vector<16xi32>
      %gather3A_271 = tpu.vector_load_idx %arg12[%add3A_270] : memref<10240xi32, #tpu.memory_space<vmem>>[vector<16xi32>], vector<16xi32>,
      %ne3A_272 = arith.constant 0 : i32
      %ne3A_273 = vector.broadcast %ne3A_272 : i32 to vector<16xi32>
      %ne3A_274 = arith.cmpi ne, %gather3A_271, %ne3A_273 : vector<16xi32>
      %convert_element_type3A_275 = arith.extui %ne3A_274 : vector<16xi1> to vector<16xi32>
      %convert_element_type3A_276 = arith.sitofp %convert_element_type3A_275 : vector<16xi32> to vector<16xf32>
      %add3A_277 = arith.addf %add3A_267, %convert_element_type3A_276 : vector<16xf32>
      %add3A_278 = arith.constant 19 : i32
      %add3A_279 = vector.broadcast %add3A_278 : i32 to vector<16xi32>
      %add3A_280 = arith.addi %add3A_89, %add3A_279 : vector<16xi32>
      %gather3A_281 = tpu.vector_load_idx %arg12[%add3A_280] : memref<10240xi32, #tpu.memory_space<vmem>>[vector<16xi32>], vector<16xi32>,
      %ne3A_282 = arith.constant 0 : i32
      %ne3A_283 = vector.broadcast %ne3A_282 : i32 to vector<16xi32>
      %ne3A_284 = arith.cmpi ne, %gather3A_281, %ne3A_283 : vector<16xi32>
      %convert_element_type3A_285 = arith.extui %ne3A_284 : vector<16xi1> to vector<16xi32>
      %convert_element_type3A_286 = arith.sitofp %convert_element_type3A_285 : vector<16xi32> to vector<16xf32>
      %add3A_287 = arith.addf %add3A_277, %convert_element_type3A_286 : vector<16xf32>
      %max3A = arith.constant 1.000000e+00 : f32
      %max3A_288 = vector.broadcast %max3A : f32 to vector<16xf32>
      %max3A_289 = arith.maximumf %add3A_287, %max3A_288 : vector<16xf32>
      %div3A = arith.constant 1.000000e+00 : f32
      %div3A_290 = vector.broadcast %div3A : f32 to vector<16xf32>
      %div3A_291 = arith.divf %div3A_290, %max3A_289 : vector<16xf32>
      %mul3A_292 = arith.constant 16 : i32
      %mul3A_293 = arith.muli %scan3A_82, %mul3A_292 : i32
      %swap3A = arith.index_cast %mul3A_293 : i32 to index
      %swap3A_294 = tpu.vector_load %arg15[%swap3A] {strides = array<i32>} : memref<512xf32, #tpu.memory_space<vmem>>, vector<16xf32>,
      tpu.vector_store %arg15[%swap3A], %div3A_291 {strides = array<i32>} : memref<512xf32, #tpu.memory_space<vmem>>, vector<16xf32>,
      %sub3A = arith.constant 2.000000e+01 : f32
      %sub3A_295 = vector.broadcast %sub3A : f32 to vector<16xf32>
      %sub3A_296 = arith.subf %sub3A_295, %add3A_287 : vector<16xf32>
      %mul3A_297 = arith.constant 16 : i32
      %mul3A_298 = arith.muli %scan3A_82, %mul3A_297 : i32
      %swap3A_299 = arith.index_cast %mul3A_298 : i32 to index
      %swap3A_300 = tpu.vector_load %arg16[%swap3A_299] {strides = array<i32>} : memref<512xf32, #tpu.memory_space<vmem>>, vector<16xf32>,
      tpu.vector_store %arg16[%swap3A_299], %sub3A_296 {strides = array<i32>} : memref<512xf32, #tpu.memory_space<vmem>>, vector<16xf32>,
    }
    %scan3A_53 = arith.constant 32 : i32
    %get3A = arith.constant 0 : index
    %get3A_54 = tpu.vector_load %arg17[%get3A] {strides = array<i32>} : memref<64xbf16, #tpu.memory_space<vmem>>, vector<32xbf16>,
    %bitcast3A = vector.bitcast %get3A_54 : vector<32xbf16> to vector<16xi32>
    %shift_left3A = arith.constant 16 : i32
    %shift_left3A_55 = vector.broadcast %shift_left3A : i32 to vector<16xi32>
    %shift_left3A_56 = arith.shli %bitcast3A, %shift_left3A_55 : vector<16xi32>
    %bitcast3A_57 = vector.bitcast %shift_left3A_56 : vector<16xi32> to vector<16xf32>
    %and3A = arith.constant -65536 : i32
    %and3A_58 = vector.broadcast %and3A : i32 to vector<16xi32>
    %and3A_59 = arith.andi %bitcast3A, %and3A_58 : vector<16xi32>
    %bitcast3A_60 = vector.bitcast %and3A_59 : vector<16xi32> to vector<16xf32>
    %get3A_61 = arith.constant 32 : index
    %get3A_62 = tpu.vector_load %arg17[%get3A_61] {strides = array<i32>} : memref<64xbf16, #tpu.memory_space<vmem>>, vector<32xbf16>,
    %bitcast3A_63 = vector.bitcast %get3A_62 : vector<32xbf16> to vector<16xi32>
    %shift_left3A_64 = arith.constant 16 : i32
    %shift_left3A_65 = vector.broadcast %shift_left3A_64 : i32 to vector<16xi32>
    %shift_left3A_66 = arith.shli %bitcast3A_63, %shift_left3A_65 : vector<16xi32>
    %bitcast3A_67 = vector.bitcast %shift_left3A_66 : vector<16xi32> to vector<16xf32>
    %and3A_68 = arith.constant -65536 : i32
    %and3A_69 = vector.broadcast %and3A_68 : i32 to vector<16xi32>
    %and3A_70 = arith.andi %bitcast3A_63, %and3A_69 : vector<16xi32>
    %bitcast3A_71 = vector.bitcast %and3A_70 : vector<16xi32> to vector<16xf32>
    %scan3A_72 = arith.constant 0 : i32
    %scan3A_73 = arith.constant 0 : i32
    %scan3A_74 = arith.constant 16 : i32
    %scan3A_75 = arith.addi %scan3A_73, %scan3A_74 : i32
    %scan3A_76 = arith.constant 1 : i32
    scf.for %scan3A_82 = %scan3A_73 to %scan3A_75 step %scan3A_76  : i32 {
      %mul3A_83 = arith.constant 2 : i32
      %mul3A_84 = arith.muli %scan3A_82, %mul3A_83 : i32
      %add3A_85 = arith.constant 0 : i32
      %add3A_86 = arith.addi %mul3A_84, %add3A_85 : i32
      %lt3A = arith.constant 31 : i32
      %lt3A_87 = arith.cmpi slt, %add3A_86, %lt3A : i32
      %convert_element_type3A = arith.extui %lt3A_87 : i1 to i32
      %cond3A = arith.constant 0 : i32
      %cond3A_88 = arith.cmpi ne, %convert_element_type3A, %cond3A : i32
      scf.if %cond3A_88 {
        %add3A_202 = arith.constant 2 : i32
        %add3A_203 = arith.addi %add3A_86, %add3A_202 : i32
        %sub3A = arith.constant 1 : i32
        %sub3A_204 = arith.subi %add3A_203, %sub3A : i32
        %mul3A_205 = arith.constant 320 : i32
        %mul3A_206 = arith.muli %sub3A_204, %mul3A_205 : i32
        %add3A_207 = arith.constant 0 : i32
        %add3A_208 = arith.addi %mul3A_206, %add3A_207 : i32
        %dma_start3A_209 = arith.constant 0 : i32
        %dma_start3A_210 = arith.constant 0 : i32
        %dma_start3A_211 = tpu.memref_slice %arg8[%dma_start3A_209, %dma_start3A_210] : memref<320x64xbf16, #tpu.memory_space<vmem>> -> memref<80x64xbf16, #tpu.memory_space<vmem>>
        %dma_start3A_212 = tpu.memref_slice %arg12[%add3A_208] : memref<10240xi32, #tpu.memory_space<vmem>> -> memref<80xi32, #tpu.memory_space<vmem>>
        %dma_start3A_213 = arith.constant 0 : i32
        %dma_start3A_214 = arith.constant 0 : i32
        %dma_start3A_215 = tpu.memref_slice %arg5[%dma_start3A_213, %dma_start3A_214] : memref<10000x64xbf16, #tpu.memory_space<hbm>> -> memref<10000x64xbf16, #tpu.memory_space<hbm>>
        tpu.enqueue_indirect_dma source(%dma_start3A_215 : memref<10000x64xbf16, #tpu.memory_space<hbm>>) target(%dma_start3A_211 : memref<80x64xbf16, #tpu.memory_space<vmem>>) offsets(%dma_start3A_212 : memref<80xi32, #tpu.memory_space<vmem>>) semaphore(%arg19 : memref<!tpu.dma_semaphore, #tpu.memory_space<semaphore_mem>>)
        %mul3A_216 = arith.constant 320 : i32
        %mul3A_217 = arith.muli %sub3A_204, %mul3A_216 : i32
        %add3A_218 = arith.constant 80 : i32
        %add3A_219 = arith.addi %mul3A_217, %add3A_218 : i32
        %dma_start3A_220 = arith.constant 80 : i32
        %dma_start3A_221 = arith.constant 0 : i32
        %dma_start3A_222 = tpu.memref_slice %arg8[%dma_start3A_220, %dma_start3A_221] : memref<320x64xbf16, #tpu.memory_space<vmem>> -> memref<80x64xbf16, #tpu.memory_space<vmem>>
        %dma_start3A_223 = tpu.memref_slice %arg12[%add3A_219] : memref<10240xi32, #tpu.memory_space<vmem>> -> memref<80xi32, #tpu.memory_space<vmem>>
        %dma_start3A_224 = arith.constant 0 : i32
        %dma_start3A_225 = arith.constant 0 : i32
        %dma_start3A_226 = tpu.memref_slice %arg5[%dma_start3A_224, %dma_start3A_225] : memref<10000x64xbf16, #tpu.memory_space<hbm>> -> memref<10000x64xbf16, #tpu.memory_space<hbm>>
        tpu.enqueue_indirect_dma source(%dma_start3A_226 : memref<10000x64xbf16, #tpu.memory_space<hbm>>) target(%dma_start3A_222 : memref<80x64xbf16, #tpu.memory_space<vmem>>) offsets(%dma_start3A_223 : memref<80xi32, #tpu.memory_space<vmem>>) semaphore(%arg19 : memref<!tpu.dma_semaphore, #tpu.memory_space<semaphore_mem>>)
        %mul3A_227 = arith.constant 320 : i32
        %mul3A_228 = arith.muli %sub3A_204, %mul3A_227 : i32
        %add3A_229 = arith.constant 160 : i32
        %add3A_230 = arith.addi %mul3A_228, %add3A_229 : i32
        %dma_start3A_231 = arith.constant 160 : i32
        %dma_start3A_232 = arith.constant 0 : i32
        %dma_start3A_233 = tpu.memref_slice %arg8[%dma_start3A_231, %dma_start3A_232] : memref<320x64xbf16, #tpu.memory_space<vmem>> -> memref<80x64xbf16, #tpu.memory_space<vmem>>
        %dma_start3A_234 = tpu.memref_slice %arg12[%add3A_230] : memref<10240xi32, #tpu.memory_space<vmem>> -> memref<80xi32, #tpu.memory_space<vmem>>
        %dma_start3A_235 = arith.constant 0 : i32
        %dma_start3A_236 = arith.constant 0 : i32
        %dma_start3A_237 = tpu.memref_slice %arg5[%dma_start3A_235, %dma_start3A_236] : memref<10000x64xbf16, #tpu.memory_space<hbm>> -> memref<10000x64xbf16, #tpu.memory_space<hbm>>
        tpu.enqueue_indirect_dma source(%dma_start3A_237 : memref<10000x64xbf16, #tpu.memory_space<hbm>>) target(%dma_start3A_233 : memref<80x64xbf16, #tpu.memory_space<vmem>>) offsets(%dma_start3A_234 : memref<80xi32, #tpu.memory_space<vmem>>) semaphore(%arg19 : memref<!tpu.dma_semaphore, #tpu.memory_space<semaphore_mem>>)
        %mul3A_238 = arith.constant 320 : i32
        %mul3A_239 = arith.muli %sub3A_204, %mul3A_238 : i32
        %add3A_240 = arith.constant 240 : i32
        %add3A_241 = arith.addi %mul3A_239, %add3A_240 : i32
        %dma_start3A_242 = arith.constant 240 : i32
        %dma_start3A_243 = arith.constant 0 : i32
        %dma_start3A_244 = tpu.memref_slice %arg8[%dma_start3A_242, %dma_start3A_243] : memref<320x64xbf16, #tpu.memory_space<vmem>> -> memref<80x64xbf16, #tpu.memory_space<vmem>>
        %dma_start3A_245 = tpu.memref_slice %arg12[%add3A_241] : memref<10240xi32, #tpu.memory_space<vmem>> -> memref<80xi32, #tpu.memory_space<vmem>>
        %dma_start3A_246 = arith.constant 0 : i32
        %dma_start3A_247 = arith.constant 0 : i32
        %dma_start3A_248 = tpu.memref_slice %arg5[%dma_start3A_246, %dma_start3A_247] : memref<10000x64xbf16, #tpu.memory_space<hbm>> -> memref<10000x64xbf16, #tpu.memory_space<hbm>>
        tpu.enqueue_indirect_dma source(%dma_start3A_248 : memref<10000x64xbf16, #tpu.memory_space<hbm>>) target(%dma_start3A_244 : memref<80x64xbf16, #tpu.memory_space<vmem>>) offsets(%dma_start3A_245 : memref<80xi32, #tpu.memory_space<vmem>>) semaphore(%arg19 : memref<!tpu.dma_semaphore, #tpu.memory_space<semaphore_mem>>)
        %mul3A_249 = arith.constant 16 : i32
        %mul3A_250 = arith.muli %sub3A_204, %mul3A_249 : i32
        %dma_start3A_251 = tpu.memref_slice %arg13[%mul3A_250] : memref<512xi32, #tpu.memory_space<vmem>> -> memref<16xi32, #tpu.memory_space<vmem>>
        %dma_start3A_252 = arith.constant 0 : i32
        %dma_start3A_253 = arith.constant 0 : i32
        %dma_start3A_254 = tpu.memref_slice %arg4[%dma_start3A_252, %dma_start3A_253] : memref<100001x64xf32, #tpu.memory_space<hbm>> -> memref<100001x64xf32, #tpu.memory_space<hbm>>
        tpu.enqueue_indirect_dma source(%dma_start3A_254 : memref<100001x64xf32, #tpu.memory_space<hbm>>) target(%arg10 : memref<16x64xf32, #tpu.memory_space<vmem>>) offsets(%dma_start3A_251 : memref<16xi32, #tpu.memory_space<vmem>>) semaphore(%arg19 : memref<!tpu.dma_semaphore, #tpu.memory_space<semaphore_mem>>)
      } else {
      }
      %mul3A_89 = arith.constant 320 : i32
      %mul3A_90 = arith.muli %add3A_86, %mul3A_89 : i32
      %add3A_91 = arith.constant 0 : i32
      %add3A_92 = arith.addi %mul3A_90, %add3A_91 : i32
      %dma_wait3A = arith.constant 0 : i32
      %dma_wait3A_93 = arith.constant 0 : i32
      %dma_wait3A_94 = tpu.memref_slice %arg7[%dma_wait3A, %dma_wait3A_93] : memref<320x64xbf16, #tpu.memory_space<vmem>> -> memref<80x64xbf16, #tpu.memory_space<vmem>>
      %dma_wait3A_95 = tpu.memref_slice %arg12[%add3A_92] : memref<10240xi32, #tpu.memory_space<vmem>> -> memref<80xi32, #tpu.memory_space<vmem>>
      %dma_wait3A_96 = arith.constant 0 : i32
      %dma_wait3A_97 = arith.constant 0 : i32
      %dma_wait3A_98 = tpu.memref_slice %arg5[%dma_wait3A_96, %dma_wait3A_97] : memref<10000x64xbf16, #tpu.memory_space<hbm>> -> memref<10000x64xbf16, #tpu.memory_space<hbm>>
      tpu.wait_indirect_dma semaphore(%arg18 : memref<!tpu.dma_semaphore, #tpu.memory_space<semaphore_mem>>) src(%dma_wait3A_98 : memref<10000x64xbf16, #tpu.memory_space<hbm>>) dst(%dma_wait3A_94 : memref<80x64xbf16, #tpu.memory_space<vmem>>)
      %mul3A_99 = arith.constant 320 : i32
      %mul3A_100 = arith.muli %add3A_86, %mul3A_99 : i32
      %add3A_101 = arith.constant 80 : i32
      %add3A_102 = arith.addi %mul3A_100, %add3A_101 : i32
      %dma_wait3A_103 = arith.constant 80 : i32
      %dma_wait3A_104 = arith.constant 0 : i32
      %dma_wait3A_105 = tpu.memref_slice %arg7[%dma_wait3A_103, %dma_wait3A_104] : memref<320x64xbf16, #tpu.memory_space<vmem>> -> memref<80x64xbf16, #tpu.memory_space<vmem>>
      %dma_wait3A_106 = tpu.memref_slice %arg12[%add3A_102] : memref<10240xi32, #tpu.memory_space<vmem>> -> memref<80xi32, #tpu.memory_space<vmem>>
      %dma_wait3A_107 = arith.constant 0 : i32
      %dma_wait3A_108 = arith.constant 0 : i32
      %dma_wait3A_109 = tpu.memref_slice %arg5[%dma_wait3A_107, %dma_wait3A_108] : memref<10000x64xbf16, #tpu.memory_space<hbm>> -> memref<10000x64xbf16, #tpu.memory_space<hbm>>
      tpu.wait_indirect_dma semaphore(%arg18 : memref<!tpu.dma_semaphore, #tpu.memory_space<semaphore_mem>>) src(%dma_wait3A_109 : memref<10000x64xbf16, #tpu.memory_space<hbm>>) dst(%dma_wait3A_105 : memref<80x64xbf16, #tpu.memory_space<vmem>>)
      %mul3A_110 = arith.constant 320 : i32
      %mul3A_111 = arith.muli %add3A_86, %mul3A_110 : i32
      %add3A_112 = arith.constant 160 : i32
      %add3A_113 = arith.addi %mul3A_111, %add3A_112 : i32
      %dma_wait3A_114 = arith.constant 160 : i32
      %dma_wait3A_115 = arith.constant 0 : i32
      %dma_wait3A_116 = tpu.memref_slice %arg7[%dma_wait3A_114, %dma_wait3A_115] : memref<320x64xbf16, #tpu.memory_space<vmem>> -> memref<80x64xbf16, #tpu.memory_space<vmem>>
      %dma_wait3A_117 = tpu.memref_slice %arg12[%add3A_113] : memref<10240xi32, #tpu.memory_space<vmem>> -> memref<80xi32, #tpu.memory_space<vmem>>
      %dma_wait3A_118 = arith.constant 0 : i32
      %dma_wait3A_119 = arith.constant 0 : i32
      %dma_wait3A_120 = tpu.memref_slice %arg5[%dma_wait3A_118, %dma_wait3A_119] : memref<10000x64xbf16, #tpu.memory_space<hbm>> -> memref<10000x64xbf16, #tpu.memory_space<hbm>>
      tpu.wait_indirect_dma semaphore(%arg18 : memref<!tpu.dma_semaphore, #tpu.memory_space<semaphore_mem>>) src(%dma_wait3A_120 : memref<10000x64xbf16, #tpu.memory_space<hbm>>) dst(%dma_wait3A_116 : memref<80x64xbf16, #tpu.memory_space<vmem>>)
      %mul3A_121 = arith.constant 320 : i32
      %mul3A_122 = arith.muli %add3A_86, %mul3A_121 : i32
      %add3A_123 = arith.constant 240 : i32
      %add3A_124 = arith.addi %mul3A_122, %add3A_123 : i32
      %dma_wait3A_125 = arith.constant 240 : i32
      %dma_wait3A_126 = arith.constant 0 : i32
      %dma_wait3A_127 = tpu.memref_slice %arg7[%dma_wait3A_125, %dma_wait3A_126] : memref<320x64xbf16, #tpu.memory_space<vmem>> -> memref<80x64xbf16, #tpu.memory_space<vmem>>
      %dma_wait3A_128 = tpu.memref_slice %arg12[%add3A_124] : memref<10240xi32, #tpu.memory_space<vmem>> -> memref<80xi32, #tpu.memory_space<vmem>>
      %dma_wait3A_129 = arith.constant 0 : i32
      %dma_wait3A_130 = arith.constant 0 : i32
      %dma_wait3A_131 = tpu.memref_slice %arg5[%dma_wait3A_129, %dma_wait3A_130] : memref<10000x64xbf16, #tpu.memory_space<hbm>> -> memref<10000x64xbf16, #tpu.memory_space<hbm>>
      tpu.wait_indirect_dma semaphore(%arg18 : memref<!tpu.dma_semaphore, #tpu.memory_space<semaphore_mem>>) src(%dma_wait3A_131 : memref<10000x64xbf16, #tpu.memory_space<hbm>>) dst(%dma_wait3A_127 : memref<80x64xbf16, #tpu.memory_space<vmem>>)
      %mul3A_132 = arith.constant 16 : i32
      %mul3A_133 = arith.muli %add3A_86, %mul3A_132 : i32
      %dma_wait3A_134 = tpu.memref_slice %arg13[%mul3A_133] : memref<512xi32, #tpu.memory_space<vmem>> -> memref<16xi32, #tpu.memory_space<vmem>>
      %dma_wait3A_135 = arith.constant 0 : i32
      %dma_wait3A_136 = arith.constant 0 : i32
      %dma_wait3A_137 = tpu.memref_slice %arg4[%dma_wait3A_135, %dma_wait3A_136] : memref<100001x64xf32, #tpu.memory_space<hbm>> -> memref<100001x64xf32, #tpu.memory_space<hbm>>
      tpu.wait_indirect_dma semaphore(%arg18 : memref<!tpu.dma_semaphore, #tpu.memory_space<semaphore_mem>>) src(%dma_wait3A_137 : memref<100001x64xf32, #tpu.memory_space<hbm>>) dst(%arg9 : memref<16x64xf32, #tpu.memory_space<vmem>>)
      %parallel_loop3A = arith.constant 0 : i32
      %parallel_loop3A_138 = arith.constant 16 : i32
      %parallel_loop3A_139 = arith.constant 1 : i32
      scf.for %parallel_loop3A_202 = %parallel_loop3A to %parallel_loop3A_138 step %parallel_loop3A_139  : i32 {
        %parallel_loop3A_203 = arith.constant 16 : i32
        %parallel_loop3A_204 = arith.muli %add3A_86, %parallel_loop3A_203 : i32
        %parallel_loop3A_205 = arith.addi %parallel_loop3A_204, %parallel_loop3A_202 : i32
        %parallel_loop3A_206 = arith.constant 20 : i32
        %parallel_loop3A_207 = arith.muli %parallel_loop3A_202, %parallel_loop3A_206 : i32
        %parallel_loop3A_208 = arith.constant 128 : i32
        %parallel_loop3A_209 = arith.muli %parallel_loop3A_205, %parallel_loop3A_208 : i32
        %parallel_loop3A_210 = arith.index_cast %parallel_loop3A_202 : i32 to index
        %parallel_loop3A_211 = arith.constant 0 : index
        %parallel_loop3A_212 = tpu.vector_load %arg9[%parallel_loop3A_210, %parallel_loop3A_211] {strides = array<i32>} : memref<16x64xf32, #tpu.memory_space<vmem>>, vector<16xf32>,
        %parallel_loop3A_213 = arith.constant 0 : i32
        %parallel_loop3A_214 = arith.addi %parallel_loop3A_209, %parallel_loop3A_213 : i32
        %parallel_loop3A_215 = arith.index_cast %parallel_loop3A_214 : i32 to index
        %parallel_loop3A_216 = tpu.vector_load %arg14[%parallel_loop3A_215] {strides = array<i32>} : memref<65536xf32, #tpu.memory_space<vmem>>, vector<16xf32>,
        tpu.vector_store %arg14[%parallel_loop3A_215], %parallel_loop3A_212 {strides = array<i32>} : memref<65536xf32, #tpu.memory_space<vmem>>, vector<16xf32>,
        %parallel_loop3A_217 = arith.index_cast %parallel_loop3A_202 : i32 to index
        %parallel_loop3A_218 = arith.constant 16 : index
        %parallel_loop3A_219 = tpu.vector_load %arg9[%parallel_loop3A_217, %parallel_loop3A_218] {strides = array<i32>} : memref<16x64xf32, #tpu.memory_space<vmem>>, vector<16xf32>,
        %parallel_loop3A_220 = arith.constant 16 : i32
        %parallel_loop3A_221 = arith.addi %parallel_loop3A_209, %parallel_loop3A_220 : i32
        %parallel_loop3A_222 = arith.index_cast %parallel_loop3A_221 : i32 to index
        %parallel_loop3A_223 = tpu.vector_load %arg14[%parallel_loop3A_222] {strides = array<i32>} : memref<65536xf32, #tpu.memory_space<vmem>>, vector<16xf32>,
        tpu.vector_store %arg14[%parallel_loop3A_222], %parallel_loop3A_219 {strides = array<i32>} : memref<65536xf32, #tpu.memory_space<vmem>>, vector<16xf32>,
        %parallel_loop3A_224 = arith.index_cast %parallel_loop3A_202 : i32 to index
        %parallel_loop3A_225 = arith.constant 32 : index
        %parallel_loop3A_226 = tpu.vector_load %arg9[%parallel_loop3A_224, %parallel_loop3A_225] {strides = array<i32>} : memref<16x64xf32, #tpu.memory_space<vmem>>, vector<16xf32>,
        %parallel_loop3A_227 = arith.constant 32 : i32
        %parallel_loop3A_228 = arith.addi %parallel_loop3A_209, %parallel_loop3A_227 : i32
        %parallel_loop3A_229 = arith.index_cast %parallel_loop3A_228 : i32 to index
        %parallel_loop3A_230 = tpu.vector_load %arg14[%parallel_loop3A_229] {strides = array<i32>} : memref<65536xf32, #tpu.memory_space<vmem>>, vector<16xf32>,
        tpu.vector_store %arg14[%parallel_loop3A_229], %parallel_loop3A_226 {strides = array<i32>} : memref<65536xf32, #tpu.memory_space<vmem>>, vector<16xf32>,
        %parallel_loop3A_231 = arith.index_cast %parallel_loop3A_202 : i32 to index
        %parallel_loop3A_232 = arith.constant 48 : index
        %parallel_loop3A_233 = tpu.vector_load %arg9[%parallel_loop3A_231, %parallel_loop3A_232] {strides = array<i32>} : memref<16x64xf32, #tpu.memory_space<vmem>>, vector<16xf32>,
        %parallel_loop3A_234 = arith.constant 48 : i32
        %parallel_loop3A_235 = arith.addi %parallel_loop3A_209, %parallel_loop3A_234 : i32
        %parallel_loop3A_236 = arith.index_cast %parallel_loop3A_235 : i32 to index
        %parallel_loop3A_237 = tpu.vector_load %arg14[%parallel_loop3A_236] {strides = array<i32>} : memref<65536xf32, #tpu.memory_space<vmem>>, vector<16xf32>,
        tpu.vector_store %arg14[%parallel_loop3A_236], %parallel_loop3A_233 {strides = array<i32>} : memref<65536xf32, #tpu.memory_space<vmem>>, vector<16xf32>,
        %parallel_loop3A_238 = vector.broadcast %parallel_loop3A_205 : i32 to vector<16xi32>
        %parallel_loop3A_239 = tpu.vector_load_idx %arg15[%parallel_loop3A_238] : memref<512xf32, #tpu.memory_space<vmem>>[vector<16xi32>], vector<16xf32>,
        %parallel_loop3A_240 = tpu.vector_load_idx %arg16[%parallel_loop3A_238] : memref<512xf32, #tpu.memory_space<vmem>>[vector<16xi32>], vector<16xf32>,
        %parallel_loop3A_241 = arith.constant 0.000000e+00 : f32
        %parallel_loop3A_242 = vector.broadcast %parallel_loop3A_241 : f32 to vector<16xf32>
        %parallel_loop3A_243 = arith.constant 0.000000e+00 : f32
        %parallel_loop3A_244 = vector.broadcast %parallel_loop3A_243 : f32 to vector<16xf32>
        %parallel_loop3A_245 = arith.constant 0 : i32
        %parallel_loop3A_246 = arith.addi %parallel_loop3A_207, %parallel_loop3A_245 : i32
        %parallel_loop3A_247 = arith.index_cast %parallel_loop3A_246 : i32 to index
        %parallel_loop3A_248 = arith.constant 0 : index
        %parallel_loop3A_249 = tpu.vector_load %arg7[%parallel_loop3A_247, %parallel_loop3A_248] {strides = array<i32>} : memref<320x64xbf16, #tpu.memory_space<vmem>>, vector<32xbf16>,
        %parallel_loop3A_250 = vector.bitcast %parallel_loop3A_249 : vector<32xbf16> to vector<16xi32>
        %parallel_loop3A_251 = arith.constant 16 : i32
        %parallel_loop3A_252 = vector.broadcast %parallel_loop3A_251 : i32 to vector<16xi32>
        %parallel_loop3A_253 = arith.shli %parallel_loop3A_250, %parallel_loop3A_252 : vector<16xi32>
        %parallel_loop3A_254 = vector.bitcast %parallel_loop3A_253 : vector<16xi32> to vector<16xf32>
        %parallel_loop3A_255 = arith.constant -65536 : i32
        %parallel_loop3A_256 = vector.broadcast %parallel_loop3A_255 : i32 to vector<16xi32>
        %parallel_loop3A_257 = arith.andi %parallel_loop3A_250, %parallel_loop3A_256 : vector<16xi32>
        %parallel_loop3A_258 = vector.bitcast %parallel_loop3A_257 : vector<16xi32> to vector<16xf32>
        %parallel_loop3A_259 = arith.addf %parallel_loop3A_242, %parallel_loop3A_254 : vector<16xf32>
        %parallel_loop3A_260 = arith.addf %parallel_loop3A_244, %parallel_loop3A_258 : vector<16xf32>
        %parallel_loop3A_261 = arith.constant 1 : i32
        %parallel_loop3A_262 = arith.addi %parallel_loop3A_207, %parallel_loop3A_261 : i32
        %parallel_loop3A_263 = arith.index_cast %parallel_loop3A_262 : i32 to index
        %parallel_loop3A_264 = arith.constant 0 : index
        %parallel_loop3A_265 = tpu.vector_load %arg7[%parallel_loop3A_263, %parallel_loop3A_264] {strides = array<i32>} : memref<320x64xbf16, #tpu.memory_space<vmem>>, vector<32xbf16>,
        %parallel_loop3A_266 = vector.bitcast %parallel_loop3A_265 : vector<32xbf16> to vector<16xi32>
        %parallel_loop3A_267 = arith.constant 16 : i32
        %parallel_loop3A_268 = vector.broadcast %parallel_loop3A_267 : i32 to vector<16xi32>
        %parallel_loop3A_269 = arith.shli %parallel_loop3A_266, %parallel_loop3A_268 : vector<16xi32>
        %parallel_loop3A_270 = vector.bitcast %parallel_loop3A_269 : vector<16xi32> to vector<16xf32>
        %parallel_loop3A_271 = arith.constant -65536 : i32
        %parallel_loop3A_272 = vector.broadcast %parallel_loop3A_271 : i32 to vector<16xi32>
        %parallel_loop3A_273 = arith.andi %parallel_loop3A_266, %parallel_loop3A_272 : vector<16xi32>
        %parallel_loop3A_274 = vector.bitcast %parallel_loop3A_273 : vector<16xi32> to vector<16xf32>
        %parallel_loop3A_275 = arith.addf %parallel_loop3A_259, %parallel_loop3A_270 : vector<16xf32>
        %parallel_loop3A_276 = arith.addf %parallel_loop3A_260, %parallel_loop3A_274 : vector<16xf32>
        %parallel_loop3A_277 = arith.constant 2 : i32
        %parallel_loop3A_278 = arith.addi %parallel_loop3A_207, %parallel_loop3A_277 : i32
        %parallel_loop3A_279 = arith.index_cast %parallel_loop3A_278 : i32 to index
        %parallel_loop3A_280 = arith.constant 0 : index
        %parallel_loop3A_281 = tpu.vector_load %arg7[%parallel_loop3A_279, %parallel_loop3A_280] {strides = array<i32>} : memref<320x64xbf16, #tpu.memory_space<vmem>>, vector<32xbf16>,
        %parallel_loop3A_282 = vector.bitcast %parallel_loop3A_281 : vector<32xbf16> to vector<16xi32>
        %parallel_loop3A_283 = arith.constant 16 : i32
        %parallel_loop3A_284 = vector.broadcast %parallel_loop3A_283 : i32 to vector<16xi32>
        %parallel_loop3A_285 = arith.shli %parallel_loop3A_282, %parallel_loop3A_284 : vector<16xi32>
        %parallel_loop3A_286 = vector.bitcast %parallel_loop3A_285 : vector<16xi32> to vector<16xf32>
        %parallel_loop3A_287 = arith.constant -65536 : i32
        %parallel_loop3A_288 = vector.broadcast %parallel_loop3A_287 : i32 to vector<16xi32>
        %parallel_loop3A_289 = arith.andi %parallel_loop3A_282, %parallel_loop3A_288 : vector<16xi32>
        %parallel_loop3A_290 = vector.bitcast %parallel_loop3A_289 : vector<16xi32> to vector<16xf32>
        %parallel_loop3A_291 = arith.addf %parallel_loop3A_275, %parallel_loop3A_286 : vector<16xf32>
        %parallel_loop3A_292 = arith.addf %parallel_loop3A_276, %parallel_loop3A_290 : vector<16xf32>
        %parallel_loop3A_293 = arith.constant 3 : i32
        %parallel_loop3A_294 = arith.addi %parallel_loop3A_207, %parallel_loop3A_293 : i32
        %parallel_loop3A_295 = arith.index_cast %parallel_loop3A_294 : i32 to index
        %parallel_loop3A_296 = arith.constant 0 : index
        %parallel_loop3A_297 = tpu.vector_load %arg7[%parallel_loop3A_295, %parallel_loop3A_296] {strides = array<i32>} : memref<320x64xbf16, #tpu.memory_space<vmem>>, vector<32xbf16>,
        %parallel_loop3A_298 = vector.bitcast %parallel_loop3A_297 : vector<32xbf16> to vector<16xi32>
        %parallel_loop3A_299 = arith.constant 16 : i32
        %parallel_loop3A_300 = vector.broadcast %parallel_loop3A_299 : i32 to vector<16xi32>
        %parallel_loop3A_301 = arith.shli %parallel_loop3A_298, %parallel_loop3A_300 : vector<16xi32>
        %parallel_loop3A_302 = vector.bitcast %parallel_loop3A_301 : vector<16xi32> to vector<16xf32>
        %parallel_loop3A_303 = arith.constant -65536 : i32
        %parallel_loop3A_304 = vector.broadcast %parallel_loop3A_303 : i32 to vector<16xi32>
        %parallel_loop3A_305 = arith.andi %parallel_loop3A_298, %parallel_loop3A_304 : vector<16xi32>
        %parallel_loop3A_306 = vector.bitcast %parallel_loop3A_305 : vector<16xi32> to vector<16xf32>
        %parallel_loop3A_307 = arith.addf %parallel_loop3A_291, %parallel_loop3A_302 : vector<16xf32>
        %parallel_loop3A_308 = arith.addf %parallel_loop3A_292, %parallel_loop3A_306 : vector<16xf32>
        %parallel_loop3A_309 = arith.constant 4 : i32
        %parallel_loop3A_310 = arith.addi %parallel_loop3A_207, %parallel_loop3A_309 : i32
        %parallel_loop3A_311 = arith.index_cast %parallel_loop3A_310 : i32 to index
        %parallel_loop3A_312 = arith.constant 0 : index
        %parallel_loop3A_313 = tpu.vector_load %arg7[%parallel_loop3A_311, %parallel_loop3A_312] {strides = array<i32>} : memref<320x64xbf16, #tpu.memory_space<vmem>>, vector<32xbf16>,
        %parallel_loop3A_314 = vector.bitcast %parallel_loop3A_313 : vector<32xbf16> to vector<16xi32>
        %parallel_loop3A_315 = arith.constant 16 : i32
        %parallel_loop3A_316 = vector.broadcast %parallel_loop3A_315 : i32 to vector<16xi32>
        %parallel_loop3A_317 = arith.shli %parallel_loop3A_314, %parallel_loop3A_316 : vector<16xi32>
        %parallel_loop3A_318 = vector.bitcast %parallel_loop3A_317 : vector<16xi32> to vector<16xf32>
        %parallel_loop3A_319 = arith.constant -65536 : i32
        %parallel_loop3A_320 = vector.broadcast %parallel_loop3A_319 : i32 to vector<16xi32>
        %parallel_loop3A_321 = arith.andi %parallel_loop3A_314, %parallel_loop3A_320 : vector<16xi32>
        %parallel_loop3A_322 = vector.bitcast %parallel_loop3A_321 : vector<16xi32> to vector<16xf32>
        %parallel_loop3A_323 = arith.addf %parallel_loop3A_307, %parallel_loop3A_318 : vector<16xf32>
        %parallel_loop3A_324 = arith.addf %parallel_loop3A_308, %parallel_loop3A_322 : vector<16xf32>
        %parallel_loop3A_325 = arith.constant 5 : i32
        %parallel_loop3A_326 = arith.addi %parallel_loop3A_207, %parallel_loop3A_325 : i32
        %parallel_loop3A_327 = arith.index_cast %parallel_loop3A_326 : i32 to index
        %parallel_loop3A_328 = arith.constant 0 : index
        %parallel_loop3A_329 = tpu.vector_load %arg7[%parallel_loop3A_327, %parallel_loop3A_328] {strides = array<i32>} : memref<320x64xbf16, #tpu.memory_space<vmem>>, vector<32xbf16>,
        %parallel_loop3A_330 = vector.bitcast %parallel_loop3A_329 : vector<32xbf16> to vector<16xi32>
        %parallel_loop3A_331 = arith.constant 16 : i32
        %parallel_loop3A_332 = vector.broadcast %parallel_loop3A_331 : i32 to vector<16xi32>
        %parallel_loop3A_333 = arith.shli %parallel_loop3A_330, %parallel_loop3A_332 : vector<16xi32>
        %parallel_loop3A_334 = vector.bitcast %parallel_loop3A_333 : vector<16xi32> to vector<16xf32>
        %parallel_loop3A_335 = arith.constant -65536 : i32
        %parallel_loop3A_336 = vector.broadcast %parallel_loop3A_335 : i32 to vector<16xi32>
        %parallel_loop3A_337 = arith.andi %parallel_loop3A_330, %parallel_loop3A_336 : vector<16xi32>
        %parallel_loop3A_338 = vector.bitcast %parallel_loop3A_337 : vector<16xi32> to vector<16xf32>
        %parallel_loop3A_339 = arith.addf %parallel_loop3A_323, %parallel_loop3A_334 : vector<16xf32>
        %parallel_loop3A_340 = arith.addf %parallel_loop3A_324, %parallel_loop3A_338 : vector<16xf32>
        %parallel_loop3A_341 = arith.constant 6 : i32
        %parallel_loop3A_342 = arith.addi %parallel_loop3A_207, %parallel_loop3A_341 : i32
        %parallel_loop3A_343 = arith.index_cast %parallel_loop3A_342 : i32 to index
        %parallel_loop3A_344 = arith.constant 0 : index
        %parallel_loop3A_345 = tpu.vector_load %arg7[%parallel_loop3A_343, %parallel_loop3A_344] {strides = array<i32>} : memref<320x64xbf16, #tpu.memory_space<vmem>>, vector<32xbf16>,
        %parallel_loop3A_346 = vector.bitcast %parallel_loop3A_345 : vector<32xbf16> to vector<16xi32>
        %parallel_loop3A_347 = arith.constant 16 : i32
        %parallel_loop3A_348 = vector.broadcast %parallel_loop3A_347 : i32 to vector<16xi32>
        %parallel_loop3A_349 = arith.shli %parallel_loop3A_346, %parallel_loop3A_348 : vector<16xi32>
        %parallel_loop3A_350 = vector.bitcast %parallel_loop3A_349 : vector<16xi32> to vector<16xf32>
        %parallel_loop3A_351 = arith.constant -65536 : i32
        %parallel_loop3A_352 = vector.broadcast %parallel_loop3A_351 : i32 to vector<16xi32>
        %parallel_loop3A_353 = arith.andi %parallel_loop3A_346, %parallel_loop3A_352 : vector<16xi32>
        %parallel_loop3A_354 = vector.bitcast %parallel_loop3A_353 : vector<16xi32> to vector<16xf32>
        %parallel_loop3A_355 = arith.addf %parallel_loop3A_339, %parallel_loop3A_350 : vector<16xf32>
        %parallel_loop3A_356 = arith.addf %parallel_loop3A_340, %parallel_loop3A_354 : vector<16xf32>
        %parallel_loop3A_357 = arith.constant 7 : i32
        %parallel_loop3A_358 = arith.addi %parallel_loop3A_207, %parallel_loop3A_357 : i32
        %parallel_loop3A_359 = arith.index_cast %parallel_loop3A_358 : i32 to index
        %parallel_loop3A_360 = arith.constant 0 : index
        %parallel_loop3A_361 = tpu.vector_load %arg7[%parallel_loop3A_359, %parallel_loop3A_360] {strides = array<i32>} : memref<320x64xbf16, #tpu.memory_space<vmem>>, vector<32xbf16>,
        %parallel_loop3A_362 = vector.bitcast %parallel_loop3A_361 : vector<32xbf16> to vector<16xi32>
        %parallel_loop3A_363 = arith.constant 16 : i32
        %parallel_loop3A_364 = vector.broadcast %parallel_loop3A_363 : i32 to vector<16xi32>
        %parallel_loop3A_365 = arith.shli %parallel_loop3A_362, %parallel_loop3A_364 : vector<16xi32>
        %parallel_loop3A_366 = vector.bitcast %parallel_loop3A_365 : vector<16xi32> to vector<16xf32>
        %parallel_loop3A_367 = arith.constant -65536 : i32
        %parallel_loop3A_368 = vector.broadcast %parallel_loop3A_367 : i32 to vector<16xi32>
        %parallel_loop3A_369 = arith.andi %parallel_loop3A_362, %parallel_loop3A_368 : vector<16xi32>
        %parallel_loop3A_370 = vector.bitcast %parallel_loop3A_369 : vector<16xi32> to vector<16xf32>
        %parallel_loop3A_371 = arith.addf %parallel_loop3A_355, %parallel_loop3A_366 : vector<16xf32>
        %parallel_loop3A_372 = arith.addf %parallel_loop3A_356, %parallel_loop3A_370 : vector<16xf32>
        %parallel_loop3A_373 = arith.constant 8 : i32
        %parallel_loop3A_374 = arith.addi %parallel_loop3A_207, %parallel_loop3A_373 : i32
        %parallel_loop3A_375 = arith.index_cast %parallel_loop3A_374 : i32 to index
        %parallel_loop3A_376 = arith.constant 0 : index
        %parallel_loop3A_377 = tpu.vector_load %arg7[%parallel_loop3A_375, %parallel_loop3A_376] {strides = array<i32>} : memref<320x64xbf16, #tpu.memory_space<vmem>>, vector<32xbf16>,
        %parallel_loop3A_378 = vector.bitcast %parallel_loop3A_377 : vector<32xbf16> to vector<16xi32>
        %parallel_loop3A_379 = arith.constant 16 : i32
        %parallel_loop3A_380 = vector.broadcast %parallel_loop3A_379 : i32 to vector<16xi32>
        %parallel_loop3A_381 = arith.shli %parallel_loop3A_378, %parallel_loop3A_380 : vector<16xi32>
        %parallel_loop3A_382 = vector.bitcast %parallel_loop3A_381 : vector<16xi32> to vector<16xf32>
        %parallel_loop3A_383 = arith.constant -65536 : i32
        %parallel_loop3A_384 = vector.broadcast %parallel_loop3A_383 : i32 to vector<16xi32>
        %parallel_loop3A_385 = arith.andi %parallel_loop3A_378, %parallel_loop3A_384 : vector<16xi32>
        %parallel_loop3A_386 = vector.bitcast %parallel_loop3A_385 : vector<16xi32> to vector<16xf32>
        %parallel_loop3A_387 = arith.addf %parallel_loop3A_371, %parallel_loop3A_382 : vector<16xf32>
        %parallel_loop3A_388 = arith.addf %parallel_loop3A_372, %parallel_loop3A_386 : vector<16xf32>
        %parallel_loop3A_389 = arith.constant 9 : i32
        %parallel_loop3A_390 = arith.addi %parallel_loop3A_207, %parallel_loop3A_389 : i32
        %parallel_loop3A_391 = arith.index_cast %parallel_loop3A_390 : i32 to index
        %parallel_loop3A_392 = arith.constant 0 : index
        %parallel_loop3A_393 = tpu.vector_load %arg7[%parallel_loop3A_391, %parallel_loop3A_392] {strides = array<i32>} : memref<320x64xbf16, #tpu.memory_space<vmem>>, vector<32xbf16>,
        %parallel_loop3A_394 = vector.bitcast %parallel_loop3A_393 : vector<32xbf16> to vector<16xi32>
        %parallel_loop3A_395 = arith.constant 16 : i32
        %parallel_loop3A_396 = vector.broadcast %parallel_loop3A_395 : i32 to vector<16xi32>
        %parallel_loop3A_397 = arith.shli %parallel_loop3A_394, %parallel_loop3A_396 : vector<16xi32>
        %parallel_loop3A_398 = vector.bitcast %parallel_loop3A_397 : vector<16xi32> to vector<16xf32>
        %parallel_loop3A_399 = arith.constant -65536 : i32
        %parallel_loop3A_400 = vector.broadcast %parallel_loop3A_399 : i32 to vector<16xi32>
        %parallel_loop3A_401 = arith.andi %parallel_loop3A_394, %parallel_loop3A_400 : vector<16xi32>
        %parallel_loop3A_402 = vector.bitcast %parallel_loop3A_401 : vector<16xi32> to vector<16xf32>
        %parallel_loop3A_403 = arith.addf %parallel_loop3A_387, %parallel_loop3A_398 : vector<16xf32>
        %parallel_loop3A_404 = arith.addf %parallel_loop3A_388, %parallel_loop3A_402 : vector<16xf32>
        %parallel_loop3A_405 = arith.constant 10 : i32
        %parallel_loop3A_406 = arith.addi %parallel_loop3A_207, %parallel_loop3A_405 : i32
        %parallel_loop3A_407 = arith.index_cast %parallel_loop3A_406 : i32 to index
        %parallel_loop3A_408 = arith.constant 0 : index
        %parallel_loop3A_409 = tpu.vector_load %arg7[%parallel_loop3A_407, %parallel_loop3A_408] {strides = array<i32>} : memref<320x64xbf16, #tpu.memory_space<vmem>>, vector<32xbf16>,
        %parallel_loop3A_410 = vector.bitcast %parallel_loop3A_409 : vector<32xbf16> to vector<16xi32>
        %parallel_loop3A_411 = arith.constant 16 : i32
        %parallel_loop3A_412 = vector.broadcast %parallel_loop3A_411 : i32 to vector<16xi32>
        %parallel_loop3A_413 = arith.shli %parallel_loop3A_410, %parallel_loop3A_412 : vector<16xi32>
        %parallel_loop3A_414 = vector.bitcast %parallel_loop3A_413 : vector<16xi32> to vector<16xf32>
        %parallel_loop3A_415 = arith.constant -65536 : i32
        %parallel_loop3A_416 = vector.broadcast %parallel_loop3A_415 : i32 to vector<16xi32>
        %parallel_loop3A_417 = arith.andi %parallel_loop3A_410, %parallel_loop3A_416 : vector<16xi32>
        %parallel_loop3A_418 = vector.bitcast %parallel_loop3A_417 : vector<16xi32> to vector<16xf32>
        %parallel_loop3A_419 = arith.addf %parallel_loop3A_403, %parallel_loop3A_414 : vector<16xf32>
        %parallel_loop3A_420 = arith.addf %parallel_loop3A_404, %parallel_loop3A_418 : vector<16xf32>
        %parallel_loop3A_421 = arith.constant 11 : i32
        %parallel_loop3A_422 = arith.addi %parallel_loop3A_207, %parallel_loop3A_421 : i32
        %parallel_loop3A_423 = arith.index_cast %parallel_loop3A_422 : i32 to index
        %parallel_loop3A_424 = arith.constant 0 : index
        %parallel_loop3A_425 = tpu.vector_load %arg7[%parallel_loop3A_423, %parallel_loop3A_424] {strides = array<i32>} : memref<320x64xbf16, #tpu.memory_space<vmem>>, vector<32xbf16>,
        %parallel_loop3A_426 = vector.bitcast %parallel_loop3A_425 : vector<32xbf16> to vector<16xi32>
        %parallel_loop3A_427 = arith.constant 16 : i32
        %parallel_loop3A_428 = vector.broadcast %parallel_loop3A_427 : i32 to vector<16xi32>
        %parallel_loop3A_429 = arith.shli %parallel_loop3A_426, %parallel_loop3A_428 : vector<16xi32>
        %parallel_loop3A_430 = vector.bitcast %parallel_loop3A_429 : vector<16xi32> to vector<16xf32>
        %parallel_loop3A_431 = arith.constant -65536 : i32
        %parallel_loop3A_432 = vector.broadcast %parallel_loop3A_431 : i32 to vector<16xi32>
        %parallel_loop3A_433 = arith.andi %parallel_loop3A_426, %parallel_loop3A_432 : vector<16xi32>
        %parallel_loop3A_434 = vector.bitcast %parallel_loop3A_433 : vector<16xi32> to vector<16xf32>
        %parallel_loop3A_435 = arith.addf %parallel_loop3A_419, %parallel_loop3A_430 : vector<16xf32>
        %parallel_loop3A_436 = arith.addf %parallel_loop3A_420, %parallel_loop3A_434 : vector<16xf32>
        %parallel_loop3A_437 = arith.constant 12 : i32
        %parallel_loop3A_438 = arith.addi %parallel_loop3A_207, %parallel_loop3A_437 : i32
        %parallel_loop3A_439 = arith.index_cast %parallel_loop3A_438 : i32 to index
        %parallel_loop3A_440 = arith.constant 0 : index
        %parallel_loop3A_441 = tpu.vector_load %arg7[%parallel_loop3A_439, %parallel_loop3A_440] {strides = array<i32>} : memref<320x64xbf16, #tpu.memory_space<vmem>>, vector<32xbf16>,
        %parallel_loop3A_442 = vector.bitcast %parallel_loop3A_441 : vector<32xbf16> to vector<16xi32>
        %parallel_loop3A_443 = arith.constant 16 : i32
        %parallel_loop3A_444 = vector.broadcast %parallel_loop3A_443 : i32 to vector<16xi32>
        %parallel_loop3A_445 = arith.shli %parallel_loop3A_442, %parallel_loop3A_444 : vector<16xi32>
        %parallel_loop3A_446 = vector.bitcast %parallel_loop3A_445 : vector<16xi32> to vector<16xf32>
        %parallel_loop3A_447 = arith.constant -65536 : i32
        %parallel_loop3A_448 = vector.broadcast %parallel_loop3A_447 : i32 to vector<16xi32>
        %parallel_loop3A_449 = arith.andi %parallel_loop3A_442, %parallel_loop3A_448 : vector<16xi32>
        %parallel_loop3A_450 = vector.bitcast %parallel_loop3A_449 : vector<16xi32> to vector<16xf32>
        %parallel_loop3A_451 = arith.addf %parallel_loop3A_435, %parallel_loop3A_446 : vector<16xf32>
        %parallel_loop3A_452 = arith.addf %parallel_loop3A_436, %parallel_loop3A_450 : vector<16xf32>
        %parallel_loop3A_453 = arith.constant 13 : i32
        %parallel_loop3A_454 = arith.addi %parallel_loop3A_207, %parallel_loop3A_453 : i32
        %parallel_loop3A_455 = arith.index_cast %parallel_loop3A_454 : i32 to index
        %parallel_loop3A_456 = arith.constant 0 : index
        %parallel_loop3A_457 = tpu.vector_load %arg7[%parallel_loop3A_455, %parallel_loop3A_456] {strides = array<i32>} : memref<320x64xbf16, #tpu.memory_space<vmem>>, vector<32xbf16>,
        %parallel_loop3A_458 = vector.bitcast %parallel_loop3A_457 : vector<32xbf16> to vector<16xi32>
        %parallel_loop3A_459 = arith.constant 16 : i32
        %parallel_loop3A_460 = vector.broadcast %parallel_loop3A_459 : i32 to vector<16xi32>
        %parallel_loop3A_461 = arith.shli %parallel_loop3A_458, %parallel_loop3A_460 : vector<16xi32>
        %parallel_loop3A_462 = vector.bitcast %parallel_loop3A_461 : vector<16xi32> to vector<16xf32>
        %parallel_loop3A_463 = arith.constant -65536 : i32
        %parallel_loop3A_464 = vector.broadcast %parallel_loop3A_463 : i32 to vector<16xi32>
        %parallel_loop3A_465 = arith.andi %parallel_loop3A_458, %parallel_loop3A_464 : vector<16xi32>
        %parallel_loop3A_466 = vector.bitcast %parallel_loop3A_465 : vector<16xi32> to vector<16xf32>
        %parallel_loop3A_467 = arith.addf %parallel_loop3A_451, %parallel_loop3A_462 : vector<16xf32>
        %parallel_loop3A_468 = arith.addf %parallel_loop3A_452, %parallel_loop3A_466 : vector<16xf32>
        %parallel_loop3A_469 = arith.constant 14 : i32
        %parallel_loop3A_470 = arith.addi %parallel_loop3A_207, %parallel_loop3A_469 : i32
        %parallel_loop3A_471 = arith.index_cast %parallel_loop3A_470 : i32 to index
        %parallel_loop3A_472 = arith.constant 0 : index
        %parallel_loop3A_473 = tpu.vector_load %arg7[%parallel_loop3A_471, %parallel_loop3A_472] {strides = array<i32>} : memref<320x64xbf16, #tpu.memory_space<vmem>>, vector<32xbf16>,
        %parallel_loop3A_474 = vector.bitcast %parallel_loop3A_473 : vector<32xbf16> to vector<16xi32>
        %parallel_loop3A_475 = arith.constant 16 : i32
        %parallel_loop3A_476 = vector.broadcast %parallel_loop3A_475 : i32 to vector<16xi32>
        %parallel_loop3A_477 = arith.shli %parallel_loop3A_474, %parallel_loop3A_476 : vector<16xi32>
        %parallel_loop3A_478 = vector.bitcast %parallel_loop3A_477 : vector<16xi32> to vector<16xf32>
        %parallel_loop3A_479 = arith.constant -65536 : i32
        %parallel_loop3A_480 = vector.broadcast %parallel_loop3A_479 : i32 to vector<16xi32>
        %parallel_loop3A_481 = arith.andi %parallel_loop3A_474, %parallel_loop3A_480 : vector<16xi32>
        %parallel_loop3A_482 = vector.bitcast %parallel_loop3A_481 : vector<16xi32> to vector<16xf32>
        %parallel_loop3A_483 = arith.addf %parallel_loop3A_467, %parallel_loop3A_478 : vector<16xf32>
        %parallel_loop3A_484 = arith.addf %parallel_loop3A_468, %parallel_loop3A_482 : vector<16xf32>
        %parallel_loop3A_485 = arith.constant 15 : i32
        %parallel_loop3A_486 = arith.addi %parallel_loop3A_207, %parallel_loop3A_485 : i32
        %parallel_loop3A_487 = arith.index_cast %parallel_loop3A_486 : i32 to index
        %parallel_loop3A_488 = arith.constant 0 : index
        %parallel_loop3A_489 = tpu.vector_load %arg7[%parallel_loop3A_487, %parallel_loop3A_488] {strides = array<i32>} : memref<320x64xbf16, #tpu.memory_space<vmem>>, vector<32xbf16>,
        %parallel_loop3A_490 = vector.bitcast %parallel_loop3A_489 : vector<32xbf16> to vector<16xi32>
        %parallel_loop3A_491 = arith.constant 16 : i32
        %parallel_loop3A_492 = vector.broadcast %parallel_loop3A_491 : i32 to vector<16xi32>
        %parallel_loop3A_493 = arith.shli %parallel_loop3A_490, %parallel_loop3A_492 : vector<16xi32>
        %parallel_loop3A_494 = vector.bitcast %parallel_loop3A_493 : vector<16xi32> to vector<16xf32>
        %parallel_loop3A_495 = arith.constant -65536 : i32
        %parallel_loop3A_496 = vector.broadcast %parallel_loop3A_495 : i32 to vector<16xi32>
        %parallel_loop3A_497 = arith.andi %parallel_loop3A_490, %parallel_loop3A_496 : vector<16xi32>
        %parallel_loop3A_498 = vector.bitcast %parallel_loop3A_497 : vector<16xi32> to vector<16xf32>
        %parallel_loop3A_499 = arith.addf %parallel_loop3A_483, %parallel_loop3A_494 : vector<16xf32>
        %parallel_loop3A_500 = arith.addf %parallel_loop3A_484, %parallel_loop3A_498 : vector<16xf32>
        %parallel_loop3A_501 = arith.constant 16 : i32
        %parallel_loop3A_502 = arith.addi %parallel_loop3A_207, %parallel_loop3A_501 : i32
        %parallel_loop3A_503 = arith.index_cast %parallel_loop3A_502 : i32 to index
        %parallel_loop3A_504 = arith.constant 0 : index
        %parallel_loop3A_505 = tpu.vector_load %arg7[%parallel_loop3A_503, %parallel_loop3A_504] {strides = array<i32>} : memref<320x64xbf16, #tpu.memory_space<vmem>>, vector<32xbf16>,
        %parallel_loop3A_506 = vector.bitcast %parallel_loop3A_505 : vector<32xbf16> to vector<16xi32>
        %parallel_loop3A_507 = arith.constant 16 : i32
        %parallel_loop3A_508 = vector.broadcast %parallel_loop3A_507 : i32 to vector<16xi32>
        %parallel_loop3A_509 = arith.shli %parallel_loop3A_506, %parallel_loop3A_508 : vector<16xi32>
        %parallel_loop3A_510 = vector.bitcast %parallel_loop3A_509 : vector<16xi32> to vector<16xf32>
        %parallel_loop3A_511 = arith.constant -65536 : i32
        %parallel_loop3A_512 = vector.broadcast %parallel_loop3A_511 : i32 to vector<16xi32>
        %parallel_loop3A_513 = arith.andi %parallel_loop3A_506, %parallel_loop3A_512 : vector<16xi32>
        %parallel_loop3A_514 = vector.bitcast %parallel_loop3A_513 : vector<16xi32> to vector<16xf32>
        %parallel_loop3A_515 = arith.addf %parallel_loop3A_499, %parallel_loop3A_510 : vector<16xf32>
        %parallel_loop3A_516 = arith.addf %parallel_loop3A_500, %parallel_loop3A_514 : vector<16xf32>
        %parallel_loop3A_517 = arith.constant 17 : i32
        %parallel_loop3A_518 = arith.addi %parallel_loop3A_207, %parallel_loop3A_517 : i32
        %parallel_loop3A_519 = arith.index_cast %parallel_loop3A_518 : i32 to index
        %parallel_loop3A_520 = arith.constant 0 : index
        %parallel_loop3A_521 = tpu.vector_load %arg7[%parallel_loop3A_519, %parallel_loop3A_520] {strides = array<i32>} : memref<320x64xbf16, #tpu.memory_space<vmem>>, vector<32xbf16>,
        %parallel_loop3A_522 = vector.bitcast %parallel_loop3A_521 : vector<32xbf16> to vector<16xi32>
        %parallel_loop3A_523 = arith.constant 16 : i32
        %parallel_loop3A_524 = vector.broadcast %parallel_loop3A_523 : i32 to vector<16xi32>
        %parallel_loop3A_525 = arith.shli %parallel_loop3A_522, %parallel_loop3A_524 : vector<16xi32>
        %parallel_loop3A_526 = vector.bitcast %parallel_loop3A_525 : vector<16xi32> to vector<16xf32>
        %parallel_loop3A_527 = arith.constant -65536 : i32
        %parallel_loop3A_528 = vector.broadcast %parallel_loop3A_527 : i32 to vector<16xi32>
        %parallel_loop3A_529 = arith.andi %parallel_loop3A_522, %parallel_loop3A_528 : vector<16xi32>
        %parallel_loop3A_530 = vector.bitcast %parallel_loop3A_529 : vector<16xi32> to vector<16xf32>
        %parallel_loop3A_531 = arith.addf %parallel_loop3A_515, %parallel_loop3A_526 : vector<16xf32>
        %parallel_loop3A_532 = arith.addf %parallel_loop3A_516, %parallel_loop3A_530 : vector<16xf32>
        %parallel_loop3A_533 = arith.constant 18 : i32
        %parallel_loop3A_534 = arith.addi %parallel_loop3A_207, %parallel_loop3A_533 : i32
        %parallel_loop3A_535 = arith.index_cast %parallel_loop3A_534 : i32 to index
        %parallel_loop3A_536 = arith.constant 0 : index
        %parallel_loop3A_537 = tpu.vector_load %arg7[%parallel_loop3A_535, %parallel_loop3A_536] {strides = array<i32>} : memref<320x64xbf16, #tpu.memory_space<vmem>>, vector<32xbf16>,
        %parallel_loop3A_538 = vector.bitcast %parallel_loop3A_537 : vector<32xbf16> to vector<16xi32>
        %parallel_loop3A_539 = arith.constant 16 : i32
        %parallel_loop3A_540 = vector.broadcast %parallel_loop3A_539 : i32 to vector<16xi32>
        %parallel_loop3A_541 = arith.shli %parallel_loop3A_538, %parallel_loop3A_540 : vector<16xi32>
        %parallel_loop3A_542 = vector.bitcast %parallel_loop3A_541 : vector<16xi32> to vector<16xf32>
        %parallel_loop3A_543 = arith.constant -65536 : i32
        %parallel_loop3A_544 = vector.broadcast %parallel_loop3A_543 : i32 to vector<16xi32>
        %parallel_loop3A_545 = arith.andi %parallel_loop3A_538, %parallel_loop3A_544 : vector<16xi32>
        %parallel_loop3A_546 = vector.bitcast %parallel_loop3A_545 : vector<16xi32> to vector<16xf32>
        %parallel_loop3A_547 = arith.addf %parallel_loop3A_531, %parallel_loop3A_542 : vector<16xf32>
        %parallel_loop3A_548 = arith.addf %parallel_loop3A_532, %parallel_loop3A_546 : vector<16xf32>
        %parallel_loop3A_549 = arith.constant 19 : i32
        %parallel_loop3A_550 = arith.addi %parallel_loop3A_207, %parallel_loop3A_549 : i32
        %parallel_loop3A_551 = arith.index_cast %parallel_loop3A_550 : i32 to index
        %parallel_loop3A_552 = arith.constant 0 : index
        %parallel_loop3A_553 = tpu.vector_load %arg7[%parallel_loop3A_551, %parallel_loop3A_552] {strides = array<i32>} : memref<320x64xbf16, #tpu.memory_space<vmem>>, vector<32xbf16>,
        %parallel_loop3A_554 = vector.bitcast %parallel_loop3A_553 : vector<32xbf16> to vector<16xi32>
        %parallel_loop3A_555 = arith.constant 16 : i32
        %parallel_loop3A_556 = vector.broadcast %parallel_loop3A_555 : i32 to vector<16xi32>
        %parallel_loop3A_557 = arith.shli %parallel_loop3A_554, %parallel_loop3A_556 : vector<16xi32>
        %parallel_loop3A_558 = vector.bitcast %parallel_loop3A_557 : vector<16xi32> to vector<16xf32>
        %parallel_loop3A_559 = arith.constant -65536 : i32
        %parallel_loop3A_560 = vector.broadcast %parallel_loop3A_559 : i32 to vector<16xi32>
        %parallel_loop3A_561 = arith.andi %parallel_loop3A_554, %parallel_loop3A_560 : vector<16xi32>
        %parallel_loop3A_562 = vector.bitcast %parallel_loop3A_561 : vector<16xi32> to vector<16xf32>
        %parallel_loop3A_563 = arith.addf %parallel_loop3A_547, %parallel_loop3A_558 : vector<16xf32>
        %parallel_loop3A_564 = arith.addf %parallel_loop3A_548, %parallel_loop3A_562 : vector<16xf32>
        %parallel_loop3A_565 = arith.constant 64 : i32
        %parallel_loop3A_566 = arith.addi %parallel_loop3A_209, %parallel_loop3A_565 : i32
        %parallel_loop3A_567 = arith.constant 0 : i32
        %parallel_loop3A_568 = arith.addi %parallel_loop3A_566, %parallel_loop3A_567 : i32
        %parallel_loop3A_569 = arith.constant 2 : i32
        %parallel_loop3A_570 = vector.broadcast %parallel_loop3A_569 : i32 to vector<16xi32>
        %parallel_loop3A_571 = arith.muli %iota3A, %parallel_loop3A_570 : vector<16xi32>
        %parallel_loop3A_572 = vector.broadcast %parallel_loop3A_568 : i32 to vector<16xi32>
        %parallel_loop3A_573 = arith.addi %parallel_loop3A_572, %parallel_loop3A_571 : vector<16xi32>
        %parallel_loop3A_574 = arith.mulf %parallel_loop3A_240, %bitcast3A_57 : vector<16xf32>
        %parallel_loop3A_575 = arith.subf %parallel_loop3A_563, %parallel_loop3A_574 : vector<16xf32>
        %parallel_loop3A_576 = arith.mulf %parallel_loop3A_575, %parallel_loop3A_239 : vector<16xf32>
        tpu.vector_store_idx %arg14[%parallel_loop3A_573], %parallel_loop3A_576 : memref<65536xf32, #tpu.memory_space<vmem>>[vector<16xi32>], vector<16xf32>,
        %parallel_loop3A_577 = arith.constant 1 : i32
        %parallel_loop3A_578 = vector.broadcast %parallel_loop3A_577 : i32 to vector<16xi32>
        %parallel_loop3A_579 = arith.addi %parallel_loop3A_573, %parallel_loop3A_578 : vector<16xi32>
        %parallel_loop3A_580 = arith.mulf %parallel_loop3A_240, %bitcast3A_60 : vector<16xf32>
        %parallel_loop3A_581 = arith.subf %parallel_loop3A_564, %parallel_loop3A_580 : vector<16xf32>
        %parallel_loop3A_582 = arith.mulf %parallel_loop3A_581, %parallel_loop3A_239 : vector<16xf32>
        tpu.vector_store_idx %arg14[%parallel_loop3A_579], %parallel_loop3A_582 : memref<65536xf32, #tpu.memory_space<vmem>>[vector<16xi32>], vector<16xf32>,
        %parallel_loop3A_583 = arith.constant 0.000000e+00 : f32
        %parallel_loop3A_584 = vector.broadcast %parallel_loop3A_583 : f32 to vector<16xf32>
        %parallel_loop3A_585 = arith.constant 0.000000e+00 : f32
        %parallel_loop3A_586 = vector.broadcast %parallel_loop3A_585 : f32 to vector<16xf32>
        %parallel_loop3A_587 = arith.constant 0 : i32
        %parallel_loop3A_588 = arith.addi %parallel_loop3A_207, %parallel_loop3A_587 : i32
        %parallel_loop3A_589 = arith.index_cast %parallel_loop3A_588 : i32 to index
        %parallel_loop3A_590 = arith.constant 32 : index
        %parallel_loop3A_591 = tpu.vector_load %arg7[%parallel_loop3A_589, %parallel_loop3A_590] {strides = array<i32>} : memref<320x64xbf16, #tpu.memory_space<vmem>>, vector<32xbf16>,
        %parallel_loop3A_592 = vector.bitcast %parallel_loop3A_591 : vector<32xbf16> to vector<16xi32>
        %parallel_loop3A_593 = arith.constant 16 : i32
        %parallel_loop3A_594 = vector.broadcast %parallel_loop3A_593 : i32 to vector<16xi32>
        %parallel_loop3A_595 = arith.shli %parallel_loop3A_592, %parallel_loop3A_594 : vector<16xi32>
        %parallel_loop3A_596 = vector.bitcast %parallel_loop3A_595 : vector<16xi32> to vector<16xf32>
        %parallel_loop3A_597 = arith.constant -65536 : i32
        %parallel_loop3A_598 = vector.broadcast %parallel_loop3A_597 : i32 to vector<16xi32>
        %parallel_loop3A_599 = arith.andi %parallel_loop3A_592, %parallel_loop3A_598 : vector<16xi32>
        %parallel_loop3A_600 = vector.bitcast %parallel_loop3A_599 : vector<16xi32> to vector<16xf32>
        %parallel_loop3A_601 = arith.addf %parallel_loop3A_584, %parallel_loop3A_596 : vector<16xf32>
        %parallel_loop3A_602 = arith.addf %parallel_loop3A_586, %parallel_loop3A_600 : vector<16xf32>
        %parallel_loop3A_603 = arith.constant 1 : i32
        %parallel_loop3A_604 = arith.addi %parallel_loop3A_207, %parallel_loop3A_603 : i32
        %parallel_loop3A_605 = arith.index_cast %parallel_loop3A_604 : i32 to index
        %parallel_loop3A_606 = arith.constant 32 : index
        %parallel_loop3A_607 = tpu.vector_load %arg7[%parallel_loop3A_605, %parallel_loop3A_606] {strides = array<i32>} : memref<320x64xbf16, #tpu.memory_space<vmem>>, vector<32xbf16>,
        %parallel_loop3A_608 = vector.bitcast %parallel_loop3A_607 : vector<32xbf16> to vector<16xi32>
        %parallel_loop3A_609 = arith.constant 16 : i32
        %parallel_loop3A_610 = vector.broadcast %parallel_loop3A_609 : i32 to vector<16xi32>
        %parallel_loop3A_611 = arith.shli %parallel_loop3A_608, %parallel_loop3A_610 : vector<16xi32>
        %parallel_loop3A_612 = vector.bitcast %parallel_loop3A_611 : vector<16xi32> to vector<16xf32>
        %parallel_loop3A_613 = arith.constant -65536 : i32
        %parallel_loop3A_614 = vector.broadcast %parallel_loop3A_613 : i32 to vector<16xi32>
        %parallel_loop3A_615 = arith.andi %parallel_loop3A_608, %parallel_loop3A_614 : vector<16xi32>
        %parallel_loop3A_616 = vector.bitcast %parallel_loop3A_615 : vector<16xi32> to vector<16xf32>
        %parallel_loop3A_617 = arith.addf %parallel_loop3A_601, %parallel_loop3A_612 : vector<16xf32>
        %parallel_loop3A_618 = arith.addf %parallel_loop3A_602, %parallel_loop3A_616 : vector<16xf32>
        %parallel_loop3A_619 = arith.constant 2 : i32
        %parallel_loop3A_620 = arith.addi %parallel_loop3A_207, %parallel_loop3A_619 : i32
        %parallel_loop3A_621 = arith.index_cast %parallel_loop3A_620 : i32 to index
        %parallel_loop3A_622 = arith.constant 32 : index
        %parallel_loop3A_623 = tpu.vector_load %arg7[%parallel_loop3A_621, %parallel_loop3A_622] {strides = array<i32>} : memref<320x64xbf16, #tpu.memory_space<vmem>>, vector<32xbf16>,
        %parallel_loop3A_624 = vector.bitcast %parallel_loop3A_623 : vector<32xbf16> to vector<16xi32>
        %parallel_loop3A_625 = arith.constant 16 : i32
        %parallel_loop3A_626 = vector.broadcast %parallel_loop3A_625 : i32 to vector<16xi32>
        %parallel_loop3A_627 = arith.shli %parallel_loop3A_624, %parallel_loop3A_626 : vector<16xi32>
        %parallel_loop3A_628 = vector.bitcast %parallel_loop3A_627 : vector<16xi32> to vector<16xf32>
        %parallel_loop3A_629 = arith.constant -65536 : i32
        %parallel_loop3A_630 = vector.broadcast %parallel_loop3A_629 : i32 to vector<16xi32>
        %parallel_loop3A_631 = arith.andi %parallel_loop3A_624, %parallel_loop3A_630 : vector<16xi32>
        %parallel_loop3A_632 = vector.bitcast %parallel_loop3A_631 : vector<16xi32> to vector<16xf32>
        %parallel_loop3A_633 = arith.addf %parallel_loop3A_617, %parallel_loop3A_628 : vector<16xf32>
        %parallel_loop3A_634 = arith.addf %parallel_loop3A_618, %parallel_loop3A_632 : vector<16xf32>
        %parallel_loop3A_635 = arith.constant 3 : i32
        %parallel_loop3A_636 = arith.addi %parallel_loop3A_207, %parallel_loop3A_635 : i32
        %parallel_loop3A_637 = arith.index_cast %parallel_loop3A_636 : i32 to index
        %parallel_loop3A_638 = arith.constant 32 : index
        %parallel_loop3A_639 = tpu.vector_load %arg7[%parallel_loop3A_637, %parallel_loop3A_638] {strides = array<i32>} : memref<320x64xbf16, #tpu.memory_space<vmem>>, vector<32xbf16>,
        %parallel_loop3A_640 = vector.bitcast %parallel_loop3A_639 : vector<32xbf16> to vector<16xi32>
        %parallel_loop3A_641 = arith.constant 16 : i32
        %parallel_loop3A_642 = vector.broadcast %parallel_loop3A_641 : i32 to vector<16xi32>
        %parallel_loop3A_643 = arith.shli %parallel_loop3A_640, %parallel_loop3A_642 : vector<16xi32>
        %parallel_loop3A_644 = vector.bitcast %parallel_loop3A_643 : vector<16xi32> to vector<16xf32>
        %parallel_loop3A_645 = arith.constant -65536 : i32
        %parallel_loop3A_646 = vector.broadcast %parallel_loop3A_645 : i32 to vector<16xi32>
        %parallel_loop3A_647 = arith.andi %parallel_loop3A_640, %parallel_loop3A_646 : vector<16xi32>
        %parallel_loop3A_648 = vector.bitcast %parallel_loop3A_647 : vector<16xi32> to vector<16xf32>
        %parallel_loop3A_649 = arith.addf %parallel_loop3A_633, %parallel_loop3A_644 : vector<16xf32>
        %parallel_loop3A_650 = arith.addf %parallel_loop3A_634, %parallel_loop3A_648 : vector<16xf32>
        %parallel_loop3A_651 = arith.constant 4 : i32
        %parallel_loop3A_652 = arith.addi %parallel_loop3A_207, %parallel_loop3A_651 : i32
        %parallel_loop3A_653 = arith.index_cast %parallel_loop3A_652 : i32 to index
        %parallel_loop3A_654 = arith.constant 32 : index
        %parallel_loop3A_655 = tpu.vector_load %arg7[%parallel_loop3A_653, %parallel_loop3A_654] {strides = array<i32>} : memref<320x64xbf16, #tpu.memory_space<vmem>>, vector<32xbf16>,
        %parallel_loop3A_656 = vector.bitcast %parallel_loop3A_655 : vector<32xbf16> to vector<16xi32>
        %parallel_loop3A_657 = arith.constant 16 : i32
        %parallel_loop3A_658 = vector.broadcast %parallel_loop3A_657 : i32 to vector<16xi32>
        %parallel_loop3A_659 = arith.shli %parallel_loop3A_656, %parallel_loop3A_658 : vector<16xi32>
        %parallel_loop3A_660 = vector.bitcast %parallel_loop3A_659 : vector<16xi32> to vector<16xf32>
        %parallel_loop3A_661 = arith.constant -65536 : i32
        %parallel_loop3A_662 = vector.broadcast %parallel_loop3A_661 : i32 to vector<16xi32>
        %parallel_loop3A_663 = arith.andi %parallel_loop3A_656, %parallel_loop3A_662 : vector<16xi32>
        %parallel_loop3A_664 = vector.bitcast %parallel_loop3A_663 : vector<16xi32> to vector<16xf32>
        %parallel_loop3A_665 = arith.addf %parallel_loop3A_649, %parallel_loop3A_660 : vector<16xf32>
        %parallel_loop3A_666 = arith.addf %parallel_loop3A_650, %parallel_loop3A_664 : vector<16xf32>
        %parallel_loop3A_667 = arith.constant 5 : i32
        %parallel_loop3A_668 = arith.addi %parallel_loop3A_207, %parallel_loop3A_667 : i32
        %parallel_loop3A_669 = arith.index_cast %parallel_loop3A_668 : i32 to index
        %parallel_loop3A_670 = arith.constant 32 : index
        %parallel_loop3A_671 = tpu.vector_load %arg7[%parallel_loop3A_669, %parallel_loop3A_670] {strides = array<i32>} : memref<320x64xbf16, #tpu.memory_space<vmem>>, vector<32xbf16>,
        %parallel_loop3A_672 = vector.bitcast %parallel_loop3A_671 : vector<32xbf16> to vector<16xi32>
        %parallel_loop3A_673 = arith.constant 16 : i32
        %parallel_loop3A_674 = vector.broadcast %parallel_loop3A_673 : i32 to vector<16xi32>
        %parallel_loop3A_675 = arith.shli %parallel_loop3A_672, %parallel_loop3A_674 : vector<16xi32>
        %parallel_loop3A_676 = vector.bitcast %parallel_loop3A_675 : vector<16xi32> to vector<16xf32>
        %parallel_loop3A_677 = arith.constant -65536 : i32
        %parallel_loop3A_678 = vector.broadcast %parallel_loop3A_677 : i32 to vector<16xi32>
        %parallel_loop3A_679 = arith.andi %parallel_loop3A_672, %parallel_loop3A_678 : vector<16xi32>
        %parallel_loop3A_680 = vector.bitcast %parallel_loop3A_679 : vector<16xi32> to vector<16xf32>
        %parallel_loop3A_681 = arith.addf %parallel_loop3A_665, %parallel_loop3A_676 : vector<16xf32>
        %parallel_loop3A_682 = arith.addf %parallel_loop3A_666, %parallel_loop3A_680 : vector<16xf32>
        %parallel_loop3A_683 = arith.constant 6 : i32
        %parallel_loop3A_684 = arith.addi %parallel_loop3A_207, %parallel_loop3A_683 : i32
        %parallel_loop3A_685 = arith.index_cast %parallel_loop3A_684 : i32 to index
        %parallel_loop3A_686 = arith.constant 32 : index
        %parallel_loop3A_687 = tpu.vector_load %arg7[%parallel_loop3A_685, %parallel_loop3A_686] {strides = array<i32>} : memref<320x64xbf16, #tpu.memory_space<vmem>>, vector<32xbf16>,
        %parallel_loop3A_688 = vector.bitcast %parallel_loop3A_687 : vector<32xbf16> to vector<16xi32>
        %parallel_loop3A_689 = arith.constant 16 : i32
        %parallel_loop3A_690 = vector.broadcast %parallel_loop3A_689 : i32 to vector<16xi32>
        %parallel_loop3A_691 = arith.shli %parallel_loop3A_688, %parallel_loop3A_690 : vector<16xi32>
        %parallel_loop3A_692 = vector.bitcast %parallel_loop3A_691 : vector<16xi32> to vector<16xf32>
        %parallel_loop3A_693 = arith.constant -65536 : i32
        %parallel_loop3A_694 = vector.broadcast %parallel_loop3A_693 : i32 to vector<16xi32>
        %parallel_loop3A_695 = arith.andi %parallel_loop3A_688, %parallel_loop3A_694 : vector<16xi32>
        %parallel_loop3A_696 = vector.bitcast %parallel_loop3A_695 : vector<16xi32> to vector<16xf32>
        %parallel_loop3A_697 = arith.addf %parallel_loop3A_681, %parallel_loop3A_692 : vector<16xf32>
        %parallel_loop3A_698 = arith.addf %parallel_loop3A_682, %parallel_loop3A_696 : vector<16xf32>
        %parallel_loop3A_699 = arith.constant 7 : i32
        %parallel_loop3A_700 = arith.addi %parallel_loop3A_207, %parallel_loop3A_699 : i32
        %parallel_loop3A_701 = arith.index_cast %parallel_loop3A_700 : i32 to index
        %parallel_loop3A_702 = arith.constant 32 : index
        %parallel_loop3A_703 = tpu.vector_load %arg7[%parallel_loop3A_701, %parallel_loop3A_702] {strides = array<i32>} : memref<320x64xbf16, #tpu.memory_space<vmem>>, vector<32xbf16>,
        %parallel_loop3A_704 = vector.bitcast %parallel_loop3A_703 : vector<32xbf16> to vector<16xi32>
        %parallel_loop3A_705 = arith.constant 16 : i32
        %parallel_loop3A_706 = vector.broadcast %parallel_loop3A_705 : i32 to vector<16xi32>
        %parallel_loop3A_707 = arith.shli %parallel_loop3A_704, %parallel_loop3A_706 : vector<16xi32>
        %parallel_loop3A_708 = vector.bitcast %parallel_loop3A_707 : vector<16xi32> to vector<16xf32>
        %parallel_loop3A_709 = arith.constant -65536 : i32
        %parallel_loop3A_710 = vector.broadcast %parallel_loop3A_709 : i32 to vector<16xi32>
        %parallel_loop3A_711 = arith.andi %parallel_loop3A_704, %parallel_loop3A_710 : vector<16xi32>
        %parallel_loop3A_712 = vector.bitcast %parallel_loop3A_711 : vector<16xi32> to vector<16xf32>
        %parallel_loop3A_713 = arith.addf %parallel_loop3A_697, %parallel_loop3A_708 : vector<16xf32>
        %parallel_loop3A_714 = arith.addf %parallel_loop3A_698, %parallel_loop3A_712 : vector<16xf32>
        %parallel_loop3A_715 = arith.constant 8 : i32
        %parallel_loop3A_716 = arith.addi %parallel_loop3A_207, %parallel_loop3A_715 : i32
        %parallel_loop3A_717 = arith.index_cast %parallel_loop3A_716 : i32 to index
        %parallel_loop3A_718 = arith.constant 32 : index
        %parallel_loop3A_719 = tpu.vector_load %arg7[%parallel_loop3A_717, %parallel_loop3A_718] {strides = array<i32>} : memref<320x64xbf16, #tpu.memory_space<vmem>>, vector<32xbf16>,
        %parallel_loop3A_720 = vector.bitcast %parallel_loop3A_719 : vector<32xbf16> to vector<16xi32>
        %parallel_loop3A_721 = arith.constant 16 : i32
        %parallel_loop3A_722 = vector.broadcast %parallel_loop3A_721 : i32 to vector<16xi32>
        %parallel_loop3A_723 = arith.shli %parallel_loop3A_720, %parallel_loop3A_722 : vector<16xi32>
        %parallel_loop3A_724 = vector.bitcast %parallel_loop3A_723 : vector<16xi32> to vector<16xf32>
        %parallel_loop3A_725 = arith.constant -65536 : i32
        %parallel_loop3A_726 = vector.broadcast %parallel_loop3A_725 : i32 to vector<16xi32>
        %parallel_loop3A_727 = arith.andi %parallel_loop3A_720, %parallel_loop3A_726 : vector<16xi32>
        %parallel_loop3A_728 = vector.bitcast %parallel_loop3A_727 : vector<16xi32> to vector<16xf32>
        %parallel_loop3A_729 = arith.addf %parallel_loop3A_713, %parallel_loop3A_724 : vector<16xf32>
        %parallel_loop3A_730 = arith.addf %parallel_loop3A_714, %parallel_loop3A_728 : vector<16xf32>
        %parallel_loop3A_731 = arith.constant 9 : i32
        %parallel_loop3A_732 = arith.addi %parallel_loop3A_207, %parallel_loop3A_731 : i32
        %parallel_loop3A_733 = arith.index_cast %parallel_loop3A_732 : i32 to index
        %parallel_loop3A_734 = arith.constant 32 : index
        %parallel_loop3A_735 = tpu.vector_load %arg7[%parallel_loop3A_733, %parallel_loop3A_734] {strides = array<i32>} : memref<320x64xbf16, #tpu.memory_space<vmem>>, vector<32xbf16>,
        %parallel_loop3A_736 = vector.bitcast %parallel_loop3A_735 : vector<32xbf16> to vector<16xi32>
        %parallel_loop3A_737 = arith.constant 16 : i32
        %parallel_loop3A_738 = vector.broadcast %parallel_loop3A_737 : i32 to vector<16xi32>
        %parallel_loop3A_739 = arith.shli %parallel_loop3A_736, %parallel_loop3A_738 : vector<16xi32>
        %parallel_loop3A_740 = vector.bitcast %parallel_loop3A_739 : vector<16xi32> to vector<16xf32>
        %parallel_loop3A_741 = arith.constant -65536 : i32
        %parallel_loop3A_742 = vector.broadcast %parallel_loop3A_741 : i32 to vector<16xi32>
        %parallel_loop3A_743 = arith.andi %parallel_loop3A_736, %parallel_loop3A_742 : vector<16xi32>
        %parallel_loop3A_744 = vector.bitcast %parallel_loop3A_743 : vector<16xi32> to vector<16xf32>
        %parallel_loop3A_745 = arith.addf %parallel_loop3A_729, %parallel_loop3A_740 : vector<16xf32>
        %parallel_loop3A_746 = arith.addf %parallel_loop3A_730, %parallel_loop3A_744 : vector<16xf32>
        %parallel_loop3A_747 = arith.constant 10 : i32
        %parallel_loop3A_748 = arith.addi %parallel_loop3A_207, %parallel_loop3A_747 : i32
        %parallel_loop3A_749 = arith.index_cast %parallel_loop3A_748 : i32 to index
        %parallel_loop3A_750 = arith.constant 32 : index
        %parallel_loop3A_751 = tpu.vector_load %arg7[%parallel_loop3A_749, %parallel_loop3A_750] {strides = array<i32>} : memref<320x64xbf16, #tpu.memory_space<vmem>>, vector<32xbf16>,
        %parallel_loop3A_752 = vector.bitcast %parallel_loop3A_751 : vector<32xbf16> to vector<16xi32>
        %parallel_loop3A_753 = arith.constant 16 : i32
        %parallel_loop3A_754 = vector.broadcast %parallel_loop3A_753 : i32 to vector<16xi32>
        %parallel_loop3A_755 = arith.shli %parallel_loop3A_752, %parallel_loop3A_754 : vector<16xi32>
        %parallel_loop3A_756 = vector.bitcast %parallel_loop3A_755 : vector<16xi32> to vector<16xf32>
        %parallel_loop3A_757 = arith.constant -65536 : i32
        %parallel_loop3A_758 = vector.broadcast %parallel_loop3A_757 : i32 to vector<16xi32>
        %parallel_loop3A_759 = arith.andi %parallel_loop3A_752, %parallel_loop3A_758 : vector<16xi32>
        %parallel_loop3A_760 = vector.bitcast %parallel_loop3A_759 : vector<16xi32> to vector<16xf32>
        %parallel_loop3A_761 = arith.addf %parallel_loop3A_745, %parallel_loop3A_756 : vector<16xf32>
        %parallel_loop3A_762 = arith.addf %parallel_loop3A_746, %parallel_loop3A_760 : vector<16xf32>
        %parallel_loop3A_763 = arith.constant 11 : i32
        %parallel_loop3A_764 = arith.addi %parallel_loop3A_207, %parallel_loop3A_763 : i32
        %parallel_loop3A_765 = arith.index_cast %parallel_loop3A_764 : i32 to index
        %parallel_loop3A_766 = arith.constant 32 : index
        %parallel_loop3A_767 = tpu.vector_load %arg7[%parallel_loop3A_765, %parallel_loop3A_766] {strides = array<i32>} : memref<320x64xbf16, #tpu.memory_space<vmem>>, vector<32xbf16>,
        %parallel_loop3A_768 = vector.bitcast %parallel_loop3A_767 : vector<32xbf16> to vector<16xi32>
        %parallel_loop3A_769 = arith.constant 16 : i32
        %parallel_loop3A_770 = vector.broadcast %parallel_loop3A_769 : i32 to vector<16xi32>
        %parallel_loop3A_771 = arith.shli %parallel_loop3A_768, %parallel_loop3A_770 : vector<16xi32>
        %parallel_loop3A_772 = vector.bitcast %parallel_loop3A_771 : vector<16xi32> to vector<16xf32>
        %parallel_loop3A_773 = arith.constant -65536 : i32
        %parallel_loop3A_774 = vector.broadcast %parallel_loop3A_773 : i32 to vector<16xi32>
        %parallel_loop3A_775 = arith.andi %parallel_loop3A_768, %parallel_loop3A_774 : vector<16xi32>
        %parallel_loop3A_776 = vector.bitcast %parallel_loop3A_775 : vector<16xi32> to vector<16xf32>
        %parallel_loop3A_777 = arith.addf %parallel_loop3A_761, %parallel_loop3A_772 : vector<16xf32>
        %parallel_loop3A_778 = arith.addf %parallel_loop3A_762, %parallel_loop3A_776 : vector<16xf32>
        %parallel_loop3A_779 = arith.constant 12 : i32
        %parallel_loop3A_780 = arith.addi %parallel_loop3A_207, %parallel_loop3A_779 : i32
        %parallel_loop3A_781 = arith.index_cast %parallel_loop3A_780 : i32 to index
        %parallel_loop3A_782 = arith.constant 32 : index
        %parallel_loop3A_783 = tpu.vector_load %arg7[%parallel_loop3A_781, %parallel_loop3A_782] {strides = array<i32>} : memref<320x64xbf16, #tpu.memory_space<vmem>>, vector<32xbf16>,
        %parallel_loop3A_784 = vector.bitcast %parallel_loop3A_783 : vector<32xbf16> to vector<16xi32>
        %parallel_loop3A_785 = arith.constant 16 : i32
        %parallel_loop3A_786 = vector.broadcast %parallel_loop3A_785 : i32 to vector<16xi32>
        %parallel_loop3A_787 = arith.shli %parallel_loop3A_784, %parallel_loop3A_786 : vector<16xi32>
        %parallel_loop3A_788 = vector.bitcast %parallel_loop3A_787 : vector<16xi32> to vector<16xf32>
        %parallel_loop3A_789 = arith.constant -65536 : i32
        %parallel_loop3A_790 = vector.broadcast %parallel_loop3A_789 : i32 to vector<16xi32>
        %parallel_loop3A_791 = arith.andi %parallel_loop3A_784, %parallel_loop3A_790 : vector<16xi32>
        %parallel_loop3A_792 = vector.bitcast %parallel_loop3A_791 : vector<16xi32> to vector<16xf32>
        %parallel_loop3A_793 = arith.addf %parallel_loop3A_777, %parallel_loop3A_788 : vector<16xf32>
        %parallel_loop3A_794 = arith.addf %parallel_loop3A_778, %parallel_loop3A_792 : vector<16xf32>
        %parallel_loop3A_795 = arith.constant 13 : i32
        %parallel_loop3A_796 = arith.addi %parallel_loop3A_207, %parallel_loop3A_795 : i32
        %parallel_loop3A_797 = arith.index_cast %parallel_loop3A_796 : i32 to index
        %parallel_loop3A_798 = arith.constant 32 : index
        %parallel_loop3A_799 = tpu.vector_load %arg7[%parallel_loop3A_797, %parallel_loop3A_798] {strides = array<i32>} : memref<320x64xbf16, #tpu.memory_space<vmem>>, vector<32xbf16>,
        %parallel_loop3A_800 = vector.bitcast %parallel_loop3A_799 : vector<32xbf16> to vector<16xi32>
        %parallel_loop3A_801 = arith.constant 16 : i32
        %parallel_loop3A_802 = vector.broadcast %parallel_loop3A_801 : i32 to vector<16xi32>
        %parallel_loop3A_803 = arith.shli %parallel_loop3A_800, %parallel_loop3A_802 : vector<16xi32>
        %parallel_loop3A_804 = vector.bitcast %parallel_loop3A_803 : vector<16xi32> to vector<16xf32>
        %parallel_loop3A_805 = arith.constant -65536 : i32
        %parallel_loop3A_806 = vector.broadcast %parallel_loop3A_805 : i32 to vector<16xi32>
        %parallel_loop3A_807 = arith.andi %parallel_loop3A_800, %parallel_loop3A_806 : vector<16xi32>
        %parallel_loop3A_808 = vector.bitcast %parallel_loop3A_807 : vector<16xi32> to vector<16xf32>
        %parallel_loop3A_809 = arith.addf %parallel_loop3A_793, %parallel_loop3A_804 : vector<16xf32>
        %parallel_loop3A_810 = arith.addf %parallel_loop3A_794, %parallel_loop3A_808 : vector<16xf32>
        %parallel_loop3A_811 = arith.constant 14 : i32
        %parallel_loop3A_812 = arith.addi %parallel_loop3A_207, %parallel_loop3A_811 : i32
        %parallel_loop3A_813 = arith.index_cast %parallel_loop3A_812 : i32 to index
        %parallel_loop3A_814 = arith.constant 32 : index
        %parallel_loop3A_815 = tpu.vector_load %arg7[%parallel_loop3A_813, %parallel_loop3A_814] {strides = array<i32>} : memref<320x64xbf16, #tpu.memory_space<vmem>>, vector<32xbf16>,
        %parallel_loop3A_816 = vector.bitcast %parallel_loop3A_815 : vector<32xbf16> to vector<16xi32>
        %parallel_loop3A_817 = arith.constant 16 : i32
        %parallel_loop3A_818 = vector.broadcast %parallel_loop3A_817 : i32 to vector<16xi32>
        %parallel_loop3A_819 = arith.shli %parallel_loop3A_816, %parallel_loop3A_818 : vector<16xi32>
        %parallel_loop3A_820 = vector.bitcast %parallel_loop3A_819 : vector<16xi32> to vector<16xf32>
        %parallel_loop3A_821 = arith.constant -65536 : i32
        %parallel_loop3A_822 = vector.broadcast %parallel_loop3A_821 : i32 to vector<16xi32>
        %parallel_loop3A_823 = arith.andi %parallel_loop3A_816, %parallel_loop3A_822 : vector<16xi32>
        %parallel_loop3A_824 = vector.bitcast %parallel_loop3A_823 : vector<16xi32> to vector<16xf32>
        %parallel_loop3A_825 = arith.addf %parallel_loop3A_809, %parallel_loop3A_820 : vector<16xf32>
        %parallel_loop3A_826 = arith.addf %parallel_loop3A_810, %parallel_loop3A_824 : vector<16xf32>
        %parallel_loop3A_827 = arith.constant 15 : i32
        %parallel_loop3A_828 = arith.addi %parallel_loop3A_207, %parallel_loop3A_827 : i32
        %parallel_loop3A_829 = arith.index_cast %parallel_loop3A_828 : i32 to index
        %parallel_loop3A_830 = arith.constant 32 : index
        %parallel_loop3A_831 = tpu.vector_load %arg7[%parallel_loop3A_829, %parallel_loop3A_830] {strides = array<i32>} : memref<320x64xbf16, #tpu.memory_space<vmem>>, vector<32xbf16>,
        %parallel_loop3A_832 = vector.bitcast %parallel_loop3A_831 : vector<32xbf16> to vector<16xi32>
        %parallel_loop3A_833 = arith.constant 16 : i32
        %parallel_loop3A_834 = vector.broadcast %parallel_loop3A_833 : i32 to vector<16xi32>
        %parallel_loop3A_835 = arith.shli %parallel_loop3A_832, %parallel_loop3A_834 : vector<16xi32>
        %parallel_loop3A_836 = vector.bitcast %parallel_loop3A_835 : vector<16xi32> to vector<16xf32>
        %parallel_loop3A_837 = arith.constant -65536 : i32
        %parallel_loop3A_838 = vector.broadcast %parallel_loop3A_837 : i32 to vector<16xi32>
        %parallel_loop3A_839 = arith.andi %parallel_loop3A_832, %parallel_loop3A_838 : vector<16xi32>
        %parallel_loop3A_840 = vector.bitcast %parallel_loop3A_839 : vector<16xi32> to vector<16xf32>
        %parallel_loop3A_841 = arith.addf %parallel_loop3A_825, %parallel_loop3A_836 : vector<16xf32>
        %parallel_loop3A_842 = arith.addf %parallel_loop3A_826, %parallel_loop3A_840 : vector<16xf32>
        %parallel_loop3A_843 = arith.constant 16 : i32
        %parallel_loop3A_844 = arith.addi %parallel_loop3A_207, %parallel_loop3A_843 : i32
        %parallel_loop3A_845 = arith.index_cast %parallel_loop3A_844 : i32 to index
        %parallel_loop3A_846 = arith.constant 32 : index
        %parallel_loop3A_847 = tpu.vector_load %arg7[%parallel_loop3A_845, %parallel_loop3A_846] {strides = array<i32>} : memref<320x64xbf16, #tpu.memory_space<vmem>>, vector<32xbf16>,
        %parallel_loop3A_848 = vector.bitcast %parallel_loop3A_847 : vector<32xbf16> to vector<16xi32>
        %parallel_loop3A_849 = arith.constant 16 : i32
        %parallel_loop3A_850 = vector.broadcast %parallel_loop3A_849 : i32 to vector<16xi32>
        %parallel_loop3A_851 = arith.shli %parallel_loop3A_848, %parallel_loop3A_850 : vector<16xi32>
        %parallel_loop3A_852 = vector.bitcast %parallel_loop3A_851 : vector<16xi32> to vector<16xf32>
        %parallel_loop3A_853 = arith.constant -65536 : i32
        %parallel_loop3A_854 = vector.broadcast %parallel_loop3A_853 : i32 to vector<16xi32>
        %parallel_loop3A_855 = arith.andi %parallel_loop3A_848, %parallel_loop3A_854 : vector<16xi32>
        %parallel_loop3A_856 = vector.bitcast %parallel_loop3A_855 : vector<16xi32> to vector<16xf32>
        %parallel_loop3A_857 = arith.addf %parallel_loop3A_841, %parallel_loop3A_852 : vector<16xf32>
        %parallel_loop3A_858 = arith.addf %parallel_loop3A_842, %parallel_loop3A_856 : vector<16xf32>
        %parallel_loop3A_859 = arith.constant 17 : i32
        %parallel_loop3A_860 = arith.addi %parallel_loop3A_207, %parallel_loop3A_859 : i32
        %parallel_loop3A_861 = arith.index_cast %parallel_loop3A_860 : i32 to index
        %parallel_loop3A_862 = arith.constant 32 : index
        %parallel_loop3A_863 = tpu.vector_load %arg7[%parallel_loop3A_861, %parallel_loop3A_862] {strides = array<i32>} : memref<320x64xbf16, #tpu.memory_space<vmem>>, vector<32xbf16>,
        %parallel_loop3A_864 = vector.bitcast %parallel_loop3A_863 : vector<32xbf16> to vector<16xi32>
        %parallel_loop3A_865 = arith.constant 16 : i32
        %parallel_loop3A_866 = vector.broadcast %parallel_loop3A_865 : i32 to vector<16xi32>
        %parallel_loop3A_867 = arith.shli %parallel_loop3A_864, %parallel_loop3A_866 : vector<16xi32>
        %parallel_loop3A_868 = vector.bitcast %parallel_loop3A_867 : vector<16xi32> to vector<16xf32>
        %parallel_loop3A_869 = arith.constant -65536 : i32
        %parallel_loop3A_870 = vector.broadcast %parallel_loop3A_869 : i32 to vector<16xi32>
        %parallel_loop3A_871 = arith.andi %parallel_loop3A_864, %parallel_loop3A_870 : vector<16xi32>
        %parallel_loop3A_872 = vector.bitcast %parallel_loop3A_871 : vector<16xi32> to vector<16xf32>
        %parallel_loop3A_873 = arith.addf %parallel_loop3A_857, %parallel_loop3A_868 : vector<16xf32>
        %parallel_loop3A_874 = arith.addf %parallel_loop3A_858, %parallel_loop3A_872 : vector<16xf32>
        %parallel_loop3A_875 = arith.constant 18 : i32
        %parallel_loop3A_876 = arith.addi %parallel_loop3A_207, %parallel_loop3A_875 : i32
        %parallel_loop3A_877 = arith.index_cast %parallel_loop3A_876 : i32 to index
        %parallel_loop3A_878 = arith.constant 32 : index
        %parallel_loop3A_879 = tpu.vector_load %arg7[%parallel_loop3A_877, %parallel_loop3A_878] {strides = array<i32>} : memref<320x64xbf16, #tpu.memory_space<vmem>>, vector<32xbf16>,
        %parallel_loop3A_880 = vector.bitcast %parallel_loop3A_879 : vector<32xbf16> to vector<16xi32>
        %parallel_loop3A_881 = arith.constant 16 : i32
        %parallel_loop3A_882 = vector.broadcast %parallel_loop3A_881 : i32 to vector<16xi32>
        %parallel_loop3A_883 = arith.shli %parallel_loop3A_880, %parallel_loop3A_882 : vector<16xi32>
        %parallel_loop3A_884 = vector.bitcast %parallel_loop3A_883 : vector<16xi32> to vector<16xf32>
        %parallel_loop3A_885 = arith.constant -65536 : i32
        %parallel_loop3A_886 = vector.broadcast %parallel_loop3A_885 : i32 to vector<16xi32>
        %parallel_loop3A_887 = arith.andi %parallel_loop3A_880, %parallel_loop3A_886 : vector<16xi32>
        %parallel_loop3A_888 = vector.bitcast %parallel_loop3A_887 : vector<16xi32> to vector<16xf32>
        %parallel_loop3A_889 = arith.addf %parallel_loop3A_873, %parallel_loop3A_884 : vector<16xf32>
        %parallel_loop3A_890 = arith.addf %parallel_loop3A_874, %parallel_loop3A_888 : vector<16xf32>
        %parallel_loop3A_891 = arith.constant 19 : i32
        %parallel_loop3A_892 = arith.addi %parallel_loop3A_207, %parallel_loop3A_891 : i32
        %parallel_loop3A_893 = arith.index_cast %parallel_loop3A_892 : i32 to index
        %parallel_loop3A_894 = arith.constant 32 : index
        %parallel_loop3A_895 = tpu.vector_load %arg7[%parallel_loop3A_893, %parallel_loop3A_894] {strides = array<i32>} : memref<320x64xbf16, #tpu.memory_space<vmem>>, vector<32xbf16>,
        %parallel_loop3A_896 = vector.bitcast %parallel_loop3A_895 : vector<32xbf16> to vector<16xi32>
        %parallel_loop3A_897 = arith.constant 16 : i32
        %parallel_loop3A_898 = vector.broadcast %parallel_loop3A_897 : i32 to vector<16xi32>
        %parallel_loop3A_899 = arith.shli %parallel_loop3A_896, %parallel_loop3A_898 : vector<16xi32>
        %parallel_loop3A_900 = vector.bitcast %parallel_loop3A_899 : vector<16xi32> to vector<16xf32>
        %parallel_loop3A_901 = arith.constant -65536 : i32
        %parallel_loop3A_902 = vector.broadcast %parallel_loop3A_901 : i32 to vector<16xi32>
        %parallel_loop3A_903 = arith.andi %parallel_loop3A_896, %parallel_loop3A_902 : vector<16xi32>
        %parallel_loop3A_904 = vector.bitcast %parallel_loop3A_903 : vector<16xi32> to vector<16xf32>
        %parallel_loop3A_905 = arith.addf %parallel_loop3A_889, %parallel_loop3A_900 : vector<16xf32>
        %parallel_loop3A_906 = arith.addf %parallel_loop3A_890, %parallel_loop3A_904 : vector<16xf32>
        %parallel_loop3A_907 = arith.constant 64 : i32
        %parallel_loop3A_908 = arith.addi %parallel_loop3A_209, %parallel_loop3A_907 : i32
        %parallel_loop3A_909 = arith.constant 32 : i32
        %parallel_loop3A_910 = arith.addi %parallel_loop3A_908, %parallel_loop3A_909 : i32
        %parallel_loop3A_911 = arith.constant 2 : i32
        %parallel_loop3A_912 = vector.broadcast %parallel_loop3A_911 : i32 to vector<16xi32>
        %parallel_loop3A_913 = arith.muli %iota3A, %parallel_loop3A_912 : vector<16xi32>
        %parallel_loop3A_914 = vector.broadcast %parallel_loop3A_910 : i32 to vector<16xi32>
        %parallel_loop3A_915 = arith.addi %parallel_loop3A_914, %parallel_loop3A_913 : vector<16xi32>
        %parallel_loop3A_916 = arith.mulf %parallel_loop3A_240, %bitcast3A_67 : vector<16xf32>
        %parallel_loop3A_917 = arith.subf %parallel_loop3A_905, %parallel_loop3A_916 : vector<16xf32>
        %parallel_loop3A_918 = arith.mulf %parallel_loop3A_917, %parallel_loop3A_239 : vector<16xf32>
        tpu.vector_store_idx %arg14[%parallel_loop3A_915], %parallel_loop3A_918 : memref<65536xf32, #tpu.memory_space<vmem>>[vector<16xi32>], vector<16xf32>,
        %parallel_loop3A_919 = arith.constant 1 : i32
        %parallel_loop3A_920 = vector.broadcast %parallel_loop3A_919 : i32 to vector<16xi32>
        %parallel_loop3A_921 = arith.addi %parallel_loop3A_915, %parallel_loop3A_920 : vector<16xi32>
        %parallel_loop3A_922 = arith.mulf %parallel_loop3A_240, %bitcast3A_71 : vector<16xf32>
        %parallel_loop3A_923 = arith.subf %parallel_loop3A_906, %parallel_loop3A_922 : vector<16xf32>
        %parallel_loop3A_924 = arith.mulf %parallel_loop3A_923, %parallel_loop3A_239 : vector<16xf32>
        tpu.vector_store_idx %arg14[%parallel_loop3A_921], %parallel_loop3A_924 : memref<65536xf32, #tpu.memory_space<vmem>>[vector<16xi32>], vector<16xf32>,
      } {sc.loop_unroll_factor = 2 : i64, sc.parallel_access}
      %mul3A_140 = arith.constant 2 : i32
      %mul3A_141 = arith.muli %scan3A_82, %mul3A_140 : i32
      %add3A_142 = arith.constant 1 : i32
      %add3A_143 = arith.addi %mul3A_141, %add3A_142 : i32
      %lt3A_144 = arith.constant 31 : i32
      %lt3A_145 = arith.cmpi slt, %add3A_143, %lt3A_144 : i32
      %convert_element_type3A_146 = arith.extui %lt3A_145 : i1 to i32
      %cond3A_147 = arith.constant 0 : i32
      %cond3A_148 = arith.cmpi ne, %convert_element_type3A_146, %cond3A_147 : i32
      scf.if %cond3A_148 {
        %add3A_202 = arith.constant 2 : i32
        %add3A_203 = arith.addi %add3A_143, %add3A_202 : i32
        %sub3A = arith.constant 1 : i32
        %sub3A_204 = arith.subi %add3A_203, %sub3A : i32
        %mul3A_205 = arith.constant 320 : i32
        %mul3A_206 = arith.muli %sub3A_204, %mul3A_205 : i32
        %add3A_207 = arith.constant 0 : i32
        %add3A_208 = arith.addi %mul3A_206, %add3A_207 : i32
        %dma_start3A_209 = arith.constant 0 : i32
        %dma_start3A_210 = arith.constant 0 : i32
        %dma_start3A_211 = tpu.memref_slice %arg7[%dma_start3A_209, %dma_start3A_210] : memref<320x64xbf16, #tpu.memory_space<vmem>> -> memref<80x64xbf16, #tpu.memory_space<vmem>>
        %dma_start3A_212 = tpu.memref_slice %arg12[%add3A_208] : memref<10240xi32, #tpu.memory_space<vmem>> -> memref<80xi32, #tpu.memory_space<vmem>>
        %dma_start3A_213 = arith.constant 0 : i32
        %dma_start3A_214 = arith.constant 0 : i32
        %dma_start3A_215 = tpu.memref_slice %arg5[%dma_start3A_213, %dma_start3A_214] : memref<10000x64xbf16, #tpu.memory_space<hbm>> -> memref<10000x64xbf16, #tpu.memory_space<hbm>>
        tpu.enqueue_indirect_dma source(%dma_start3A_215 : memref<10000x64xbf16, #tpu.memory_space<hbm>>) target(%dma_start3A_211 : memref<80x64xbf16, #tpu.memory_space<vmem>>) offsets(%dma_start3A_212 : memref<80xi32, #tpu.memory_space<vmem>>) semaphore(%arg18 : memref<!tpu.dma_semaphore, #tpu.memory_space<semaphore_mem>>)
        %mul3A_216 = arith.constant 320 : i32
        %mul3A_217 = arith.muli %sub3A_204, %mul3A_216 : i32
        %add3A_218 = arith.constant 80 : i32
        %add3A_219 = arith.addi %mul3A_217, %add3A_218 : i32
        %dma_start3A_220 = arith.constant 80 : i32
        %dma_start3A_221 = arith.constant 0 : i32
        %dma_start3A_222 = tpu.memref_slice %arg7[%dma_start3A_220, %dma_start3A_221] : memref<320x64xbf16, #tpu.memory_space<vmem>> -> memref<80x64xbf16, #tpu.memory_space<vmem>>
        %dma_start3A_223 = tpu.memref_slice %arg12[%add3A_219] : memref<10240xi32, #tpu.memory_space<vmem>> -> memref<80xi32, #tpu.memory_space<vmem>>
        %dma_start3A_224 = arith.constant 0 : i32
        %dma_start3A_225 = arith.constant 0 : i32
        %dma_start3A_226 = tpu.memref_slice %arg5[%dma_start3A_224, %dma_start3A_225] : memref<10000x64xbf16, #tpu.memory_space<hbm>> -> memref<10000x64xbf16, #tpu.memory_space<hbm>>
        tpu.enqueue_indirect_dma source(%dma_start3A_226 : memref<10000x64xbf16, #tpu.memory_space<hbm>>) target(%dma_start3A_222 : memref<80x64xbf16, #tpu.memory_space<vmem>>) offsets(%dma_start3A_223 : memref<80xi32, #tpu.memory_space<vmem>>) semaphore(%arg18 : memref<!tpu.dma_semaphore, #tpu.memory_space<semaphore_mem>>)
        %mul3A_227 = arith.constant 320 : i32
        %mul3A_228 = arith.muli %sub3A_204, %mul3A_227 : i32
        %add3A_229 = arith.constant 160 : i32
        %add3A_230 = arith.addi %mul3A_228, %add3A_229 : i32
        %dma_start3A_231 = arith.constant 160 : i32
        %dma_start3A_232 = arith.constant 0 : i32
        %dma_start3A_233 = tpu.memref_slice %arg7[%dma_start3A_231, %dma_start3A_232] : memref<320x64xbf16, #tpu.memory_space<vmem>> -> memref<80x64xbf16, #tpu.memory_space<vmem>>
        %dma_start3A_234 = tpu.memref_slice %arg12[%add3A_230] : memref<10240xi32, #tpu.memory_space<vmem>> -> memref<80xi32, #tpu.memory_space<vmem>>
        %dma_start3A_235 = arith.constant 0 : i32
        %dma_start3A_236 = arith.constant 0 : i32
        %dma_start3A_237 = tpu.memref_slice %arg5[%dma_start3A_235, %dma_start3A_236] : memref<10000x64xbf16, #tpu.memory_space<hbm>> -> memref<10000x64xbf16, #tpu.memory_space<hbm>>
        tpu.enqueue_indirect_dma source(%dma_start3A_237 : memref<10000x64xbf16, #tpu.memory_space<hbm>>) target(%dma_start3A_233 : memref<80x64xbf16, #tpu.memory_space<vmem>>) offsets(%dma_start3A_234 : memref<80xi32, #tpu.memory_space<vmem>>) semaphore(%arg18 : memref<!tpu.dma_semaphore, #tpu.memory_space<semaphore_mem>>)
        %mul3A_238 = arith.constant 320 : i32
        %mul3A_239 = arith.muli %sub3A_204, %mul3A_238 : i32
        %add3A_240 = arith.constant 240 : i32
        %add3A_241 = arith.addi %mul3A_239, %add3A_240 : i32
        %dma_start3A_242 = arith.constant 240 : i32
        %dma_start3A_243 = arith.constant 0 : i32
        %dma_start3A_244 = tpu.memref_slice %arg7[%dma_start3A_242, %dma_start3A_243] : memref<320x64xbf16, #tpu.memory_space<vmem>> -> memref<80x64xbf16, #tpu.memory_space<vmem>>
        %dma_start3A_245 = tpu.memref_slice %arg12[%add3A_241] : memref<10240xi32, #tpu.memory_space<vmem>> -> memref<80xi32, #tpu.memory_space<vmem>>
        %dma_start3A_246 = arith.constant 0 : i32
        %dma_start3A_247 = arith.constant 0 : i32
        %dma_start3A_248 = tpu.memref_slice %arg5[%dma_start3A_246, %dma_start3A_247] : memref<10000x64xbf16, #tpu.memory_space<hbm>> -> memref<10000x64xbf16, #tpu.memory_space<hbm>>
        tpu.enqueue_indirect_dma source(%dma_start3A_248 : memref<10000x64xbf16, #tpu.memory_space<hbm>>) target(%dma_start3A_244 : memref<80x64xbf16, #tpu.memory_space<vmem>>) offsets(%dma_start3A_245 : memref<80xi32, #tpu.memory_space<vmem>>) semaphore(%arg18 : memref<!tpu.dma_semaphore, #tpu.memory_space<semaphore_mem>>)
        %mul3A_249 = arith.constant 16 : i32
        %mul3A_250 = arith.muli %sub3A_204, %mul3A_249 : i32
        %dma_start3A_251 = tpu.memref_slice %arg13[%mul3A_250] : memref<512xi32, #tpu.memory_space<vmem>> -> memref<16xi32, #tpu.memory_space<vmem>>
        %dma_start3A_252 = arith.constant 0 : i32
        %dma_start3A_253 = arith.constant 0 : i32
        %dma_start3A_254 = tpu.memref_slice %arg4[%dma_start3A_252, %dma_start3A_253] : memref<100001x64xf32, #tpu.memory_space<hbm>> -> memref<100001x64xf32, #tpu.memory_space<hbm>>
        tpu.enqueue_indirect_dma source(%dma_start3A_254 : memref<100001x64xf32, #tpu.memory_space<hbm>>) target(%arg9 : memref<16x64xf32, #tpu.memory_space<vmem>>) offsets(%dma_start3A_251 : memref<16xi32, #tpu.memory_space<vmem>>) semaphore(%arg18 : memref<!tpu.dma_semaphore, #tpu.memory_space<semaphore_mem>>)
      } else {
      }
      %mul3A_149 = arith.constant 320 : i32
      %mul3A_150 = arith.muli %add3A_143, %mul3A_149 : i32
      %add3A_151 = arith.constant 0 : i32
      %add3A_152 = arith.addi %mul3A_150, %add3A_151 : i32
      %dma_wait3A_153 = arith.constant 0 : i32
      %dma_wait3A_154 = arith.constant 0 : i32
      %dma_wait3A_155 = tpu.memref_slice %arg8[%dma_wait3A_153, %dma_wait3A_154] : memref<320x64xbf16, #tpu.memory_space<vmem>> -> memref<80x64xbf16, #tpu.memory_space<vmem>>
      %dma_wait3A_156 = tpu.memref_slice %arg12[%add3A_152] : memref<10240xi32, #tpu.memory_space<vmem>> -> memref<80xi32, #tpu.memory_space<vmem>>
      %dma_wait3A_157 = arith.constant 0 : i32
      %dma_wait3A_158 = arith.constant 0 : i32
      %dma_wait3A_159 = tpu.memref_slice %arg5[%dma_wait3A_157, %dma_wait3A_158] : memref<10000x64xbf16, #tpu.memory_space<hbm>> -> memref<10000x64xbf16, #tpu.memory_space<hbm>>
      tpu.wait_indirect_dma semaphore(%arg19 : memref<!tpu.dma_semaphore, #tpu.memory_space<semaphore_mem>>) src(%dma_wait3A_159 : memref<10000x64xbf16, #tpu.memory_space<hbm>>) dst(%dma_wait3A_155 : memref<80x64xbf16, #tpu.memory_space<vmem>>)
      %mul3A_160 = arith.constant 320 : i32
      %mul3A_161 = arith.muli %add3A_143, %mul3A_160 : i32
      %add3A_162 = arith.constant 80 : i32
      %add3A_163 = arith.addi %mul3A_161, %add3A_162 : i32
      %dma_wait3A_164 = arith.constant 80 : i32
      %dma_wait3A_165 = arith.constant 0 : i32
      %dma_wait3A_166 = tpu.memref_slice %arg8[%dma_wait3A_164, %dma_wait3A_165] : memref<320x64xbf16, #tpu.memory_space<vmem>> -> memref<80x64xbf16, #tpu.memory_space<vmem>>
      %dma_wait3A_167 = tpu.memref_slice %arg12[%add3A_163] : memref<10240xi32, #tpu.memory_space<vmem>> -> memref<80xi32, #tpu.memory_space<vmem>>
      %dma_wait3A_168 = arith.constant 0 : i32
      %dma_wait3A_169 = arith.constant 0 : i32
      %dma_wait3A_170 = tpu.memref_slice %arg5[%dma_wait3A_168, %dma_wait3A_169] : memref<10000x64xbf16, #tpu.memory_space<hbm>> -> memref<10000x64xbf16, #tpu.memory_space<hbm>>
      tpu.wait_indirect_dma semaphore(%arg19 : memref<!tpu.dma_semaphore, #tpu.memory_space<semaphore_mem>>) src(%dma_wait3A_170 : memref<10000x64xbf16, #tpu.memory_space<hbm>>) dst(%dma_wait3A_166 : memref<80x64xbf16, #tpu.memory_space<vmem>>)
      %mul3A_171 = arith.constant 320 : i32
      %mul3A_172 = arith.muli %add3A_143, %mul3A_171 : i32
      %add3A_173 = arith.constant 160 : i32
      %add3A_174 = arith.addi %mul3A_172, %add3A_173 : i32
      %dma_wait3A_175 = arith.constant 160 : i32
      %dma_wait3A_176 = arith.constant 0 : i32
      %dma_wait3A_177 = tpu.memref_slice %arg8[%dma_wait3A_175, %dma_wait3A_176] : memref<320x64xbf16, #tpu.memory_space<vmem>> -> memref<80x64xbf16, #tpu.memory_space<vmem>>
      %dma_wait3A_178 = tpu.memref_slice %arg12[%add3A_174] : memref<10240xi32, #tpu.memory_space<vmem>> -> memref<80xi32, #tpu.memory_space<vmem>>
      %dma_wait3A_179 = arith.constant 0 : i32
      %dma_wait3A_180 = arith.constant 0 : i32
      %dma_wait3A_181 = tpu.memref_slice %arg5[%dma_wait3A_179, %dma_wait3A_180] : memref<10000x64xbf16, #tpu.memory_space<hbm>> -> memref<10000x64xbf16, #tpu.memory_space<hbm>>
      tpu.wait_indirect_dma semaphore(%arg19 : memref<!tpu.dma_semaphore, #tpu.memory_space<semaphore_mem>>) src(%dma_wait3A_181 : memref<10000x64xbf16, #tpu.memory_space<hbm>>) dst(%dma_wait3A_177 : memref<80x64xbf16, #tpu.memory_space<vmem>>)
      %mul3A_182 = arith.constant 320 : i32
      %mul3A_183 = arith.muli %add3A_143, %mul3A_182 : i32
      %add3A_184 = arith.constant 240 : i32
      %add3A_185 = arith.addi %mul3A_183, %add3A_184 : i32
      %dma_wait3A_186 = arith.constant 240 : i32
      %dma_wait3A_187 = arith.constant 0 : i32
      %dma_wait3A_188 = tpu.memref_slice %arg8[%dma_wait3A_186, %dma_wait3A_187] : memref<320x64xbf16, #tpu.memory_space<vmem>> -> memref<80x64xbf16, #tpu.memory_space<vmem>>
      %dma_wait3A_189 = tpu.memref_slice %arg12[%add3A_185] : memref<10240xi32, #tpu.memory_space<vmem>> -> memref<80xi32, #tpu.memory_space<vmem>>
      %dma_wait3A_190 = arith.constant 0 : i32
      %dma_wait3A_191 = arith.constant 0 : i32
      %dma_wait3A_192 = tpu.memref_slice %arg5[%dma_wait3A_190, %dma_wait3A_191] : memref<10000x64xbf16, #tpu.memory_space<hbm>> -> memref<10000x64xbf16, #tpu.memory_space<hbm>>
      tpu.wait_indirect_dma semaphore(%arg19 : memref<!tpu.dma_semaphore, #tpu.memory_space<semaphore_mem>>) src(%dma_wait3A_192 : memref<10000x64xbf16, #tpu.memory_space<hbm>>) dst(%dma_wait3A_188 : memref<80x64xbf16, #tpu.memory_space<vmem>>)
      %mul3A_193 = arith.constant 16 : i32
      %mul3A_194 = arith.muli %add3A_143, %mul3A_193 : i32
      %dma_wait3A_195 = tpu.memref_slice %arg13[%mul3A_194] : memref<512xi32, #tpu.memory_space<vmem>> -> memref<16xi32, #tpu.memory_space<vmem>>
      %dma_wait3A_196 = arith.constant 0 : i32
      %dma_wait3A_197 = arith.constant 0 : i32
      %dma_wait3A_198 = tpu.memref_slice %arg4[%dma_wait3A_196, %dma_wait3A_197] : memref<100001x64xf32, #tpu.memory_space<hbm>> -> memref<100001x64xf32, #tpu.memory_space<hbm>>
      tpu.wait_indirect_dma semaphore(%arg19 : memref<!tpu.dma_semaphore, #tpu.memory_space<semaphore_mem>>) src(%dma_wait3A_198 : memref<100001x64xf32, #tpu.memory_space<hbm>>) dst(%arg10 : memref<16x64xf32, #tpu.memory_space<vmem>>)
      %parallel_loop3A_199 = arith.constant 0 : i32
      %parallel_loop3A_200 = arith.constant 16 : i32
      %parallel_loop3A_201 = arith.constant 1 : i32
      scf.for %parallel_loop3A_202 = %parallel_loop3A_199 to %parallel_loop3A_200 step %parallel_loop3A_201  : i32 {
        %parallel_loop3A_203 = arith.constant 16 : i32
        %parallel_loop3A_204 = arith.muli %add3A_143, %parallel_loop3A_203 : i32
        %parallel_loop3A_205 = arith.addi %parallel_loop3A_204, %parallel_loop3A_202 : i32
        %parallel_loop3A_206 = arith.constant 20 : i32
        %parallel_loop3A_207 = arith.muli %parallel_loop3A_202, %parallel_loop3A_206 : i32
        %parallel_loop3A_208 = arith.constant 128 : i32
        %parallel_loop3A_209 = arith.muli %parallel_loop3A_205, %parallel_loop3A_208 : i32
        %parallel_loop3A_210 = arith.index_cast %parallel_loop3A_202 : i32 to index
        %parallel_loop3A_211 = arith.constant 0 : index
        %parallel_loop3A_212 = tpu.vector_load %arg10[%parallel_loop3A_210, %parallel_loop3A_211] {strides = array<i32>} : memref<16x64xf32, #tpu.memory_space<vmem>>, vector<16xf32>,
        %parallel_loop3A_213 = arith.constant 0 : i32
        %parallel_loop3A_214 = arith.addi %parallel_loop3A_209, %parallel_loop3A_213 : i32
        %parallel_loop3A_215 = arith.index_cast %parallel_loop3A_214 : i32 to index
        %parallel_loop3A_216 = tpu.vector_load %arg14[%parallel_loop3A_215] {strides = array<i32>} : memref<65536xf32, #tpu.memory_space<vmem>>, vector<16xf32>,
        tpu.vector_store %arg14[%parallel_loop3A_215], %parallel_loop3A_212 {strides = array<i32>} : memref<65536xf32, #tpu.memory_space<vmem>>, vector<16xf32>,
        %parallel_loop3A_217 = arith.index_cast %parallel_loop3A_202 : i32 to index
        %parallel_loop3A_218 = arith.constant 16 : index
        %parallel_loop3A_219 = tpu.vector_load %arg10[%parallel_loop3A_217, %parallel_loop3A_218] {strides = array<i32>} : memref<16x64xf32, #tpu.memory_space<vmem>>, vector<16xf32>,
        %parallel_loop3A_220 = arith.constant 16 : i32
        %parallel_loop3A_221 = arith.addi %parallel_loop3A_209, %parallel_loop3A_220 : i32
        %parallel_loop3A_222 = arith.index_cast %parallel_loop3A_221 : i32 to index
        %parallel_loop3A_223 = tpu.vector_load %arg14[%parallel_loop3A_222] {strides = array<i32>} : memref<65536xf32, #tpu.memory_space<vmem>>, vector<16xf32>,
        tpu.vector_store %arg14[%parallel_loop3A_222], %parallel_loop3A_219 {strides = array<i32>} : memref<65536xf32, #tpu.memory_space<vmem>>, vector<16xf32>,
        %parallel_loop3A_224 = arith.index_cast %parallel_loop3A_202 : i32 to index
        %parallel_loop3A_225 = arith.constant 32 : index
        %parallel_loop3A_226 = tpu.vector_load %arg10[%parallel_loop3A_224, %parallel_loop3A_225] {strides = array<i32>} : memref<16x64xf32, #tpu.memory_space<vmem>>, vector<16xf32>,
        %parallel_loop3A_227 = arith.constant 32 : i32
        %parallel_loop3A_228 = arith.addi %parallel_loop3A_209, %parallel_loop3A_227 : i32
        %parallel_loop3A_229 = arith.index_cast %parallel_loop3A_228 : i32 to index
        %parallel_loop3A_230 = tpu.vector_load %arg14[%parallel_loop3A_229] {strides = array<i32>} : memref<65536xf32, #tpu.memory_space<vmem>>, vector<16xf32>,
        tpu.vector_store %arg14[%parallel_loop3A_229], %parallel_loop3A_226 {strides = array<i32>} : memref<65536xf32, #tpu.memory_space<vmem>>, vector<16xf32>,
        %parallel_loop3A_231 = arith.index_cast %parallel_loop3A_202 : i32 to index
        %parallel_loop3A_232 = arith.constant 48 : index
        %parallel_loop3A_233 = tpu.vector_load %arg10[%parallel_loop3A_231, %parallel_loop3A_232] {strides = array<i32>} : memref<16x64xf32, #tpu.memory_space<vmem>>, vector<16xf32>,
        %parallel_loop3A_234 = arith.constant 48 : i32
        %parallel_loop3A_235 = arith.addi %parallel_loop3A_209, %parallel_loop3A_234 : i32
        %parallel_loop3A_236 = arith.index_cast %parallel_loop3A_235 : i32 to index
        %parallel_loop3A_237 = tpu.vector_load %arg14[%parallel_loop3A_236] {strides = array<i32>} : memref<65536xf32, #tpu.memory_space<vmem>>, vector<16xf32>,
        tpu.vector_store %arg14[%parallel_loop3A_236], %parallel_loop3A_233 {strides = array<i32>} : memref<65536xf32, #tpu.memory_space<vmem>>, vector<16xf32>,
        %parallel_loop3A_238 = vector.broadcast %parallel_loop3A_205 : i32 to vector<16xi32>
        %parallel_loop3A_239 = tpu.vector_load_idx %arg15[%parallel_loop3A_238] : memref<512xf32, #tpu.memory_space<vmem>>[vector<16xi32>], vector<16xf32>,
        %parallel_loop3A_240 = tpu.vector_load_idx %arg16[%parallel_loop3A_238] : memref<512xf32, #tpu.memory_space<vmem>>[vector<16xi32>], vector<16xf32>,
        %parallel_loop3A_241 = arith.constant 0.000000e+00 : f32
        %parallel_loop3A_242 = vector.broadcast %parallel_loop3A_241 : f32 to vector<16xf32>
        %parallel_loop3A_243 = arith.constant 0.000000e+00 : f32
        %parallel_loop3A_244 = vector.broadcast %parallel_loop3A_243 : f32 to vector<16xf32>
        %parallel_loop3A_245 = arith.constant 0 : i32
        %parallel_loop3A_246 = arith.addi %parallel_loop3A_207, %parallel_loop3A_245 : i32
        %parallel_loop3A_247 = arith.index_cast %parallel_loop3A_246 : i32 to index
        %parallel_loop3A_248 = arith.constant 0 : index
        %parallel_loop3A_249 = tpu.vector_load %arg8[%parallel_loop3A_247, %parallel_loop3A_248] {strides = array<i32>} : memref<320x64xbf16, #tpu.memory_space<vmem>>, vector<32xbf16>,
        %parallel_loop3A_250 = vector.bitcast %parallel_loop3A_249 : vector<32xbf16> to vector<16xi32>
        %parallel_loop3A_251 = arith.constant 16 : i32
        %parallel_loop3A_252 = vector.broadcast %parallel_loop3A_251 : i32 to vector<16xi32>
        %parallel_loop3A_253 = arith.shli %parallel_loop3A_250, %parallel_loop3A_252 : vector<16xi32>
        %parallel_loop3A_254 = vector.bitcast %parallel_loop3A_253 : vector<16xi32> to vector<16xf32>
        %parallel_loop3A_255 = arith.constant -65536 : i32
        %parallel_loop3A_256 = vector.broadcast %parallel_loop3A_255 : i32 to vector<16xi32>
        %parallel_loop3A_257 = arith.andi %parallel_loop3A_250, %parallel_loop3A_256 : vector<16xi32>
        %parallel_loop3A_258 = vector.bitcast %parallel_loop3A_257 : vector<16xi32> to vector<16xf32>
        %parallel_loop3A_259 = arith.addf %parallel_loop3A_242, %parallel_loop3A_254 : vector<16xf32>
        %parallel_loop3A_260 = arith.addf %parallel_loop3A_244, %parallel_loop3A_258 : vector<16xf32>
        %parallel_loop3A_261 = arith.constant 1 : i32
        %parallel_loop3A_262 = arith.addi %parallel_loop3A_207, %parallel_loop3A_261 : i32
        %parallel_loop3A_263 = arith.index_cast %parallel_loop3A_262 : i32 to index
        %parallel_loop3A_264 = arith.constant 0 : index
        %parallel_loop3A_265 = tpu.vector_load %arg8[%parallel_loop3A_263, %parallel_loop3A_264] {strides = array<i32>} : memref<320x64xbf16, #tpu.memory_space<vmem>>, vector<32xbf16>,
        %parallel_loop3A_266 = vector.bitcast %parallel_loop3A_265 : vector<32xbf16> to vector<16xi32>
        %parallel_loop3A_267 = arith.constant 16 : i32
        %parallel_loop3A_268 = vector.broadcast %parallel_loop3A_267 : i32 to vector<16xi32>
        %parallel_loop3A_269 = arith.shli %parallel_loop3A_266, %parallel_loop3A_268 : vector<16xi32>
        %parallel_loop3A_270 = vector.bitcast %parallel_loop3A_269 : vector<16xi32> to vector<16xf32>
        %parallel_loop3A_271 = arith.constant -65536 : i32
        %parallel_loop3A_272 = vector.broadcast %parallel_loop3A_271 : i32 to vector<16xi32>
        %parallel_loop3A_273 = arith.andi %parallel_loop3A_266, %parallel_loop3A_272 : vector<16xi32>
        %parallel_loop3A_274 = vector.bitcast %parallel_loop3A_273 : vector<16xi32> to vector<16xf32>
        %parallel_loop3A_275 = arith.addf %parallel_loop3A_259, %parallel_loop3A_270 : vector<16xf32>
        %parallel_loop3A_276 = arith.addf %parallel_loop3A_260, %parallel_loop3A_274 : vector<16xf32>
        %parallel_loop3A_277 = arith.constant 2 : i32
        %parallel_loop3A_278 = arith.addi %parallel_loop3A_207, %parallel_loop3A_277 : i32
        %parallel_loop3A_279 = arith.index_cast %parallel_loop3A_278 : i32 to index
        %parallel_loop3A_280 = arith.constant 0 : index
        %parallel_loop3A_281 = tpu.vector_load %arg8[%parallel_loop3A_279, %parallel_loop3A_280] {strides = array<i32>} : memref<320x64xbf16, #tpu.memory_space<vmem>>, vector<32xbf16>,
        %parallel_loop3A_282 = vector.bitcast %parallel_loop3A_281 : vector<32xbf16> to vector<16xi32>
        %parallel_loop3A_283 = arith.constant 16 : i32
        %parallel_loop3A_284 = vector.broadcast %parallel_loop3A_283 : i32 to vector<16xi32>
        %parallel_loop3A_285 = arith.shli %parallel_loop3A_282, %parallel_loop3A_284 : vector<16xi32>
        %parallel_loop3A_286 = vector.bitcast %parallel_loop3A_285 : vector<16xi32> to vector<16xf32>
        %parallel_loop3A_287 = arith.constant -65536 : i32
        %parallel_loop3A_288 = vector.broadcast %parallel_loop3A_287 : i32 to vector<16xi32>
        %parallel_loop3A_289 = arith.andi %parallel_loop3A_282, %parallel_loop3A_288 : vector<16xi32>
        %parallel_loop3A_290 = vector.bitcast %parallel_loop3A_289 : vector<16xi32> to vector<16xf32>
        %parallel_loop3A_291 = arith.addf %parallel_loop3A_275, %parallel_loop3A_286 : vector<16xf32>
        %parallel_loop3A_292 = arith.addf %parallel_loop3A_276, %parallel_loop3A_290 : vector<16xf32>
        %parallel_loop3A_293 = arith.constant 3 : i32
        %parallel_loop3A_294 = arith.addi %parallel_loop3A_207, %parallel_loop3A_293 : i32
        %parallel_loop3A_295 = arith.index_cast %parallel_loop3A_294 : i32 to index
        %parallel_loop3A_296 = arith.constant 0 : index
        %parallel_loop3A_297 = tpu.vector_load %arg8[%parallel_loop3A_295, %parallel_loop3A_296] {strides = array<i32>} : memref<320x64xbf16, #tpu.memory_space<vmem>>, vector<32xbf16>,
        %parallel_loop3A_298 = vector.bitcast %parallel_loop3A_297 : vector<32xbf16> to vector<16xi32>
        %parallel_loop3A_299 = arith.constant 16 : i32
        %parallel_loop3A_300 = vector.broadcast %parallel_loop3A_299 : i32 to vector<16xi32>
        %parallel_loop3A_301 = arith.shli %parallel_loop3A_298, %parallel_loop3A_300 : vector<16xi32>
        %parallel_loop3A_302 = vector.bitcast %parallel_loop3A_301 : vector<16xi32> to vector<16xf32>
        %parallel_loop3A_303 = arith.constant -65536 : i32
        %parallel_loop3A_304 = vector.broadcast %parallel_loop3A_303 : i32 to vector<16xi32>
        %parallel_loop3A_305 = arith.andi %parallel_loop3A_298, %parallel_loop3A_304 : vector<16xi32>
        %parallel_loop3A_306 = vector.bitcast %parallel_loop3A_305 : vector<16xi32> to vector<16xf32>
        %parallel_loop3A_307 = arith.addf %parallel_loop3A_291, %parallel_loop3A_302 : vector<16xf32>
        %parallel_loop3A_308 = arith.addf %parallel_loop3A_292, %parallel_loop3A_306 : vector<16xf32>
        %parallel_loop3A_309 = arith.constant 4 : i32
        %parallel_loop3A_310 = arith.addi %parallel_loop3A_207, %parallel_loop3A_309 : i32
        %parallel_loop3A_311 = arith.index_cast %parallel_loop3A_310 : i32 to index
        %parallel_loop3A_312 = arith.constant 0 : index
        %parallel_loop3A_313 = tpu.vector_load %arg8[%parallel_loop3A_311, %parallel_loop3A_312] {strides = array<i32>} : memref<320x64xbf16, #tpu.memory_space<vmem>>, vector<32xbf16>,
        %parallel_loop3A_314 = vector.bitcast %parallel_loop3A_313 : vector<32xbf16> to vector<16xi32>
        %parallel_loop3A_315 = arith.constant 16 : i32
        %parallel_loop3A_316 = vector.broadcast %parallel_loop3A_315 : i32 to vector<16xi32>
        %parallel_loop3A_317 = arith.shli %parallel_loop3A_314, %parallel_loop3A_316 : vector<16xi32>
        %parallel_loop3A_318 = vector.bitcast %parallel_loop3A_317 : vector<16xi32> to vector<16xf32>
        %parallel_loop3A_319 = arith.constant -65536 : i32
        %parallel_loop3A_320 = vector.broadcast %parallel_loop3A_319 : i32 to vector<16xi32>
        %parallel_loop3A_321 = arith.andi %parallel_loop3A_314, %parallel_loop3A_320 : vector<16xi32>
        %parallel_loop3A_322 = vector.bitcast %parallel_loop3A_321 : vector<16xi32> to vector<16xf32>
        %parallel_loop3A_323 = arith.addf %parallel_loop3A_307, %parallel_loop3A_318 : vector<16xf32>
        %parallel_loop3A_324 = arith.addf %parallel_loop3A_308, %parallel_loop3A_322 : vector<16xf32>
        %parallel_loop3A_325 = arith.constant 5 : i32
        %parallel_loop3A_326 = arith.addi %parallel_loop3A_207, %parallel_loop3A_325 : i32
        %parallel_loop3A_327 = arith.index_cast %parallel_loop3A_326 : i32 to index
        %parallel_loop3A_328 = arith.constant 0 : index
        %parallel_loop3A_329 = tpu.vector_load %arg8[%parallel_loop3A_327, %parallel_loop3A_328] {strides = array<i32>} : memref<320x64xbf16, #tpu.memory_space<vmem>>, vector<32xbf16>,
        %parallel_loop3A_330 = vector.bitcast %parallel_loop3A_329 : vector<32xbf16> to vector<16xi32>
        %parallel_loop3A_331 = arith.constant 16 : i32
        %parallel_loop3A_332 = vector.broadcast %parallel_loop3A_331 : i32 to vector<16xi32>
        %parallel_loop3A_333 = arith.shli %parallel_loop3A_330, %parallel_loop3A_332 : vector<16xi32>
        %parallel_loop3A_334 = vector.bitcast %parallel_loop3A_333 : vector<16xi32> to vector<16xf32>
        %parallel_loop3A_335 = arith.constant -65536 : i32
        %parallel_loop3A_336 = vector.broadcast %parallel_loop3A_335 : i32 to vector<16xi32>
        %parallel_loop3A_337 = arith.andi %parallel_loop3A_330, %parallel_loop3A_336 : vector<16xi32>
        %parallel_loop3A_338 = vector.bitcast %parallel_loop3A_337 : vector<16xi32> to vector<16xf32>
        %parallel_loop3A_339 = arith.addf %parallel_loop3A_323, %parallel_loop3A_334 : vector<16xf32>
        %parallel_loop3A_340 = arith.addf %parallel_loop3A_324, %parallel_loop3A_338 : vector<16xf32>
        %parallel_loop3A_341 = arith.constant 6 : i32
        %parallel_loop3A_342 = arith.addi %parallel_loop3A_207, %parallel_loop3A_341 : i32
        %parallel_loop3A_343 = arith.index_cast %parallel_loop3A_342 : i32 to index
        %parallel_loop3A_344 = arith.constant 0 : index
        %parallel_loop3A_345 = tpu.vector_load %arg8[%parallel_loop3A_343, %parallel_loop3A_344] {strides = array<i32>} : memref<320x64xbf16, #tpu.memory_space<vmem>>, vector<32xbf16>,
        %parallel_loop3A_346 = vector.bitcast %parallel_loop3A_345 : vector<32xbf16> to vector<16xi32>
        %parallel_loop3A_347 = arith.constant 16 : i32
        %parallel_loop3A_348 = vector.broadcast %parallel_loop3A_347 : i32 to vector<16xi32>
        %parallel_loop3A_349 = arith.shli %parallel_loop3A_346, %parallel_loop3A_348 : vector<16xi32>
        %parallel_loop3A_350 = vector.bitcast %parallel_loop3A_349 : vector<16xi32> to vector<16xf32>
        %parallel_loop3A_351 = arith.constant -65536 : i32
        %parallel_loop3A_352 = vector.broadcast %parallel_loop3A_351 : i32 to vector<16xi32>
        %parallel_loop3A_353 = arith.andi %parallel_loop3A_346, %parallel_loop3A_352 : vector<16xi32>
        %parallel_loop3A_354 = vector.bitcast %parallel_loop3A_353 : vector<16xi32> to vector<16xf32>
        %parallel_loop3A_355 = arith.addf %parallel_loop3A_339, %parallel_loop3A_350 : vector<16xf32>
        %parallel_loop3A_356 = arith.addf %parallel_loop3A_340, %parallel_loop3A_354 : vector<16xf32>
        %parallel_loop3A_357 = arith.constant 7 : i32
        %parallel_loop3A_358 = arith.addi %parallel_loop3A_207, %parallel_loop3A_357 : i32
        %parallel_loop3A_359 = arith.index_cast %parallel_loop3A_358 : i32 to index
        %parallel_loop3A_360 = arith.constant 0 : index
        %parallel_loop3A_361 = tpu.vector_load %arg8[%parallel_loop3A_359, %parallel_loop3A_360] {strides = array<i32>} : memref<320x64xbf16, #tpu.memory_space<vmem>>, vector<32xbf16>,
        %parallel_loop3A_362 = vector.bitcast %parallel_loop3A_361 : vector<32xbf16> to vector<16xi32>
        %parallel_loop3A_363 = arith.constant 16 : i32
        %parallel_loop3A_364 = vector.broadcast %parallel_loop3A_363 : i32 to vector<16xi32>
        %parallel_loop3A_365 = arith.shli %parallel_loop3A_362, %parallel_loop3A_364 : vector<16xi32>
        %parallel_loop3A_366 = vector.bitcast %parallel_loop3A_365 : vector<16xi32> to vector<16xf32>
        %parallel_loop3A_367 = arith.constant -65536 : i32
        %parallel_loop3A_368 = vector.broadcast %parallel_loop3A_367 : i32 to vector<16xi32>
        %parallel_loop3A_369 = arith.andi %parallel_loop3A_362, %parallel_loop3A_368 : vector<16xi32>
        %parallel_loop3A_370 = vector.bitcast %parallel_loop3A_369 : vector<16xi32> to vector<16xf32>
        %parallel_loop3A_371 = arith.addf %parallel_loop3A_355, %parallel_loop3A_366 : vector<16xf32>
        %parallel_loop3A_372 = arith.addf %parallel_loop3A_356, %parallel_loop3A_370 : vector<16xf32>
        %parallel_loop3A_373 = arith.constant 8 : i32
        %parallel_loop3A_374 = arith.addi %parallel_loop3A_207, %parallel_loop3A_373 : i32
        %parallel_loop3A_375 = arith.index_cast %parallel_loop3A_374 : i32 to index
        %parallel_loop3A_376 = arith.constant 0 : index
        %parallel_loop3A_377 = tpu.vector_load %arg8[%parallel_loop3A_375, %parallel_loop3A_376] {strides = array<i32>} : memref<320x64xbf16, #tpu.memory_space<vmem>>, vector<32xbf16>,
        %parallel_loop3A_378 = vector.bitcast %parallel_loop3A_377 : vector<32xbf16> to vector<16xi32>
        %parallel_loop3A_379 = arith.constant 16 : i32
        %parallel_loop3A_380 = vector.broadcast %parallel_loop3A_379 : i32 to vector<16xi32>
        %parallel_loop3A_381 = arith.shli %parallel_loop3A_378, %parallel_loop3A_380 : vector<16xi32>
        %parallel_loop3A_382 = vector.bitcast %parallel_loop3A_381 : vector<16xi32> to vector<16xf32>
        %parallel_loop3A_383 = arith.constant -65536 : i32
        %parallel_loop3A_384 = vector.broadcast %parallel_loop3A_383 : i32 to vector<16xi32>
        %parallel_loop3A_385 = arith.andi %parallel_loop3A_378, %parallel_loop3A_384 : vector<16xi32>
        %parallel_loop3A_386 = vector.bitcast %parallel_loop3A_385 : vector<16xi32> to vector<16xf32>
        %parallel_loop3A_387 = arith.addf %parallel_loop3A_371, %parallel_loop3A_382 : vector<16xf32>
        %parallel_loop3A_388 = arith.addf %parallel_loop3A_372, %parallel_loop3A_386 : vector<16xf32>
        %parallel_loop3A_389 = arith.constant 9 : i32
        %parallel_loop3A_390 = arith.addi %parallel_loop3A_207, %parallel_loop3A_389 : i32
        %parallel_loop3A_391 = arith.index_cast %parallel_loop3A_390 : i32 to index
        %parallel_loop3A_392 = arith.constant 0 : index
        %parallel_loop3A_393 = tpu.vector_load %arg8[%parallel_loop3A_391, %parallel_loop3A_392] {strides = array<i32>} : memref<320x64xbf16, #tpu.memory_space<vmem>>, vector<32xbf16>,
        %parallel_loop3A_394 = vector.bitcast %parallel_loop3A_393 : vector<32xbf16> to vector<16xi32>
        %parallel_loop3A_395 = arith.constant 16 : i32
        %parallel_loop3A_396 = vector.broadcast %parallel_loop3A_395 : i32 to vector<16xi32>
        %parallel_loop3A_397 = arith.shli %parallel_loop3A_394, %parallel_loop3A_396 : vector<16xi32>
        %parallel_loop3A_398 = vector.bitcast %parallel_loop3A_397 : vector<16xi32> to vector<16xf32>
        %parallel_loop3A_399 = arith.constant -65536 : i32
        %parallel_loop3A_400 = vector.broadcast %parallel_loop3A_399 : i32 to vector<16xi32>
        %parallel_loop3A_401 = arith.andi %parallel_loop3A_394, %parallel_loop3A_400 : vector<16xi32>
        %parallel_loop3A_402 = vector.bitcast %parallel_loop3A_401 : vector<16xi32> to vector<16xf32>
        %parallel_loop3A_403 = arith.addf %parallel_loop3A_387, %parallel_loop3A_398 : vector<16xf32>
        %parallel_loop3A_404 = arith.addf %parallel_loop3A_388, %parallel_loop3A_402 : vector<16xf32>
        %parallel_loop3A_405 = arith.constant 10 : i32
        %parallel_loop3A_406 = arith.addi %parallel_loop3A_207, %parallel_loop3A_405 : i32
        %parallel_loop3A_407 = arith.index_cast %parallel_loop3A_406 : i32 to index
        %parallel_loop3A_408 = arith.constant 0 : index
        %parallel_loop3A_409 = tpu.vector_load %arg8[%parallel_loop3A_407, %parallel_loop3A_408] {strides = array<i32>} : memref<320x64xbf16, #tpu.memory_space<vmem>>, vector<32xbf16>,
        %parallel_loop3A_410 = vector.bitcast %parallel_loop3A_409 : vector<32xbf16> to vector<16xi32>
        %parallel_loop3A_411 = arith.constant 16 : i32
        %parallel_loop3A_412 = vector.broadcast %parallel_loop3A_411 : i32 to vector<16xi32>
        %parallel_loop3A_413 = arith.shli %parallel_loop3A_410, %parallel_loop3A_412 : vector<16xi32>
        %parallel_loop3A_414 = vector.bitcast %parallel_loop3A_413 : vector<16xi32> to vector<16xf32>
        %parallel_loop3A_415 = arith.constant -65536 : i32
        %parallel_loop3A_416 = vector.broadcast %parallel_loop3A_415 : i32 to vector<16xi32>
        %parallel_loop3A_417 = arith.andi %parallel_loop3A_410, %parallel_loop3A_416 : vector<16xi32>
        %parallel_loop3A_418 = vector.bitcast %parallel_loop3A_417 : vector<16xi32> to vector<16xf32>
        %parallel_loop3A_419 = arith.addf %parallel_loop3A_403, %parallel_loop3A_414 : vector<16xf32>
        %parallel_loop3A_420 = arith.addf %parallel_loop3A_404, %parallel_loop3A_418 : vector<16xf32>
        %parallel_loop3A_421 = arith.constant 11 : i32
        %parallel_loop3A_422 = arith.addi %parallel_loop3A_207, %parallel_loop3A_421 : i32
        %parallel_loop3A_423 = arith.index_cast %parallel_loop3A_422 : i32 to index
        %parallel_loop3A_424 = arith.constant 0 : index
        %parallel_loop3A_425 = tpu.vector_load %arg8[%parallel_loop3A_423, %parallel_loop3A_424] {strides = array<i32>} : memref<320x64xbf16, #tpu.memory_space<vmem>>, vector<32xbf16>,
        %parallel_loop3A_426 = vector.bitcast %parallel_loop3A_425 : vector<32xbf16> to vector<16xi32>
        %parallel_loop3A_427 = arith.constant 16 : i32
        %parallel_loop3A_428 = vector.broadcast %parallel_loop3A_427 : i32 to vector<16xi32>
        %parallel_loop3A_429 = arith.shli %parallel_loop3A_426, %parallel_loop3A_428 : vector<16xi32>
        %parallel_loop3A_430 = vector.bitcast %parallel_loop3A_429 : vector<16xi32> to vector<16xf32>
        %parallel_loop3A_431 = arith.constant -65536 : i32
        %parallel_loop3A_432 = vector.broadcast %parallel_loop3A_431 : i32 to vector<16xi32>
        %parallel_loop3A_433 = arith.andi %parallel_loop3A_426, %parallel_loop3A_432 : vector<16xi32>
        %parallel_loop3A_434 = vector.bitcast %parallel_loop3A_433 : vector<16xi32> to vector<16xf32>
        %parallel_loop3A_435 = arith.addf %parallel_loop3A_419, %parallel_loop3A_430 : vector<16xf32>
        %parallel_loop3A_436 = arith.addf %parallel_loop3A_420, %parallel_loop3A_434 : vector<16xf32>
        %parallel_loop3A_437 = arith.constant 12 : i32
        %parallel_loop3A_438 = arith.addi %parallel_loop3A_207, %parallel_loop3A_437 : i32
        %parallel_loop3A_439 = arith.index_cast %parallel_loop3A_438 : i32 to index
        %parallel_loop3A_440 = arith.constant 0 : index
        %parallel_loop3A_441 = tpu.vector_load %arg8[%parallel_loop3A_439, %parallel_loop3A_440] {strides = array<i32>} : memref<320x64xbf16, #tpu.memory_space<vmem>>, vector<32xbf16>,
        %parallel_loop3A_442 = vector.bitcast %parallel_loop3A_441 : vector<32xbf16> to vector<16xi32>
        %parallel_loop3A_443 = arith.constant 16 : i32
        %parallel_loop3A_444 = vector.broadcast %parallel_loop3A_443 : i32 to vector<16xi32>
        %parallel_loop3A_445 = arith.shli %parallel_loop3A_442, %parallel_loop3A_444 : vector<16xi32>
        %parallel_loop3A_446 = vector.bitcast %parallel_loop3A_445 : vector<16xi32> to vector<16xf32>
        %parallel_loop3A_447 = arith.constant -65536 : i32
        %parallel_loop3A_448 = vector.broadcast %parallel_loop3A_447 : i32 to vector<16xi32>
        %parallel_loop3A_449 = arith.andi %parallel_loop3A_442, %parallel_loop3A_448 : vector<16xi32>
        %parallel_loop3A_450 = vector.bitcast %parallel_loop3A_449 : vector<16xi32> to vector<16xf32>
        %parallel_loop3A_451 = arith.addf %parallel_loop3A_435, %parallel_loop3A_446 : vector<16xf32>
        %parallel_loop3A_452 = arith.addf %parallel_loop3A_436, %parallel_loop3A_450 : vector<16xf32>
        %parallel_loop3A_453 = arith.constant 13 : i32
        %parallel_loop3A_454 = arith.addi %parallel_loop3A_207, %parallel_loop3A_453 : i32
        %parallel_loop3A_455 = arith.index_cast %parallel_loop3A_454 : i32 to index
        %parallel_loop3A_456 = arith.constant 0 : index
        %parallel_loop3A_457 = tpu.vector_load %arg8[%parallel_loop3A_455, %parallel_loop3A_456] {strides = array<i32>} : memref<320x64xbf16, #tpu.memory_space<vmem>>, vector<32xbf16>,
        %parallel_loop3A_458 = vector.bitcast %parallel_loop3A_457 : vector<32xbf16> to vector<16xi32>
        %parallel_loop3A_459 = arith.constant 16 : i32
        %parallel_loop3A_460 = vector.broadcast %parallel_loop3A_459 : i32 to vector<16xi32>
        %parallel_loop3A_461 = arith.shli %parallel_loop3A_458, %parallel_loop3A_460 : vector<16xi32>
        %parallel_loop3A_462 = vector.bitcast %parallel_loop3A_461 : vector<16xi32> to vector<16xf32>
        %parallel_loop3A_463 = arith.constant -65536 : i32
        %parallel_loop3A_464 = vector.broadcast %parallel_loop3A_463 : i32 to vector<16xi32>
        %parallel_loop3A_465 = arith.andi %parallel_loop3A_458, %parallel_loop3A_464 : vector<16xi32>
        %parallel_loop3A_466 = vector.bitcast %parallel_loop3A_465 : vector<16xi32> to vector<16xf32>
        %parallel_loop3A_467 = arith.addf %parallel_loop3A_451, %parallel_loop3A_462 : vector<16xf32>
        %parallel_loop3A_468 = arith.addf %parallel_loop3A_452, %parallel_loop3A_466 : vector<16xf32>
        %parallel_loop3A_469 = arith.constant 14 : i32
        %parallel_loop3A_470 = arith.addi %parallel_loop3A_207, %parallel_loop3A_469 : i32
        %parallel_loop3A_471 = arith.index_cast %parallel_loop3A_470 : i32 to index
        %parallel_loop3A_472 = arith.constant 0 : index
        %parallel_loop3A_473 = tpu.vector_load %arg8[%parallel_loop3A_471, %parallel_loop3A_472] {strides = array<i32>} : memref<320x64xbf16, #tpu.memory_space<vmem>>, vector<32xbf16>,
        %parallel_loop3A_474 = vector.bitcast %parallel_loop3A_473 : vector<32xbf16> to vector<16xi32>
        %parallel_loop3A_475 = arith.constant 16 : i32
        %parallel_loop3A_476 = vector.broadcast %parallel_loop3A_475 : i32 to vector<16xi32>
        %parallel_loop3A_477 = arith.shli %parallel_loop3A_474, %parallel_loop3A_476 : vector<16xi32>
        %parallel_loop3A_478 = vector.bitcast %parallel_loop3A_477 : vector<16xi32> to vector<16xf32>
        %parallel_loop3A_479 = arith.constant -65536 : i32
        %parallel_loop3A_480 = vector.broadcast %parallel_loop3A_479 : i32 to vector<16xi32>
        %parallel_loop3A_481 = arith.andi %parallel_loop3A_474, %parallel_loop3A_480 : vector<16xi32>
        %parallel_loop3A_482 = vector.bitcast %parallel_loop3A_481 : vector<16xi32> to vector<16xf32>
        %parallel_loop3A_483 = arith.addf %parallel_loop3A_467, %parallel_loop3A_478 : vector<16xf32>
        %parallel_loop3A_484 = arith.addf %parallel_loop3A_468, %parallel_loop3A_482 : vector<16xf32>
        %parallel_loop3A_485 = arith.constant 15 : i32
        %parallel_loop3A_486 = arith.addi %parallel_loop3A_207, %parallel_loop3A_485 : i32
        %parallel_loop3A_487 = arith.index_cast %parallel_loop3A_486 : i32 to index
        %parallel_loop3A_488 = arith.constant 0 : index
        %parallel_loop3A_489 = tpu.vector_load %arg8[%parallel_loop3A_487, %parallel_loop3A_488] {strides = array<i32>} : memref<320x64xbf16, #tpu.memory_space<vmem>>, vector<32xbf16>,
        %parallel_loop3A_490 = vector.bitcast %parallel_loop3A_489 : vector<32xbf16> to vector<16xi32>
        %parallel_loop3A_491 = arith.constant 16 : i32
        %parallel_loop3A_492 = vector.broadcast %parallel_loop3A_491 : i32 to vector<16xi32>
        %parallel_loop3A_493 = arith.shli %parallel_loop3A_490, %parallel_loop3A_492 : vector<16xi32>
        %parallel_loop3A_494 = vector.bitcast %parallel_loop3A_493 : vector<16xi32> to vector<16xf32>
        %parallel_loop3A_495 = arith.constant -65536 : i32
        %parallel_loop3A_496 = vector.broadcast %parallel_loop3A_495 : i32 to vector<16xi32>
        %parallel_loop3A_497 = arith.andi %parallel_loop3A_490, %parallel_loop3A_496 : vector<16xi32>
        %parallel_loop3A_498 = vector.bitcast %parallel_loop3A_497 : vector<16xi32> to vector<16xf32>
        %parallel_loop3A_499 = arith.addf %parallel_loop3A_483, %parallel_loop3A_494 : vector<16xf32>
        %parallel_loop3A_500 = arith.addf %parallel_loop3A_484, %parallel_loop3A_498 : vector<16xf32>
        %parallel_loop3A_501 = arith.constant 16 : i32
        %parallel_loop3A_502 = arith.addi %parallel_loop3A_207, %parallel_loop3A_501 : i32
        %parallel_loop3A_503 = arith.index_cast %parallel_loop3A_502 : i32 to index
        %parallel_loop3A_504 = arith.constant 0 : index
        %parallel_loop3A_505 = tpu.vector_load %arg8[%parallel_loop3A_503, %parallel_loop3A_504] {strides = array<i32>} : memref<320x64xbf16, #tpu.memory_space<vmem>>, vector<32xbf16>,
        %parallel_loop3A_506 = vector.bitcast %parallel_loop3A_505 : vector<32xbf16> to vector<16xi32>
        %parallel_loop3A_507 = arith.constant 16 : i32
        %parallel_loop3A_508 = vector.broadcast %parallel_loop3A_507 : i32 to vector<16xi32>
        %parallel_loop3A_509 = arith.shli %parallel_loop3A_506, %parallel_loop3A_508 : vector<16xi32>
        %parallel_loop3A_510 = vector.bitcast %parallel_loop3A_509 : vector<16xi32> to vector<16xf32>
        %parallel_loop3A_511 = arith.constant -65536 : i32
        %parallel_loop3A_512 = vector.broadcast %parallel_loop3A_511 : i32 to vector<16xi32>
        %parallel_loop3A_513 = arith.andi %parallel_loop3A_506, %parallel_loop3A_512 : vector<16xi32>
        %parallel_loop3A_514 = vector.bitcast %parallel_loop3A_513 : vector<16xi32> to vector<16xf32>
        %parallel_loop3A_515 = arith.addf %parallel_loop3A_499, %parallel_loop3A_510 : vector<16xf32>
        %parallel_loop3A_516 = arith.addf %parallel_loop3A_500, %parallel_loop3A_514 : vector<16xf32>
        %parallel_loop3A_517 = arith.constant 17 : i32
        %parallel_loop3A_518 = arith.addi %parallel_loop3A_207, %parallel_loop3A_517 : i32
        %parallel_loop3A_519 = arith.index_cast %parallel_loop3A_518 : i32 to index
        %parallel_loop3A_520 = arith.constant 0 : index
        %parallel_loop3A_521 = tpu.vector_load %arg8[%parallel_loop3A_519, %parallel_loop3A_520] {strides = array<i32>} : memref<320x64xbf16, #tpu.memory_space<vmem>>, vector<32xbf16>,
        %parallel_loop3A_522 = vector.bitcast %parallel_loop3A_521 : vector<32xbf16> to vector<16xi32>
        %parallel_loop3A_523 = arith.constant 16 : i32
        %parallel_loop3A_524 = vector.broadcast %parallel_loop3A_523 : i32 to vector<16xi32>
        %parallel_loop3A_525 = arith.shli %parallel_loop3A_522, %parallel_loop3A_524 : vector<16xi32>
        %parallel_loop3A_526 = vector.bitcast %parallel_loop3A_525 : vector<16xi32> to vector<16xf32>
        %parallel_loop3A_527 = arith.constant -65536 : i32
        %parallel_loop3A_528 = vector.broadcast %parallel_loop3A_527 : i32 to vector<16xi32>
        %parallel_loop3A_529 = arith.andi %parallel_loop3A_522, %parallel_loop3A_528 : vector<16xi32>
        %parallel_loop3A_530 = vector.bitcast %parallel_loop3A_529 : vector<16xi32> to vector<16xf32>
        %parallel_loop3A_531 = arith.addf %parallel_loop3A_515, %parallel_loop3A_526 : vector<16xf32>
        %parallel_loop3A_532 = arith.addf %parallel_loop3A_516, %parallel_loop3A_530 : vector<16xf32>
        %parallel_loop3A_533 = arith.constant 18 : i32
        %parallel_loop3A_534 = arith.addi %parallel_loop3A_207, %parallel_loop3A_533 : i32
        %parallel_loop3A_535 = arith.index_cast %parallel_loop3A_534 : i32 to index
        %parallel_loop3A_536 = arith.constant 0 : index
        %parallel_loop3A_537 = tpu.vector_load %arg8[%parallel_loop3A_535, %parallel_loop3A_536] {strides = array<i32>} : memref<320x64xbf16, #tpu.memory_space<vmem>>, vector<32xbf16>,
        %parallel_loop3A_538 = vector.bitcast %parallel_loop3A_537 : vector<32xbf16> to vector<16xi32>
        %parallel_loop3A_539 = arith.constant 16 : i32
        %parallel_loop3A_540 = vector.broadcast %parallel_loop3A_539 : i32 to vector<16xi32>
        %parallel_loop3A_541 = arith.shli %parallel_loop3A_538, %parallel_loop3A_540 : vector<16xi32>
        %parallel_loop3A_542 = vector.bitcast %parallel_loop3A_541 : vector<16xi32> to vector<16xf32>
        %parallel_loop3A_543 = arith.constant -65536 : i32
        %parallel_loop3A_544 = vector.broadcast %parallel_loop3A_543 : i32 to vector<16xi32>
        %parallel_loop3A_545 = arith.andi %parallel_loop3A_538, %parallel_loop3A_544 : vector<16xi32>
        %parallel_loop3A_546 = vector.bitcast %parallel_loop3A_545 : vector<16xi32> to vector<16xf32>
        %parallel_loop3A_547 = arith.addf %parallel_loop3A_531, %parallel_loop3A_542 : vector<16xf32>
        %parallel_loop3A_548 = arith.addf %parallel_loop3A_532, %parallel_loop3A_546 : vector<16xf32>
        %parallel_loop3A_549 = arith.constant 19 : i32
        %parallel_loop3A_550 = arith.addi %parallel_loop3A_207, %parallel_loop3A_549 : i32
        %parallel_loop3A_551 = arith.index_cast %parallel_loop3A_550 : i32 to index
        %parallel_loop3A_552 = arith.constant 0 : index
        %parallel_loop3A_553 = tpu.vector_load %arg8[%parallel_loop3A_551, %parallel_loop3A_552] {strides = array<i32>} : memref<320x64xbf16, #tpu.memory_space<vmem>>, vector<32xbf16>,
        %parallel_loop3A_554 = vector.bitcast %parallel_loop3A_553 : vector<32xbf16> to vector<16xi32>
        %parallel_loop3A_555 = arith.constant 16 : i32
        %parallel_loop3A_556 = vector.broadcast %parallel_loop3A_555 : i32 to vector<16xi32>
        %parallel_loop3A_557 = arith.shli %parallel_loop3A_554, %parallel_loop3A_556 : vector<16xi32>
        %parallel_loop3A_558 = vector.bitcast %parallel_loop3A_557 : vector<16xi32> to vector<16xf32>
        %parallel_loop3A_559 = arith.constant -65536 : i32
        %parallel_loop3A_560 = vector.broadcast %parallel_loop3A_559 : i32 to vector<16xi32>
        %parallel_loop3A_561 = arith.andi %parallel_loop3A_554, %parallel_loop3A_560 : vector<16xi32>
        %parallel_loop3A_562 = vector.bitcast %parallel_loop3A_561 : vector<16xi32> to vector<16xf32>
        %parallel_loop3A_563 = arith.addf %parallel_loop3A_547, %parallel_loop3A_558 : vector<16xf32>
        %parallel_loop3A_564 = arith.addf %parallel_loop3A_548, %parallel_loop3A_562 : vector<16xf32>
        %parallel_loop3A_565 = arith.constant 64 : i32
        %parallel_loop3A_566 = arith.addi %parallel_loop3A_209, %parallel_loop3A_565 : i32
        %parallel_loop3A_567 = arith.constant 0 : i32
        %parallel_loop3A_568 = arith.addi %parallel_loop3A_566, %parallel_loop3A_567 : i32
        %parallel_loop3A_569 = arith.constant 2 : i32
        %parallel_loop3A_570 = vector.broadcast %parallel_loop3A_569 : i32 to vector<16xi32>
        %parallel_loop3A_571 = arith.muli %iota3A, %parallel_loop3A_570 : vector<16xi32>
        %parallel_loop3A_572 = vector.broadcast %parallel_loop3A_568 : i32 to vector<16xi32>
        %parallel_loop3A_573 = arith.addi %parallel_loop3A_572, %parallel_loop3A_571 : vector<16xi32>
        %parallel_loop3A_574 = arith.mulf %parallel_loop3A_240, %bitcast3A_57 : vector<16xf32>
        %parallel_loop3A_575 = arith.subf %parallel_loop3A_563, %parallel_loop3A_574 : vector<16xf32>
        %parallel_loop3A_576 = arith.mulf %parallel_loop3A_575, %parallel_loop3A_239 : vector<16xf32>
        tpu.vector_store_idx %arg14[%parallel_loop3A_573], %parallel_loop3A_576 : memref<65536xf32, #tpu.memory_space<vmem>>[vector<16xi32>], vector<16xf32>,
        %parallel_loop3A_577 = arith.constant 1 : i32
        %parallel_loop3A_578 = vector.broadcast %parallel_loop3A_577 : i32 to vector<16xi32>
        %parallel_loop3A_579 = arith.addi %parallel_loop3A_573, %parallel_loop3A_578 : vector<16xi32>
        %parallel_loop3A_580 = arith.mulf %parallel_loop3A_240, %bitcast3A_60 : vector<16xf32>
        %parallel_loop3A_581 = arith.subf %parallel_loop3A_564, %parallel_loop3A_580 : vector<16xf32>
        %parallel_loop3A_582 = arith.mulf %parallel_loop3A_581, %parallel_loop3A_239 : vector<16xf32>
        tpu.vector_store_idx %arg14[%parallel_loop3A_579], %parallel_loop3A_582 : memref<65536xf32, #tpu.memory_space<vmem>>[vector<16xi32>], vector<16xf32>,
        %parallel_loop3A_583 = arith.constant 0.000000e+00 : f32
        %parallel_loop3A_584 = vector.broadcast %parallel_loop3A_583 : f32 to vector<16xf32>
        %parallel_loop3A_585 = arith.constant 0.000000e+00 : f32
        %parallel_loop3A_586 = vector.broadcast %parallel_loop3A_585 : f32 to vector<16xf32>
        %parallel_loop3A_587 = arith.constant 0 : i32
        %parallel_loop3A_588 = arith.addi %parallel_loop3A_207, %parallel_loop3A_587 : i32
        %parallel_loop3A_589 = arith.index_cast %parallel_loop3A_588 : i32 to index
        %parallel_loop3A_590 = arith.constant 32 : index
        %parallel_loop3A_591 = tpu.vector_load %arg8[%parallel_loop3A_589, %parallel_loop3A_590] {strides = array<i32>} : memref<320x64xbf16, #tpu.memory_space<vmem>>, vector<32xbf16>,
        %parallel_loop3A_592 = vector.bitcast %parallel_loop3A_591 : vector<32xbf16> to vector<16xi32>
        %parallel_loop3A_593 = arith.constant 16 : i32
        %parallel_loop3A_594 = vector.broadcast %parallel_loop3A_593 : i32 to vector<16xi32>
        %parallel_loop3A_595 = arith.shli %parallel_loop3A_592, %parallel_loop3A_594 : vector<16xi32>
        %parallel_loop3A_596 = vector.bitcast %parallel_loop3A_595 : vector<16xi32> to vector<16xf32>
        %parallel_loop3A_597 = arith.constant -65536 : i32
        %parallel_loop3A_598 = vector.broadcast %parallel_loop3A_597 : i32 to vector<16xi32>
        %parallel_loop3A_599 = arith.andi %parallel_loop3A_592, %parallel_loop3A_598 : vector<16xi32>
        %parallel_loop3A_600 = vector.bitcast %parallel_loop3A_599 : vector<16xi32> to vector<16xf32>
        %parallel_loop3A_601 = arith.addf %parallel_loop3A_584, %parallel_loop3A_596 : vector<16xf32>
        %parallel_loop3A_602 = arith.addf %parallel_loop3A_586, %parallel_loop3A_600 : vector<16xf32>
        %parallel_loop3A_603 = arith.constant 1 : i32
        %parallel_loop3A_604 = arith.addi %parallel_loop3A_207, %parallel_loop3A_603 : i32
        %parallel_loop3A_605 = arith.index_cast %parallel_loop3A_604 : i32 to index
        %parallel_loop3A_606 = arith.constant 32 : index
        %parallel_loop3A_607 = tpu.vector_load %arg8[%parallel_loop3A_605, %parallel_loop3A_606] {strides = array<i32>} : memref<320x64xbf16, #tpu.memory_space<vmem>>, vector<32xbf16>,
        %parallel_loop3A_608 = vector.bitcast %parallel_loop3A_607 : vector<32xbf16> to vector<16xi32>
        %parallel_loop3A_609 = arith.constant 16 : i32
        %parallel_loop3A_610 = vector.broadcast %parallel_loop3A_609 : i32 to vector<16xi32>
        %parallel_loop3A_611 = arith.shli %parallel_loop3A_608, %parallel_loop3A_610 : vector<16xi32>
        %parallel_loop3A_612 = vector.bitcast %parallel_loop3A_611 : vector<16xi32> to vector<16xf32>
        %parallel_loop3A_613 = arith.constant -65536 : i32
        %parallel_loop3A_614 = vector.broadcast %parallel_loop3A_613 : i32 to vector<16xi32>
        %parallel_loop3A_615 = arith.andi %parallel_loop3A_608, %parallel_loop3A_614 : vector<16xi32>
        %parallel_loop3A_616 = vector.bitcast %parallel_loop3A_615 : vector<16xi32> to vector<16xf32>
        %parallel_loop3A_617 = arith.addf %parallel_loop3A_601, %parallel_loop3A_612 : vector<16xf32>
        %parallel_loop3A_618 = arith.addf %parallel_loop3A_602, %parallel_loop3A_616 : vector<16xf32>
        %parallel_loop3A_619 = arith.constant 2 : i32
        %parallel_loop3A_620 = arith.addi %parallel_loop3A_207, %parallel_loop3A_619 : i32
        %parallel_loop3A_621 = arith.index_cast %parallel_loop3A_620 : i32 to index
        %parallel_loop3A_622 = arith.constant 32 : index
        %parallel_loop3A_623 = tpu.vector_load %arg8[%parallel_loop3A_621, %parallel_loop3A_622] {strides = array<i32>} : memref<320x64xbf16, #tpu.memory_space<vmem>>, vector<32xbf16>,
        %parallel_loop3A_624 = vector.bitcast %parallel_loop3A_623 : vector<32xbf16> to vector<16xi32>
        %parallel_loop3A_625 = arith.constant 16 : i32
        %parallel_loop3A_626 = vector.broadcast %parallel_loop3A_625 : i32 to vector<16xi32>
        %parallel_loop3A_627 = arith.shli %parallel_loop3A_624, %parallel_loop3A_626 : vector<16xi32>
        %parallel_loop3A_628 = vector.bitcast %parallel_loop3A_627 : vector<16xi32> to vector<16xf32>
        %parallel_loop3A_629 = arith.constant -65536 : i32
        %parallel_loop3A_630 = vector.broadcast %parallel_loop3A_629 : i32 to vector<16xi32>
        %parallel_loop3A_631 = arith.andi %parallel_loop3A_624, %parallel_loop3A_630 : vector<16xi32>
        %parallel_loop3A_632 = vector.bitcast %parallel_loop3A_631 : vector<16xi32> to vector<16xf32>
        %parallel_loop3A_633 = arith.addf %parallel_loop3A_617, %parallel_loop3A_628 : vector<16xf32>
        %parallel_loop3A_634 = arith.addf %parallel_loop3A_618, %parallel_loop3A_632 : vector<16xf32>
        %parallel_loop3A_635 = arith.constant 3 : i32
        %parallel_loop3A_636 = arith.addi %parallel_loop3A_207, %parallel_loop3A_635 : i32
        %parallel_loop3A_637 = arith.index_cast %parallel_loop3A_636 : i32 to index
        %parallel_loop3A_638 = arith.constant 32 : index
        %parallel_loop3A_639 = tpu.vector_load %arg8[%parallel_loop3A_637, %parallel_loop3A_638] {strides = array<i32>} : memref<320x64xbf16, #tpu.memory_space<vmem>>, vector<32xbf16>,
        %parallel_loop3A_640 = vector.bitcast %parallel_loop3A_639 : vector<32xbf16> to vector<16xi32>
        %parallel_loop3A_641 = arith.constant 16 : i32
        %parallel_loop3A_642 = vector.broadcast %parallel_loop3A_641 : i32 to vector<16xi32>
        %parallel_loop3A_643 = arith.shli %parallel_loop3A_640, %parallel_loop3A_642 : vector<16xi32>
        %parallel_loop3A_644 = vector.bitcast %parallel_loop3A_643 : vector<16xi32> to vector<16xf32>
        %parallel_loop3A_645 = arith.constant -65536 : i32
        %parallel_loop3A_646 = vector.broadcast %parallel_loop3A_645 : i32 to vector<16xi32>
        %parallel_loop3A_647 = arith.andi %parallel_loop3A_640, %parallel_loop3A_646 : vector<16xi32>
        %parallel_loop3A_648 = vector.bitcast %parallel_loop3A_647 : vector<16xi32> to vector<16xf32>
        %parallel_loop3A_649 = arith.addf %parallel_loop3A_633, %parallel_loop3A_644 : vector<16xf32>
        %parallel_loop3A_650 = arith.addf %parallel_loop3A_634, %parallel_loop3A_648 : vector<16xf32>
        %parallel_loop3A_651 = arith.constant 4 : i32
        %parallel_loop3A_652 = arith.addi %parallel_loop3A_207, %parallel_loop3A_651 : i32
        %parallel_loop3A_653 = arith.index_cast %parallel_loop3A_652 : i32 to index
        %parallel_loop3A_654 = arith.constant 32 : index
        %parallel_loop3A_655 = tpu.vector_load %arg8[%parallel_loop3A_653, %parallel_loop3A_654] {strides = array<i32>} : memref<320x64xbf16, #tpu.memory_space<vmem>>, vector<32xbf16>,
        %parallel_loop3A_656 = vector.bitcast %parallel_loop3A_655 : vector<32xbf16> to vector<16xi32>
        %parallel_loop3A_657 = arith.constant 16 : i32
        %parallel_loop3A_658 = vector.broadcast %parallel_loop3A_657 : i32 to vector<16xi32>
        %parallel_loop3A_659 = arith.shli %parallel_loop3A_656, %parallel_loop3A_658 : vector<16xi32>
        %parallel_loop3A_660 = vector.bitcast %parallel_loop3A_659 : vector<16xi32> to vector<16xf32>
        %parallel_loop3A_661 = arith.constant -65536 : i32
        %parallel_loop3A_662 = vector.broadcast %parallel_loop3A_661 : i32 to vector<16xi32>
        %parallel_loop3A_663 = arith.andi %parallel_loop3A_656, %parallel_loop3A_662 : vector<16xi32>
        %parallel_loop3A_664 = vector.bitcast %parallel_loop3A_663 : vector<16xi32> to vector<16xf32>
        %parallel_loop3A_665 = arith.addf %parallel_loop3A_649, %parallel_loop3A_660 : vector<16xf32>
        %parallel_loop3A_666 = arith.addf %parallel_loop3A_650, %parallel_loop3A_664 : vector<16xf32>
        %parallel_loop3A_667 = arith.constant 5 : i32
        %parallel_loop3A_668 = arith.addi %parallel_loop3A_207, %parallel_loop3A_667 : i32
        %parallel_loop3A_669 = arith.index_cast %parallel_loop3A_668 : i32 to index
        %parallel_loop3A_670 = arith.constant 32 : index
        %parallel_loop3A_671 = tpu.vector_load %arg8[%parallel_loop3A_669, %parallel_loop3A_670] {strides = array<i32>} : memref<320x64xbf16, #tpu.memory_space<vmem>>, vector<32xbf16>,
        %parallel_loop3A_672 = vector.bitcast %parallel_loop3A_671 : vector<32xbf16> to vector<16xi32>
        %parallel_loop3A_673 = arith.constant 16 : i32
        %parallel_loop3A_674 = vector.broadcast %parallel_loop3A_673 : i32 to vector<16xi32>
        %parallel_loop3A_675 = arith.shli %parallel_loop3A_672, %parallel_loop3A_674 : vector<16xi32>
        %parallel_loop3A_676 = vector.bitcast %parallel_loop3A_675 : vector<16xi32> to vector<16xf32>
        %parallel_loop3A_677 = arith.constant -65536 : i32
        %parallel_loop3A_678 = vector.broadcast %parallel_loop3A_677 : i32 to vector<16xi32>
        %parallel_loop3A_679 = arith.andi %parallel_loop3A_672, %parallel_loop3A_678 : vector<16xi32>
        %parallel_loop3A_680 = vector.bitcast %parallel_loop3A_679 : vector<16xi32> to vector<16xf32>
        %parallel_loop3A_681 = arith.addf %parallel_loop3A_665, %parallel_loop3A_676 : vector<16xf32>
        %parallel_loop3A_682 = arith.addf %parallel_loop3A_666, %parallel_loop3A_680 : vector<16xf32>
        %parallel_loop3A_683 = arith.constant 6 : i32
        %parallel_loop3A_684 = arith.addi %parallel_loop3A_207, %parallel_loop3A_683 : i32
        %parallel_loop3A_685 = arith.index_cast %parallel_loop3A_684 : i32 to index
        %parallel_loop3A_686 = arith.constant 32 : index
        %parallel_loop3A_687 = tpu.vector_load %arg8[%parallel_loop3A_685, %parallel_loop3A_686] {strides = array<i32>} : memref<320x64xbf16, #tpu.memory_space<vmem>>, vector<32xbf16>,
        %parallel_loop3A_688 = vector.bitcast %parallel_loop3A_687 : vector<32xbf16> to vector<16xi32>
        %parallel_loop3A_689 = arith.constant 16 : i32
        %parallel_loop3A_690 = vector.broadcast %parallel_loop3A_689 : i32 to vector<16xi32>
        %parallel_loop3A_691 = arith.shli %parallel_loop3A_688, %parallel_loop3A_690 : vector<16xi32>
        %parallel_loop3A_692 = vector.bitcast %parallel_loop3A_691 : vector<16xi32> to vector<16xf32>
        %parallel_loop3A_693 = arith.constant -65536 : i32
        %parallel_loop3A_694 = vector.broadcast %parallel_loop3A_693 : i32 to vector<16xi32>
        %parallel_loop3A_695 = arith.andi %parallel_loop3A_688, %parallel_loop3A_694 : vector<16xi32>
        %parallel_loop3A_696 = vector.bitcast %parallel_loop3A_695 : vector<16xi32> to vector<16xf32>
        %parallel_loop3A_697 = arith.addf %parallel_loop3A_681, %parallel_loop3A_692 : vector<16xf32>
        %parallel_loop3A_698 = arith.addf %parallel_loop3A_682, %parallel_loop3A_696 : vector<16xf32>
        %parallel_loop3A_699 = arith.constant 7 : i32
        %parallel_loop3A_700 = arith.addi %parallel_loop3A_207, %parallel_loop3A_699 : i32
        %parallel_loop3A_701 = arith.index_cast %parallel_loop3A_700 : i32 to index
        %parallel_loop3A_702 = arith.constant 32 : index
        %parallel_loop3A_703 = tpu.vector_load %arg8[%parallel_loop3A_701, %parallel_loop3A_702] {strides = array<i32>} : memref<320x64xbf16, #tpu.memory_space<vmem>>, vector<32xbf16>,
        %parallel_loop3A_704 = vector.bitcast %parallel_loop3A_703 : vector<32xbf16> to vector<16xi32>
        %parallel_loop3A_705 = arith.constant 16 : i32
        %parallel_loop3A_706 = vector.broadcast %parallel_loop3A_705 : i32 to vector<16xi32>
        %parallel_loop3A_707 = arith.shli %parallel_loop3A_704, %parallel_loop3A_706 : vector<16xi32>
        %parallel_loop3A_708 = vector.bitcast %parallel_loop3A_707 : vector<16xi32> to vector<16xf32>
        %parallel_loop3A_709 = arith.constant -65536 : i32
        %parallel_loop3A_710 = vector.broadcast %parallel_loop3A_709 : i32 to vector<16xi32>
        %parallel_loop3A_711 = arith.andi %parallel_loop3A_704, %parallel_loop3A_710 : vector<16xi32>
        %parallel_loop3A_712 = vector.bitcast %parallel_loop3A_711 : vector<16xi32> to vector<16xf32>
        %parallel_loop3A_713 = arith.addf %parallel_loop3A_697, %parallel_loop3A_708 : vector<16xf32>
        %parallel_loop3A_714 = arith.addf %parallel_loop3A_698, %parallel_loop3A_712 : vector<16xf32>
        %parallel_loop3A_715 = arith.constant 8 : i32
        %parallel_loop3A_716 = arith.addi %parallel_loop3A_207, %parallel_loop3A_715 : i32
        %parallel_loop3A_717 = arith.index_cast %parallel_loop3A_716 : i32 to index
        %parallel_loop3A_718 = arith.constant 32 : index
        %parallel_loop3A_719 = tpu.vector_load %arg8[%parallel_loop3A_717, %parallel_loop3A_718] {strides = array<i32>} : memref<320x64xbf16, #tpu.memory_space<vmem>>, vector<32xbf16>,
        %parallel_loop3A_720 = vector.bitcast %parallel_loop3A_719 : vector<32xbf16> to vector<16xi32>
        %parallel_loop3A_721 = arith.constant 16 : i32
        %parallel_loop3A_722 = vector.broadcast %parallel_loop3A_721 : i32 to vector<16xi32>
        %parallel_loop3A_723 = arith.shli %parallel_loop3A_720, %parallel_loop3A_722 : vector<16xi32>
        %parallel_loop3A_724 = vector.bitcast %parallel_loop3A_723 : vector<16xi32> to vector<16xf32>
        %parallel_loop3A_725 = arith.constant -65536 : i32
        %parallel_loop3A_726 = vector.broadcast %parallel_loop3A_725 : i32 to vector<16xi32>
        %parallel_loop3A_727 = arith.andi %parallel_loop3A_720, %parallel_loop3A_726 : vector<16xi32>
        %parallel_loop3A_728 = vector.bitcast %parallel_loop3A_727 : vector<16xi32> to vector<16xf32>
        %parallel_loop3A_729 = arith.addf %parallel_loop3A_713, %parallel_loop3A_724 : vector<16xf32>
        %parallel_loop3A_730 = arith.addf %parallel_loop3A_714, %parallel_loop3A_728 : vector<16xf32>
        %parallel_loop3A_731 = arith.constant 9 : i32
        %parallel_loop3A_732 = arith.addi %parallel_loop3A_207, %parallel_loop3A_731 : i32
        %parallel_loop3A_733 = arith.index_cast %parallel_loop3A_732 : i32 to index
        %parallel_loop3A_734 = arith.constant 32 : index
        %parallel_loop3A_735 = tpu.vector_load %arg8[%parallel_loop3A_733, %parallel_loop3A_734] {strides = array<i32>} : memref<320x64xbf16, #tpu.memory_space<vmem>>, vector<32xbf16>,
        %parallel_loop3A_736 = vector.bitcast %parallel_loop3A_735 : vector<32xbf16> to vector<16xi32>
        %parallel_loop3A_737 = arith.constant 16 : i32
        %parallel_loop3A_738 = vector.broadcast %parallel_loop3A_737 : i32 to vector<16xi32>
        %parallel_loop3A_739 = arith.shli %parallel_loop3A_736, %parallel_loop3A_738 : vector<16xi32>
        %parallel_loop3A_740 = vector.bitcast %parallel_loop3A_739 : vector<16xi32> to vector<16xf32>
        %parallel_loop3A_741 = arith.constant -65536 : i32
        %parallel_loop3A_742 = vector.broadcast %parallel_loop3A_741 : i32 to vector<16xi32>
        %parallel_loop3A_743 = arith.andi %parallel_loop3A_736, %parallel_loop3A_742 : vector<16xi32>
        %parallel_loop3A_744 = vector.bitcast %parallel_loop3A_743 : vector<16xi32> to vector<16xf32>
        %parallel_loop3A_745 = arith.addf %parallel_loop3A_729, %parallel_loop3A_740 : vector<16xf32>
        %parallel_loop3A_746 = arith.addf %parallel_loop3A_730, %parallel_loop3A_744 : vector<16xf32>
        %parallel_loop3A_747 = arith.constant 10 : i32
        %parallel_loop3A_748 = arith.addi %parallel_loop3A_207, %parallel_loop3A_747 : i32
        %parallel_loop3A_749 = arith.index_cast %parallel_loop3A_748 : i32 to index
        %parallel_loop3A_750 = arith.constant 32 : index
        %parallel_loop3A_751 = tpu.vector_load %arg8[%parallel_loop3A_749, %parallel_loop3A_750] {strides = array<i32>} : memref<320x64xbf16, #tpu.memory_space<vmem>>, vector<32xbf16>,
        %parallel_loop3A_752 = vector.bitcast %parallel_loop3A_751 : vector<32xbf16> to vector<16xi32>
        %parallel_loop3A_753 = arith.constant 16 : i32
        %parallel_loop3A_754 = vector.broadcast %parallel_loop3A_753 : i32 to vector<16xi32>
        %parallel_loop3A_755 = arith.shli %parallel_loop3A_752, %parallel_loop3A_754 : vector<16xi32>
        %parallel_loop3A_756 = vector.bitcast %parallel_loop3A_755 : vector<16xi32> to vector<16xf32>
        %parallel_loop3A_757 = arith.constant -65536 : i32
        %parallel_loop3A_758 = vector.broadcast %parallel_loop3A_757 : i32 to vector<16xi32>
        %parallel_loop3A_759 = arith.andi %parallel_loop3A_752, %parallel_loop3A_758 : vector<16xi32>
        %parallel_loop3A_760 = vector.bitcast %parallel_loop3A_759 : vector<16xi32> to vector<16xf32>
        %parallel_loop3A_761 = arith.addf %parallel_loop3A_745, %parallel_loop3A_756 : vector<16xf32>
        %parallel_loop3A_762 = arith.addf %parallel_loop3A_746, %parallel_loop3A_760 : vector<16xf32>
        %parallel_loop3A_763 = arith.constant 11 : i32
        %parallel_loop3A_764 = arith.addi %parallel_loop3A_207, %parallel_loop3A_763 : i32
        %parallel_loop3A_765 = arith.index_cast %parallel_loop3A_764 : i32 to index
        %parallel_loop3A_766 = arith.constant 32 : index
        %parallel_loop3A_767 = tpu.vector_load %arg8[%parallel_loop3A_765, %parallel_loop3A_766] {strides = array<i32>} : memref<320x64xbf16, #tpu.memory_space<vmem>>, vector<32xbf16>,
        %parallel_loop3A_768 = vector.bitcast %parallel_loop3A_767 : vector<32xbf16> to vector<16xi32>
        %parallel_loop3A_769 = arith.constant 16 : i32
        %parallel_loop3A_770 = vector.broadcast %parallel_loop3A_769 : i32 to vector<16xi32>
        %parallel_loop3A_771 = arith.shli %parallel_loop3A_768, %parallel_loop3A_770 : vector<16xi32>
        %parallel_loop3A_772 = vector.bitcast %parallel_loop3A_771 : vector<16xi32> to vector<16xf32>
        %parallel_loop3A_773 = arith.constant -65536 : i32
        %parallel_loop3A_774 = vector.broadcast %parallel_loop3A_773 : i32 to vector<16xi32>
        %parallel_loop3A_775 = arith.andi %parallel_loop3A_768, %parallel_loop3A_774 : vector<16xi32>
        %parallel_loop3A_776 = vector.bitcast %parallel_loop3A_775 : vector<16xi32> to vector<16xf32>
        %parallel_loop3A_777 = arith.addf %parallel_loop3A_761, %parallel_loop3A_772 : vector<16xf32>
        %parallel_loop3A_778 = arith.addf %parallel_loop3A_762, %parallel_loop3A_776 : vector<16xf32>
        %parallel_loop3A_779 = arith.constant 12 : i32
        %parallel_loop3A_780 = arith.addi %parallel_loop3A_207, %parallel_loop3A_779 : i32
        %parallel_loop3A_781 = arith.index_cast %parallel_loop3A_780 : i32 to index
        %parallel_loop3A_782 = arith.constant 32 : index
        %parallel_loop3A_783 = tpu.vector_load %arg8[%parallel_loop3A_781, %parallel_loop3A_782] {strides = array<i32>} : memref<320x64xbf16, #tpu.memory_space<vmem>>, vector<32xbf16>,
        %parallel_loop3A_784 = vector.bitcast %parallel_loop3A_783 : vector<32xbf16> to vector<16xi32>
        %parallel_loop3A_785 = arith.constant 16 : i32
        %parallel_loop3A_786 = vector.broadcast %parallel_loop3A_785 : i32 to vector<16xi32>
        %parallel_loop3A_787 = arith.shli %parallel_loop3A_784, %parallel_loop3A_786 : vector<16xi32>
        %parallel_loop3A_788 = vector.bitcast %parallel_loop3A_787 : vector<16xi32> to vector<16xf32>
        %parallel_loop3A_789 = arith.constant -65536 : i32
        %parallel_loop3A_790 = vector.broadcast %parallel_loop3A_789 : i32 to vector<16xi32>
        %parallel_loop3A_791 = arith.andi %parallel_loop3A_784, %parallel_loop3A_790 : vector<16xi32>
        %parallel_loop3A_792 = vector.bitcast %parallel_loop3A_791 : vector<16xi32> to vector<16xf32>
        %parallel_loop3A_793 = arith.addf %parallel_loop3A_777, %parallel_loop3A_788 : vector<16xf32>
        %parallel_loop3A_794 = arith.addf %parallel_loop3A_778, %parallel_loop3A_792 : vector<16xf32>
        %parallel_loop3A_795 = arith.constant 13 : i32
        %parallel_loop3A_796 = arith.addi %parallel_loop3A_207, %parallel_loop3A_795 : i32
        %parallel_loop3A_797 = arith.index_cast %parallel_loop3A_796 : i32 to index
        %parallel_loop3A_798 = arith.constant 32 : index
        %parallel_loop3A_799 = tpu.vector_load %arg8[%parallel_loop3A_797, %parallel_loop3A_798] {strides = array<i32>} : memref<320x64xbf16, #tpu.memory_space<vmem>>, vector<32xbf16>,
        %parallel_loop3A_800 = vector.bitcast %parallel_loop3A_799 : vector<32xbf16> to vector<16xi32>
        %parallel_loop3A_801 = arith.constant 16 : i32
        %parallel_loop3A_802 = vector.broadcast %parallel_loop3A_801 : i32 to vector<16xi32>
        %parallel_loop3A_803 = arith.shli %parallel_loop3A_800, %parallel_loop3A_802 : vector<16xi32>
        %parallel_loop3A_804 = vector.bitcast %parallel_loop3A_803 : vector<16xi32> to vector<16xf32>
        %parallel_loop3A_805 = arith.constant -65536 : i32
        %parallel_loop3A_806 = vector.broadcast %parallel_loop3A_805 : i32 to vector<16xi32>
        %parallel_loop3A_807 = arith.andi %parallel_loop3A_800, %parallel_loop3A_806 : vector<16xi32>
        %parallel_loop3A_808 = vector.bitcast %parallel_loop3A_807 : vector<16xi32> to vector<16xf32>
        %parallel_loop3A_809 = arith.addf %parallel_loop3A_793, %parallel_loop3A_804 : vector<16xf32>
        %parallel_loop3A_810 = arith.addf %parallel_loop3A_794, %parallel_loop3A_808 : vector<16xf32>
        %parallel_loop3A_811 = arith.constant 14 : i32
        %parallel_loop3A_812 = arith.addi %parallel_loop3A_207, %parallel_loop3A_811 : i32
        %parallel_loop3A_813 = arith.index_cast %parallel_loop3A_812 : i32 to index
        %parallel_loop3A_814 = arith.constant 32 : index
        %parallel_loop3A_815 = tpu.vector_load %arg8[%parallel_loop3A_813, %parallel_loop3A_814] {strides = array<i32>} : memref<320x64xbf16, #tpu.memory_space<vmem>>, vector<32xbf16>,
        %parallel_loop3A_816 = vector.bitcast %parallel_loop3A_815 : vector<32xbf16> to vector<16xi32>
        %parallel_loop3A_817 = arith.constant 16 : i32
        %parallel_loop3A_818 = vector.broadcast %parallel_loop3A_817 : i32 to vector<16xi32>
        %parallel_loop3A_819 = arith.shli %parallel_loop3A_816, %parallel_loop3A_818 : vector<16xi32>
        %parallel_loop3A_820 = vector.bitcast %parallel_loop3A_819 : vector<16xi32> to vector<16xf32>
        %parallel_loop3A_821 = arith.constant -65536 : i32
        %parallel_loop3A_822 = vector.broadcast %parallel_loop3A_821 : i32 to vector<16xi32>
        %parallel_loop3A_823 = arith.andi %parallel_loop3A_816, %parallel_loop3A_822 : vector<16xi32>
        %parallel_loop3A_824 = vector.bitcast %parallel_loop3A_823 : vector<16xi32> to vector<16xf32>
        %parallel_loop3A_825 = arith.addf %parallel_loop3A_809, %parallel_loop3A_820 : vector<16xf32>
        %parallel_loop3A_826 = arith.addf %parallel_loop3A_810, %parallel_loop3A_824 : vector<16xf32>
        %parallel_loop3A_827 = arith.constant 15 : i32
        %parallel_loop3A_828 = arith.addi %parallel_loop3A_207, %parallel_loop3A_827 : i32
        %parallel_loop3A_829 = arith.index_cast %parallel_loop3A_828 : i32 to index
        %parallel_loop3A_830 = arith.constant 32 : index
        %parallel_loop3A_831 = tpu.vector_load %arg8[%parallel_loop3A_829, %parallel_loop3A_830] {strides = array<i32>} : memref<320x64xbf16, #tpu.memory_space<vmem>>, vector<32xbf16>,
        %parallel_loop3A_832 = vector.bitcast %parallel_loop3A_831 : vector<32xbf16> to vector<16xi32>
        %parallel_loop3A_833 = arith.constant 16 : i32
        %parallel_loop3A_834 = vector.broadcast %parallel_loop3A_833 : i32 to vector<16xi32>
        %parallel_loop3A_835 = arith.shli %parallel_loop3A_832, %parallel_loop3A_834 : vector<16xi32>
        %parallel_loop3A_836 = vector.bitcast %parallel_loop3A_835 : vector<16xi32> to vector<16xf32>
        %parallel_loop3A_837 = arith.constant -65536 : i32
        %parallel_loop3A_838 = vector.broadcast %parallel_loop3A_837 : i32 to vector<16xi32>
        %parallel_loop3A_839 = arith.andi %parallel_loop3A_832, %parallel_loop3A_838 : vector<16xi32>
        %parallel_loop3A_840 = vector.bitcast %parallel_loop3A_839 : vector<16xi32> to vector<16xf32>
        %parallel_loop3A_841 = arith.addf %parallel_loop3A_825, %parallel_loop3A_836 : vector<16xf32>
        %parallel_loop3A_842 = arith.addf %parallel_loop3A_826, %parallel_loop3A_840 : vector<16xf32>
        %parallel_loop3A_843 = arith.constant 16 : i32
        %parallel_loop3A_844 = arith.addi %parallel_loop3A_207, %parallel_loop3A_843 : i32
        %parallel_loop3A_845 = arith.index_cast %parallel_loop3A_844 : i32 to index
        %parallel_loop3A_846 = arith.constant 32 : index
        %parallel_loop3A_847 = tpu.vector_load %arg8[%parallel_loop3A_845, %parallel_loop3A_846] {strides = array<i32>} : memref<320x64xbf16, #tpu.memory_space<vmem>>, vector<32xbf16>,
        %parallel_loop3A_848 = vector.bitcast %parallel_loop3A_847 : vector<32xbf16> to vector<16xi32>
        %parallel_loop3A_849 = arith.constant 16 : i32
        %parallel_loop3A_850 = vector.broadcast %parallel_loop3A_849 : i32 to vector<16xi32>
        %parallel_loop3A_851 = arith.shli %parallel_loop3A_848, %parallel_loop3A_850 : vector<16xi32>
        %parallel_loop3A_852 = vector.bitcast %parallel_loop3A_851 : vector<16xi32> to vector<16xf32>
        %parallel_loop3A_853 = arith.constant -65536 : i32
        %parallel_loop3A_854 = vector.broadcast %parallel_loop3A_853 : i32 to vector<16xi32>
        %parallel_loop3A_855 = arith.andi %parallel_loop3A_848, %parallel_loop3A_854 : vector<16xi32>
        %parallel_loop3A_856 = vector.bitcast %parallel_loop3A_855 : vector<16xi32> to vector<16xf32>
        %parallel_loop3A_857 = arith.addf %parallel_loop3A_841, %parallel_loop3A_852 : vector<16xf32>
        %parallel_loop3A_858 = arith.addf %parallel_loop3A_842, %parallel_loop3A_856 : vector<16xf32>
        %parallel_loop3A_859 = arith.constant 17 : i32
        %parallel_loop3A_860 = arith.addi %parallel_loop3A_207, %parallel_loop3A_859 : i32
        %parallel_loop3A_861 = arith.index_cast %parallel_loop3A_860 : i32 to index
        %parallel_loop3A_862 = arith.constant 32 : index
        %parallel_loop3A_863 = tpu.vector_load %arg8[%parallel_loop3A_861, %parallel_loop3A_862] {strides = array<i32>} : memref<320x64xbf16, #tpu.memory_space<vmem>>, vector<32xbf16>,
        %parallel_loop3A_864 = vector.bitcast %parallel_loop3A_863 : vector<32xbf16> to vector<16xi32>
        %parallel_loop3A_865 = arith.constant 16 : i32
        %parallel_loop3A_866 = vector.broadcast %parallel_loop3A_865 : i32 to vector<16xi32>
        %parallel_loop3A_867 = arith.shli %parallel_loop3A_864, %parallel_loop3A_866 : vector<16xi32>
        %parallel_loop3A_868 = vector.bitcast %parallel_loop3A_867 : vector<16xi32> to vector<16xf32>
        %parallel_loop3A_869 = arith.constant -65536 : i32
        %parallel_loop3A_870 = vector.broadcast %parallel_loop3A_869 : i32 to vector<16xi32>
        %parallel_loop3A_871 = arith.andi %parallel_loop3A_864, %parallel_loop3A_870 : vector<16xi32>
        %parallel_loop3A_872 = vector.bitcast %parallel_loop3A_871 : vector<16xi32> to vector<16xf32>
        %parallel_loop3A_873 = arith.addf %parallel_loop3A_857, %parallel_loop3A_868 : vector<16xf32>
        %parallel_loop3A_874 = arith.addf %parallel_loop3A_858, %parallel_loop3A_872 : vector<16xf32>
        %parallel_loop3A_875 = arith.constant 18 : i32
        %parallel_loop3A_876 = arith.addi %parallel_loop3A_207, %parallel_loop3A_875 : i32
        %parallel_loop3A_877 = arith.index_cast %parallel_loop3A_876 : i32 to index
        %parallel_loop3A_878 = arith.constant 32 : index
        %parallel_loop3A_879 = tpu.vector_load %arg8[%parallel_loop3A_877, %parallel_loop3A_878] {strides = array<i32>} : memref<320x64xbf16, #tpu.memory_space<vmem>>, vector<32xbf16>,
        %parallel_loop3A_880 = vector.bitcast %parallel_loop3A_879 : vector<32xbf16> to vector<16xi32>
        %parallel_loop3A_881 = arith.constant 16 : i32
        %parallel_loop3A_882 = vector.broadcast %parallel_loop3A_881 : i32 to vector<16xi32>
        %parallel_loop3A_883 = arith.shli %parallel_loop3A_880, %parallel_loop3A_882 : vector<16xi32>
        %parallel_loop3A_884 = vector.bitcast %parallel_loop3A_883 : vector<16xi32> to vector<16xf32>
        %parallel_loop3A_885 = arith.constant -65536 : i32
        %parallel_loop3A_886 = vector.broadcast %parallel_loop3A_885 : i32 to vector<16xi32>
        %parallel_loop3A_887 = arith.andi %parallel_loop3A_880, %parallel_loop3A_886 : vector<16xi32>
        %parallel_loop3A_888 = vector.bitcast %parallel_loop3A_887 : vector<16xi32> to vector<16xf32>
        %parallel_loop3A_889 = arith.addf %parallel_loop3A_873, %parallel_loop3A_884 : vector<16xf32>
        %parallel_loop3A_890 = arith.addf %parallel_loop3A_874, %parallel_loop3A_888 : vector<16xf32>
        %parallel_loop3A_891 = arith.constant 19 : i32
        %parallel_loop3A_892 = arith.addi %parallel_loop3A_207, %parallel_loop3A_891 : i32
        %parallel_loop3A_893 = arith.index_cast %parallel_loop3A_892 : i32 to index
        %parallel_loop3A_894 = arith.constant 32 : index
        %parallel_loop3A_895 = tpu.vector_load %arg8[%parallel_loop3A_893, %parallel_loop3A_894] {strides = array<i32>} : memref<320x64xbf16, #tpu.memory_space<vmem>>, vector<32xbf16>,
        %parallel_loop3A_896 = vector.bitcast %parallel_loop3A_895 : vector<32xbf16> to vector<16xi32>
        %parallel_loop3A_897 = arith.constant 16 : i32
        %parallel_loop3A_898 = vector.broadcast %parallel_loop3A_897 : i32 to vector<16xi32>
        %parallel_loop3A_899 = arith.shli %parallel_loop3A_896, %parallel_loop3A_898 : vector<16xi32>
        %parallel_loop3A_900 = vector.bitcast %parallel_loop3A_899 : vector<16xi32> to vector<16xf32>
        %parallel_loop3A_901 = arith.constant -65536 : i32
        %parallel_loop3A_902 = vector.broadcast %parallel_loop3A_901 : i32 to vector<16xi32>
        %parallel_loop3A_903 = arith.andi %parallel_loop3A_896, %parallel_loop3A_902 : vector<16xi32>
        %parallel_loop3A_904 = vector.bitcast %parallel_loop3A_903 : vector<16xi32> to vector<16xf32>
        %parallel_loop3A_905 = arith.addf %parallel_loop3A_889, %parallel_loop3A_900 : vector<16xf32>
        %parallel_loop3A_906 = arith.addf %parallel_loop3A_890, %parallel_loop3A_904 : vector<16xf32>
        %parallel_loop3A_907 = arith.constant 64 : i32
        %parallel_loop3A_908 = arith.addi %parallel_loop3A_209, %parallel_loop3A_907 : i32
        %parallel_loop3A_909 = arith.constant 32 : i32
        %parallel_loop3A_910 = arith.addi %parallel_loop3A_908, %parallel_loop3A_909 : i32
        %parallel_loop3A_911 = arith.constant 2 : i32
        %parallel_loop3A_912 = vector.broadcast %parallel_loop3A_911 : i32 to vector<16xi32>
        %parallel_loop3A_913 = arith.muli %iota3A, %parallel_loop3A_912 : vector<16xi32>
        %parallel_loop3A_914 = vector.broadcast %parallel_loop3A_910 : i32 to vector<16xi32>
        %parallel_loop3A_915 = arith.addi %parallel_loop3A_914, %parallel_loop3A_913 : vector<16xi32>
        %parallel_loop3A_916 = arith.mulf %parallel_loop3A_240, %bitcast3A_67 : vector<16xf32>
        %parallel_loop3A_917 = arith.subf %parallel_loop3A_905, %parallel_loop3A_916 : vector<16xf32>
        %parallel_loop3A_918 = arith.mulf %parallel_loop3A_917, %parallel_loop3A_239 : vector<16xf32>
        tpu.vector_store_idx %arg14[%parallel_loop3A_915], %parallel_loop3A_918 : memref<65536xf32, #tpu.memory_space<vmem>>[vector<16xi32>], vector<16xf32>,
        %parallel_loop3A_919 = arith.constant 1 : i32
        %parallel_loop3A_920 = vector.broadcast %parallel_loop3A_919 : i32 to vector<16xi32>
        %parallel_loop3A_921 = arith.addi %parallel_loop3A_915, %parallel_loop3A_920 : vector<16xi32>
        %parallel_loop3A_922 = arith.mulf %parallel_loop3A_240, %bitcast3A_71 : vector<16xf32>
        %parallel_loop3A_923 = arith.subf %parallel_loop3A_906, %parallel_loop3A_922 : vector<16xf32>
        %parallel_loop3A_924 = arith.mulf %parallel_loop3A_923, %parallel_loop3A_239 : vector<16xf32>
        tpu.vector_store_idx %arg14[%parallel_loop3A_921], %parallel_loop3A_924 : memref<65536xf32, #tpu.memory_space<vmem>>[vector<16xi32>], vector<16xf32>,
      } {sc.loop_unroll_factor = 2 : i64, sc.parallel_access}
    }
    %scan3A_77 = arith.constant 16 : i32
    %mul3A_78 = arith.constant 2 : i32
    %mul3A_79 = arith.muli %mul3A_2, %mul3A_78 : i32
    %mul3A_80 = arith.constant 64 : i32
    %mul3A_81 = arith.muli %mul3A_79, %mul3A_80 : i32
    "tpu.region"() ({
      %run_scoped3A_82 = tpu.sem_alloc : memref<!tpu.dma_semaphore, #tpu.memory_space<semaphore_mem>>
      %dma_start3A_83 = tpu.memref_slice %arg6[%mul3A_81] : memref<2097152xf32, #tpu.memory_space<hbm>> -> memref<65536xf32, #tpu.memory_space<hbm>>
      %dma_start3A_84 = tpu.memref_slice %arg6[%mul3A_81] : memref<2097152xf32, #tpu.memory_space<hbm>> -> memref<65536xf32, #tpu.memory_space<hbm>>
      tpu.enqueue_dma source(%arg14 : memref<65536xf32, #tpu.memory_space<vmem>>) target(%dma_start3A_84 : memref<65536xf32, #tpu.memory_space<hbm>>) target_semaphore(%run_scoped3A_82 : memref<!tpu.dma_semaphore, #tpu.memory_space<semaphore_mem>>)
      %dma_wait3A = tpu.memref_slice %arg6[%mul3A_81] : memref<2097152xf32, #tpu.memory_space<hbm>> -> memref<65536xf32, #tpu.memory_space<hbm>>
      %dma_wait3A_85 = tpu.memref_slice %arg6[%mul3A_81] : memref<2097152xf32, #tpu.memory_space<hbm>> -> memref<65536xf32, #tpu.memory_space<hbm>>
      tpu.wait_dma2 semaphore(%run_scoped3A_82 : memref<!tpu.dma_semaphore, #tpu.memory_space<semaphore_mem>>) src(%arg14 : memref<65536xf32, #tpu.memory_space<vmem>>) dst(%dma_wait3A_85 : memref<65536xf32, #tpu.memory_space<hbm>>)
      tpu.yield
    }) : () -> ()
    return
  }
}

</mosaic_0001>

<sc_bundles>
// kernel: kernel.3.cloned.1.call-start
scs
__scs_entry_jumppad:
0x0: {  	(pc) =	sbr.rel $0x88, $3  }
0x1: {  	(tag) =	ssettag $0x0;
	lr =	simm.s32 $0x1  }
0x2: {  	[smem:$0x3F9D] =	sst lr;
	_ =	strace $0xD0000000  }
0x3: {  	_ = 	snop  }
0x4: {  	_ = 	snop  }
0x5: {  	_ = 	snop  }
0x6: {  	_ = 	snop  }
0x7: {  	_ = 	snop  }
__scs_overlays_trampoline_lowered:
0x8: {  	[smem:$0x3FAC] =	sst s0  }
0x9: {  	[smem:$0x3FAD] =	sst s1  }
0xa: {  	[smem:$0x3FAE] =	sst s2  }
0xb: {  	[smem:$0x3FAF] =	sst s3  }
0xc: {  	[smem:$0x3FB0] =	sst s4  }
0xd: {  	[smem:$0x3FB1] =	sst s5  }
0xe: {  	[smem:$0x3FB2] =	sst s6  }
0xf: {  	[smem:$0x3FB3] =	sst s7  }
0x10: {  	[smem:$0x3FB4] =	sst s8  }
0x11: {  	[smem:$0x3FB5] =	sst s9;
	s0 =	simm.s32 @!p0 $0x0  }
0x12: {  	s1 =	sld [smem:$0x3F9B];
	s0 =	simm.s32 @p0 $0x1  }
0x13: {  	[smem:$0x3FB6] =	sst s0;
	s0 =	simm.s32 @!p1 $0x0  }
0x14: {  	s2 =	sld [smem:$0x3F9A];
	s0 =	simm.s32 @p1 $0x1  }
0x15: {  	[smem:$0x3FB7] =	sst s0;
	s0 =	simm.s32 @!p2 $0x0  }
0x16: {  	s3 =	sld [smem:$0x3FDB];
	s0 =	simm.s32 @p2 $0x1  }
0x17: {  	s4 =	simm.s32 $0x1BF5;
	[smem:$0x3FB9] =	sst s0  }
0x18: {  	s0 =	sld [smem:$0x3F9C];
	_ =	swait.ge [sflag:s4], $0x0  }
0x19: {  	s7 =	sld [smem:$0x3F9D]  }
0x1a: {  	s8 =	sadd.s32 $0xFFFFE003, lr  }
0x1b: {  	s9 =	sadd.s32 $0xFFFFFEF7, lr;
	s5 =	simm.s32 $0xFFFFFFFF;
	p2 =	slt.u32 s8, $0xFFFFF086  }
0x1c: {  	p1 =	slt.u32 s9, $0xF7A;
	s5 =	simm.s32 @!p2 $0x0  }
0x1d: {  	s5 =	simm.s32 @p1 $0x1;
	p0 =	seq.s32 s7, s2  }
0x1e: {  	s7 =	smul.u32 @!p0 $0xF7A, s2;
	p2 =	seq.s32 @!p0 s5, $0x0  }
0x1f: {  	s9 =	smul.u32 $0xF7A, s1;
	s8 =	simm.s32 @!p0 $0x1BF5;
	p2 =	por !p2, p0  }
0x20: {  	[sflag:s8] =	ssyncset.s32 @!p0 $0xFFFFF086;
	s6 =	sadd.s32 @!p0 s3, s7;
	s7 =	simm.s32 @!p0 $0x108  }
0x21: {  	s3 =	sadd.s32 s3, s9;
	s6 =	sadd.s32 @!p0 $0x88, s6;
	s7 =	simm.s32 @p2 $0x1082  }
0x22: {  	[simem:s7], [sflag:s8] =	dma.local @!p0 [hbm:s6], $0xF7A  }
0x23: {  	s9 =	sor.u32 $0xD0000000, s2;
	s6 =	simm.s32 $0x108;
	_ =	swait.ge @!p0 [sflag:s8], $0x0  }
0x24: {  	s3 =	sadd.s32 $0x88, s3;
	s6 =	simm.s32 @!p1 $0x1082;
	[sflag:s4] =	ssyncset.s32 $0xFFFFF086  }
0x25: {  	[simem:s6], [sflag:s4] =	dma.local [hbm:s3], $0xF7A  }
0x26: {  	[smem:$0x3F9D] =	sst s1;
	(tag) =	ssettag s2;
	_ =	strace s9  }
0x27: {  	s1 =	sld [smem:$0x3FAD]  }
0x28: {  	s2 =	sld [smem:$0x3FAE]  }
0x29: {  	s4 =	sld [smem:$0x3FB0]  }
0x2a: {  	p0 =	seq.s32 s5, $0x0;
	s5 =	sld [smem:$0x3FB1]  }
0x2b: {  	s6 =	sld [smem:$0x3FB2]  }
0x2c: {  	s7 =	sld [smem:$0x3FB3]  }
0x2d: {  	s3 =	simm.s32 $0x108;
	s8 =	sld [smem:$0x3FB4]  }
0x2e: {  	s3 =	simm.s32 @!p0 $0x1082;
	s9 =	sld [smem:$0x3FB5]  }
0x2f: {  	lr =	sadd.s32 s0, s3;
	s0 =	sld [smem:$0x3FAC]  }
0x30: {  	s3 =	sld [smem:$0x3FAF]  }
0x31: {  	[smem:$0x3FB8] =	sst s10  }
0x32: {  	s10 =	sld [smem:$0x3FB6];
	_ =	sdelay $0x3  }
0x33: {  	p0 =	seq.s32 s10, $0x1;
	s10 =	sld [smem:$0x3FB8];
	_ =	sdelay $0x3  }
0x34: {  	[smem:$0x3FB8] =	sst s10  }
0x35: {  	s10 =	sld [smem:$0x3FB7];
	_ =	sdelay $0x3  }
0x36: {  	p1 =	seq.s32 s10, $0x1;
	s10 =	sld [smem:$0x3FB8];
	_ =	sdelay $0x3  }
0x37: {  	[smem:$0x3FB8] =	sst s10  }
0x38: {  	s10 =	sld [smem:$0x3FB9]  }
0x39: {  	_ = 	snop;
	(pc) =	sbr.ind lr, $3  }
0x3a: {  	_ = 	snop  }
0x3b: {  	_ = 	snop  }
0x3c: {  	p2 =	seq.s32 s10, $0x1;
	s10 =	sld [smem:$0x3FB8]  }
0x3d: {  	_ =	shalt  }
0x3e: {  	_ =	shalt  }
0x3f: {  	_ =	shalt  }
0x40: {  	_ =	shalt  }
0x41: {  	_ =	shalt  }
0x42: {  	_ =	shalt  }
0x43: {  	_ =	shalt  }
0x44: {  	_ =	shalt  }
0x45: {  	_ =	shalt  }
0x46: {  	_ =	shalt  }
0x47: {  	_ =	shalt  }
0x48: {  	_ =	shalt  }
0x49: {  	_ =	shalt  }
0x4a: {  	_ =	shalt  }
0x4b: {  	_ =	shalt  }
0x4c: {  	_ =	shalt  }
0x4d: {  	_ =	shalt  }
0x4e: {  	_ =	shalt  }
0x4f: {  	_ =	shalt  }
0x50: {  	_ =	shalt  }
0x51: {  	_ =	shalt  }
0x52: {  	_ =	shalt  }
0x53: {  	_ =	shalt  }
0x54: {  	_ =	shalt  }
0x55: {  	_ =	shalt  }
0x56: {  	_ =	shalt  }
0x57: {  	_ =	shalt  }
0x58: {  	_ =	shalt  }
0x59: {  	_ =	shalt  }
0x5a: {  	_ =	shalt  }
0x5b: {  	_ =	shalt  }
0x5c: {  	_ =	shalt  }
0x5d: {  	_ =	shalt  }
0x5e: {  	_ =	shalt  }
0x5f: {  	_ =	shalt  }
0x60: {  	_ =	shalt  }
0x61: {  	_ =	shalt  }
0x62: {  	_ =	shalt  }
0x63: {  	_ =	shalt  }
0x64: {  	_ =	shalt  }
0x65: {  	_ =	shalt  }
0x66: {  	_ =	shalt  }
0x67: {  	_ =	shalt  }
0x68: {  	_ =	shalt  }
0x69: {  	_ =	shalt  }
0x6a: {  	_ =	shalt  }
0x6b: {  	_ =	shalt  }
0x6c: {  	_ =	shalt  }
0x6d: {  	_ =	shalt  }
0x6e: {  	_ =	shalt  }
0x6f: {  	_ =	shalt  }
0x70: {  	_ =	shalt  }
0x71: {  	_ =	shalt  }
0x72: {  	_ =	shalt  }
0x73: {  	_ =	shalt  }
0x74: {  	_ =	shalt  }
0x75: {  	_ =	shalt  }
0x76: {  	_ =	shalt  }
0x77: {  	_ =	shalt  }
0x78: {  	_ =	shalt  }
0x79: {  	_ =	shalt  }
0x7a: {  	_ =	shalt  }
0x7b: {  	_ =	shalt  }
0x7c: {  	_ =	shalt  }
0x7d: {  	_ =	shalt  }
0x7e: {  	_ =	shalt  }
0x7f: {  	_ =	shalt  }
0x80: {  	_ =	shalt  }
0x81: {  	_ =	shalt  }
0x82: {  	_ =	shalt  }
0x83: {  	_ =	shalt  }
0x84: {  	_ =	shalt  }
0x85: {  	_ =	shalt  }
0x86: {  	_ =	shalt  }
0x87: {  	_ =	shalt  }
.Lfunc_end0:
.L_simem_size_0:
called_computation_lowered:
.L_overlay_start_0:
0x88: {  	s2 =	sld [smem:$0x3FD9]  }
0x89: {  	s3 =	sld [smem:$0x3FFE];
	_ =	sdelay $0x1  }
0x8a: {  	s1 =	srdreg.scid  }
0x8b: {  	s0 =	sand.u32 $0x1, s1  }
0x8c: {  	s17 =	sshll.u32 s0, $0xA;
	s2 =	sadd.s32 s3, s2  }
0x8d: {  	s2 =	sadd.s32 s2, s17  }
0x8e: {  	[smem:$0x3FC4] =	sst s2  }
0x8f: {  	_ = 	snop  }
0x90: {  	s2 =	sld [smem:$0x3FC9]  }
0x91: {  	s18 =	sld [smem:$0x3FD0];
	(tm) =	ssettm $0x1  }
0x92: {  	s4 =	sld [smem:$0x3FFB];
	_ =	sdelay $0x3  }
0x93: {  	_ =	strace s4  }
0x94: {  	s4 =	sld [smem:$0x3FFC];
	_ =	sdelay $0x3  }
0x95: {  	_ =	strace s4  }
0x96: {  	s4 =	sld [smem:$0x3FFD];
	_ =	sdelay $0x3  }
0x97: {  	_ =	strace s4  }
0x98: {  	_ =	strace $0x8FFFFFFF  }
0x99: {  	s19 =	sld [smem:$0x3FDB];
	_ =	sdelay $0x1  }
0x9a: {  	s5 =	simm.s32 $_scs_section_size  }
0x9b: {  	s6 =	simm.s32 $_size__tile_overlayer_lowered;
	s7 =	simm.s32 $_tile_overlayer_lowered  }
0x9c: {  	s22 =	simm.s32 $0x1BFF;
	s21 =	sshll.u32 s7, $0x1;
	s4 =	sadd.s32 s5, s19  }
0x9d: {  	s8 =	simm.s32 $0x0;
	s20 =	sshll.u32 s6, $0x1;
	s6 =	sadd.s32 s21, s4  }
0x9e: {  	[timem:s8], [sflag:s22] =	dma.local [hbm:s6], s20  }
0x9f: {  	_ =	swait.ge [sflag:s22], s20  }
0xa0: {  	s5 =	ssub.s32 $0x0, s20;
	[sflag:s22] =	ssyncset.done $0x0  }
0xa1: {  	[sflag:s22] =	ssyncadd.s32 s5;
	_ =	sdelay $0x1  }
0xa2: {  	s23 =	simm.s32 $0x1B8B  }
0xa3: {  	_ =	swait.ge [sflag:s23], $0x1  }
0xa4: {  	[sflag:s23] =	ssyncset.done $0x0  }
0xa5: {  	s25 =	simm.s32 $0x1B8E;
	s24 =	sld [smem:$0x3FFE];
	[sflag:s23] =	ssyncadd.s32 $0xFFFFFFFF  }
0xa6: {  	s26 =	simm.s32 $execute0_lowered;
	[smem:$0x3FD2] =	sst s25  }
0xa7: {  	s6 =	sshll.u32 s26, $0x1;
	_ =	strace $0x80000046;
	[dreg:$0x1] =	wrdreg $0xFFFFFFFF  }
0xa8: {  	s28 =	simm.s32 $_size_execute0_lowered;
	s4 =	sadd.s32 s4, s6;
	[dreg:$0x0] =	wrdreg $0x0  }
0xa9: {  	s6 =	sshll.u32 s28, $0x1;
	[dreg:$0x2] =	wrdreg s4  }
0xaa: {  	[dreg:$0x3] =	wrdreg s6  }
0xab: {  	[dreg:$0x4] =	wrdreg $0xC0  }
0xac: {  	_ =	task [dreg:s8], $0x5FFFF  }
0xad: {  	[dreg:$0x1] =	wrdreg $0xFFFFFFFF  }
0xae: {  	[dreg:$0x0] =	wrdreg $0x60  }
0xaf: {  	[dreg:$0x2] =	wrdreg s2  }
0xb0: {  	[dreg:$0x3] =	wrdreg s24  }
0xb1: {  	[dreg:$0x4] =	wrdreg s18  }
0xb2: {  	[dreg:$0x5] =	wrdreg $0x9  }
0xb3: {  	_ =	task.clear_ibuf [dreg:s8], $0x6FFFF;
	_ =	strace $0x90000046  }
0xb4: {  	s29 =	simm.s32 $0x9;
	_ =	strace $0x80000048  }
0xb5: {  	_ =	swait.ge [sflag:s29], $0x1  }
0xb6: {  	[sflag:s29] =	ssyncadd.s32 $0xFFFFFFFF  }
0xb7: {  	_ =	strace $0x90000048  }
0xb8: {  	_ =	sfence  }
0xb9: {  	s30 =	sld [smem:$0x0];
	_ =	sdelay $0x2  }
0xba: {  	s31 =	sshll.u32 s1, $0xD;
	s1 =	sshrl.u32 s1, $0x2  }
0xbb: {  	s3 =	sand.u32 $0x4000, s31;
	s1 =	sadd.s32 s1, s30  }
0xbc: {  	s0 =	sor.u32 s3, s0;
	s1 =	sshll.u32 s1, $0x11  }
0xbd: {  	s0 =	sor.u32 s1, s0  }
0xbe: {  	s0 =	sadd.s32 $0x8F2B, s0  }
0xbf: {  	[sflag:s0] =	ssyncadd.remote.s32 $0x1  }
0xc0: {  	_ =	sfence.sel $0xFFFF  }
0xc1: {  	[dreg:$0x0] =	wrdreg $0xFFFFFFFF;
	(pc) =	sbr.abs _section_cstart, $3  }
0xc2: {  	[dreg:$0x1] =	wrdreg $0xFFFFFFFF  }
0xc3: {  	_ =	task.clear_ibuf [dreg:s8], $0x2FFFF;
	_ =	strace $0x9FFFFFFF  }
0xc4: {  	(tm) =	ssettm $0x7FFFFFFF  }
0xc5: {  	_ =	shalt  }
tec
execute0_lowered:
.L_overlay_start_1:
0x0: {  	(tag) =	ssettag $0x1  }
0x1: {  	s0 =	rddreg [dreg:$0x0];
	v2 =	vlaneseq.u32  }
0x2: {  	s2 =	rddreg [dreg:$0x1];
	s9 =	simm.s32 $0x0;
	v1 =	vmul.u32 $0x14, v2  }
0x3: {  	[smem:$0x7FF] =	sst s9  }
0x4: {  	s5 =	rddreg [dreg:$0x2];
	_ =	strace $0x80000047;
	v6 =	vor.u32 $0x1, v1;
	[tilespmem:$0x1FF20] =	vst v1  }
0x5: {  	s1 =	srdreg.scid;
	s3 =	stileid.u32;
	v8 =	vor.u32 $0x2, v1;
	[tilespmem:$0x1FF30] =	vst v6  }
0x6: {  	s12 =	simm.s32 $0x6C00;
	s13 =	simm.s32 $0x50;
	s20 =	simm.s32 $0x10;
	v10 =	vor.u32 $0x3, v1;
	[tilespmem:$0x1FF40] =	vst v8  }
0x7: {  	v5 =	vimm.s32 $0x0;
	s22 =	simm.s32 $0x2800;
	s28 =	simm.s32 $0x1;
	s29 =	simm.s32 $0x19600;
	v0 =	vand.u32 $0x3, v2;
	v12 =	vadd.s32 $0x4, v1;
	[tilespmem:$0x1FF50] =	vst v10  }
0x8: {  	s30 =	simm.s32 $0x19800;
	s1 =	sand.u32 $0x1, s1;
	s3 =	sshll.u32 s3, $0x1;
	v9 =	vand.u32 $0x1, v2;
	v32 =	vmul.u32 $0x2, v0;
	v14 =	vadd.s32 $0x5, v1;
	[tilespmem:$0x1FF60] =	vst v12  }
0x9: {  	s31 =	simm.s32 $0x9600;
	s6 =	sor.u32 s1, s3;
	s1 =	ssub.s32 $0x2, s1;
	v0 =	vmul.u32 $0x2, v2;
	v3 =	vmul.u32 $0x4, v9;
	v16 =	vadd.s32 $0x6, v1;
	[tilespmem:$0x1FF70] =	vst v14  }
0xa: {  	s4 =	sadd.s32 $0x800, s2;
	v19 =	vmul.u32 $0xFFFFFFFC, v9;
	s3 =	smul.u32 $0x280, s6;
	s8 =	sshrl.u32 s1, $0x1;
	v18 =	vadd.s32 $0x7, v1;
	v20 =	vadd.s32 $0x8, v1;
	[tilespmem:$0x1FF80] =	vst v16  }
0xb: {  	s24 =	sshll.u32 s6, $0x6;
	s6 =	sshll.u32 s6, $0xD;
	v21 =	vadd.s32 $0x9, v1;
	v22 =	vadd.s32 $0xA, v1;
	v23 =	vadd.s32 $0xB, v1;
	s1 =	ssub.s32 s1, s8;
	[tilespmem:$0x1FF90] =	vst v18  }
0xc: {  	v24 =	vadd.s32 $0xC, v1;
	v25 =	vadd.s32 $0xD, v1;
	v26 =	vadd.s32 $0xE, v1;
	s0 =	sadd.s32 s0, s24;
	s25 =	sadd.s32 s5, s6;
	s5 =	simm.s32 $0x3;
	[tilespmem:$0x1FFA0] =	vst v20  }
0xd: {  	v27 =	vadd.s32 $0xF, v1;
	v28 =	vadd.s32 $0x10, v1;
	v29 =	vadd.s32 $0x11, v1;
	s6 =	simm.s32 $0x9400;
	s24 =	simm.s32 $0x3C00;
	[tilespmem:$0x1FFB0] =	vst v21;
	[dreg:$0x5] =	wrdreg s0  }
0xe: {  	v30 =	vadd.s32 $0x12, v1;
	v31 =	vadd.s32 $0x13, v1;
	v2 =	vor.u32 $0xFFFFFFF8, v32;
	[tilespmem:$0x1FFC0] =	vst v22;
	s7 =	sadd.s32 s3, s2;
	s3 =	sadd.s32 $0x187400, s2;
	[dreg:$0x6] =	wrdreg s25  }
0xf: {  	v4 =	vor.u32 $0x1, v0;
	v7 =	vor.u32 $0x1, v3;
	v9 =	vor.u32 $0x2, v3;
	[tilespmem:$0x1FFD0] =	vst v23;
	s26 =	smax.u32 s1, $0x1;
	s25 =	simm.s32 $0x4600;
	s1 =	simm.s32 $0x2  }
0x10: {  	v11 =	vor.u32 $0x3, v3;
	v13 =	vadd.s32 $0x4, v19;
	v15 =	vadd.s32 $0x5, v19;
	[tilespmem:$0x1FFE0] =	vst v24;
	s2 =	simm.s32 $0x0;
	s23 =	sadd.s32 $0xA600, s7;
	[dreg:$0x7] =	wrdreg s26  }
0x11: {  	v17 =	vadd.s32 $0x6, v19;
	v19 =	vadd.s32 $0x7, v19;
	v32 =	vor.u32 $0xFFFFFFD8, v32;
	[tilespmem:$0x1FFF0] =	vst v25;
	s26 =	simm.s32 $0x5400;
	[dreg:$0x4] =	wrdreg s23;
	s23 =	simm.s32 $0x3200  }
.LBB2_1:
0x12: {  	[dreg:$0x8] =	wrdreg s2  }
0x13: {  	s0 =	simm.s32 $0x5800;
	s18 =	rddreg [dreg:$0x4]  }
0x14: {  	[tilespmem:s0], [sflag:$0x3] =	stream.linear.gather [hbm4b:s18+s9], $0x1400, $0x38;
	[tilespmem:$0x19A20] =	vst v63  }
0x15: {  	_ =	swait.ge [sflag:s5], $0x1400  }
0x16: {  	[sflag:s5] =	ssyncset.done $0x0  }
0x17: {  	s19 =	rddreg [dreg:$0x5];
	[sflag:s5] =	ssyncadd.s32 $0xFFFFEC00  }
0x18: {  	[tilespmem:s6], [sflag:$0x3] =	stream.linear.gather [hbm4b:s19+s9], $0x200, $0x38;
	[tilespmem:$0x19A20] =	vst v63  }
0x19: {  	_ =	swait.ge [sflag:s5], $0x200  }
0x1a: {  	[sflag:s5] =	ssyncset.done $0x0  }
0x1b: {  	s21 =	simm.s32 $0x19A00;
	[sflag:s5] =	ssyncadd.s32 $0xFFFFFE00  }
0x1c: {  	[tilespmem:s21], [sflag:$0x3] =	stream.linear.gather [hbm4b:s4+s9], $0x20, $0x38;
	[tilespmem:$0x19A20] =	vst v63  }
0x1d: {  	_ =	swait.ge [sflag:s5], $0x20  }
0x1e: {  	[sflag:s5] =	ssyncset.done $0x0  }
0x1f: {  	[sflag:s5] =	ssyncadd.s32 $0xFFFFFFE0  }
0x20: {  	v34 =	vor.u32 s9, v0;
	v33 =	vld [tilespmem:s0+$0x0]  }
0x21: {  	s2 =	simm.s32 $0x20;
	v34 =	vand.u32 v2, v34;
	s5 =	simm.s32 $0x0  }
.LBB2_2:
0x22: {  	p0 =	sne.s32 s2, $0x27E0;
	v35 =	vor.u32 s5, v4;
	s5 =	smov.u32 s2;
	_ =	sdelay $0x2  }
.Ltmp0:
0x23: {  	v36 =	vand.u32 $0xFFFF, v33;
	v33 =	vshrl.u32 v33, $0x10;
	(pc) =	sbr.rel @p0 .LBB2_2-.Ltmp0, $4  }
0x24: {  	[tilespmem:v34+s12+$0x0] =	vst.idx.msk $0xffff, v36  }
0x25: {  	s0 =	sadd.s32 $0x10, s0;
	[tilespmem:v35+s12+$0x0] =	vst.idx.msk $0xffff, v33  }
0x26: {  	v34 =	vor.u32 s2, v0;
	v33 =	vld [tilespmem:s0+$0x0]  }
0x27: {  	s2 =	sadd.s32 $0x20, s2;
	v34 =	vand.u32 v2, v34  }
0x28: {  	v35 =	vor.u32 s5, v4;
	_ =	sdelay $0x2  }
0x29: {  	v36 =	vand.u32 $0xFFFF, v33  }
0x2a: {  	v55 =	vshrl.u32 v33, $0x10;
	[tilespmem:v34+s12+$0x0] =	vst.idx.msk $0xffff, v36  }
0x2b: {  	s0 =	simm.s32 $0x0;
	[tilespmem:v35+s12+$0x0] =	vst.idx.msk $0xffff, v55  }
0x2c: {  	[tilespmem:s0], [sflag:$0x1] =	stream.indirect.gather [hbm4b:s4+s13], $0x20, s12, s13, $0xb8;
	[tilespmem:$0x19A20] =	vst v63  }
0x2d: {  	s2 =	simm.s32 $0x6C50;
	s14 =	simm.s32 $0xA00  }
0x2e: {  	v56 =	vadd.s32 s0, v6;
	[tilespmem:s14], [sflag:$0x1] =	stream.indirect.gather [hbm4b:s4+s13], $0x20, s2, s13, $0xb8;
	[tilespmem:$0x19A20] =	vst v63  }
0x2f: {  	s15 =	simm.s32 $0x6CA0;
	s16 =	simm.s32 $0x1400;
	v57 =	vadd.s32 s0, v1;
	v33 =	vand.u32 $0x7FF8, v56  }
0x30: {  	v34 =	vand.u32 $0x7FF8, v57;
	v33 =	vor.u32 v7, v33;
	[tilespmem:s16], [sflag:$0x1] =	stream.indirect.gather [hbm4b:s4+s13], $0x20, s15, s13, $0xb8;
	[tilespmem:$0x19A20] =	vst v63  }
0x31: {  	s17 =	simm.s32 $0x6CF0;
	s18 =	simm.s32 $0x1E00;
	v58 =	vadd.s32 s0, v8;
	v34 =	vor.u32 v3, v34  }
0x32: {  	v35 =	vand.u32 $0x7FF8, v58;
	[tilespmem:s18], [sflag:$0x1] =	stream.indirect.gather [hbm4b:s4+s13], $0x20, s17, s13, $0xb8;
	[tilespmem:$0x19A20] =	vst v63  }
0x33: {  	s19 =	simm.s32 $0x5000;
	v59 =	vadd.s32 s0, v10;
	v35 =	vor.u32 v9, v35  }
0x34: {  	v36 =	vand.u32 $0x7FF8, v59;
	[tilespmem:s19], [sflag:$0x1] =	stream.indirect.gather [hbm4b:s3+s20], $0x40, s6, s20, $0xb8;
	[tilespmem:$0x19A20] =	vst v63  }
0x35: {  	v37 =	vadd.s32 s0, v12;
	v36 =	vor.u32 v11, v36;
	v33 =	vld.idx.msk [tilespmem:v33+s12+$0x0], $0xffff  }
0x36: {  	v37 =	vand.u32 $0x7FF8, v37;
	v34 =	vld.idx.msk [tilespmem:v34+s12+$0x0], $0xffff  }
0x37: {  	v38 =	vadd.s32 s0, v14;
	v37 =	vor.u32 v13, v37  }
0x38: {  	v38 =	vand.u32 $0x7FF8, v38;
	v35 =	vld.idx.msk [tilespmem:v35+s12+$0x0], $0xffff  }
0x39: {  	v39 =	vadd.s32 s0, v16;
	v38 =	vor.u32 v15, v38  }
0x3a: {  	v40 =	vadd.s32 s0, v18;
	v41 =	vadd.s32 s0, v20;
	v39 =	vand.u32 $0x7FF8, v39;
	v36 =	vld.idx.msk [tilespmem:v36+s12+$0x0], $0xffff  }
0x3b: {  	v39 =	vor.u32 v17, v39;
	vm0 =	vne.s32 v34, $0x0;
	vm1 =	vne.s32 v33, $0x0  }
0x3c: {  	v60 =	vand.u32 $0x7FF8, v40;
	v61 =	vld.idx.msk [tilespmem:v37+s12+$0x0], $0xffff;
	v62 =	vsel vm0, $0x3F800000, v5;
	v63 =	vsel vm1, $0x3F800000, v5  }
0x3d: {  	v33 =	vor.u32 v19, v60;
	vm14 =	vne.s32 v35, $0x0;
	v37 =	vadd.f32 v63, v62  }
0x3e: {  	v46 =	vadd.s32 s0, v21;
	v44 =	vand.u32 $0x7FF8, v41;
	v38 =	vld.idx.msk [tilespmem:v38+s12+$0x0], $0xffff;
	v45 =	vsel vm14, $0x3F800000, v5  }
0x3f: {  	v35 =	vor.u32 v3, v44;
	vm15 =	vne.s32 v36, $0x0;
	v37 =	vadd.f32 v45, v37  }
0x40: {  	v49 =	vadd.s32 s0, v22;
	v47 =	vand.u32 $0x7FF8, v46;
	v39 =	vld.idx.msk [tilespmem:v39+s12+$0x0], $0xffff;
	v48 =	vsel vm15, $0x3F800000, v5  }
0x41: {  	v36 =	vor.u32 v7, v47;
	vm4 =	vne.s32 v61, $0x0;
	v37 =	vadd.f32 v48, v37  }
0x42: {  	v52 =	vadd.s32 s0, v23;
	v50 =	vand.u32 $0x7FF8, v49;
	v51 =	vsel vm4, $0x3F800000, v5;
	v33 =	vld.idx.msk [tilespmem:v33+s12+$0x0], $0xffff  }
0x43: {  	v34 =	vor.u32 v9, v50;
	vm5 =	vne.s32 v38, $0x0;
	v37 =	vadd.f32 v51, v37  }
0x44: {  	v53 =	vand.u32 $0x7FF8, v52;
	v55 =	vadd.s32 s0, v24;
	v54 =	vsel vm5, $0x3F800000, v5;
	v35 =	vld.idx.msk [tilespmem:v35+s12+$0x0], $0xffff  }
0x45: {  	v38 =	vor.u32 v11, v53;
	vm6 =	vne.s32 v39, $0x0;
	v37 =	vadd.f32 v54, v37  }
0x46: {  	v58 =	vadd.s32 s0, v25;
	v56 =	vand.u32 $0x7FF8, v55;
	v57 =	vsel vm6, $0x3F800000, v5;
	v36 =	vld.idx.msk [tilespmem:v36+s12+$0x0], $0xffff  }
0x47: {  	v39 =	vor.u32 v13, v56;
	vm7 =	vne.s32 v33, $0x0;
	v37 =	vadd.f32 v57, v37  }
0x48: {  	v59 =	vand.u32 $0x7FF8, v58;
	v61 =	vadd.s32 s0, v26;
	v34 =	vld.idx.msk [tilespmem:v34+s12+$0x0], $0xffff;
	v60 =	vsel vm7, $0x3F800000, v5  }
0x49: {  	v33 =	vor.u32 v15, v59;
	vm8 =	vne.s32 v35, $0x0;
	v37 =	vadd.f32 v60, v37  }
0x4a: {  	v44 =	vadd.s32 s0, v27;
	v62 =	vand.u32 $0x7FF8, v61;
	v38 =	vld.idx.msk [tilespmem:v38+s12+$0x0], $0xffff;
	v63 =	vsel vm8, $0x3F800000, v5  }
0x4b: {  	v35 =	vor.u32 v17, v62;
	vm9 =	vne.s32 v36, $0x0;
	v37 =	vadd.f32 v63, v37  }
0x4c: {  	v47 =	vadd.s32 s0, v28;
	v45 =	vand.u32 $0x7FF8, v44;
	v39 =	vld.idx.msk [tilespmem:v39+s12+$0x0], $0xffff;
	v46 =	vsel vm9, $0x3F800000, v5  }
0x4d: {  	v36 =	vor.u32 v19, v45;
	vm10 =	vne.s32 v34, $0x0;
	v37 =	vadd.f32 v46, v37  }
0x4e: {  	v50 =	vadd.s32 s0, v29;
	v48 =	vand.u32 $0x7FF8, v47;
	v49 =	vsel vm10, $0x3F800000, v5;
	v33 =	vld.idx.msk [tilespmem:v33+s12+$0x0], $0xffff  }
0x4f: {  	v34 =	vor.u32 v3, v48;
	vm11 =	vne.s32 v38, $0x0;
	v37 =	vadd.f32 v49, v37  }
0x50: {  	v53 =	vadd.s32 s0, v30;
	v51 =	vand.u32 $0x7FF8, v50;
	v52 =	vsel vm11, $0x3F800000, v5;
	v35 =	vld.idx.msk [tilespmem:v35+s12+$0x0], $0xffff  }
0x51: {  	v38 =	vor.u32 v7, v51;
	vm12 =	vne.s32 v39, $0x0;
	v37 =	vadd.f32 v52, v37  }
0x52: {  	v56 =	vadd.s32 s0, v31;
	v54 =	vand.u32 $0x7FF8, v53;
	v55 =	vsel vm12, $0x3F800000, v5;
	v36 =	vld.idx.msk [tilespmem:v36+s12+$0x0], $0xffff  }
0x53: {  	v39 =	vor.u32 v9, v54;
	vm13 =	vne.s32 v33, $0x0;
	v37 =	vadd.f32 v55, v37  }
0x54: {  	v58 =	vand.u32 $0x7FF8, v56;
	v57 =	vld.idx.msk [tilespmem:v34+s12+$0x0], $0xffff;
	v59 =	vsel vm13, $0x3F800000, v5  }
0x55: {  	v34 =	vor.u32 v11, v58;
	vm14 =	vne.s32 v35, $0x0;
	v37 =	vadd.f32 v59, v37  }
0x56: {  	v60 =	vld.idx.msk [tilespmem:v38+s12+$0x0], $0xffff;
	v61 =	vsel vm14, $0x3F800000, v5  }
0x57: {  	vm15 =	vne.s32 v36, $0x0;
	v37 =	vadd.f32 v61, v37  }
0x58: {  	v62 =	vld.idx.msk [tilespmem:v39+s12+$0x0], $0xffff;
	v63 =	vsel vm15, $0x3F800000, v5  }
0x59: {  	vm4 =	vne.s32 v57, $0x0;
	v37 =	vadd.f32 v63, v37  }
0x5a: {  	v40 =	vld.idx.msk [tilespmem:v34+s12+$0x0], $0xffff;
	v41 =	vsel vm4, $0x3F800000, v5  }
0x5b: {  	vm5 =	vne.s32 v60, $0x0;
	v34 =	vadd.f32 v41, v37  }
0x5c: {  	v35 =	vsel vm5, $0x3F800000, v5  }
0x5d: {  	vm6 =	vne.s32 v62, $0x0;
	v34 =	vadd.f32 v35, v34  }
0x5e: {  	v42 =	vsel vm6, $0x3F800000, v5  }
0x5f: {  	vm7 =	vne.s32 v40, $0x0;
	v34 =	vadd.f32 v42, v34  }
0x60: {  	v33 =	vsel vm7, $0x3F800000, v5  }
0x61: {  	v33 =	vadd.f32 v33, v34;
	_ =	sdelay $0x1  }
0x62: {  	v34 =	vmax.f32 v33, $1.000000000e+00  }
0x63: {  	(erf) = vrcp.f32 v34;
	_ =	sdelay $0x3  }
0x64: {  	s21 =	simm.s32 $0x140  }
0x65: {  	v43 =	vadd.s32 s21, v6  }
0x66: {  	v44 =	vadd.s32 s21, v1;
	v34 =	vand.u32 $0x7FF8, v43  }
0x67: {  	v35 =	vand.u32 $0x7FF8, v44;
	v34 =	vor.u32 v7, v34  }
0x68: {  	v45 =	vadd.s32 s21, v8;
	v35 =	vor.u32 v3, v35  }
0x69: {  	s2 =	simm.s32 $0x19600;
	v36 =	vand.u32 $0x7FF8, v45;
	v33 =	vsub.f32 $2.000000000e+01, v33;
	v46 =	vpop (erf)  }
0x6a: {  	s5 =	simm.s32 $0x19800;
	v47 =	vadd.s32 s21, v10;
	v36 =	vor.u32 v9, v36;
	[tilespmem:s2+$0x0] =	vst v46  }
0x6b: {  	v48 =	vand.u32 $0x7FF8, v47;
	[tilespmem:s5+$0x0] =	vst v33  }
0x6c: {  	v50 =	vadd.s32 s21, v12;
	v49 =	vor.u32 v11, v48;
	v33 =	vld.idx.msk [tilespmem:v34+s12+$0x0], $0xffff  }
0x6d: {  	v37 =	vand.u32 $0x7FF8, v50;
	v35 =	vld.idx.msk [tilespmem:v35+s12+$0x0], $0xffff  }
0x6e: {  	v51 =	vadd.s32 s21, v14;
	v37 =	vor.u32 v13, v37  }
0x6f: {  	v38 =	vand.u32 $0x7FF8, v51;
	v36 =	vld.idx.msk [tilespmem:v36+s12+$0x0], $0xffff  }
0x70: {  	v38 =	vor.u32 v15, v38;
	v52 =	vadd.s32 s21, v16  }
0x71: {  	v53 =	vadd.s32 s21, v18;
	v54 =	vadd.s32 s21, v20;
	v39 =	vand.u32 $0x7FF8, v52;
	v34 =	vld.idx.msk [tilespmem:v49+s12+$0x0], $0xffff  }
0x72: {  	v39 =	vor.u32 v17, v39;
	vm8 =	vne.s32 v35, $0x0;
	vm9 =	vne.s32 v33, $0x0  }
0x73: {  	v55 =	vand.u32 $0x7FF8, v53;
	v56 =	vld.idx.msk [tilespmem:v37+s12+$0x0], $0xffff;
	v57 =	vsel vm8, $0x3F800000, v5;
	v58 =	vsel vm9, $0x3F800000, v5  }
0x74: {  	v33 =	vor.u32 v19, v55;
	vm10 =	vne.s32 v36, $0x0;
	v37 =	vadd.f32 v58, v57  }
0x75: {  	v59 =	vand.u32 $0x7FF8, v54;
	v61 =	vadd.s32 s21, v21;
	v38 =	vld.idx.msk [tilespmem:v38+s12+$0x0], $0xffff;
	v60 =	vsel vm10, $0x3F800000, v5  }
0x76: {  	v36 =	vor.u32 v3, v59;
	vm11 =	vne.s32 v34, $0x0;
	v37 =	vadd.f32 v60, v37  }
0x77: {  	v62 =	vand.u32 $0x7FF8, v61;
	v44 =	vadd.s32 s21, v22;
	v39 =	vld.idx.msk [tilespmem:v39+s12+$0x0], $0xffff;
	v63 =	vsel vm11, $0x3F800000, v5  }
0x78: {  	v34 =	vor.u32 v7, v62;
	vm12 =	vne.s32 v56, $0x0;
	v37 =	vadd.f32 v63, v37  }
0x79: {  	v47 =	vadd.s32 s21, v23;
	v45 =	vand.u32 $0x7FF8, v44;
	v46 =	vsel vm12, $0x3F800000, v5;
	v33 =	vld.idx.msk [tilespmem:v33+s12+$0x0], $0xffff  }
0x7a: {  	v35 =	vor.u32 v9, v45;
	vm13 =	vne.s32 v38, $0x0;
	v37 =	vadd.f32 v46, v37  }
0x7b: {  	v48 =	vand.u32 $0x7FF8, v47;
	v50 =	vadd.s32 s21, v24;
	v49 =	vsel vm13, $0x3F800000, v5;
	v36 =	vld.idx.msk [tilespmem:v36+s12+$0x0], $0xffff  }
0x7c: {  	v38 =	vor.u32 v11, v48;
	vm14 =	vne.s32 v39, $0x0;
	v37 =	vadd.f32 v49, v37  }
0x7d: {  	v53 =	vadd.s32 s21, v25;
	v51 =	vand.u32 $0x7FF8, v50;
	v52 =	vsel vm14, $0x3F800000, v5;
	v34 =	vld.idx.msk [tilespmem:v34+s12+$0x0], $0xffff  }
0x7e: {  	v39 =	vor.u32 v13, v51;
	vm15 =	vne.s32 v33, $0x0;
	v37 =	vadd.f32 v52, v37  }
0x7f: {  	v54 =	vand.u32 $0x7FF8, v53;
	v56 =	vadd.s32 s21, v26;
	v35 =	vld.idx.msk [tilespmem:v35+s12+$0x0], $0xffff;
	v55 =	vsel vm15, $0x3F800000, v5  }
0x80: {  	v33 =	vor.u32 v15, v54;
	vm4 =	vne.s32 v36, $0x0;
	v37 =	vadd.f32 v55, v37  }
0x81: {  	v59 =	vadd.s32 s21, v27;
	v57 =	vand.u32 $0x7FF8, v56;
	v38 =	vld.idx.msk [tilespmem:v38+s12+$0x0], $0xffff;
	v58 =	vsel vm4, $0x3F800000, v5  }
0x82: {  	v36 =	vor.u32 v17, v57;
	vm5 =	vne.s32 v34, $0x0;
	v37 =	vadd.f32 v58, v37  }
0x83: {  	v62 =	vadd.s32 s21, v28;
	v60 =	vand.u32 $0x7FF8, v59;
	v39 =	vld.idx.msk [tilespmem:v39+s12+$0x0], $0xffff;
	v61 =	vsel vm5, $0x3F800000, v5  }
0x84: {  	v34 =	vor.u32 v19, v60;
	vm6 =	vne.s32 v35, $0x0;
	v37 =	vadd.f32 v61, v37  }
0x85: {  	v45 =	vadd.s32 s21, v29;
	v63 =	vand.u32 $0x7FF8, v62;
	v44 =	vsel vm6, $0x3F800000, v5;
	v33 =	vld.idx.msk [tilespmem:v33+s12+$0x0], $0xffff  }
0x86: {  	v35 =	vor.u32 v3, v63;
	vm7 =	vne.s32 v38, $0x0;
	v37 =	vadd.f32 v44, v37  }
0x87: {  	v48 =	vadd.s32 s21, v30;
	v46 =	vand.u32 $0x7FF8, v45;
	v47 =	vsel vm7, $0x3F800000, v5;
	v36 =	vld.idx.msk [tilespmem:v36+s12+$0x0], $0xffff  }
0x88: {  	v38 =	vor.u32 v7, v46;
	vm8 =	vne.s32 v39, $0x0;
	v37 =	vadd.f32 v47, v37  }
0x89: {  	v51 =	vadd.s32 s21, v31;
	v49 =	vand.u32 $0x7FF8, v48;
	v50 =	vsel vm8, $0x3F800000, v5;
	v34 =	vld.idx.msk [tilespmem:v34+s12+$0x0], $0xffff  }
0x8a: {  	v39 =	vor.u32 v9, v49;
	vm9 =	vne.s32 v33, $0x0;
	v37 =	vadd.f32 v50, v37  }
0x8b: {  	v53 =	vand.u32 $0x7FF8, v51;
	v52 =	vld.idx.msk [tilespmem:v35+s12+$0x0], $0xffff;
	v54 =	vsel vm9, $0x3F800000, v5  }
0x8c: {  	v35 =	vor.u32 v11, v53;
	vm10 =	vne.s32 v36, $0x0;
	v37 =	vadd.f32 v54, v37  }
0x8d: {  	v55 =	vld.idx.msk [tilespmem:v38+s12+$0x0], $0xffff;
	v56 =	vsel vm10, $0x3F800000, v5  }
0x8e: {  	vm11 =	vne.s32 v34, $0x0;
	v37 =	vadd.f32 v56, v37  }
0x8f: {  	v57 =	vld.idx.msk [tilespmem:v39+s12+$0x0], $0xffff;
	v58 =	vsel vm11, $0x3F800000, v5  }
0x90: {  	vm12 =	vne.s32 v52, $0x0;
	v37 =	vadd.f32 v58, v37  }
0x91: {  	v59 =	vld.idx.msk [tilespmem:v35+s12+$0x0], $0xffff;
	v60 =	vsel vm12, $0x3F800000, v5  }
0x92: {  	vm13 =	vne.s32 v55, $0x0;
	v35 =	vadd.f32 v60, v37  }
0x93: {  	v36 =	vsel vm13, $0x3F800000, v5  }
0x94: {  	vm14 =	vne.s32 v57, $0x0;
	v35 =	vadd.f32 v36, v35  }
0x95: {  	v34 =	vsel vm14, $0x3F800000, v5  }
0x96: {  	vm15 =	vne.s32 v59, $0x0;
	v34 =	vadd.f32 v34, v35  }
0x97: {  	v33 =	vsel vm15, $0x3F800000, v5  }
0x98: {  	v33 =	vadd.f32 v33, v34;
	_ =	sdelay $0x1  }
0x99: {  	v34 =	vmax.f32 v33, $1.000000000e+00  }
0x9a: {  	(erf) = vrcp.f32 v34;
	_ =	sdelay $0x3  }
0x9b: {  	s6 =	simm.s32 $0x280  }
0x9c: {  	v61 =	vadd.s32 s6, v6  }
0x9d: {  	v62 =	vadd.s32 s6, v1;
	v63 =	vand.u32 $0x7FF8, v61  }
0x9e: {  	s7 =	simm.s32 $0x3C0;
	v35 =	vand.u32 $0x7FF8, v62;
	v33 =	vsub.f32 $2.000000000e+01, v33;
	v34 =	vor.u32 v7, v63  }
.LBB2_4:
0x9f: {  	p0 =	sne.s32 s7, $0x26C0;
	v35 =	vor.u32 v3, v35;
	v36 =	vadd.s32 s6, v8  }
0xa0: {  	s2 =	sadd.s32 $0x10, s2;
	v36 =	vand.u32 $0x7FF8, v36;
	v37 =	vpop (erf)  }
0xa1: {  	v38 =	vadd.s32 s6, v10;
	s5 =	sadd.s32 $0x10, s5;
	v36 =	vor.u32 v9, v36;
	[tilespmem:s2+$0x0] =	vst v37  }
0xa2: {  	v37 =	vand.u32 $0x7FF8, v38;
	[tilespmem:s5+$0x0] =	vst v33  }
0xa3: {  	v33 =	vld.idx.msk [tilespmem:v34+s12+$0x0], $0xffff;
	v34 =	vor.u32 v11, v37;
	v37 =	vadd.s32 s6, v12  }
0xa4: {  	v35 =	vld.idx.msk [tilespmem:v35+s12+$0x0], $0xffff;
	v37 =	vand.u32 $0x7FF8, v37  }
0xa5: {  	v38 =	vadd.s32 s6, v14;
	v37 =	vor.u32 v13, v37  }
0xa6: {  	v38 =	vand.u32 $0x7FF8, v38;
	v36 =	vld.idx.msk [tilespmem:v36+s12+$0x0], $0xffff  }
0xa7: {  	v39 =	vadd.s32 s6, v16;
	v38 =	vor.u32 v15, v38  }
0xa8: {  	v39 =	vand.u32 $0x7FF8, v39;
	v34 =	vld.idx.msk [tilespmem:v34+s12+$0x0], $0xffff  }
0xa9: {  	v40 =	vadd.s32 s6, v18;
	v41 =	vadd.s32 s6, v20;
	v39 =	vor.u32 v17, v39  }
0xaa: {  	vm1 =	vne.s32 v33, $0x0;
	vm0 =	vne.s32 v35, $0x0;
	v35 =	vand.u32 $0x7FF8, v40;
	v33 =	vld.idx.msk [tilespmem:v37+s12+$0x0], $0xffff  }
0xab: {  	v40 =	vsel vm1, $0x3F800000, v5;
	v37 =	vsel vm0, $0x3F800000, v5;
	v35 =	vor.u32 v19, v35  }
0xac: {  	v37 =	vadd.f32 v40, v37;
	vm0 =	vne.s32 v36, $0x0;
	v36 =	vld.idx.msk [tilespmem:v38+s12+$0x0], $0xffff;
	v38 =	vand.u32 $0x7FF8, v41  }
0xad: {  	v40 =	vsel vm0, $0x3F800000, v5;
	v41 =	vadd.s32 s6, v21;
	v38 =	vor.u32 v3, v38  }
0xae: {  	v37 =	vadd.f32 v40, v37;
	vm0 =	vne.s32 v34, $0x0;
	v34 =	vld.idx.msk [tilespmem:v39+s12+$0x0], $0xffff;
	v39 =	vand.u32 $0x7FF8, v41  }
0xaf: {  	v40 =	vsel vm0, $0x3F800000, v5;
	v41 =	vadd.s32 s6, v22;
	v39 =	vor.u32 v7, v39  }
0xb0: {  	v37 =	vadd.f32 v40, v37;
	vm0 =	vne.s32 v33, $0x0;
	v33 =	vld.idx.msk [tilespmem:v35+s12+$0x0], $0xffff;
	v35 =	vand.u32 $0x7FF8, v41  }
0xb1: {  	v40 =	vsel vm0, $0x3F800000, v5;
	v41 =	vadd.s32 s6, v23;
	v35 =	vor.u32 v9, v35  }
0xb2: {  	v37 =	vadd.f32 v40, v37;
	vm0 =	vne.s32 v36, $0x0;
	v36 =	vld.idx.msk [tilespmem:v38+s12+$0x0], $0xffff;
	v38 =	vand.u32 $0x7FF8, v41  }
0xb3: {  	v40 =	vsel vm0, $0x3F800000, v5;
	v41 =	vadd.s32 s6, v24;
	v38 =	vor.u32 v11, v38  }
0xb4: {  	v37 =	vadd.f32 v40, v37;
	vm0 =	vne.s32 v34, $0x0;
	v34 =	vld.idx.msk [tilespmem:v39+s12+$0x0], $0xffff;
	v39 =	vand.u32 $0x7FF8, v41  }
0xb5: {  	v40 =	vsel vm0, $0x3F800000, v5;
	v41 =	vadd.s32 s6, v25;
	v39 =	vor.u32 v13, v39  }
0xb6: {  	v37 =	vadd.f32 v40, v37;
	vm0 =	vne.s32 v33, $0x0;
	v33 =	vld.idx.msk [tilespmem:v35+s12+$0x0], $0xffff;
	v35 =	vand.u32 $0x7FF8, v41  }
0xb7: {  	v40 =	vsel vm0, $0x3F800000, v5;
	v41 =	vadd.s32 s6, v26;
	v35 =	vor.u32 v15, v35  }
0xb8: {  	v37 =	vadd.f32 v40, v37;
	vm0 =	vne.s32 v36, $0x0;
	v36 =	vld.idx.msk [tilespmem:v38+s12+$0x0], $0xffff;
	v38 =	vand.u32 $0x7FF8, v41  }
0xb9: {  	v40 =	vsel vm0, $0x3F800000, v5;
	v41 =	vadd.s32 s6, v27;
	v38 =	vor.u32 v17, v38  }
0xba: {  	v37 =	vadd.f32 v40, v37;
	vm0 =	vne.s32 v34, $0x0;
	v34 =	vld.idx.msk [tilespmem:v39+s12+$0x0], $0xffff;
	v39 =	vand.u32 $0x7FF8, v41  }
0xbb: {  	v40 =	vsel vm0, $0x3F800000, v5;
	v41 =	vadd.s32 s6, v28;
	v39 =	vor.u32 v19, v39  }
0xbc: {  	v37 =	vadd.f32 v40, v37;
	vm0 =	vne.s32 v33, $0x0;
	v33 =	vld.idx.msk [tilespmem:v35+s12+$0x0], $0xffff;
	v35 =	vand.u32 $0x7FF8, v41  }
0xbd: {  	v40 =	vsel vm0, $0x3F800000, v5;
	v41 =	vadd.s32 s6, v29;
	v35 =	vor.u32 v3, v35  }
0xbe: {  	v37 =	vadd.f32 v40, v37;
	vm0 =	vne.s32 v36, $0x0;
	v36 =	vld.idx.msk [tilespmem:v38+s12+$0x0], $0xffff;
	v38 =	vand.u32 $0x7FF8, v41  }
0xbf: {  	v40 =	vsel vm0, $0x3F800000, v5;
	v41 =	vadd.s32 s6, v30;
	v38 =	vor.u32 v7, v38  }
0xc0: {  	v37 =	vadd.f32 v40, v37;
	vm0 =	vne.s32 v34, $0x0;
	v34 =	vld.idx.msk [tilespmem:v39+s12+$0x0], $0xffff;
	v39 =	vand.u32 $0x7FF8, v41  }
0xc1: {  	v40 =	vsel vm0, $0x3F800000, v5;
	v41 =	vadd.s32 s6, v31;
	s6 =	smov.u32 s7;
	v39 =	vor.u32 v9, v39  }
0xc2: {  	v37 =	vadd.f32 v40, v37;
	vm0 =	vne.s32 v33, $0x0;
	v33 =	vld.idx.msk [tilespmem:v35+s12+$0x0], $0xffff;
	v35 =	vand.u32 $0x7FF8, v41  }
0xc3: {  	v40 =	vsel vm0, $0x3F800000, v5;
	v35 =	vor.u32 v11, v35  }
0xc4: {  	v37 =	vadd.f32 v40, v37;
	vm0 =	vne.s32 v36, $0x0;
	v36 =	vld.idx.msk [tilespmem:v38+s12+$0x0], $0xffff  }
0xc5: {  	v38 =	vsel vm0, $0x3F800000, v5  }
0xc6: {  	v37 =	vadd.f32 v38, v37;
	vm0 =	vne.s32 v34, $0x0;
	v34 =	vld.idx.msk [tilespmem:v39+s12+$0x0], $0xffff  }
0xc7: {  	v38 =	vsel vm0, $0x3F800000, v5  }
0xc8: {  	v37 =	vadd.f32 v38, v37;
	vm0 =	vne.s32 v33, $0x0;
	v33 =	vld.idx.msk [tilespmem:v35+s12+$0x0], $0xffff  }
0xc9: {  	v35 =	vsel vm0, $0x3F800000, v5  }
0xca: {  	v35 =	vadd.f32 v35, v37;
	vm0 =	vne.s32 v36, $0x0  }
0xcb: {  	v36 =	vsel vm0, $0x3F800000, v5  }
0xcc: {  	v35 =	vadd.f32 v36, v35;
	vm0 =	vne.s32 v34, $0x0  }
0xcd: {  	v34 =	vsel vm0, $0x3F800000, v5  }
0xce: {  	v34 =	vadd.f32 v34, v35;
	vm0 =	vne.s32 v33, $0x0  }
0xcf: {  	v33 =	vsel vm0, $0x3F800000, v5  }
0xd0: {  	v33 =	vadd.f32 v33, v34;
	_ =	sdelay $0x1  }
0xd1: {  	v34 =	vmax.f32 v33, $1.000000000e+00;
	v33 =	vsub.f32 $2.000000000e+01, v33  }
0xd2: {  	(erf) = vrcp.f32 v34;
	_ =	sdelay $0x2  }
.Ltmp1:
0xd3: {  	(pc) =	sbr.rel @p0 .LBB2_4-.Ltmp1, $4  }
0xd4: {  	_ = 	snop  }
0xd5: {  	v34 =	vadd.s32 s7, v6  }
0xd6: {  	v35 =	vadd.s32 s7, v1;
	v34 =	vand.u32 $0x7FF8, v34  }
0xd7: {  	v35 =	vand.u32 $0x7FF8, v35;
	s7 =	sadd.s32 $0x140, s7;
	v34 =	vor.u32 v7, v34  }
0xd8: {  	v35 =	vor.u32 v3, v35;
	v36 =	vadd.s32 s6, v8  }
0xd9: {  	s2 =	sadd.s32 $0x10, s2;
	v36 =	vand.u32 $0x7FF8, v36;
	v37 =	vpop (erf)  }
0xda: {  	v38 =	vadd.s32 s6, v10;
	s5 =	sadd.s32 $0x10, s5;
	v36 =	vor.u32 v9, v36;
	[tilespmem:s2+$0x0] =	vst v37  }
0xdb: {  	v56 =	vand.u32 $0x7FF8, v38;
	[tilespmem:s5+$0x0] =	vst v33  }
0xdc: {  	v58 =	vadd.s32 s6, v12;
	v57 =	vor.u32 v11, v56;
	v33 =	vld.idx.msk [tilespmem:v34+s12+$0x0], $0xffff  }
0xdd: {  	v37 =	vand.u32 $0x7FF8, v58;
	v35 =	vld.idx.msk [tilespmem:v35+s12+$0x0], $0xffff  }
0xde: {  	v59 =	vadd.s32 s6, v14;
	v37 =	vor.u32 v13, v37  }
0xdf: {  	v38 =	vand.u32 $0x7FF8, v59;
	v36 =	vld.idx.msk [tilespmem:v36+s12+$0x0], $0xffff  }
0xe0: {  	v39 =	vadd.s32 s6, v16;
	v38 =	vor.u32 v15, v38  }
0xe1: {  	v40 =	vadd.s32 s6, v18;
	v41 =	vadd.s32 s6, v20;
	v39 =	vand.u32 $0x7FF8, v39;
	v34 =	vld.idx.msk [tilespmem:v57+s12+$0x0], $0xffff  }
0xe2: {  	v39 =	vor.u32 v17, v39;
	vm1 =	vne.s32 v33, $0x0;
	vm0 =	vne.s32 v35, $0x0  }
0xe3: {  	v60 =	vand.u32 $0x7FF8, v40;
	v61 =	vld.idx.msk [tilespmem:v37+s12+$0x0], $0xffff;
	v63 =	vsel vm1, $0x3F800000, v5;
	v62 =	vsel vm0, $0x3F800000, v5  }
0xe4: {  	v33 =	vor.u32 v19, v60;
	v37 =	vadd.f32 v63, v62;
	vm10 =	vne.s32 v36, $0x0  }
0xe5: {  	v46 =	vadd.s32 s6, v21;
	v44 =	vand.u32 $0x7FF8, v41;
	v38 =	vld.idx.msk [tilespmem:v38+s12+$0x0], $0xffff;
	v45 =	vsel vm10, $0x3F800000, v5  }
0xe6: {  	v36 =	vor.u32 v3, v44;
	vm11 =	vne.s32 v34, $0x0;
	v37 =	vadd.f32 v45, v37  }
0xe7: {  	v49 =	vadd.s32 s6, v22;
	v47 =	vand.u32 $0x7FF8, v46;
	v39 =	vld.idx.msk [tilespmem:v39+s12+$0x0], $0xffff;
	v48 =	vsel vm11, $0x3F800000, v5  }
0xe8: {  	v34 =	vor.u32 v7, v47;
	vm12 =	vne.s32 v61, $0x0;
	v37 =	vadd.f32 v48, v37  }
0xe9: {  	v52 =	vadd.s32 s6, v23;
	v50 =	vand.u32 $0x7FF8, v49;
	v33 =	vld.idx.msk [tilespmem:v33+s12+$0x0], $0xffff;
	v51 =	vsel vm12, $0x3F800000, v5  }
0xea: {  	v35 =	vor.u32 v9, v50;
	vm13 =	vne.s32 v38, $0x0;
	v37 =	vadd.f32 v51, v37  }
0xeb: {  	v55 =	vadd.s32 s6, v24;
	v53 =	vand.u32 $0x7FF8, v52;
	v54 =	vsel vm13, $0x3F800000, v5;
	v36 =	vld.idx.msk [tilespmem:v36+s12+$0x0], $0xffff  }
0xec: {  	v38 =	vor.u32 v11, v53;
	vm14 =	vne.s32 v39, $0x0;
	v37 =	vadd.f32 v54, v37  }
0xed: {  	v56 =	vand.u32 $0x7FF8, v55;
	v58 =	vadd.s32 s6, v25;
	v57 =	vsel vm14, $0x3F800000, v5;
	v34 =	vld.idx.msk [tilespmem:v34+s12+$0x0], $0xffff  }
0xee: {  	v39 =	vor.u32 v13, v56;
	vm15 =	vne.s32 v33, $0x0;
	v37 =	vadd.f32 v57, v37  }
0xef: {  	v59 =	vand.u32 $0x7FF8, v58;
	v61 =	vadd.s32 s6, v26;
	v35 =	vld.idx.msk [tilespmem:v35+s12+$0x0], $0xffff;
	v60 =	vsel vm15, $0x3F800000, v5  }
0xf0: {  	v33 =	vor.u32 v15, v59;
	vm4 =	vne.s32 v36, $0x0;
	v37 =	vadd.f32 v60, v37  }
0xf1: {  	v21 =	vadd.s32 s6, v27;
	v62 =	vand.u32 $0x7FF8, v61;
	v38 =	vld.idx.msk [tilespmem:v38+s12+$0x0], $0xffff;
	v63 =	vsel vm4, $0x3F800000, v5  }
0xf2: {  	v36 =	vor.u32 v17, v62;
	vm5 =	vne.s32 v34, $0x0;
	v37 =	vadd.f32 v63, v37  }
0xf3: {  	v22 =	vand.u32 $0x7FF8, v21;
	v44 =	vadd.s32 s6, v28;
	v39 =	vld.idx.msk [tilespmem:v39+s12+$0x0], $0xffff;
	v23 =	vsel vm5, $0x3F800000, v5  }
0xf4: {  	vm6 =	vne.s32 v35, $0x0;
	v34 =	vor.u32 v19, v22;
	v37 =	vadd.f32 v23, v37  }
0xf5: {  	v47 =	vadd.s32 s6, v29;
	v45 =	vand.u32 $0x7FF8, v44;
	v46 =	vsel vm6, $0x3F800000, v5;
	v33 =	vld.idx.msk [tilespmem:v33+s12+$0x0], $0xffff  }
0xf6: {  	v35 =	vor.u32 v3, v45;
	vm7 =	vne.s32 v38, $0x0;
	v37 =	vadd.f32 v46, v37  }
0xf7: {  	v50 =	vadd.s32 s6, v30;
	v48 =	vand.u32 $0x7FF8, v47;
	v49 =	vsel vm7, $0x3F800000, v5;
	v36 =	vld.idx.msk [tilespmem:v36+s12+$0x0], $0xffff  }
0xf8: {  	v38 =	vor.u32 v7, v48;
	vm8 =	vne.s32 v39, $0x0;
	v37 =	vadd.f32 v49, v37  }
0xf9: {  	v53 =	vadd.s32 s6, v31;
	v51 =	vand.u32 $0x7FF8, v50;
	v52 =	vsel vm8, $0x3F800000, v5;
	v34 =	vld.idx.msk [tilespmem:v34+s12+$0x0], $0xffff  }
0xfa: {  	v39 =	vor.u32 v9, v51;
	vm9 =	vne.s32 v33, $0x0;
	v37 =	vadd.f32 v52, v37  }
0xfb: {  	v55 =	vand.u32 $0x7FF8, v53;
	v54 =	vld.idx.msk [tilespmem:v35+s12+$0x0], $0xffff;
	v56 =	vsel vm9, $0x3F800000, v5  }
0xfc: {  	v35 =	vor.u32 v11, v55;
	vm10 =	vne.s32 v36, $0x0;
	v37 =	vadd.f32 v56, v37  }
0xfd: {  	v57 =	vld.idx.msk [tilespmem:v38+s12+$0x0], $0xffff;
	v58 =	vsel vm10, $0x3F800000, v5  }
0xfe: {  	vm11 =	vne.s32 v34, $0x0;
	v37 =	vadd.f32 v58, v37  }
0xff: {  	v59 =	vld.idx.msk [tilespmem:v39+s12+$0x0], $0xffff;
	v60 =	vsel vm11, $0x3F800000, v5  }
0x100: {  	vm12 =	vne.s32 v54, $0x0;
	v37 =	vadd.f32 v60, v37  }
0x101: {  	v61 =	vld.idx.msk [tilespmem:v35+s12+$0x0], $0xffff;
	v62 =	vsel vm12, $0x3F800000, v5  }
0x102: {  	vm13 =	vne.s32 v57, $0x0;
	v35 =	vadd.f32 v62, v37  }
0x103: {  	v36 =	vsel vm13, $0x3F800000, v5  }
0x104: {  	vm14 =	vne.s32 v59, $0x0;
	v35 =	vadd.f32 v36, v35  }
0x105: {  	v34 =	vsel vm14, $0x3F800000, v5  }
0x106: {  	vm15 =	vne.s32 v61, $0x0;
	v34 =	vadd.f32 v34, v35  }
0x107: {  	v33 =	vsel vm15, $0x3F800000, v5  }
0x108: {  	v33 =	vadd.f32 v33, v34;
	_ =	sdelay $0x1  }
0x109: {  	v34 =	vmax.f32 v33, $1.000000000e+00  }
0x10a: {  	(erf) = vrcp.f32 v34;
	_ =	sdelay $0x8  }
0x10b: {  	s0 =	sadd.s32 $0x10, s2;
	v33 =	vsub.f32 $2.000000000e+01, v33;
	v34 =	vpop (erf)  }
0x10c: {  	s21 =	sadd.s32 $0x10, s5;
	[tilespmem:s0+$0x0] =	vst v34  }
0x10d: {  	[tilespmem:s21+$0x0] =	vst v33  }
0x10e: {  	v34 =	vld [tilespmem:$0x19A00]  }
0x10f: {  	v63 =	vld [tilespmem:$0x19A10];
	_ =	sdelay $0x3  }
0x110: {  	s11 =	simm.s32 $0xC0;
	s14 =	simm.s32 $0x0;
	s15 =	simm.s32 $0x9680;
	v33 =	vshll.u32 v34, $0x10  }
0x111: {  	s16 =	simm.s32 $0x8E0;
	s17 =	simm.s32 $0x9EB0;
	s18 =	simm.s32 $0x0;
	v34 =	vand.u32 $0xFFFF0000, v34;
	v35 =	vshll.u32 v63, $0x10;
	v36 =	vand.u32 $0xFFFF0000, v63  }
.LBB2_6:
0x112: {  	s19 =	sshllo.u32 s18, $0x1  }
0x113: {  	s0 =	smul.u32 $0x500, s19;
	_ =	sdelay $0x1  }
0x114: {  	s0 =	sshra.s32 s0, $0x2  }
0x115: {  	s2 =	sadd.s32 $0x6C00, s0  }
0x116: {  	[tilespmem:s22], [sflag:$0x2] =	stream.indirect.gather [hbm4b:s4+s13], $0x20, s2, s13, $0xb8;
	[tilespmem:$0x19A20] =	vst v63  }
0x117: {  	s10 =	sadd.s32 $0x6C50, s0  }
0x118: {  	[tilespmem:s23], [sflag:$0x2] =	stream.indirect.gather [hbm4b:s4+s13], $0x20, s10, s13, $0xb8;
	[tilespmem:$0x19A20] =	vst v63  }
0x119: {  	s21 =	sadd.s32 $0x6CA0, s0  }
0x11a: {  	[tilespmem:s24], [sflag:$0x2] =	stream.indirect.gather [hbm4b:s4+s13], $0x20, s21, s13, $0xb8;
	[tilespmem:$0x19A20] =	vst v63  }
0x11b: {  	s0 =	sadd.s32 $0x6CF0, s0;
	s2 =	sshll.u32 s19, $0x4  }
0x11c: {  	[tilespmem:s25], [sflag:$0x2] =	stream.indirect.gather [hbm4b:s4+s13], $0x20, s0, s13, $0xb8;
	[tilespmem:$0x19A20] =	vst v63  }
0x11d: {  	s0 =	sand.u32 $0x3FFFFFF0, s2  }
0x11e: {  	s0 =	sadd.s32 $0x9400, s0  }
0x11f: {  	[tilespmem:s26], [sflag:$0x2] =	stream.indirect.gather [hbm4b:s3+s20], $0x40, s0, s20, $0xb8;
	[tilespmem:$0x19A20] =	vst v63  }
0x120: {  	_ =	swait.ge [sflag:s28], $0xA00  }
0x121: {  	[sflag:s28] =	ssyncset.done $0x0  }
0x122: {  	[sflag:s28] =	ssyncadd.s32 $0xFFFFF600  }
0x123: {  	_ =	swait.ge [sflag:s28], $0xA00  }
0x124: {  	[sflag:s28] =	ssyncset.done $0x0  }
0x125: {  	[sflag:s28] =	ssyncadd.s32 $0xFFFFF600  }
0x126: {  	_ =	swait.ge [sflag:s28], $0xA00  }
0x127: {  	[sflag:s28] =	ssyncset.done $0x0  }
0x128: {  	[sflag:s28] =	ssyncadd.s32 $0xFFFFF600  }
0x129: {  	_ =	swait.ge [sflag:s28], $0xA00  }
0x12a: {  	[sflag:s28] =	ssyncset.done $0x0  }
0x12b: {  	[sflag:s28] =	ssyncadd.s32 $0xFFFFF600  }
0x12c: {  	_ =	swait.ge [sflag:s28], $0x400  }
0x12d: {  	[sflag:s28] =	ssyncset.done $0x0  }
0x12e: {  	s5 =	simm.s32 $0x5040;
	[sflag:s28] =	ssyncadd.s32 $0xFFFFFC00  }
0x12f: {  	v37 =	vld [tilespmem:s5+$0x0];
	_ =	sdelay $0x1  }
0x130: {  	v38 =	vld [tilespmem:s5+$0xFFFFFFC0];
	_ =	sdelay $0x2  }
0x131: {  	[tilespmem:s15+$0x0] =	vst v37  }
0x132: {  	v37 =	vld [tilespmem:s5+$0x10]  }
0x133: {  	[tilespmem:s15+$0xFFFFFF80] =	vst v38  }
0x134: {  	v38 =	vld [tilespmem:s5+$0xFFFFFFD0];
	_ =	sdelay $0x2  }
0x135: {  	[tilespmem:s15+$0x10] =	vst v37  }
0x136: {  	v37 =	vld [tilespmem:s5+$0x20]  }
0x137: {  	[tilespmem:s15+$0xFFFFFF90] =	vst v38  }
0x138: {  	v38 =	vld [tilespmem:s5+$0xFFFFFFE0];
	_ =	sdelay $0x2  }
0x139: {  	[tilespmem:s15+$0x20] =	vst v37  }
0x13a: {  	v37 =	vld [tilespmem:s5+$0x30]  }
0x13b: {  	[tilespmem:s15+$0xFFFFFFA0] =	vst v38  }
0x13c: {  	v38 =	vld [tilespmem:s5+$0xFFFFFFF0];
	_ =	sdelay $0x2  }
0x13d: {  	s6 =	simm.s32 $0x280;
	[tilespmem:s15+$0x30] =	vst v37  }
0x13e: {  	v37 =	vld [tilespmem:s6+$0x0]  }
0x13f: {  	[tilespmem:s15+$0xFFFFFFB0] =	vst v38;
	v53 =	vld [tilespmem:s6+$0x20]  }
0x140: {  	v39 =	vld [tilespmem:s6+$0xFFFFFD80]  }
0x141: {  	v40 =	vld [tilespmem:s6+$0x40]  }
0x142: {  	v42 =	vld [tilespmem:s6+$0x60]  }
0x143: {  	v43 =	vld [tilespmem:s6+$0xFFFFFDA0]  }
0x144: {  	v54 =	vld [tilespmem:s6+$0x80]  }
0x145: {  	v56 =	vld [tilespmem:s6+$0xA0]  }
0x146: {  	v46 =	vld [tilespmem:s6+$0xFFFFFDC0]  }
0x147: {  	v58 =	vld [tilespmem:s6+$0xC0];
	v41 =	vshll.u32 v37, $0x10;
	v37 =	vand.u32 $0xFFFF0000, v37  }
0x148: {  	v60 =	vld [tilespmem:s6+$0xE0];
	v44 =	vshll.u32 v53, $0x10;
	v45 =	vshll.u32 v39, $0x10;
	v38 =	vand.u32 $0xFFFF0000, v53  }
0x149: {  	v61 =	vld [tilespmem:s6+$0xFFFFFDE0];
	v39 =	vand.u32 $0xFFFF0000, v39;
	v55 =	vshll.u32 v40, $0x10;
	v40 =	vand.u32 $0xFFFF0000, v40  }
0x14a: {  	v21 =	vld [tilespmem:s6+$0x100];
	v57 =	vshll.u32 v42, $0x10;
	v47 =	vshll.u32 v43, $0x10;
	v42 =	vand.u32 $0xFFFF0000, v42  }
0x14b: {  	v43 =	vand.u32 $0xFFFF0000, v43;
	v59 =	vshll.u32 v54, $0x10;
	v62 =	vshll.u32 v56, $0x10  }
0x14c: {  	v63 =	vshll.u32 v46, $0x10;
	v46 =	vand.u32 $0xFFFF0000, v46;
	v41 =	vadd.f32 $0.0e+00, v41  }
0x14d: {  	v23 =	vld [tilespmem:s6+$0x120];
	v22 =	vshll.u32 v58, $0x10;
	v49 =	vshll.u32 v60, $0x10;
	v37 =	vadd.f32 $0.0e+00, v37  }
0x14e: {  	v48 =	vld [tilespmem:s6+$0xFFFFFE00];
	v50 =	vshll.u32 v61, $0x10;
	v45 =	vadd.f32 $0.0e+00, v45;
	v41 =	vadd.f32 v44, v41  }
0x14f: {  	v51 =	vld [tilespmem:s6+$0x140];
	v52 =	vshll.u32 v21, $0x10;
	v39 =	vadd.f32 $0.0e+00, v39;
	v37 =	vadd.f32 v38, v37  }
0x150: {  	v53 =	vld [tilespmem:s6+$0x160];
	v45 =	vadd.f32 v47, v45;
	v44 =	vand.u32 $0xFFFF0000, v54;
	v38 =	vadd.f32 v55, v41  }
0x151: {  	v39 =	vadd.f32 v43, v39;
	v47 =	vand.u32 $0xFFFF0000, v61;
	v37 =	vadd.f32 v40, v37  }
0x152: {  	v43 =	vand.u32 $0xFFFF0000, v21;
	v41 =	vand.u32 $0xFFFF0000, v56;
	v38 =	vadd.f32 v57, v38  }
0x153: {  	v54 =	vld [tilespmem:s6+$0xFFFFFE20];
	v40 =	vand.u32 $0xFFFF0000, v58;
	v39 =	vadd.f32 v46, v39;
	v37 =	vadd.f32 v42, v37  }
0x154: {  	v55 =	vshll.u32 v23, $0x10;
	v56 =	vshll.u32 v48, $0x10;
	v38 =	vadd.f32 v59, v38  }
0x155: {  	v58 =	vshll.u32 v51, $0x10;
	v61 =	vshll.u32 v53, $0x10;
	v57 =	vld [tilespmem:s6+$0x180];
	v37 =	vadd.f32 v44, v37  }
0x156: {  	v42 =	vand.u32 $0xFFFF0000, v60;
	v39 =	vadd.f32 v47, v39;
	v38 =	vadd.f32 v62, v38  }
0x157: {  	v60 =	vld [tilespmem:s6+$0xFFFFFE40];
	v44 =	vadd.f32 v63, v45;
	v45 =	vand.u32 $0xFFFF0000, v48;
	v37 =	vadd.f32 v41, v37  }
0x158: {  	v46 =	vand.u32 $0xFFFF0000, v54;
	v39 =	vadd.f32 v45, v39;
	v38 =	vadd.f32 v22, v38  }
0x159: {  	s7 =	sadd.s32 $0xFFFFFFFE, s14;
	v63 =	vld [tilespmem:s6+$0x1C0];
	v44 =	vadd.f32 v50, v44;
	v41 =	vand.u32 $0xFFFF0000, v23;
	v37 =	vadd.f32 v40, v37  }
0x15a: {  	s5 =	sadd.s32 $0x3, s7;
	v59 =	vld [tilespmem:s6+$0x1A0];
	v62 =	vshll.u32 v54, $0x10;
	v21 =	vshll.u32 v57, $0x10;
	v38 =	vadd.f32 v49, v38  }
0x15b: {  	v23 =	vld [tilespmem:s6+$0xFFFFFE60];
	v39 =	vadd.f32 v46, v39;
	v46 =	vmov s5;
	v37 =	vadd.f32 v42, v37  }
0x15c: {  	v48 =	vshll.u32 v60, $0x10;
	v47 =	vand.u32 $0xFFFF0000, v60;
	v38 =	vadd.f32 v52, v38  }
0x15d: {  	v44 =	vadd.f32 v56, v44;
	v40 =	vand.u32 $0xFFFF0000, v51;
	v37 =	vadd.f32 v43, v37  }
0x15e: {  	v22 =	vld [tilespmem:s6+$0x1E0];
	v54 =	vshll.u32 v63, $0x10;
	v47 =	vadd.f32 v47, v39;
	v38 =	vadd.f32 v55, v38  }
0x15f: {  	v42 =	vand.u32 $0xFFFF0000, v53;
	v44 =	vadd.f32 v62, v44;
	v53 =	vld [tilespmem:s6+$0x200];
	v37 =	vadd.f32 v41, v37  }
0x160: {  	v45 =	vand.u32 $0xFFFF0000, v23;
	v52 =	vshll.u32 v59, $0x10;
	v55 =	vld [tilespmem:s6+$0x220];
	v38 =	vadd.f32 v58, v38  }
0x161: {  	v41 =	vand.u32 $0xFFFF0000, v59;
	v59 =	vshll.u32 v23, $0x10;
	v23 =	vld [tilespmem:s6+$0xFFFFFEA0];
	v37 =	vadd.f32 v40, v37  }
0x162: {  	v49 =	vld [tilespmem:s6+$0xFFFFFE80];
	v43 =	vand.u32 $0xFFFF0000, v57;
	v44 =	vadd.f32 v48, v44;
	v38 =	vadd.f32 v61, v38  }
0x163: {  	v56 =	vshll.u32 v22, $0x10;
	v57 =	vand.u32 $0xFFFF0000, v22;
	v58 =	vld [tilespmem:s6+$0x240];
	v37 =	vadd.f32 v42, v37  }
0x164: {  	v40 =	vand.u32 $0xFFFF0000, v63;
	v63 =	vadd.f32 v45, v47;
	v38 =	vadd.f32 v21, v38  }
0x165: {  	v60 =	vshll.u32 v53, $0x10;
	v61 =	vld [tilespmem:s6+$0x260];
	v42 =	vadd.f32 v59, v44;
	v37 =	vadd.f32 v43, v37  }
0x166: {  	v62 =	vshll.u32 v55, $0x10;
	v45 =	vand.u32 $0xFFFF0000, v23;
	v38 =	vadd.f32 v52, v38  }
0x167: {  	v43 =	vand.u32 $0xFFFF0000, v53;
	v21 =	vshll.u32 v49, $0x10;
	v37 =	vadd.f32 v41, v37  }
0x168: {  	v39 =	vld.idx.msk [tilespmem:v46+s30+$0x0], $0xffff;
	v22 =	vshll.u32 v58, $0x10;
	v42 =	vadd.f32 v21, v42;
	v38 =	vadd.f32 v54, v38  }
0x169: {  	v41 =	vand.u32 $0xFFFF0000, v55;
	v52 =	vand.u32 $0xFFFF0000, v49;
	v55 =	vld [tilespmem:s6+$0xFFFFFEC0];
	v37 =	vadd.f32 v40, v37  }
0x16a: {  	v50 =	vld [tilespmem:s6+$0xFFFFFEE0];
	v53 =	vshll.u32 v61, $0x10;
	v44 =	vadd.f32 v52, v63;
	v38 =	vadd.f32 v56, v38  }
0x16b: {  	v48 =	vand.u32 $0xFFFF0000, v61;
	v40 =	vand.u32 $0xFFFF0000, v58;
	v37 =	vadd.f32 v57, v37  }
0x16c: {  	v54 =	vor.u32 s11, v0;
	v44 =	vadd.f32 v45, v44;
	v38 =	vadd.f32 v60, v38  }
0x16d: {  	v56 =	vmul.f32 v33, v39;
	v57 =	vmul.f32 v34, v39;
	v37 =	vadd.f32 v43, v37  }
0x16e: {  	v59 =	vld [tilespmem:s6+$0xFFFFFF00];
	v49 =	vand.u32 $0xFFFF0000, v55;
	v60 =	vshll.u32 v23, $0x10;
	v38 =	vadd.f32 v62, v38  }
0x16f: {  	v23 =	vshll.u32 v50, $0x10;
	v42 =	vadd.f32 v60, v42;
	v37 =	vadd.f32 v41, v37  }
0x170: {  	v61 =	vld [tilespmem:s6+$0xFFFFFF20];
	v44 =	vadd.f32 v49, v44;
	v41 =	vadd.f32 v22, v38;
	v22 =	vshll.u32 v55, $0x10  }
0x171: {  	v50 =	vand.u32 $0xFFFF0000, v50;
	v38 =	vld.idx.msk [tilespmem:v46+s29+$0x0], $0xffff;
	v37 =	vadd.f32 v40, v37;
	v42 =	vadd.f32 v22, v42  }
0x172: {  	v62 =	vld [tilespmem:s6+$0xFFFFFF40];
	v44 =	vadd.f32 v50, v44;
	v46 =	vand.u32 v32, v54;
	v40 =	vadd.f32 v53, v41  }
0x173: {  	v54 =	vand.u32 $0xFFFF0000, v59;
	v37 =	vadd.f32 v48, v37;
	v53 =	vadd.f32 v23, v42  }
0x174: {  	v58 =	vor.u32 s11, v4;
	v42 =	vadd.f32 v54, v44;
	v40 =	vsub.f32 v40, v56  }
0x175: {  	v21 =	vand.u32 $0xFFFF0000, v61;
	v37 =	vsub.f32 v37, v57  }
0x176: {  	v42 =	vadd.f32 v21, v42;
	v40 =	vmul.f32 v40, v38  }
0x177: {  	v51 =	vld [tilespmem:s6+$0xFFFFFF60];
	v23 =	vand.u32 $0xFFFF0000, v62;
	v37 =	vmul.f32 v37, v38  }
0x178: {  	v41 =	vadd.f32 v23, v42;
	v23 =	vld [tilespmem:s6+$0xFFFFFFA0];
	[tilespmem:v46+s31+$0x0] =	vst.idx.msk $0xffff, v40  }
0x179: {  	v40 =	vld [tilespmem:s6+$0xFFFFFF80];
	[tilespmem:v58+s31+$0x0] =	vst.idx.msk $0xffff, v37  }
0x17a: {  	v55 =	vld [tilespmem:s6+$0x10]  }
0x17b: {  	v52 =	vshll.u32 v59, $0x10;
	v63 =	vshll.u32 v61, $0x10  }
0x17c: {  	s0 =	sadd.s32 $0x2, s7;
	v59 =	vand.u32 $0xFFFF0000, v51;
	v22 =	vshll.u32 v62, $0x10;
	v37 =	vadd.f32 v52, v53;
	v56 =	vld [tilespmem:s6+$0x30]  }
0x17d: {  	v57 =	vshll.u32 v51, $0x10;
	v58 =	vmov s0;
	v41 =	vadd.f32 v59, v41  }
0x17e: {  	v50 =	vand.u32 $0xFFFFFFFE, v58;
	v60 =	vld [tilespmem:s6+$0x50];
	v37 =	vadd.f32 v63, v37;
	v48 =	vand.u32 $0xFFFF0000, v23  }
0x17f: {  	v52 =	vld [tilespmem:s6+$0x70];
	v61 =	vshll.u32 v40, $0x10;
	v40 =	vand.u32 $0xFFFF0000, v40;
	v62 =	vshll.u32 v55, $0x10  }
0x180: {  	v54 =	vld [tilespmem:s6+$0xB0];
	v37 =	vadd.f32 v22, v37;
	v43 =	vand.u32 $0xFFFF0000, v55;
	v46 =	vadd.f32 $0.0e+00, v62  }
0x181: {  	v58 =	vld [tilespmem:s6+$0xFFFFFFC0];
	v40 =	vadd.f32 v40, v41;
	v63 =	vshll.u32 v56, $0x10;
	v43 =	vadd.f32 $0.0e+00, v43  }
0x182: {  	v22 =	vld [tilespmem:s6+$0x90];
	v21 =	vand.u32 $0xFFFF0000, v56;
	v37 =	vadd.f32 v57, v37;
	v46 =	vadd.f32 v63, v46  }
0x183: {  	v49 =	vshll.u32 v60, $0x10;
	v53 =	vand.u32 $0xFFFF0000, v60;
	v42 =	vadd.f32 v21, v43  }
0x184: {  	v55 =	vshll.u32 v52, $0x10;
	v56 =	vand.u32 $0xFFFF0000, v52;
	v43 =	vadd.f32 v49, v46  }
0x185: {  	v57 =	vld [tilespmem:s6+$0xD0];
	v45 =	vand.u32 $0xFFFF0000, v54;
	v48 =	vadd.f32 v48, v40;
	v42 =	vadd.f32 v53, v42  }
0x186: {  	v52 =	vshll.u32 v58, $0x10;
	v62 =	vld [tilespmem:s6+$0xF0];
	v37 =	vadd.f32 v61, v37;
	v43 =	vadd.f32 v55, v43  }
0x187: {  	v61 =	vshll.u32 v23, $0x10;
	v60 =	vshll.u32 v22, $0x10;
	v21 =	vld [tilespmem:s6+$0x110];
	v59 =	vadd.f32 v56, v42  }
0x188: {  	v47 =	vand.u32 $0xFFFF0000, v22;
	v63 =	vshll.u32 v54, $0x10;
	v22 =	vld [tilespmem:s6+$0xFFFFFFE0];
	v42 =	vadd.f32 v60, v43  }
0x189: {  	v37 =	vadd.f32 v61, v37;
	v46 =	vbroadcast v50, $0x0;
	v41 =	vadd.f32 v47, v59  }
0x18a: {  	v51 =	vshll.u32 v57, $0x10;
	v44 =	vand.u32 $0xFFFF0000, v57;
	v42 =	vadd.f32 v63, v42  }
0x18b: {  	v53 =	vld [tilespmem:s6+$0x130];
	v50 =	vand.u32 $0xFFFF0000, v58;
	v37 =	vadd.f32 v52, v37;
	v23 =	vadd.f32 v45, v41  }
0x18c: {  	v58 =	vld [tilespmem:s6+$0x170];
	v54 =	vshll.u32 v62, $0x10;
	v48 =	vadd.f32 v50, v48;
	v41 =	vadd.f32 v51, v42  }
0x18d: {  	v55 =	vld [tilespmem:s6+$0x150];
	v56 =	vshll.u32 v21, $0x10;
	v57 =	vshll.u32 v22, $0x10;
	v44 =	vadd.f32 v44, v23  }
0x18e: {  	v61 =	vld [tilespmem:s6+$0x190];
	v49 =	vand.u32 $0xFFFF0000, v22;
	v43 =	vand.u32 $0xFFFF0000, v62;
	v41 =	vadd.f32 v54, v41  }
0x18f: {  	v47 =	vand.u32 $0xFFFF0000, v21;
	v50 =	vadd.f32 v57, v37;
	v40 =	vld.idx.msk [tilespmem:v46+s30+$0x0], $0xffff;
	v43 =	vadd.f32 v43, v44  }
0x190: {  	v62 =	vadd.f32 v49, v48;
	v59 =	vshll.u32 v53, $0x10;
	v41 =	vadd.f32 v56, v41  }
0x191: {  	v60 =	vand.u32 $0xFFFF0000, v53;
	v53 =	vshll.u32 v58, $0x10;
	v43 =	vadd.f32 v47, v43  }
0x192: {  	v22 =	vld [tilespmem:s6+$0x1B0];
	v63 =	vshll.u32 v55, $0x10;
	v45 =	vand.u32 $0xFFFF0000, v55;
	v41 =	vadd.f32 v59, v41  }
0x193: {  	v57 =	vld [tilespmem:s6+$0x1F0];
	v55 =	vshll.u32 v61, $0x10;
	v42 =	vand.u32 $0xFFFF0000, v61;
	v43 =	vadd.f32 v60, v43  }
0x194: {  	s8 =	sadd.s32 $0xFFFFFF80, s11;
	v37 =	vld.idx.msk [tilespmem:v46+s29+$0x0], $0xffff;
	v44 =	vand.u32 $0xFFFF0000, v58;
	v21 =	vmul.f32 v33, v40;
	v41 =	vadd.f32 v63, v41  }
0x195: {  	v54 =	vld [tilespmem:s6+$0x1D0];
	v23 =	vmul.f32 v34, v40;
	v56 =	vor.u32 s8, v0;
	v43 =	vadd.f32 v45, v43  }
0x196: {  	v48 =	vsub.f32 v50, v21;
	v50 =	vand.u32 v32, v56;
	v41 =	vadd.f32 v53, v41  }
0x197: {  	v61 =	vld [tilespmem:s6+$0x210];
	v58 =	vshll.u32 v22, $0x10;
	v59 =	vor.u32 s8, v4;
	v43 =	vadd.f32 v44, v43  }
0x198: {  	v46 =	vsub.f32 v62, v23;
	v60 =	vand.u32 $0xFFFF0000, v22;
	v22 =	vld [tilespmem:s6+$0x250];
	v41 =	vadd.f32 v55, v41  }
0x199: {  	v21 =	vshll.u32 v57, $0x10;
	v23 =	vld [tilespmem:s6+$0x270];
	v48 =	vmul.f32 v48, v37;
	v42 =	vadd.f32 v42, v43  }
0x19a: {  	s9 =	simm.s32 $0x50C0;
	v62 =	vshll.u32 v54, $0x10;
	v46 =	vmul.f32 v46, v37;
	v63 =	vld [tilespmem:s6+$0x230];
	v41 =	vadd.f32 v58, v41  }
0x19b: {  	v52 =	vld [tilespmem:s9+$0xFFFFFFC0];
	v45 =	vand.u32 $0xFFFF0000, v54;
	v54 =	vmul.f32 v35, v39;
	[tilespmem:v50+s31+$0x0] =	vst.idx.msk $0xffff, v48;
	v42 =	vadd.f32 v60, v42  }
0x19c: {  	v56 =	vshll.u32 v61, $0x10;
	v39 =	vmul.f32 v36, v39;
	v50 =	vld [tilespmem:s9+$0x0];
	[tilespmem:v59+s31+$0x0] =	vst.idx.msk $0xffff, v46;
	v41 =	vadd.f32 v62, v41  }
0x19d: {  	v44 =	vand.u32 $0xFFFF0000, v57;
	v49 =	vand.u32 $0xFFFF0000, v22;
	v46 =	vld [tilespmem:s6+$0xFFFFFD90];
	v42 =	vadd.f32 v45, v42  }
0x19e: {  	v59 =	vshll.u32 v23, $0x10;
	v43 =	vand.u32 $0xFFFF0000, v61;
	v48 =	vld [tilespmem:s6+$0xFFFFFDD0];
	v41 =	vadd.f32 v21, v41  }
0x19f: {  	s21 =	sadd.s32 $0x20, s11;
	v57 =	vshll.u32 v63, $0x10;
	v47 =	vand.u32 $0xFFFF0000, v63;
	v42 =	vadd.f32 v44, v42;
	v44 =	vld [tilespmem:s6+$0xFFFFFDB0]  }
0x1a0: {  	v51 =	vld [tilespmem:s6+$0xFFFFFE10];
	v58 =	vshll.u32 v22, $0x10;
	v60 =	vor.u32 s21, v0;
	v41 =	vadd.f32 v56, v41  }
0x1a1: {  	s10 =	sadd.s32 $0x100, s15;
	v53 =	vld [tilespmem:s6+$0xFFFFFE30];
	v22 =	vand.u32 v2, v60;
	v45 =	vand.u32 $0xFFFF0000, v23;
	v42 =	vadd.f32 v43, v42  }
0x1a2: {  	[tilespmem:s10+$0xFFFFFF80] =	vst v52;
	v52 =	vld [tilespmem:s6+$0xFFFFFED0];
	v61 =	vshll.u32 v46, $0x10;
	v46 =	vand.u32 $0xFFFF0000, v46;
	v41 =	vadd.f32 v57, v41  }
0x1a3: {  	v60 =	vshll.u32 v48, $0x10;
	v55 =	vadd.f32 $0.0e+00, v61;
	v43 =	vld [tilespmem:s6+$0xFFFFFDF0];
	v42 =	vadd.f32 v47, v42  }
0x1a4: {  	v62 =	vadd.f32 $0.0e+00, v46;
	v56 =	vld [tilespmem:s6+$0xFFFFFE50];
	v63 =	vshll.u32 v44, $0x10;
	v41 =	vadd.f32 v58, v41  }
0x1a5: {  	[tilespmem:s10+$0x0] =	vst v50;
	v57 =	vld [tilespmem:s6+$0xFFFFFE70];
	v44 =	vand.u32 $0xFFFF0000, v44;
	v42 =	vadd.f32 v49, v42;
	v46 =	vadd.f32 v63, v55  }
0x1a6: {  	v23 =	vand.u32 $0xFFFF0000, v51;
	v58 =	vld [tilespmem:s9+$0x10];
	v44 =	vadd.f32 v44, v62;
	v41 =	vadd.f32 v59, v41  }
0x1a7: {  	v61 =	vand.u32 $0xFFFF0000, v48;
	v55 =	vld [tilespmem:s6+$0xFFFFFE90];
	v42 =	vadd.f32 v45, v42;
	v45 =	vadd.f32 v60, v46  }
0x1a8: {  	v62 =	vshll.u32 v43, $0x10;
	v63 =	vand.u32 $0xFFFF0000, v43;
	v43 =	vld [tilespmem:s9+$0xFFFFFFD0];
	v44 =	vadd.f32 v61, v44  }
0x1a9: {  	v48 =	vor.u32 s21, v4;
	v46 =	vld [tilespmem:s6+$0xFFFFFEB0];
	v41 =	vsub.f32 v41, v54;
	v45 =	vadd.f32 v62, v45  }
0x1aa: {  	v21 =	vshll.u32 v51, $0x10;
	v39 =	vsub.f32 v42, v39;
	v42 =	vadd.f32 v63, v44;
	v44 =	vld [tilespmem:s6+$0xFFFFFEF0]  }
0x1ab: {  	v60 =	vshll.u32 v53, $0x10;
	v61 =	vand.u32 $0xFFFF0000, v53;
	v54 =	vld [tilespmem:s6+$0xFFFFFF70];
	[tilespmem:s10+$0x10] =	vst v58;
	v59 =	vadd.f32 v21, v45  }
0x1ac: {  	v50 =	vmul.f32 v41, v38;
	v49 =	vmul.f32 v39, v38;
	v53 =	vld [tilespmem:s9+$0x20];
	v38 =	vadd.f32 v23, v42  }
0x1ad: {  	v62 =	vshll.u32 v56, $0x10;
	v63 =	vand.u32 $0xFFFF0000, v56;
	v41 =	vld [tilespmem:s6+$0xFFFFFF10];
	[tilespmem:s10+$0xFFFFFF90] =	vst v43;
	v39 =	vadd.f32 v60, v59  }
0x1ae: {  	v51 =	vshll.u32 v55, $0x10;
	v55 =	vand.u32 $0xFFFF0000, v55;
	v58 =	vld [tilespmem:s9+$0xFFFFFFE0];
	v38 =	vadd.f32 v61, v38  }
0x1af: {  	v45 =	vld [tilespmem:s6+$0xFFFFFF30];
	v21 =	vshll.u32 v57, $0x10;
	v57 =	vand.u32 $0xFFFF0000, v57;
	v39 =	vadd.f32 v62, v39  }
0x1b0: {  	v43 =	vld [tilespmem:s6+$0xFFFFFF50];
	v23 =	vshll.u32 v46, $0x10;
	v46 =	vand.u32 $0xFFFF0000, v46;
	v38 =	vadd.f32 v63, v38  }
0x1b1: {  	v6 =	vld [tilespmem:s6+$0xFFFFFFD0];
	v61 =	vshll.u32 v52, $0x10;
	v52 =	vand.u32 $0xFFFF0000, v52;
	[tilespmem:s10+$0x20] =	vst v53;
	v39 =	vadd.f32 v21, v39  }
0x1b2: {  	v60 =	vshll.u32 v54, $0x10;
	v62 =	vshll.u32 v44, $0x10;
	v21 =	vld [tilespmem:s9+$0x30];
	v57 =	vadd.f32 v57, v38  }
0x1b3: {  	v44 =	vand.u32 $0xFFFF0000, v44;
	v53 =	vld [tilespmem:s6+$0xFFFFFF90];
	v63 =	vshll.u32 v41, $0x10;
	[tilespmem:s10+$0xFFFFFFA0] =	vst v58;
	v39 =	vadd.f32 v51, v39  }
0x1b4: {  	v41 =	vand.u32 $0xFFFF0000, v41;
	v1 =	vshll.u32 v45, $0x10;
	v10 =	vld [tilespmem:s9+$0xFFFFFFF0];
	v55 =	vadd.f32 v55, v57  }
0x1b5: {  	v45 =	vand.u32 $0xFFFF0000, v45;
	v8 =	vshll.u32 v43, $0x10;
	v51 =	vld [tilespmem:s6+$0xFFFFFFB0];
	v42 =	vadd.f32 v23, v39  }
0x1b6: {  	v59 =	vand.u32 $0xFFFF0000, v43;
	v38 =	vmul.f32 v35, v40;
	v23 =	vadd.f32 v46, v55;
	v46 =	vld [tilespmem:s6+$0xFFFFFFF0]  }
0x1b7: {  	s21 =	simm.s32 $0x780;
	v57 =	vand.u32 $0xFFFF0000, v54;
	v39 =	vmul.f32 v36, v40;
	[tilespmem:s10+$0x30] =	vst v21;
	v42 =	vadd.f32 v61, v42  }
0x1b8: {  	s6 =	sadd.s32 $0xFFFFFFA0, s11;
	v58 =	vshll.u32 v53, $0x10;
	v55 =	vand.u32 $0xFFFF0000, v53;
	v61 =	vld [tilespmem:s21+$0x0];
	v40 =	vadd.f32 v52, v23  }
0x1b9: {  	v53 =	vshll.u32 v6, $0x10;
	v21 =	vor.u32 s6, v0;
	v42 =	vadd.f32 v62, v42  }
0x1ba: {  	[tilespmem:s10+$0xFFFFFFB0] =	vst v10;
	v10 =	vld [tilespmem:s21+$0x20];
	v56 =	vshll.u32 v51, $0x10;
	v54 =	vand.u32 $0xFFFF0000, v51;
	v40 =	vadd.f32 v44, v40  }
0x1bb: {  	v51 =	vand.u32 $0xFFFF0000, v6;
	v6 =	vld [tilespmem:s21+$0xFFFFFD80];
	v43 =	vshll.u32 v46, $0x10;
	v23 =	vadd.f32 v63, v42  }
0x1bc: {  	v42 =	vand.u32 $0xFFFF0000, v46;
	v46 =	vld [tilespmem:s21+$0x40];
	v62 =	vadd.f32 v41, v40;
	v40 =	vand.u32 v2, v21  }
0x1bd: {  	v41 =	vor.u32 s6, v4;
	v21 =	vshll.u32 v61, $0x10;
	v1 =	vadd.f32 v1, v23  }
0x1be: {  	v63 =	vld [tilespmem:s21+$0x60];
	v23 =	vand.u32 $0xFFFF0000, v61;
	v52 =	vadd.f32 $0.0e+00, v21;
	v61 =	vadd.f32 v45, v62  }
0x1bf: {  	v45 =	vld [tilespmem:s21+$0xFFFFFDA0];
	v21 =	vshll.u32 v10, $0x10;
	v10 =	vand.u32 $0xFFFF0000, v10;
	v44 =	vadd.f32 $0.0e+00, v23  }
0x1c0: {  	v62 =	vld [tilespmem:s21+$0x80];
	v47 =	vadd.f32 v8, v1;
	v8 =	vshll.u32 v6, $0x10;
	v52 =	vadd.f32 v21, v52  }
0x1c1: {  	v6 =	vand.u32 $0xFFFF0000, v6;
	v10 =	vadd.f32 v10, v44;
	v23 =	vshll.u32 v46, $0x10  }
0x1c2: {  	v8 =	vadd.f32 $0.0e+00, v8;
	v46 =	vand.u32 $0xFFFF0000, v46;
	v44 =	vadd.f32 v23, v52;
	v52 =	vld [tilespmem:s21+$0xA0]  }
0x1c3: {  	v1 =	vld [tilespmem:s21+$0xFFFFFDC0];
	v6 =	vadd.f32 $0.0e+00, v6;
	v21 =	vshll.u32 v63, $0x10;
	v10 =	vadd.f32 v46, v10  }
0x1c4: {  	v63 =	vand.u32 $0xFFFF0000, v63;
	v12 =	vshll.u32 v45, $0x10;
	v46 =	vld [tilespmem:s21+$0xC0];
	v44 =	vadd.f32 v21, v44  }
0x1c5: {  	v45 =	vand.u32 $0xFFFF0000, v45;
	v23 =	vshll.u32 v62, $0x10;
	v10 =	vadd.f32 v63, v10  }
0x1c6: {  	v8 =	vadd.f32 v12, v8;
	v12 =	vand.u32 $0xFFFF0000, v62;
	v62 =	vld [tilespmem:s21+$0xE0];
	v44 =	vadd.f32 v23, v44  }
0x1c7: {  	v6 =	vadd.f32 v45, v6;
	v63 =	vld [tilespmem:s21+$0xFFFFFDE0];
	v10 =	vadd.f32 v12, v10;
	v12 =	vshll.u32 v52, $0x10  }
0x1c8: {  	v21 =	vshll.u32 v1, $0x10;
	v52 =	vand.u32 $0xFFFF0000, v52;
	v12 =	vadd.f32 v12, v44;
	v44 =	vld [tilespmem:s21+$0x100]  }
0x1c9: {  	v1 =	vand.u32 $0xFFFF0000, v1;
	v23 =	vshll.u32 v46, $0x10;
	v10 =	vadd.f32 v52, v10  }
0x1ca: {  	v8 =	vadd.f32 v21, v8;
	v21 =	vand.u32 $0xFFFF0000, v46;
	v46 =	vld [tilespmem:s21+$0x120];
	v12 =	vadd.f32 v23, v12  }
0x1cb: {  	v1 =	vadd.f32 v1, v6;
	v52 =	vld [tilespmem:s21+$0xFFFFFE00];
	v6 =	vadd.f32 v21, v10;
	v10 =	vshll.u32 v62, $0x10  }
0x1cc: {  	v23 =	vshll.u32 v63, $0x10;
	v62 =	vand.u32 $0xFFFF0000, v62;
	v10 =	vadd.f32 v10, v12;
	v12 =	vld [tilespmem:s21+$0x140]  }
0x1cd: {  	v63 =	vand.u32 $0xFFFF0000, v63;
	v6 =	vadd.f32 v62, v6;
	v21 =	vshll.u32 v44, $0x10  }
0x1ce: {  	v45 =	vld [tilespmem:s21+$0x160];
	v8 =	vadd.f32 v23, v8;
	v44 =	vand.u32 $0xFFFF0000, v44;
	v10 =	vadd.f32 v21, v10  }
0x1cf: {  	v1 =	vadd.f32 v63, v1;
	v63 =	vld [tilespmem:s21+$0xFFFFFE40];
	v23 =	vshll.u32 v46, $0x10;
	v6 =	vadd.f32 v44, v6  }
0x1d0: {  	v46 =	vand.u32 $0xFFFF0000, v46;
	v21 =	vshll.u32 v52, $0x10;
	v44 =	vld [tilespmem:s21+$0x180];
	v10 =	vadd.f32 v23, v10  }
0x1d1: {  	v62 =	vld [tilespmem:s21+$0xFFFFFE20];
	v52 =	vand.u32 $0xFFFF0000, v52;
	v6 =	vadd.f32 v46, v6;
	v23 =	vshll.u32 v12, $0x10  }
0x1d2: {  	v8 =	vadd.f32 v21, v8;
	v12 =	vand.u32 $0xFFFF0000, v12;
	v46 =	vld [tilespmem:s21+$0x1A0];
	v10 =	vadd.f32 v23, v10  }
0x1d3: {  	v1 =	vadd.f32 v52, v1;
	v6 =	vadd.f32 v12, v6;
	v12 =	vshll.u32 v45, $0x10  }
0x1d4: {  	v14 =	vshll.u32 v63, $0x10;
	v45 =	vand.u32 $0xFFFF0000, v45;
	v10 =	vadd.f32 v12, v10;
	v12 =	vld [tilespmem:s21+$0x1C0]  }
0x1d5: {  	v63 =	vand.u32 $0xFFFF0000, v63;
	v23 =	vshll.u32 v44, $0x10;
	v6 =	vadd.f32 v45, v6  }
0x1d6: {  	v21 =	vshll.u32 v62, $0x10;
	v44 =	vand.u32 $0xFFFF0000, v44;
	v45 =	vld [tilespmem:s21+$0x1E0];
	v10 =	vadd.f32 v23, v10  }
0x1d7: {  	v52 =	vld [tilespmem:s21+$0xFFFFFE60];
	v8 =	vadd.f32 v21, v8;
	v21 =	vshll.u32 v46, $0x10;
	v6 =	vadd.f32 v44, v6  }
0x1d8: {  	s7 =	sadd.s32 $0x0, s14;
	v62 =	vand.u32 $0xFFFF0000, v62;
	v46 =	vand.u32 $0xFFFF0000, v46;
	v44 =	vld [tilespmem:s21+$0x200];
	v10 =	vadd.f32 v21, v10  }
0x1d9: {  	s8 =	sadd.s32 $0x3, s7;
	v1 =	vadd.f32 v62, v1;
	v6 =	vadd.f32 v46, v6;
	v23 =	vshll.u32 v12, $0x10  }
0x1da: {  	v62 =	vmov s8;
	v21 =	vld [tilespmem:s21+$0x220];
	v12 =	vand.u32 $0xFFFF0000, v12;
	v10 =	vadd.f32 v23, v10  }
0x1db: {  	v16 =	vld [tilespmem:s21+$0xFFFFFE80];
	v8 =	vadd.f32 v14, v8;
	v6 =	vadd.f32 v12, v6;
	v12 =	vshll.u32 v45, $0x10  }
0x1dc: {  	v1 =	vadd.f32 v63, v1;
	v14 =	vand.u32 $0xFFFF0000, v45;
	v10 =	vadd.f32 v12, v10;
	v12 =	vld [tilespmem:s21+$0x240]  }
0x1dd: {  	v23 =	vshll.u32 v52, $0x10;
	v6 =	vadd.f32 v14, v6;
	v14 =	vshll.u32 v44, $0x10  }
0x1de: {  	v52 =	vand.u32 $0xFFFF0000, v52;
	v44 =	vand.u32 $0xFFFF0000, v44;
	v10 =	vadd.f32 v14, v10;
	v14 =	vld [tilespmem:s21+$0x260]  }
0x1df: {  	v45 =	vld.idx.msk [tilespmem:v62+s30+$0x0], $0xffff;
	v8 =	vadd.f32 v23, v8;
	v63 =	vshll.u32 v21, $0x10;
	v6 =	vadd.f32 v44, v6  }
0x1e0: {  	v1 =	vadd.f32 v52, v1;
	v46 =	vand.u32 $0xFFFF0000, v21;
	v10 =	vadd.f32 v63, v10  }
0x1e1: {  	v52 =	vshll.u32 v16, $0x10;
	v6 =	vadd.f32 v46, v6;
	v21 =	vshll.u32 v12, $0x10  }
0x1e2: {  	s5 =	sadd.s32 $0x100, s11;
	v16 =	vand.u32 $0xFFFF0000, v16;
	v46 =	vld [tilespmem:s21+$0xFFFFFEA0];
	v12 =	vand.u32 $0xFFFF0000, v12;
	v10 =	vadd.f32 v21, v10  }
0x1e3: {  	v23 =	vor.u32 s5, v0;
	v44 =	vld.idx.msk [tilespmem:v62+s29+$0x0], $0xffff;
	v6 =	vadd.f32 v12, v6;
	v12 =	vshll.u32 v14, $0x10  }
0x1e4: {  	v63 =	vld [tilespmem:s21+$0xFFFFFEC0];
	v14 =	vand.u32 $0xFFFF0000, v14;
	v10 =	vadd.f32 v12, v10;
	v12 =	vmul.f32 v33, v45  }
0x1e5: {  	v62 =	vmul.f32 v34, v45;
	v6 =	vadd.f32 v14, v6;
	v14 =	vand.u32 v32, v23  }
0x1e6: {  	v18 =	vld [tilespmem:s21+$0xFFFFFEE0];
	v8 =	vadd.f32 v52, v8;
	v10 =	vsub.f32 v10, v12;
	v12 =	vor.u32 s5, v4  }
0x1e7: {  	v20 =	vld [tilespmem:s21+$0xFFFFFF00];
	v1 =	vadd.f32 v16, v1;
	v16 =	vshll.u32 v46, $0x10;
	v6 =	vsub.f32 v6, v62  }
0x1e8: {  	v52 =	vld [tilespmem:s21+$0xFFFFFF20];
	v46 =	vand.u32 $0xFFFF0000, v46;
	v8 =	vadd.f32 v16, v8;
	v10 =	vmul.f32 v10, v44  }
0x1e9: {  	v21 =	vshll.u32 v63, $0x10;
	v62 =	vld [tilespmem:s21+$0xFFFFFF40];
	v1 =	vadd.f32 v46, v1;
	v6 =	vmul.f32 v6, v44  }
0x1ea: {  	v59 =	vadd.f32 v59, v61;
	v63 =	vand.u32 $0xFFFF0000, v63;
	v16 =	vld [tilespmem:s21+$0xFFFFFF60];
	v8 =	vadd.f32 v21, v8;
	[tilespmem:v14+s31+$0x0] =	vst.idx.msk $0xffff, v10  }
0x1eb: {  	v23 =	vshll.u32 v18, $0x10;
	v1 =	vadd.f32 v63, v1;
	v10 =	vld [tilespmem:s21+$0xFFFFFF80];
	v14 =	vand.u32 $0xFFFF0000, v18;
	[tilespmem:v12+s31+$0x0] =	vst.idx.msk $0xffff, v6  }
0x1ec: {  	v18 =	vshll.u32 v20, $0x10;
	v6 =	vadd.f32 v23, v8;
	v8 =	vand.u32 $0xFFFF0000, v20;
	v20 =	vld [tilespmem:s21+$0x10]  }
0x1ed: {  	v12 =	vshll.u32 v52, $0x10;
	v1 =	vadd.f32 v14, v1;
	v14 =	vand.u32 $0xFFFF0000, v52  }
0x1ee: {  	s0 =	sadd.s32 $0x2, s7;
	v21 =	vshll.u32 v62, $0x10;
	v6 =	vadd.f32 v18, v6;
	v18 =	vand.u32 $0xFFFF0000, v62;
	v62 =	vld [tilespmem:s21+$0x30]  }
0x1ef: {  	v23 =	vmov s0;
	v52 =	vshll.u32 v16, $0x10;
	v1 =	vadd.f32 v8, v1  }
0x1f0: {  	v63 =	vld [tilespmem:s21+$0x50];
	v8 =	vand.u32 $0xFFFF0000, v16;
	v16 =	vand.u32 $0xFFFFFFFE, v23;
	v6 =	vadd.f32 v12, v6  }
0x1f1: {  	v12 =	vshll.u32 v10, $0x10;
	v1 =	vadd.f32 v14, v1;
	v14 =	vshll.u32 v20, $0x10  }
0x1f2: {  	v46 =	vld [tilespmem:s21+$0x70];
	v6 =	vadd.f32 v21, v6;
	v20 =	vand.u32 $0xFFFF0000, v20;
	v14 =	vadd.f32 $0.0e+00, v14  }
0x1f3: {  	v1 =	vadd.f32 v18, v1;
	v18 =	vadd.f32 $0.0e+00, v20;
	v20 =	vshll.u32 v62, $0x10  }
0x1f4: {  	v62 =	vand.u32 $0xFFFF0000, v62;
	v6 =	vadd.f32 v52, v6;
	v14 =	vadd.f32 v20, v14;
	v20 =	vld [tilespmem:s21+$0x90]  }
0x1f5: {  	v1 =	vadd.f32 v8, v1;
	v8 =	vadd.f32 v62, v18;
	v18 =	vshll.u32 v63, $0x10  }
0x1f6: {  	v10 =	vand.u32 $0xFFFF0000, v10;
	v23 =	vand.u32 $0xFFFF0000, v63;
	v14 =	vadd.f32 v18, v14;
	v18 =	vld [tilespmem:s21+$0xB0]  }
0x1f7: {  	v21 =	vld [tilespmem:s21+$0xFFFFFFA0];
	v6 =	vadd.f32 v12, v6;
	v12 =	vshll.u32 v46, $0x10;
	v8 =	vadd.f32 v23, v8  }
0x1f8: {  	v1 =	vadd.f32 v10, v1;
	v10 =	vand.u32 $0xFFFF0000, v46;
	v12 =	vadd.f32 v12, v14;
	v14 =	vld [tilespmem:s21+$0xD0]  }
0x1f9: {  	v47 =	vadd.f32 v60, v47;
	v8 =	vadd.f32 v10, v8;
	v10 =	vshll.u32 v20, $0x10  }
0x1fa: {  	v59 =	vadd.f32 v57, v59;
	v20 =	vand.u32 $0xFFFF0000, v20;
	v10 =	vadd.f32 v10, v12;
	v12 =	vld [tilespmem:s21+$0xF0]  }
0x1fb: {  	v16 =	vbroadcast v16, $0x0;
	v62 =	vld [tilespmem:s21+$0xFFFFFFC0];
	v8 =	vadd.f32 v20, v8;
	v20 =	vshll.u32 v18, $0x10  }
0x1fc: {  	v52 =	vshll.u32 v21, $0x10;
	v18 =	vand.u32 $0xFFFF0000, v18;
	v10 =	vadd.f32 v20, v10;
	v20 =	vld [tilespmem:s21+$0x110]  }
0x1fd: {  	v63 =	vld [tilespmem:s21+$0xFFFFFFE0];
	v21 =	vand.u32 $0xFFFF0000, v21;
	v8 =	vadd.f32 v18, v8;
	v18 =	vshll.u32 v14, $0x10  }
0x1fe: {  	v6 =	vadd.f32 v52, v6;
	v14 =	vand.u32 $0xFFFF0000, v14;
	v10 =	vadd.f32 v18, v10;
	v18 =	vld [tilespmem:s21+$0x130]  }
0x1ff: {  	v1 =	vadd.f32 v21, v1;
	v8 =	vadd.f32 v14, v8;
	v14 =	vshll.u32 v12, $0x10  }
0x200: {  	v21 =	vshll.u32 v62, $0x10;
	v12 =	vand.u32 $0xFFFF0000, v12;
	v10 =	vadd.f32 v14, v10;
	v14 =	vld [tilespmem:s21+$0x150]  }
0x201: {  	v46 =	vld.idx.msk [tilespmem:v16+s29+$0x0], $0xffff;
	v23 =	vand.u32 $0xFFFF0000, v62;
	v8 =	vadd.f32 v12, v8;
	v12 =	vshll.u32 v20, $0x10  }
0x202: {  	v62 =	vand.u32 $0xFFFF0000, v63;
	v20 =	vand.u32 $0xFFFF0000, v20;
	v10 =	vadd.f32 v12, v10;
	v12 =	vld [tilespmem:s21+$0x170]  }
0x203: {  	v52 =	vld.idx.msk [tilespmem:v16+s30+$0x0], $0xffff;
	v6 =	vadd.f32 v21, v6;
	v8 =	vadd.f32 v20, v8;
	v16 =	vshll.u32 v18, $0x10  }
0x204: {  	v1 =	vadd.f32 v23, v1;
	v18 =	vand.u32 $0xFFFF0000, v18;
	v10 =	vadd.f32 v16, v10;
	v16 =	vld [tilespmem:s21+$0x190]  }
0x205: {  	v21 =	vshll.u32 v63, $0x10;
	v8 =	vadd.f32 v18, v8;
	v18 =	vshll.u32 v14, $0x10  }
0x206: {  	v6 =	vadd.f32 v21, v6;
	v14 =	vand.u32 $0xFFFF0000, v14;
	v10 =	vadd.f32 v18, v10;
	v18 =	vld [tilespmem:s21+$0x1B0]  }
0x207: {  	v1 =	vadd.f32 v62, v1;
	v8 =	vadd.f32 v14, v8;
	v14 =	vshll.u32 v12, $0x10  }
0x208: {  	v20 =	vmul.f32 v33, v52;
	v12 =	vand.u32 $0xFFFF0000, v12;
	v10 =	vadd.f32 v14, v10;
	v14 =	vld [tilespmem:s21+$0x1D0]  }
0x209: {  	v62 =	vmul.f32 v34, v52;
	v8 =	vadd.f32 v12, v8;
	v12 =	vshll.u32 v16, $0x10  }
0x20a: {  	s9 =	sadd.s32 $0xFFFFFF80, s5;
	v6 =	vsub.f32 v6, v20;
	v16 =	vand.u32 $0xFFFF0000, v16;
	v10 =	vadd.f32 v12, v10;
	v12 =	vld [tilespmem:s21+$0x1F0]  }
0x20b: {  	v20 =	vor.u32 s9, v0;
	v8 =	vadd.f32 v16, v8;
	v16 =	vshll.u32 v18, $0x10  }
0x20c: {  	v20 =	vand.u32 v32, v20;
	v18 =	vand.u32 $0xFFFF0000, v18;
	v10 =	vadd.f32 v16, v10;
	v16 =	vld [tilespmem:s21+$0x210]  }
0x20d: {  	v63 =	vor.u32 s9, v4;
	v8 =	vadd.f32 v18, v8;
	v18 =	vshll.u32 v14, $0x10  }
0x20e: {  	v1 =	vsub.f32 v1, v62;
	v14 =	vand.u32 $0xFFFF0000, v14;
	v10 =	vadd.f32 v18, v10;
	v18 =	vld [tilespmem:s21+$0x230]  }
0x20f: {  	[tilespmem:v22+s31+$0x0] =	vst.idx.msk $0xffff, v50;
	v6 =	vmul.f32 v6, v46;
	v8 =	vadd.f32 v14, v8;
	v14 =	vshll.u32 v12, $0x10  }
0x210: {  	[tilespmem:v48+s31+$0x0] =	vst.idx.msk $0xffff, v49;
	s0 =	sadd.s32 $0x20, s5;
	v1 =	vmul.f32 v1, v46;
	v12 =	vand.u32 $0xFFFF0000, v12;
	v10 =	vadd.f32 v14, v10;
	v14 =	vld [tilespmem:s21+$0x250]  }
0x211: {  	v49 =	vor.u32 s0, v0;
	[tilespmem:v20+s31+$0x0] =	vst.idx.msk $0xffff, v6;
	v6 =	vadd.f32 v12, v8;
	v8 =	vshll.u32 v16, $0x10  }
0x212: {  	v57 =	vld [tilespmem:s21+$0x270];
	[tilespmem:v63+s31+$0x0] =	vst.idx.msk $0xffff, v1;
	v12 =	vadd.f32 v58, v47;
	v1 =	vand.u32 $0xFFFF0000, v16;
	v8 =	vadd.f32 v8, v10  }
0x213: {  	v50 =	vld [tilespmem:s21+$0xFFFFFDF0];
	v10 =	vadd.f32 v55, v59;
	v1 =	vadd.f32 v1, v6;
	v6 =	vshll.u32 v18, $0x10  }
0x214: {  	v58 =	vld [tilespmem:s21+$0xFFFFFD90];
	v12 =	vadd.f32 v56, v12;
	v16 =	vand.u32 $0xFFFF0000, v18;
	v6 =	vadd.f32 v6, v8  }
0x215: {  	v56 =	vld [tilespmem:s21+$0xFFFFFDB0];
	v8 =	vadd.f32 v54, v10;
	v1 =	vadd.f32 v16, v1;
	v10 =	vshll.u32 v14, $0x10  }
0x216: {  	s2 =	sadd.s32 $0xFFFFFFA0, s5;
	v54 =	vld [tilespmem:s21+$0xFFFFFDD0];
	v53 =	vadd.f32 v53, v12;
	v12 =	vand.u32 $0xFFFF0000, v14;
	v55 =	vadd.f32 v10, v6  }
0x217: {  	s7 =	simm.s32 $0x2;
	s6 =	sshll.u32 s18, $0x1;
	s8 =	simm.s32 $0x5140;
	v59 =	vshll.u32 v57, $0x10;
	v47 =	vadd.f32 v51, v8;
	v51 =	vld [tilespmem:s21+$0xFFFFFE10];
	v48 =	vadd.f32 v12, v1  }
.LBB2_7:
0x218: {  	v1 =	vld [tilespmem:s8+$0x0];
	v6 =	vand.u32 $0xFFFF0000, v57;
	v8 =	vadd.f32 v59, v55;
	v10 =	vmul.f32 v35, v45;
	s9 =	smov.u32 s7  }
0x219: {  	v14 =	vand.u32 v2, v49;
	v16 =	vmul.f32 v36, v45;
	v12 =	vld [tilespmem:s8+$0xFFFFFFC0];
	v6 =	vadd.f32 v6, v48  }
0x21a: {  	s7 =	sadd.s32 $0x2, s7;
	v18 =	vshll.u32 v58, $0x10;
	v20 =	vld [tilespmem:s21+$0xFFFFFE30];
	v8 =	vsub.f32 v8, v10;
	v10 =	vor.u32 s0, v4  }
0x21b: {  	v21 =	vand.u32 $0xFFFF0000, v58;
	p0 =	slt.u32 s7, $0xE;
	v18 =	vadd.f32 $0.0e+00, v18;
	v45 =	vld [tilespmem:s21+$0xFFFFFE50];
	v6 =	vsub.f32 v6, v16  }
0x21c: {  	s10 =	sadd.s32 $0x100, s10;
	v16 =	vadd.f32 $0.0e+00, v21;
	v21 =	vshll.u32 v56, $0x10;
	v48 =	vld [tilespmem:s21+$0xFFFFFE70];
	v8 =	vmul.f32 v8, v44  }
0x21d: {  	v18 =	vadd.f32 v21, v18;
	[tilespmem:s10+$0x0] =	vst v1;
	v1 =	vand.u32 $0xFFFF0000, v56;
	v21 =	vld [tilespmem:s21+$0xFFFFFE90];
	v6 =	vmul.f32 v6, v44  }
0x21e: {  	v49 =	vand.u32 $0xFFFF0000, v54;
	v44 =	vld [tilespmem:s8+$0x10];
	v1 =	vadd.f32 v1, v16;
	v16 =	vshll.u32 v54, $0x10;
	[tilespmem:v14+s31+$0x0] =	vst.idx.msk $0xffff, v8  }
0x21f: {  	v14 =	vshll.u32 v50, $0x10;
	v8 =	vadd.f32 v16, v18;
	v16 =	vand.u32 $0xFFFF0000, v50;
	v18 =	vld [tilespmem:s21+$0xFFFFFEB0];
	[tilespmem:v10+s31+$0x0] =	vst.idx.msk $0xffff, v6  }
0x220: {  	v6 =	vshll.u32 v51, $0x10;
	v10 =	vand.u32 $0xFFFF0000, v51;
	[tilespmem:s10+$0xFFFFFF80] =	vst v12;
	v1 =	vadd.f32 v49, v1;
	v12 =	vld [tilespmem:s21+$0xFFFFFED0]  }
0x221: {  	v49 =	vld [tilespmem:s8+$0xFFFFFFD0];
	v8 =	vadd.f32 v14, v8;
	v14 =	vshll.u32 v20, $0x10;
	v20 =	vand.u32 $0xFFFF0000, v20  }
0x222: {  	v1 =	vadd.f32 v16, v1;
	v16 =	vshll.u32 v45, $0x10;
	v45 =	vand.u32 $0xFFFF0000, v45;
	v50 =	vld [tilespmem:s21+$0xFFFFFEF0]  }
0x223: {  	[tilespmem:s10+$0x10] =	vst v44;
	v6 =	vadd.f32 v6, v8;
	v8 =	vshll.u32 v48, $0x10;
	v44 =	vand.u32 $0xFFFF0000, v48;
	v48 =	vld [tilespmem:s21+$0xFFFFFF10]  }
0x224: {  	v51 =	vld [tilespmem:s8+$0x20];
	v1 =	vadd.f32 v10, v1;
	v10 =	vshll.u32 v21, $0x10;
	v21 =	vand.u32 $0xFFFF0000, v21  }
0x225: {  	v6 =	vadd.f32 v14, v6;
	v14 =	vshll.u32 v18, $0x10;
	v18 =	vand.u32 $0xFFFF0000, v18;
	v54 =	vld [tilespmem:s21+$0xFFFFFF30]  }
0x226: {  	[tilespmem:s10+$0xFFFFFF90] =	vst v49;
	v1 =	vadd.f32 v20, v1;
	v20 =	vshll.u32 v12, $0x10;
	v12 =	vand.u32 $0xFFFF0000, v12;
	v49 =	vld [tilespmem:s21+$0xFFFFFF50]  }
0x227: {  	v55 =	vld [tilespmem:s8+$0xFFFFFFE0];
	v6 =	vadd.f32 v16, v6;
	v16 =	vshll.u32 v50, $0x10;
	v57 =	vand.u32 $0xFFFF0000, v50  }
0x228: {  	v1 =	vadd.f32 v45, v1;
	v45 =	vshll.u32 v48, $0x10;
	v58 =	vand.u32 $0xFFFF0000, v48;
	v48 =	vld [tilespmem:s21+$0xFFFFFF70]  }
0x229: {  	v43 =	vadd.f32 v43, v53;
	v50 =	vmul.f32 v35, v52;
	[tilespmem:s10+$0x20] =	vst v51;
	v6 =	vadd.f32 v8, v6;
	v8 =	vld [tilespmem:s21+$0xFFFFFF90]  }
0x22a: {  	v59 =	vld [tilespmem:s8+$0x30];
	v1 =	vadd.f32 v44, v1;
	v44 =	vshll.u32 v54, $0x10;
	v60 =	vand.u32 $0xFFFF0000, v54  }
0x22b: {  	v6 =	vadd.f32 v10, v6;
	v10 =	vshll.u32 v49, $0x10;
	v51 =	vand.u32 $0xFFFF0000, v49;
	v49 =	vld [tilespmem:s21+$0xFFFFFFB0]  }
0x22c: {  	v42 =	vadd.f32 v42, v47;
	v52 =	vmul.f32 v36, v52;
	[tilespmem:s10+$0xFFFFFFA0] =	vst v55;
	v1 =	vadd.f32 v21, v1;
	v21 =	vld [tilespmem:s21+$0xFFFFFFD0]  }
0x22d: {  	v61 =	vld [tilespmem:s8+$0xFFFFFFF0];
	v6 =	vadd.f32 v14, v6;
	v56 =	vshll.u32 v48, $0x10;
	v54 =	vand.u32 $0xFFFF0000, v48  }
0x22e: {  	v1 =	vadd.f32 v18, v1;
	v53 =	vshll.u32 v8, $0x10;
	v48 =	vand.u32 $0xFFFF0000, v8;
	v8 =	vld [tilespmem:s21+$0xFFFFFFF0]  }
0x22f: {  	v14 =	vor.u32 s2, v0;
	s21 =	sadd.s32 $0x500, s21;
	v18 =	vsub.f32 v43, v38;
	v38 =	vmovc v50;
	[tilespmem:s10+$0x30] =	vst v59;
	v6 =	vadd.f32 v20, v6  }
0x230: {  	v20 =	vld [tilespmem:s21+$0x0];
	v1 =	vadd.f32 v12, v1;
	v55 =	vshll.u32 v49, $0x10;
	v50 =	vand.u32 $0xFFFF0000, v49  }
0x231: {  	v6 =	vadd.f32 v16, v6;
	v49 =	vshll.u32 v21, $0x10;
	v47 =	vand.u32 $0xFFFF0000, v21  }
0x232: {  	v16 =	vmul.f32 v18, v37;
	v18 =	vsub.f32 v42, v39;
	[tilespmem:s10+$0xFFFFFFB0] =	vst v61;
	v12 =	vld [tilespmem:s21+$0x20];
	v1 =	vadd.f32 v57, v1  }
0x233: {  	v39 =	vmovc v52;
	v21 =	vld [tilespmem:s21+$0xFFFFFD80];
	v6 =	vadd.f32 v45, v6;
	v43 =	vshll.u32 v8, $0x10;
	v42 =	vand.u32 $0xFFFF0000, v8  }
0x234: {  	v14 =	vand.u32 v2, v14;
	v18 =	vmul.f32 v18, v37;
	v37 =	vmovc v46;
	v8 =	vld [tilespmem:s21+$0x40];
	v1 =	vadd.f32 v58, v1  }
0x235: {  	v45 =	vld [tilespmem:s21+$0xFFFFFDA0];
	v46 =	vshll.u32 v20, $0x10;
	v6 =	vadd.f32 v44, v6;
	v44 =	vor.u32 s2, v4;
	[tilespmem:v40+s31+$0x0] =	vst.idx.msk $0xffff, v16;
	v40 =	vmovc v14  }
0x236: {  	v14 =	vand.u32 $0xFFFF0000, v20;
	v16 =	vadd.f32 $0.0e+00, v46;
	v20 =	vld [tilespmem:s21+$0x60];
	v57 =	vadd.f32 v60, v1;
	[tilespmem:v41+s31+$0x0] =	vst.idx.msk $0xffff, v18;
	v41 =	vmovc v44  }
0x237: {  	v14 =	vadd.f32 $0.0e+00, v14;
	v1 =	vld [tilespmem:s21+$0xFFFFFDC0];
	v18 =	vshll.u32 v12, $0x10;
	v58 =	vadd.f32 v10, v6  }
0x238: {  	v10 =	vand.u32 $0xFFFF0000, v12;
	v6 =	vshll.u32 v21, $0x10;
	v12 =	vadd.f32 v18, v16;
	v16 =	vld [tilespmem:s21+$0x80]  }
0x239: {  	v18 =	vand.u32 $0xFFFF0000, v21;
	v10 =	vadd.f32 v10, v14;
	v21 =	vld [tilespmem:s21+$0xFFFFFDE0];
	v14 =	vshll.u32 v8, $0x10  }
0x23a: {  	v6 =	vadd.f32 $0.0e+00, v6;
	v8 =	vand.u32 $0xFFFF0000, v8;
	v12 =	vadd.f32 v14, v12;
	v14 =	vld [tilespmem:s21+$0xA0]  }
0x23b: {  	v18 =	vadd.f32 $0.0e+00, v18;
	v8 =	vadd.f32 v8, v10;
	v44 =	vld [tilespmem:s21+$0xFFFFFE00];
	v10 =	vshll.u32 v20, $0x10  }
0x23c: {  	v46 =	vshll.u32 v45, $0x10;
	v20 =	vand.u32 $0xFFFF0000, v20;
	v10 =	vadd.f32 v10, v12;
	v12 =	vld [tilespmem:s21+$0xC0]  }
0x23d: {  	v45 =	vand.u32 $0xFFFF0000, v45;
	v8 =	vadd.f32 v20, v8;
	v59 =	vld [tilespmem:s21+$0xFFFFFE20];
	v20 =	vshll.u32 v16, $0x10  }
0x23e: {  	v6 =	vadd.f32 v46, v6;
	v16 =	vand.u32 $0xFFFF0000, v16;
	v10 =	vadd.f32 v20, v10;
	v20 =	vld [tilespmem:s21+$0xE0]  }
0x23f: {  	v18 =	vadd.f32 v45, v18;
	v8 =	vadd.f32 v16, v8;
	v45 =	vld [tilespmem:s21+$0xFFFFFE40];
	v16 =	vshll.u32 v14, $0x10  }
0x240: {  	v46 =	vshll.u32 v1, $0x10;
	v14 =	vand.u32 $0xFFFF0000, v14;
	v10 =	vadd.f32 v16, v10;
	v16 =	vld [tilespmem:s21+$0x100]  }
0x241: {  	v1 =	vand.u32 $0xFFFF0000, v1;
	v8 =	vadd.f32 v14, v8;
	v62 =	vld [tilespmem:s21+$0xFFFFFE60];
	v14 =	vshll.u32 v12, $0x10  }
0x242: {  	v6 =	vadd.f32 v46, v6;
	v12 =	vand.u32 $0xFFFF0000, v12;
	v10 =	vadd.f32 v14, v10;
	v14 =	vld [tilespmem:s21+$0x120]  }
0x243: {  	v1 =	vadd.f32 v1, v18;
	v8 =	vadd.f32 v12, v8;
	v18 =	vld [tilespmem:s21+$0xFFFFFE80];
	v12 =	vshll.u32 v20, $0x10  }
0x244: {  	v46 =	vshll.u32 v21, $0x10;
	v20 =	vand.u32 $0xFFFF0000, v20;
	v10 =	vadd.f32 v12, v10;
	v12 =	vld [tilespmem:s21+$0x140]  }
0x245: {  	v21 =	vand.u32 $0xFFFF0000, v21;
	v8 =	vadd.f32 v20, v8;
	v52 =	vld [tilespmem:s21+$0xFFFFFEA0];
	v20 =	vshll.u32 v16, $0x10  }
0x246: {  	v6 =	vadd.f32 v46, v6;
	v16 =	vand.u32 $0xFFFF0000, v16;
	v10 =	vadd.f32 v20, v10;
	v20 =	vld [tilespmem:s21+$0x160]  }
0x247: {  	v1 =	vadd.f32 v21, v1;
	v8 =	vadd.f32 v16, v8;
	v60 =	vld [tilespmem:s21+$0xFFFFFEC0];
	v16 =	vshll.u32 v14, $0x10  }
0x248: {  	v21 =	vshll.u32 v44, $0x10;
	v14 =	vand.u32 $0xFFFF0000, v14;
	v10 =	vadd.f32 v16, v10;
	v16 =	vld [tilespmem:s21+$0x180]  }
0x249: {  	v44 =	vand.u32 $0xFFFF0000, v44;
	v8 =	vadd.f32 v14, v8;
	v61 =	vld [tilespmem:s21+$0xFFFFFEE0];
	v14 =	vshll.u32 v12, $0x10  }
0x24a: {  	v6 =	vadd.f32 v21, v6;
	v12 =	vand.u32 $0xFFFF0000, v12;
	v10 =	vadd.f32 v14, v10;
	v14 =	vld [tilespmem:s21+$0x1A0]  }
0x24b: {  	v1 =	vadd.f32 v44, v1;
	v8 =	vadd.f32 v12, v8;
	v21 =	vld [tilespmem:s21+$0xFFFFFF00];
	v12 =	vshll.u32 v20, $0x10  }
0x24c: {  	v44 =	vshll.u32 v59, $0x10;
	v20 =	vand.u32 $0xFFFF0000, v20;
	v10 =	vadd.f32 v12, v10;
	v12 =	vld [tilespmem:s21+$0x1C0]  }
0x24d: {  	v46 =	vand.u32 $0xFFFF0000, v59;
	v8 =	vadd.f32 v20, v8;
	v63 =	vld [tilespmem:s21+$0xFFFFFF20];
	v20 =	vshll.u32 v16, $0x10  }
0x24e: {  	s2 =	sadd.s32 s9, s14;
	v6 =	vadd.f32 v44, v6;
	v16 =	vand.u32 $0xFFFF0000, v16;
	v10 =	vadd.f32 v20, v10;
	v20 =	vld [tilespmem:s21+$0x1E0]  }
0x24f: {  	s0 =	sadd.s32 $0x2, s2;
	s2 =	sadd.s32 $0x3, s2;
	v1 =	vadd.f32 v46, v1;
	v8 =	vadd.f32 v16, v8;
	v22 =	vld [tilespmem:s21+$0xFFFFFF40];
	v16 =	vshll.u32 v14, $0x10  }
0x250: {  	v44 =	vmov s2;
	v14 =	vand.u32 $0xFFFF0000, v14;
	v10 =	vadd.f32 v16, v10;
	v16 =	vld [tilespmem:s21+$0x200]  }
0x251: {  	v46 =	vshll.u32 v45, $0x10;
	v8 =	vadd.f32 v14, v8;
	v23 =	vld [tilespmem:s21+$0xFFFFFF60];
	v14 =	vshll.u32 v12, $0x10  }
0x252: {  	v45 =	vand.u32 $0xFFFF0000, v45;
	v12 =	vand.u32 $0xFFFF0000, v12;
	v10 =	vadd.f32 v14, v10;
	v14 =	vld [tilespmem:s21+$0x220]  }
0x253: {  	v6 =	vadd.f32 v46, v6;
	v8 =	vadd.f32 v12, v8;
	v24 =	vld [tilespmem:s21+$0xFFFFFF80];
	v12 =	vshll.u32 v20, $0x10  }
0x254: {  	v1 =	vadd.f32 v45, v1;
	v20 =	vand.u32 $0xFFFF0000, v20;
	v10 =	vadd.f32 v12, v10;
	v12 =	vld [tilespmem:s21+$0x240]  }
0x255: {  	v46 =	vshll.u32 v62, $0x10;
	v8 =	vadd.f32 v20, v8;
	v45 =	vld.idx.msk [tilespmem:v44+s30+$0x0], $0xffff;
	v20 =	vshll.u32 v16, $0x10  }
0x256: {  	v59 =	vand.u32 $0xFFFF0000, v62;
	v16 =	vand.u32 $0xFFFF0000, v16;
	v10 =	vadd.f32 v20, v10;
	v20 =	vld [tilespmem:s21+$0x260]  }
0x257: {  	v6 =	vadd.f32 v46, v6;
	v8 =	vadd.f32 v16, v8;
	v62 =	vld [tilespmem:s21+$0xFFFFFFA0];
	v16 =	vshll.u32 v14, $0x10  }
0x258: {  	v1 =	vadd.f32 v59, v1;
	v14 =	vand.u32 $0xFFFF0000, v14;
	v46 =	vld [tilespmem:s21+$0xFFFFFFC0];
	v10 =	vadd.f32 v16, v10  }
0x259: {  	v16 =	vshll.u32 v18, $0x10;
	v8 =	vadd.f32 v14, v8;
	v59 =	vld [tilespmem:s21+$0xFFFFFFE0];
	v14 =	vshll.u32 v12, $0x10  }
0x25a: {  	s5 =	sadd.s32 $0x100, s5;
	v18 =	vand.u32 $0xFFFF0000, v18;
	v12 =	vand.u32 $0xFFFF0000, v12;
	v44 =	vld.idx.msk [tilespmem:v44+s29+$0x0], $0xffff;
	v10 =	vadd.f32 v14, v10  }
0x25b: {  	s9 =	sadd.s32 $0xFFFFFF80, s5;
	s2 =	sadd.s32 $0xFFFFFFA0, s5;
	v8 =	vadd.f32 v12, v8;
	v14 =	vor.u32 s5, v0;
	v12 =	vshll.u32 v20, $0x10  }
0x25c: {  	v20 =	vand.u32 $0xFFFF0000, v20;
	v10 =	vadd.f32 v12, v10;
	v12 =	vmul.f32 v33, v45  }
0x25d: {  	v14 =	vand.u32 v32, v14;
	v8 =	vadd.f32 v20, v8;
	v20 =	vmul.f32 v34, v45  }
0x25e: {  	v6 =	vadd.f32 v16, v6;
	v10 =	vsub.f32 v10, v12;
	v12 =	vor.u32 s5, v4  }
0x25f: {  	v1 =	vadd.f32 v18, v1;
	v16 =	vshll.u32 v52, $0x10;
	v8 =	vsub.f32 v8, v20  }
0x260: {  	v18 =	vand.u32 $0xFFFF0000, v52;
	v6 =	vadd.f32 v16, v6;
	v10 =	vmul.f32 v10, v44  }
0x261: {  	v1 =	vadd.f32 v18, v1;
	v16 =	vshll.u32 v60, $0x10;
	v8 =	vmul.f32 v8, v44  }
0x262: {  	v18 =	vand.u32 $0xFFFF0000, v60;
	v6 =	vadd.f32 v16, v6;
	v16 =	vshll.u32 v61, $0x10;
	[tilespmem:v14+s31+$0x0] =	vst.idx.msk $0xffff, v10  }
0x263: {  	v1 =	vadd.f32 v18, v1;
	v10 =	vand.u32 $0xFFFF0000, v61;
	v14 =	vshll.u32 v21, $0x10;
	[tilespmem:v12+s31+$0x0] =	vst.idx.msk $0xffff, v8  }
0x264: {  	v6 =	vadd.f32 v16, v6;
	v8 =	vand.u32 $0xFFFF0000, v21;
	v12 =	vshll.u32 v63, $0x10;
	v16 =	vld [tilespmem:s21+$0x10]  }
0x265: {  	v18 =	vshll.u32 v22, $0x10;
	v1 =	vadd.f32 v10, v1;
	v10 =	vand.u32 $0xFFFF0000, v63  }
0x266: {  	v20 =	vshll.u32 v23, $0x10;
	v6 =	vadd.f32 v14, v6;
	v14 =	vand.u32 $0xFFFF0000, v22;
	v21 =	vld [tilespmem:s21+$0x30]  }
0x267: {  	v22 =	vmov s0;
	v1 =	vadd.f32 v8, v1;
	v8 =	vand.u32 $0xFFFF0000, v23  }
0x268: {  	v22 =	vand.u32 $0xFFFFFFFE, v22;
	v6 =	vadd.f32 v12, v6;
	v12 =	vshll.u32 v24, $0x10;
	v23 =	vld [tilespmem:s21+$0x50]  }
0x269: {  	v1 =	vadd.f32 v10, v1;
	v10 =	vand.u32 $0xFFFF0000, v24;
	v24 =	vshll.u32 v16, $0x10  }
0x26a: {  	v6 =	vadd.f32 v18, v6;
	v16 =	vand.u32 $0xFFFF0000, v16;
	v18 =	vadd.f32 $0.0e+00, v24;
	v24 =	vld [tilespmem:s21+$0x70]  }
0x26b: {  	v1 =	vadd.f32 v14, v1;
	v14 =	vadd.f32 $0.0e+00, v16;
	v16 =	vshll.u32 v21, $0x10  }
0x26c: {  	v6 =	vadd.f32 v20, v6;
	v20 =	vand.u32 $0xFFFF0000, v21;
	v16 =	vadd.f32 v16, v18;
	v18 =	vld [tilespmem:s21+$0x90]  }
0x26d: {  	v1 =	vadd.f32 v8, v1;
	v8 =	vadd.f32 v20, v14;
	v14 =	vshll.u32 v23, $0x10  }
0x26e: {  	v20 =	vbroadcast v22, $0x0;
	v21 =	vand.u32 $0xFFFF0000, v23;
	v14 =	vadd.f32 v14, v16;
	v16 =	vld [tilespmem:s21+$0xB0]  }
0x26f: {  	v6 =	vadd.f32 v12, v6;
	v8 =	vadd.f32 v21, v8;
	v12 =	vshll.u32 v24, $0x10  }
0x270: {  	v1 =	vadd.f32 v10, v1;
	v10 =	vand.u32 $0xFFFF0000, v24;
	v12 =	vadd.f32 v12, v14;
	v14 =	vld [tilespmem:s21+$0xD0]  }
0x271: {  	v21 =	vshll.u32 v62, $0x10;
	v8 =	vadd.f32 v10, v8;
	v10 =	vshll.u32 v18, $0x10  }
0x272: {  	v22 =	vand.u32 $0xFFFF0000, v62;
	v18 =	vand.u32 $0xFFFF0000, v18;
	v10 =	vadd.f32 v10, v12;
	v12 =	vld [tilespmem:s21+$0xF0]  }
0x273: {  	v6 =	vadd.f32 v21, v6;
	v8 =	vadd.f32 v18, v8;
	v18 =	vshll.u32 v16, $0x10  }
0x274: {  	v1 =	vadd.f32 v22, v1;
	v16 =	vand.u32 $0xFFFF0000, v16;
	v10 =	vadd.f32 v18, v10;
	v18 =	vld [tilespmem:s21+$0x110]  }
0x275: {  	v21 =	vshll.u32 v46, $0x10;
	v8 =	vadd.f32 v16, v8;
	v52 =	vld.idx.msk [tilespmem:v20+s30+$0x0], $0xffff;
	v16 =	vshll.u32 v14, $0x10  }
0x276: {  	v22 =	vand.u32 $0xFFFF0000, v46;
	v14 =	vand.u32 $0xFFFF0000, v14;
	v10 =	vadd.f32 v16, v10;
	v16 =	vld [tilespmem:s21+$0x130]  }
0x277: {  	v6 =	vadd.f32 v21, v6;
	v8 =	vadd.f32 v14, v8;
	v46 =	vld.idx.msk [tilespmem:v20+s29+$0x0], $0xffff;
	v14 =	vshll.u32 v12, $0x10  }
0x278: {  	v1 =	vadd.f32 v22, v1;
	v12 =	vand.u32 $0xFFFF0000, v12;
	v10 =	vadd.f32 v14, v10;
	v14 =	vld [tilespmem:s21+$0x150]  }
0x279: {  	v20 =	vshll.u32 v59, $0x10;
	v8 =	vadd.f32 v12, v8;
	v12 =	vshll.u32 v18, $0x10  }
0x27a: {  	v21 =	vand.u32 $0xFFFF0000, v59;
	v18 =	vand.u32 $0xFFFF0000, v18;
	v10 =	vadd.f32 v12, v10;
	v12 =	vld [tilespmem:s21+$0x170]  }
0x27b: {  	v6 =	vadd.f32 v20, v6;
	v8 =	vadd.f32 v18, v8;
	v18 =	vshll.u32 v16, $0x10  }
0x27c: {  	v1 =	vadd.f32 v21, v1;
	v16 =	vand.u32 $0xFFFF0000, v16;
	v10 =	vadd.f32 v18, v10;
	v18 =	vld [tilespmem:s21+$0x190]  }
0x27d: {  	v20 =	vmul.f32 v33, v52;
	v8 =	vadd.f32 v16, v8;
	v16 =	vshll.u32 v14, $0x10  }
0x27e: {  	v21 =	vmul.f32 v34, v52;
	v14 =	vand.u32 $0xFFFF0000, v14;
	v10 =	vadd.f32 v16, v10;
	v16 =	vld [tilespmem:s21+$0x1B0]  }
0x27f: {  	v6 =	vsub.f32 v6, v20;
	v8 =	vadd.f32 v14, v8;
	v14 =	vshll.u32 v12, $0x10  }
0x280: {  	v1 =	vsub.f32 v1, v21;
	v12 =	vand.u32 $0xFFFF0000, v12;
	v10 =	vadd.f32 v14, v10;
	v14 =	vld [tilespmem:s21+$0x1D0]  }
0x281: {  	v6 =	vmul.f32 v6, v46;
	v8 =	vadd.f32 v12, v8;
	v12 =	vshll.u32 v18, $0x10  }
0x282: {  	v1 =	vmul.f32 v1, v46;
	v18 =	vand.u32 $0xFFFF0000, v18;
	v10 =	vadd.f32 v12, v10;
	v12 =	vld [tilespmem:s21+$0x1F0]  }
0x283: {  	v20 =	vor.u32 s9, v0;
	v8 =	vadd.f32 v18, v8;
	v18 =	vshll.u32 v16, $0x10  }
0x284: {  	v20 =	vand.u32 v32, v20;
	v16 =	vand.u32 $0xFFFF0000, v16;
	v10 =	vadd.f32 v18, v10;
	v18 =	vld [tilespmem:s21+$0x210]  }
0x285: {  	v21 =	vor.u32 s9, v4;
	v8 =	vadd.f32 v16, v8;
	v16 =	vshll.u32 v14, $0x10  }
0x286: {  	v22 =	vadd.f32 v51, v57;
	v14 =	vand.u32 $0xFFFF0000, v14;
	v10 =	vadd.f32 v16, v10;
	v16 =	vld [tilespmem:s21+$0x230]  }
0x287: {  	v23 =	vadd.f32 v56, v58;
	v8 =	vadd.f32 v14, v8;
	v14 =	vshll.u32 v12, $0x10  }
0x288: {  	v22 =	vadd.f32 v54, v22;
	v12 =	vand.u32 $0xFFFF0000, v12;
	v10 =	vadd.f32 v14, v10;
	v14 =	vld [tilespmem:s21+$0x250]  }
0x289: {  	[tilespmem:v20+s31+$0x0] =	vst.idx.msk $0xffff, v6;
	v6 =	vadd.f32 v12, v8;
	v8 =	vshll.u32 v18, $0x10;
	v12 =	vadd.f32 v53, v23  }
0x28a: {  	[tilespmem:v21+s31+$0x0] =	vst.idx.msk $0xffff, v1;
	v1 =	vand.u32 $0xFFFF0000, v18;
	v8 =	vadd.f32 v8, v10;
	v57 =	vld [tilespmem:s21+$0x270];
	v10 =	vadd.f32 v48, v22  }
.Ltmp2:
0x28b: {  	v58 =	vld [tilespmem:s21+$0xFFFFFD90];
	v1 =	vadd.f32 v1, v6;
	v6 =	vshll.u32 v16, $0x10;
	v12 =	vadd.f32 v55, v12;
	(pc) =	sbr.rel @p0 .LBB2_7-.Ltmp2, $4  }
0x28c: {  	v16 =	vand.u32 $0xFFFF0000, v16;
	v56 =	vld [tilespmem:s21+$0xFFFFFDB0];
	v6 =	vadd.f32 v6, v8;
	v8 =	vadd.f32 v50, v10  }
0x28d: {  	v54 =	vld [tilespmem:s21+$0xFFFFFDD0];
	v1 =	vadd.f32 v16, v1;
	v10 =	vshll.u32 v14, $0x10;
	v53 =	vadd.f32 v49, v12  }
0x28e: {  	s0 =	sadd.s32 $0x20, s5;
	v12 =	vand.u32 $0xFFFF0000, v14;
	v50 =	vld [tilespmem:s21+$0xFFFFFDF0];
	v55 =	vadd.f32 v10, v6;
	v47 =	vadd.f32 v47, v8  }
0x28f: {  	s8 =	sadd.s32 $0x80, s8;
	v49 =	vor.u32 s0, v0;
	v51 =	vld [tilespmem:s21+$0xFFFFFE10];
	v48 =	vadd.f32 v12, v1;
	v59 =	vshll.u32 v57, $0x10  }
0x290: {  	v1 =	vshll.u32 v58, $0x10  }
0x291: {  	v6 =	vand.u32 $0xFFFF0000, v58;
	v1 =	vadd.f32 $0.0e+00, v1  }
0x292: {  	v6 =	vadd.f32 $0.0e+00, v6;
	v8 =	vshll.u32 v56, $0x10  }
0x293: {  	v10 =	vand.u32 $0xFFFF0000, v56;
	v1 =	vadd.f32 v8, v1  }
0x294: {  	v6 =	vadd.f32 v10, v6;
	v8 =	vshll.u32 v54, $0x10  }
0x295: {  	v12 =	vand.u32 $0xFFFF0000, v54;
	v10 =	vld [tilespmem:s21+$0xFFFFFE30];
	v1 =	vadd.f32 v8, v1  }
0x296: {  	v8 =	vshll.u32 v50, $0x10;
	v6 =	vadd.f32 v12, v6  }
0x297: {  	v14 =	vand.u32 $0xFFFF0000, v50;
	v12 =	vld [tilespmem:s21+$0xFFFFFE50];
	v1 =	vadd.f32 v8, v1  }
0x298: {  	v8 =	vshll.u32 v51, $0x10;
	v6 =	vadd.f32 v14, v6  }
0x299: {  	v16 =	vand.u32 $0xFFFF0000, v51;
	v14 =	vld [tilespmem:s21+$0xFFFFFE70];
	v1 =	vadd.f32 v8, v1  }
0x29a: {  	v8 =	vshll.u32 v10, $0x10;
	v6 =	vadd.f32 v16, v6  }
0x29b: {  	v16 =	vld [tilespmem:s21+$0xFFFFFE90];
	v10 =	vand.u32 $0xFFFF0000, v10;
	v1 =	vadd.f32 v8, v1  }
0x29c: {  	v8 =	vshll.u32 v12, $0x10;
	v6 =	vadd.f32 v10, v6  }
0x29d: {  	v10 =	vld [tilespmem:s21+$0xFFFFFEB0];
	v12 =	vand.u32 $0xFFFF0000, v12;
	v1 =	vadd.f32 v8, v1  }
0x29e: {  	v8 =	vshll.u32 v14, $0x10;
	v6 =	vadd.f32 v12, v6  }
0x29f: {  	v12 =	vld [tilespmem:s21+$0xFFFFFED0];
	v14 =	vand.u32 $0xFFFF0000, v14;
	v1 =	vadd.f32 v8, v1  }
0x2a0: {  	v8 =	vshll.u32 v16, $0x10;
	v6 =	vadd.f32 v14, v6  }
0x2a1: {  	v14 =	vld [tilespmem:s21+$0xFFFFFEF0];
	v16 =	vand.u32 $0xFFFF0000, v16;
	v1 =	vadd.f32 v8, v1  }
0x2a2: {  	v18 =	vld [tilespmem:s21+$0xFFFFFF50];
	v8 =	vshll.u32 v10, $0x10;
	v6 =	vadd.f32 v16, v6  }
0x2a3: {  	v16 =	vld [tilespmem:s21+$0xFFFFFF10];
	v10 =	vand.u32 $0xFFFF0000, v10;
	v1 =	vadd.f32 v8, v1  }
0x2a4: {  	v8 =	vshll.u32 v12, $0x10;
	v6 =	vadd.f32 v10, v6  }
0x2a5: {  	v10 =	vld [tilespmem:s21+$0xFFFFFF30];
	v12 =	vand.u32 $0xFFFF0000, v12;
	v1 =	vadd.f32 v8, v1  }
0x2a6: {  	v8 =	vshll.u32 v14, $0x10;
	v6 =	vadd.f32 v12, v6  }
0x2a7: {  	v23 =	vshll.u32 v18, $0x10;
	v14 =	vand.u32 $0xFFFF0000, v14;
	v1 =	vadd.f32 v8, v1  }
0x2a8: {  	v12 =	vand.u32 $0xFFFF0000, v57;
	v20 =	vshll.u32 v16, $0x10;
	v6 =	vadd.f32 v14, v6  }
0x2a9: {  	v21 =	vld [tilespmem:s21+$0xFFFFFF70];
	v16 =	vand.u32 $0xFFFF0000, v16;
	v8 =	vadd.f32 v59, v55;
	v1 =	vadd.f32 v20, v1  }
0x2aa: {  	v14 =	vmul.f32 v35, v45;
	v20 =	vshll.u32 v10, $0x10;
	v6 =	vadd.f32 v16, v6  }
0x2ab: {  	v22 =	vld [tilespmem:s21+$0xFFFFFF90];
	v12 =	vadd.f32 v12, v48;
	v10 =	vand.u32 $0xFFFF0000, v10;
	v1 =	vadd.f32 v20, v1  }
0x2ac: {  	v50 =	vmul.f32 v35, v52;
	v8 =	vsub.f32 v8, v14;
	v6 =	vadd.f32 v10, v6  }
0x2ad: {  	v14 =	vld [tilespmem:s21+$0xFFFFFFB0];
	v20 =	vmul.f32 v36, v45;
	v10 =	vand.u32 $0xFFFF0000, v18;
	v1 =	vadd.f32 v23, v1  }
0x2ae: {  	v16 =	vand.u32 v2, v49;
	v49 =	vld [tilespmem:s21+$0xFFFFFFF0];
	v45 =	vshll.u32 v21, $0x10;
	v6 =	vadd.f32 v10, v6  }
0x2af: {  	v10 =	vsub.f32 v12, v20;
	v12 =	vld [tilespmem:s21+$0xFFFFFFD0];
	v20 =	vand.u32 $0xFFFF0000, v21;
	v1 =	vadd.f32 v45, v1  }
0x2b0: {  	v48 =	vshll.u32 v22, $0x10;
	v18 =	vor.u32 s0, v4;
	v6 =	vadd.f32 v20, v6  }
0x2b1: {  	v8 =	vmul.f32 v8, v44;
	v20 =	vand.u32 $0xFFFF0000, v22;
	v1 =	vadd.f32 v48, v1  }
0x2b2: {  	v51 =	vshll.u32 v14, $0x10;
	v14 =	vand.u32 $0xFFFF0000, v14;
	v6 =	vadd.f32 v20, v6  }
0x2b3: {  	v54 =	vshll.u32 v49, $0x10;
	v10 =	vmul.f32 v10, v44;
	v1 =	vadd.f32 v51, v1  }
0x2b4: {  	v20 =	vadd.f32 v43, v53;
	v24 =	vshll.u32 v12, $0x10;
	v6 =	vadd.f32 v14, v6  }
0x2b5: {  	v53 =	vmul.f32 v36, v52;
	v12 =	vand.u32 $0xFFFF0000, v12;
	v1 =	vadd.f32 v24, v1  }
0x2b6: {  	v14 =	vadd.f32 v42, v47;
	v24 =	vor.u32 s2, v0;
	v6 =	vadd.f32 v12, v6  }
0x2b7: {  	v12 =	vsub.f32 v20, v38;
	v20 =	vand.u32 $0xFFFF0000, v49;
	v1 =	vadd.f32 v54, v1  }
0x2b8: {  	v14 =	vsub.f32 v14, v39;
	v55 =	vand.u32 v2, v24;
	v6 =	vadd.f32 v20, v6  }
0x2b9: {  	p0 =	sgt.u32 s19, $0x1E;
	[tilespmem:v16+s31+$0x0] =	vst.idx.msk $0xffff, v8;
	v8 =	vmul.f32 v12, v37;
	v12 =	vor.u32 s2, v4;
	v1 =	vsub.f32 v1, v50  }
0x2ba: {  	s0 =	sadd.s32 @!p0 $0x2, s6;
	[tilespmem:v18+s31+$0x0] =	vst.idx.msk $0xffff, v10;
	v10 =	vmul.f32 v14, v37;
	v6 =	vsub.f32 v6, v53  }
0x2bb: {  	s2 =	smul.u32 @!p0 $0x500, s0;
	[tilespmem:v40+s31+$0x0] =	vst.idx.msk $0xffff, v8;
	v1 =	vmul.f32 v1, v46  }
0x2bc: {  	[tilespmem:v41+s31+$0x0] =	vst.idx.msk $0xffff, v10;
	v6 =	vmul.f32 v6, v46  }
0x2bd: {  	s2 =	sshra.s32 @!p0 s2, $0x2;
	[tilespmem:v55+s31+$0x0] =	vst.idx.msk $0xffff, v1  }
0x2be: {  	s7 =	simm.s32 @!p0 $0x0;
	s6 =	simm.s32 @!p0 $0x50;
	s5 =	sadd.s32 @!p0 $0x6C00, s2;
	[tilespmem:v12+s31+$0x0] =	vst.idx.msk $0xffff, v6  }
0x2bf: {  	[tilespmem:s7], [sflag:$0x1] =	stream.indirect.gather @!p0 [hbm4b:s4+s6], $0x20, s5, s6, $0xb8;
	[tilespmem:$0x19A20] =	vst v63  }
0x2c0: {  	s5 =	sadd.s32 @!p0 $0x6C50, s2;
	s7 =	simm.s32 @!p0 $0xA00  }
0x2c1: {  	[tilespmem:s7], [sflag:$0x1] =	stream.indirect.gather @!p0 [hbm4b:s4+s6], $0x20, s5, s6, $0xb8;
	[tilespmem:$0x19A20] =	vst v63  }
0x2c2: {  	s0 =	sshll.u32 @!p0 s0, $0x4;
	s5 =	sadd.s32 @!p0 $0x6CA0, s2;
	s7 =	simm.s32 @!p0 $0x1400  }
0x2c3: {  	[tilespmem:s7], [sflag:$0x1] =	stream.indirect.gather @!p0 [hbm4b:s4+s6], $0x20, s5, s6, $0xb8;
	[tilespmem:$0x19A20] =	vst v63  }
0x2c4: {  	s0 =	sand.u32 @!p0 $0x3FFFFFF0, s0;
	s2 =	sadd.s32 @!p0 $0x6CF0, s2;
	s5 =	simm.s32 @!p0 $0x1E00  }
0x2c5: {  	[tilespmem:s5], [sflag:$0x1] =	stream.indirect.gather @!p0 [hbm4b:s4+s6], $0x20, s2, s6, $0xb8;
	[tilespmem:$0x19A20] =	vst v63  }
0x2c6: {  	s0 =	sadd.s32 @!p0 $0x9400, s0;
	s2 =	simm.s32 @!p0 $0x10;
	s5 =	simm.s32 @!p0 $0x5000  }
0x2c7: {  	[tilespmem:s5], [sflag:$0x1] =	stream.indirect.gather @!p0 [hbm4b:s3+s2], $0x40, s0, s2, $0xb8;
	[tilespmem:$0x19A20] =	vst v63  }
0x2c8: {  	_ =	swait.ge [sflag:s1], $0xA00  }
0x2c9: {  	[sflag:s1] =	ssyncset.done $0x0  }
0x2ca: {  	[sflag:s1] =	ssyncadd.s32 $0xFFFFF600  }
0x2cb: {  	_ =	swait.ge [sflag:s1], $0xA00  }
0x2cc: {  	[sflag:s1] =	ssyncset.done $0x0  }
0x2cd: {  	[sflag:s1] =	ssyncadd.s32 $0xFFFFF600  }
0x2ce: {  	_ =	swait.ge [sflag:s1], $0xA00  }
0x2cf: {  	[sflag:s1] =	ssyncset.done $0x0  }
0x2d0: {  	[sflag:s1] =	ssyncadd.s32 $0xFFFFF600  }
0x2d1: {  	_ =	swait.ge [sflag:s1], $0xA00  }
0x2d2: {  	[sflag:s1] =	ssyncset.done $0x0  }
0x2d3: {  	[sflag:s1] =	ssyncadd.s32 $0xFFFFF600  }
0x2d4: {  	_ =	swait.ge [sflag:s1], $0x400  }
0x2d5: {  	[sflag:s1] =	ssyncset.done $0x0  }
0x2d6: {  	s6 =	simm.s32 $0x5440;
	[sflag:s1] =	ssyncadd.s32 $0xFFFFFC00  }
0x2d7: {  	v1 =	vld [tilespmem:s6+$0x0];
	_ =	sdelay $0x2  }
0x2d8: {  	v6 =	vld [tilespmem:s6+$0xFFFFFFC0];
	_ =	sdelay $0x1  }
0x2d9: {  	[tilespmem:s17+$0xFFFFFFD0] =	vst v1  }
0x2da: {  	v1 =	vld [tilespmem:s6+$0x10];
	_ =	sdelay $0x1  }
0x2db: {  	[tilespmem:s17+$0xFFFFFF50] =	vst v6  }
0x2dc: {  	v6 =	vld [tilespmem:s6+$0xFFFFFFD0];
	_ =	sdelay $0x1  }
0x2dd: {  	[tilespmem:s17+$0xFFFFFFE0] =	vst v1  }
0x2de: {  	v1 =	vld [tilespmem:s6+$0x20];
	_ =	sdelay $0x1  }
0x2df: {  	[tilespmem:s17+$0xFFFFFF60] =	vst v6  }
0x2e0: {  	v6 =	vld [tilespmem:s6+$0xFFFFFFE0];
	_ =	sdelay $0x1  }
0x2e1: {  	[tilespmem:s17+$0xFFFFFFF0] =	vst v1  }
0x2e2: {  	v1 =	vld [tilespmem:s6+$0x30];
	_ =	sdelay $0x1  }
0x2e3: {  	[tilespmem:s17+$0xFFFFFF70] =	vst v6  }
0x2e4: {  	v6 =	vld [tilespmem:s6+$0xFFFFFFF0];
	_ =	sdelay $0x1  }
0x2e5: {  	s7 =	simm.s32 $0x2A80;
	[tilespmem:s17+$0x0] =	vst v1  }
0x2e6: {  	v1 =	vld [tilespmem:s7+$0x0];
	_ =	sdelay $0x1  }
0x2e7: {  	[tilespmem:s17+$0xFFFFFF80] =	vst v6;
	v6 =	vld [tilespmem:s7+$0x20]  }
0x2e8: {  	v8 =	vld [tilespmem:s7+$0xFFFFFD80]  }
0x2e9: {  	v10 =	vld [tilespmem:s7+$0x40]  }
0x2ea: {  	v14 =	vld [tilespmem:s7+$0x60];
	v12 =	vshll.u32 v1, $0x10  }
0x2eb: {  	s8 =	sadd.s32 $0xFFFFFFFE, s14;
	v16 =	vld [tilespmem:s7+$0xFFFFFDA0];
	v1 =	vand.u32 $0xFFFF0000, v1;
	v12 =	vadd.f32 $0.0e+00, v12  }
0x2ec: {  	s9 =	sadd.s32 $0x13, s8;
	v18 =	vshll.u32 v6, $0x10;
	v1 =	vadd.f32 $0.0e+00, v1  }
0x2ed: {  	v63 =	vmov s9;
	v6 =	vand.u32 $0xFFFF0000, v6;
	v12 =	vadd.f32 v18, v12;
	v18 =	vld [tilespmem:s7+$0x80]  }
0x2ee: {  	v56 =	vld [tilespmem:s7+$0xFFFFFDC0];
	v20 =	vshll.u32 v8, $0x10;
	v1 =	vadd.f32 v6, v1;
	v6 =	vshll.u32 v10, $0x10  }
0x2ef: {  	v8 =	vand.u32 $0xFFFF0000, v8;
	v10 =	vand.u32 $0xFFFF0000, v10;
	v6 =	vadd.f32 v6, v12;
	v12 =	vld [tilespmem:s7+$0xA0]  }
0x2f0: {  	v58 =	vld [tilespmem:s7+$0xFFFFFDE0];
	v57 =	vshll.u32 v16, $0x10;
	v1 =	vadd.f32 v10, v1;
	v10 =	vshll.u32 v14, $0x10  }
0x2f1: {  	v16 =	vand.u32 $0xFFFF0000, v16;
	v14 =	vand.u32 $0xFFFF0000, v14;
	v6 =	vadd.f32 v10, v6;
	v10 =	vld [tilespmem:s7+$0xC0]  }
0x2f2: {  	v62 =	vld [tilespmem:s7+$0xFFFFFE40];
	v8 =	vadd.f32 $0.0e+00, v8;
	v1 =	vadd.f32 v14, v1;
	v14 =	vshll.u32 v18, $0x10  }
0x2f3: {  	v21 =	vand.u32 $0xFFFF0000, v56;
	v18 =	vand.u32 $0xFFFF0000, v18;
	v6 =	vadd.f32 v14, v6;
	v14 =	vld [tilespmem:s7+$0xE0]  }
0x2f4: {  	v24 =	vld [tilespmem:s7+$0xFFFFFE80];
	v8 =	vadd.f32 v16, v8;
	v1 =	vadd.f32 v18, v1;
	v16 =	vshll.u32 v12, $0x10  }
0x2f5: {  	v59 =	vshll.u32 v58, $0x10;
	v12 =	vand.u32 $0xFFFF0000, v12;
	v6 =	vadd.f32 v16, v6;
	v16 =	vld [tilespmem:s7+$0x100]  }
0x2f6: {  	v22 =	vand.u32 $0xFFFF0000, v58;
	v1 =	vadd.f32 v12, v1;
	v12 =	vshll.u32 v10, $0x10  }
0x2f7: {  	v41 =	vshll.u32 v62, $0x10;
	v10 =	vand.u32 $0xFFFF0000, v10;
	v6 =	vadd.f32 v12, v6;
	v12 =	vld [tilespmem:s7+$0x120]  }
0x2f8: {  	v60 =	vld [tilespmem:s7+$0xFFFFFE20];
	v20 =	vadd.f32 $0.0e+00, v20;
	v1 =	vadd.f32 v10, v1;
	v10 =	vshll.u32 v14, $0x10  }
0x2f9: {  	v43 =	vand.u32 $0xFFFF0000, v24;
	v14 =	vand.u32 $0xFFFF0000, v14;
	v6 =	vadd.f32 v10, v6;
	v10 =	vld [tilespmem:s7+$0x140]  }
0x2fa: {  	v20 =	vadd.f32 v57, v20;
	v1 =	vadd.f32 v14, v1;
	v14 =	vshll.u32 v16, $0x10  }
0x2fb: {  	v18 =	vshll.u32 v56, $0x10;
	v16 =	vand.u32 $0xFFFF0000, v16;
	v6 =	vadd.f32 v14, v6;
	v14 =	vld [tilespmem:s7+$0x160]  }
0x2fc: {  	v18 =	vadd.f32 v18, v20;
	v20 =	vld [tilespmem:s7+$0xFFFFFE00];
	v1 =	vadd.f32 v16, v1;
	v16 =	vshll.u32 v12, $0x10  }
0x2fd: {  	v8 =	vadd.f32 v21, v8;
	v12 =	vand.u32 $0xFFFF0000, v12;
	v6 =	vadd.f32 v16, v6;
	v16 =	vld [tilespmem:s7+$0x180]  }
0x2fe: {  	v21 =	vand.u32 $0xFFFF0000, v60;
	v1 =	vadd.f32 v12, v1;
	v12 =	vshll.u32 v10, $0x10  }
0x2ff: {  	v8 =	vadd.f32 v22, v8;
	v10 =	vand.u32 $0xFFFF0000, v10;
	v6 =	vadd.f32 v12, v6;
	v12 =	vld [tilespmem:s7+$0x1A0]  }
0x300: {  	v18 =	vadd.f32 v59, v18;
	v1 =	vadd.f32 v10, v1;
	v10 =	vshll.u32 v14, $0x10  }
0x301: {  	v61 =	vshll.u32 v20, $0x10;
	v14 =	vand.u32 $0xFFFF0000, v14;
	v6 =	vadd.f32 v10, v6;
	v10 =	vld [tilespmem:s7+$0x1C0]  }
0x302: {  	v20 =	vand.u32 $0xFFFF0000, v20;
	v1 =	vadd.f32 v14, v1;
	v14 =	vshll.u32 v16, $0x10  }
0x303: {  	v18 =	vadd.f32 v61, v18;
	v16 =	vand.u32 $0xFFFF0000, v16;
	v6 =	vadd.f32 v14, v6;
	v14 =	vld [tilespmem:s7+$0x1E0]  }
0x304: {  	v8 =	vadd.f32 v20, v8;
	v1 =	vadd.f32 v16, v1;
	v16 =	vshll.u32 v12, $0x10  }
0x305: {  	v20 =	vshll.u32 v60, $0x10;
	v12 =	vand.u32 $0xFFFF0000, v12;
	v6 =	vadd.f32 v16, v6;
	v16 =	vld [tilespmem:s7+$0x200]  }
0x306: {  	v18 =	vadd.f32 v20, v18;
	v20 =	vld [tilespmem:s7+$0xFFFFFE60];
	v1 =	vadd.f32 v12, v1;
	v12 =	vshll.u32 v10, $0x10  }
0x307: {  	v22 =	vand.u32 $0xFFFF0000, v62;
	v10 =	vand.u32 $0xFFFF0000, v10;
	v6 =	vadd.f32 v12, v6;
	v12 =	vld [tilespmem:s7+$0x220]  }
0x308: {  	v8 =	vadd.f32 v21, v8;
	v1 =	vadd.f32 v10, v1;
	v10 =	vshll.u32 v14, $0x10  }
0x309: {  	v18 =	vadd.f32 v41, v18;
	v14 =	vand.u32 $0xFFFF0000, v14;
	v6 =	vadd.f32 v10, v6;
	v10 =	vld [tilespmem:s7+$0x240]  }
0x30a: {  	v8 =	vadd.f32 v22, v8;
	v1 =	vadd.f32 v14, v1;
	v14 =	vshll.u32 v16, $0x10  }
0x30b: {  	v42 =	vshll.u32 v20, $0x10;
	v16 =	vand.u32 $0xFFFF0000, v16;
	v6 =	vadd.f32 v14, v6;
	v14 =	vld [tilespmem:s7+$0x260]  }
0x30c: {  	v39 =	vld.idx.msk [tilespmem:v63+s30+$0x0], $0xffff;
	v20 =	vand.u32 $0xFFFF0000, v20;
	v1 =	vadd.f32 v16, v1;
	v16 =	vshll.u32 v12, $0x10  }
0x30d: {  	v18 =	vadd.f32 v42, v18;
	v12 =	vand.u32 $0xFFFF0000, v12;
	v6 =	vadd.f32 v16, v6  }
0x30e: {  	v8 =	vadd.f32 v20, v8;
	v1 =	vadd.f32 v12, v1;
	v12 =	vshll.u32 v10, $0x10  }
0x30f: {  	s10 =	sadd.s32 $0xFFFFFFE0, s16;
	v20 =	vld [tilespmem:s7+$0xFFFFFEA0];
	v16 =	vshll.u32 v24, $0x10;
	v10 =	vand.u32 $0xFFFF0000, v10;
	v6 =	vadd.f32 v12, v6  }
0x310: {  	v38 =	vld.idx.msk [tilespmem:v63+s29+$0x0], $0xffff;
	v1 =	vadd.f32 v10, v1;
	v12 =	vor.u32 s10, v0;
	v10 =	vshll.u32 v14, $0x10  }
0x311: {  	v44 =	vld [tilespmem:s7+$0xFFFFFEC0];
	v14 =	vand.u32 $0xFFFF0000, v14;
	v6 =	vadd.f32 v10, v6;
	v10 =	vmul.f32 v33, v39  }
0x312: {  	v45 =	vld [tilespmem:s7+$0xFFFFFEE0];
	v12 =	vand.u32 v32, v12;
	v1 =	vadd.f32 v14, v1;
	v14 =	vmul.f32 v34, v39  }
0x313: {  	v47 =	vld [tilespmem:s7+$0xFFFFFF40];
	v16 =	vadd.f32 v16, v18;
	v6 =	vsub.f32 v6, v10;
	v10 =	vor.u32 s10, v4  }
0x314: {  	v52 =	vld [tilespmem:s7+$0xFFFFFFA0];
	v8 =	vadd.f32 v43, v8;
	v46 =	vshll.u32 v20, $0x10;
	v1 =	vsub.f32 v1, v14  }
0x315: {  	v20 =	vand.u32 $0xFFFF0000, v20;
	v18 =	vld [tilespmem:s7+$0xFFFFFF00];
	v16 =	vadd.f32 v46, v16;
	v6 =	vmul.f32 v6, v38  }
0x316: {  	v54 =	vld [tilespmem:s7+$0xFFFFFFC0];
	v8 =	vadd.f32 v20, v8;
	v20 =	vshll.u32 v44, $0x10;
	v1 =	vmul.f32 v1, v38  }
0x317: {  	v21 =	vand.u32 $0xFFFF0000, v44;
	v16 =	vadd.f32 v20, v16;
	v14 =	vld [tilespmem:s7+$0xFFFFFF20];
	[tilespmem:v12+s31+$0x0] =	vst.idx.msk $0xffff, v6  }
0x318: {  	s0 =	sadd.s32 $0x12, s8;
	v8 =	vadd.f32 v21, v8;
	v24 =	vld [tilespmem:s7+$0xFFFFFF60];
	v12 =	vshll.u32 v45, $0x10;
	[tilespmem:v10+s31+$0x0] =	vst.idx.msk $0xffff, v1  }
0x319: {  	v50 =	vmov s0;
	v20 =	vand.u32 $0xFFFF0000, v45;
	v10 =	vadd.f32 v12, v16;
	v16 =	vld [tilespmem:s7+$0x10]  }
0x31a: {  	v23 =	vand.u32 $0xFFFFFFFE, v50;
	v8 =	vadd.f32 v20, v8;
	v1 =	vshll.u32 v18, $0x10  }
0x31b: {  	v55 =	vshll.u32 v52, $0x10;
	v12 =	vand.u32 $0xFFFF0000, v18;
	v48 =	vld [tilespmem:s7+$0x30];
	v1 =	vadd.f32 v1, v10  }
0x31c: {  	v57 =	vshll.u32 v54, $0x10;
	v18 =	vshll.u32 v14, $0x10;
	v8 =	vadd.f32 v12, v8  }
0x31d: {  	v49 =	vshll.u32 v24, $0x10;
	v14 =	vand.u32 $0xFFFF0000, v14;
	v1 =	vadd.f32 v18, v1;
	v18 =	vld [tilespmem:s7+$0x50]  }
0x31e: {  	v20 =	vshll.u32 v47, $0x10;
	v6 =	vld [tilespmem:s7+$0xFFFFFF80];
	v8 =	vadd.f32 v14, v8;
	v14 =	vshll.u32 v16, $0x10  }
0x31f: {  	v51 =	vld [tilespmem:s7+$0x70];
	v10 =	vand.u32 $0xFFFF0000, v47;
	v16 =	vand.u32 $0xFFFF0000, v16;
	v14 =	vadd.f32 $0.0e+00, v14  }
0x320: {  	v1 =	vadd.f32 v20, v1;
	v20 =	vshll.u32 v48, $0x10;
	v16 =	vadd.f32 $0.0e+00, v16  }
0x321: {  	v8 =	vadd.f32 v10, v8;
	v10 =	vand.u32 $0xFFFF0000, v48;
	v14 =	vadd.f32 v20, v14;
	v20 =	vld [tilespmem:s7+$0x90]  }
0x322: {  	v56 =	vld [tilespmem:s7+$0xFFFFFFE0];
	v12 =	vand.u32 $0xFFFF0000, v24;
	v10 =	vadd.f32 v10, v16;
	v16 =	vshll.u32 v18, $0x10  }
0x323: {  	v8 =	vadd.f32 v12, v8;
	v12 =	vand.u32 $0xFFFF0000, v18;
	v14 =	vadd.f32 v16, v14;
	v16 =	vld [tilespmem:s7+$0xB0]  }
0x324: {  	v24 =	vshll.u32 v6, $0x10;
	v10 =	vadd.f32 v12, v10;
	v12 =	vshll.u32 v51, $0x10  }
0x325: {  	v6 =	vand.u32 $0xFFFF0000, v6;
	v53 =	vand.u32 $0xFFFF0000, v51;
	v12 =	vadd.f32 v12, v14;
	v14 =	vld [tilespmem:s7+$0xD0]  }
0x326: {  	v6 =	vadd.f32 v6, v8;
	v8 =	vadd.f32 v53, v10;
	v10 =	vshll.u32 v20, $0x10  }
0x327: {  	s19 =	sadd.s32 $0xFFFFFF60, s16;
	v58 =	vshll.u32 v56, $0x10;
	v20 =	vand.u32 $0xFFFF0000, v20;
	v10 =	vadd.f32 v10, v12;
	v12 =	vld [tilespmem:s7+$0xF0]  }
0x328: {  	v60 =	vor.u32 s19, v0;
	v8 =	vadd.f32 v20, v8;
	v20 =	vshll.u32 v16, $0x10  }
0x329: {  	v22 =	vand.u32 $0xFFFF0000, v56;
	v16 =	vand.u32 $0xFFFF0000, v16;
	v10 =	vadd.f32 v20, v10;
	v20 =	vld [tilespmem:s7+$0x110]  }
0x32a: {  	v18 =	vbroadcast v23, $0x0;
	v8 =	vadd.f32 v16, v8;
	v16 =	vshll.u32 v14, $0x10  }
0x32b: {  	v21 =	vand.u32 $0xFFFF0000, v52;
	v14 =	vand.u32 $0xFFFF0000, v14;
	v10 =	vadd.f32 v16, v10;
	v16 =	vld [tilespmem:s7+$0x130]  }
0x32c: {  	v1 =	vadd.f32 v49, v1;
	v8 =	vadd.f32 v14, v8;
	v14 =	vshll.u32 v12, $0x10  }
0x32d: {  	v23 =	vand.u32 $0xFFFF0000, v54;
	v12 =	vand.u32 $0xFFFF0000, v12;
	v10 =	vadd.f32 v14, v10;
	v14 =	vld [tilespmem:s7+$0x150]  }
0x32e: {  	v1 =	vadd.f32 v24, v1;
	v8 =	vadd.f32 v12, v8;
	v12 =	vshll.u32 v20, $0x10  }
0x32f: {  	v6 =	vadd.f32 v21, v6;
	v20 =	vand.u32 $0xFFFF0000, v20;
	v10 =	vadd.f32 v12, v10;
	v12 =	vld [tilespmem:s7+$0x170]  }
0x330: {  	v21 =	vand.u32 v32, v60;
	v40 =	vld.idx.msk [tilespmem:v18+s30+$0x0], $0xffff;
	v8 =	vadd.f32 v20, v8;
	v20 =	vshll.u32 v16, $0x10  }
0x331: {  	v1 =	vadd.f32 v55, v1;
	v16 =	vand.u32 $0xFFFF0000, v16;
	v10 =	vadd.f32 v20, v10;
	v20 =	vld [tilespmem:s7+$0x190]  }
0x332: {  	v6 =	vadd.f32 v23, v6;
	v8 =	vadd.f32 v16, v8;
	v16 =	vshll.u32 v14, $0x10  }
0x333: {  	v1 =	vadd.f32 v57, v1;
	v14 =	vand.u32 $0xFFFF0000, v14;
	v10 =	vadd.f32 v16, v10;
	v16 =	vld [tilespmem:s7+$0x1B0]  }
0x334: {  	v6 =	vadd.f32 v22, v6;
	v8 =	vadd.f32 v14, v8;
	v14 =	vshll.u32 v12, $0x10  }
0x335: {  	v1 =	vadd.f32 v58, v1;
	v12 =	vand.u32 $0xFFFF0000, v12;
	v10 =	vadd.f32 v14, v10;
	v14 =	vld [tilespmem:s7+$0x1D0]  }
0x336: {  	v37 =	vld.idx.msk [tilespmem:v18+s29+$0x0], $0xffff;
	v59 =	vmul.f32 v33, v40;
	v8 =	vadd.f32 v12, v8;
	v12 =	vshll.u32 v20, $0x10  }
0x337: {  	v18 =	vmul.f32 v34, v40;
	v20 =	vand.u32 $0xFFFF0000, v20;
	v10 =	vadd.f32 v12, v10;
	v12 =	vld [tilespmem:s7+$0x1F0]  }
0x338: {  	v1 =	vsub.f32 v1, v59;
	v8 =	vadd.f32 v20, v8;
	v20 =	vshll.u32 v16, $0x10  }
0x339: {  	v6 =	vsub.f32 v6, v18;
	v18 =	vld [tilespmem:s7+$0x210];
	v16 =	vand.u32 $0xFFFF0000, v16;
	v10 =	vadd.f32 v20, v10  }
0x33a: {  	v61 =	vor.u32 s19, v4;
	v8 =	vadd.f32 v16, v8;
	v16 =	vshll.u32 v14, $0x10  }
0x33b: {  	v1 =	vmul.f32 v1, v37;
	v14 =	vand.u32 $0xFFFF0000, v14;
	v10 =	vadd.f32 v16, v10;
	v16 =	vld [tilespmem:s7+$0x230]  }
0x33c: {  	v8 =	vadd.f32 v14, v8;
	v14 =	vshll.u32 v12, $0x10  }
0x33d: {  	s21 =	simm.s32 $0x54C0;
	v6 =	vmul.f32 v6, v37;
	[tilespmem:v21+s31+$0x0] =	vst.idx.msk $0xffff, v1;
	v20 =	vld [tilespmem:s7+$0x250];
	v1 =	vand.u32 $0xFFFF0000, v12;
	v10 =	vadd.f32 v14, v10  }
0x33e: {  	v63 =	vld [tilespmem:s21+$0xFFFFFFC0];
	v1 =	vadd.f32 v1, v8;
	v8 =	vshll.u32 v18, $0x10  }
0x33f: {  	[tilespmem:v61+s31+$0x0] =	vst.idx.msk $0xffff, v6;
	v6 =	vld [tilespmem:s7+$0x270];
	v14 =	vand.u32 $0xFFFF0000, v18;
	v8 =	vadd.f32 v8, v10  }
0x340: {  	v21 =	vld [tilespmem:s7+$0xFFFFFE10];
	v1 =	vadd.f32 v14, v1;
	v14 =	vshll.u32 v16, $0x10  }
0x341: {  	v12 =	vld [tilespmem:s7+$0xFFFFFD90];
	v16 =	vand.u32 $0xFFFF0000, v16;
	v8 =	vadd.f32 v14, v8  }
0x342: {  	v10 =	vld [tilespmem:s7+$0xFFFFFDB0];
	v1 =	vadd.f32 v16, v1;
	v16 =	vshll.u32 v20, $0x10  }
0x343: {  	v20 =	vand.u32 $0xFFFF0000, v20;
	v8 =	vadd.f32 v16, v8;
	v16 =	vld [tilespmem:s21+$0x0]  }
0x344: {  	v24 =	vld [tilespmem:s7+$0xFFFFFE30];
	v1 =	vadd.f32 v20, v1;
	v20 =	vshll.u32 v6, $0x10  }
0x345: {  	v51 =	vmul.f32 v35, v39;
	v18 =	vld [tilespmem:s7+$0xFFFFFDD0];
	v6 =	vand.u32 $0xFFFF0000, v6;
	v8 =	vadd.f32 v20, v8  }
0x346: {  	v52 =	vld [tilespmem:s7+$0xFFFFFE50];
	v20 =	vshll.u32 v12, $0x10;
	v12 =	vand.u32 $0xFFFF0000, v12;
	v1 =	vadd.f32 v6, v1  }
0x347: {  	s10 =	sadd.s32 $0x100, s17;
	v14 =	vld [tilespmem:s7+$0xFFFFFDF0];
	v20 =	vadd.f32 $0.0e+00, v20;
	v6 =	vadd.f32 $0.0e+00, v12  }
0x348: {  	v53 =	vld [tilespmem:s7+$0xFFFFFE70];
	v12 =	vshll.u32 v10, $0x10;
	v10 =	vand.u32 $0xFFFF0000, v10;
	v8 =	vsub.f32 v8, v51;
	[tilespmem:s10+$0xFFFFFFD0] =	vst v16  }
0x349: {  	v12 =	vadd.f32 v12, v20;
	v6 =	vadd.f32 v10, v6;
	v54 =	vld [tilespmem:s21+$0x10]  }
0x34a: {  	v59 =	vld [tilespmem:s7+$0xFFFFFF30];
	v20 =	vmul.f32 v36, v39;
	v10 =	vshll.u32 v18, $0x10;
	v18 =	vand.u32 $0xFFFF0000, v18  }
0x34b: {  	v62 =	vor.u32 s16, v0;
	[tilespmem:s10+$0xFFFFFF50] =	vst v63;
	v23 =	vld [tilespmem:s7+$0xFFFFFF90];
	v10 =	vadd.f32 v10, v12;
	v6 =	vadd.f32 v18, v6  }
0x34c: {  	v55 =	vshll.u32 v14, $0x10;
	v14 =	vand.u32 $0xFFFF0000, v14;
	v1 =	vsub.f32 v1, v20;
	v20 =	vld [tilespmem:s21+$0xFFFFFFD0]  }
0x34d: {  	v51 =	vld [tilespmem:s7+$0xFFFFFFB0];
	v50 =	vmul.f32 v8, v38;
	v10 =	vadd.f32 v55, v10;
	v6 =	vadd.f32 v14, v6  }
0x34e: {  	v16 =	vld [tilespmem:s7+$0xFFFFFE90];
	v8 =	vshll.u32 v21, $0x10;
	v49 =	vmul.f32 v1, v38;
	v1 =	vand.u32 $0xFFFF0000, v21;
	[tilespmem:s10+$0xFFFFFFE0] =	vst v54  }
0x34f: {  	v47 =	vand.u32 v2, v62;
	v8 =	vadd.f32 v8, v10;
	v1 =	vadd.f32 v1, v6;
	v58 =	vld [tilespmem:s21+$0x20]  }
0x350: {  	v48 =	vor.u32 s16, v4;
	v56 =	vshll.u32 v24, $0x10;
	v57 =	vand.u32 $0xFFFF0000, v24;
	v12 =	vld [tilespmem:s7+$0xFFFFFEB0]  }
0x351: {  	v24 =	vand.u32 $0xFFFF0000, v52;
	v18 =	vld [tilespmem:s7+$0xFFFFFED0];
	[tilespmem:s10+$0xFFFFFF60] =	vst v20;
	v8 =	vadd.f32 v56, v8;
	v1 =	vadd.f32 v57, v1  }
0x352: {  	v60 =	vshll.u32 v53, $0x10;
	v61 =	vand.u32 $0xFFFF0000, v53;
	v6 =	vshll.u32 v52, $0x10;
	v63 =	vld [tilespmem:s21+$0xFFFFFFE0]  }
0x353: {  	v46 =	vshll.u32 v59, $0x10;
	v14 =	vld [tilespmem:s7+$0xFFFFFEF0];
	v6 =	vadd.f32 v6, v8;
	v1 =	vadd.f32 v24, v1  }
0x354: {  	v39 =	vmul.f32 v36, v40;
	v38 =	vmul.f32 v35, v40;
	v21 =	vand.u32 $0xFFFF0000, v59;
	v10 =	vld [tilespmem:s7+$0xFFFFFF10];
	[tilespmem:s10+$0xFFFFFFF0] =	vst v58  }
0x355: {  	v53 =	vand.u32 $0xFFFF0000, v51;
	v6 =	vadd.f32 v60, v6;
	v1 =	vadd.f32 v61, v1;
	v44 =	vld [tilespmem:s21+$0x30]  }
0x356: {  	v62 =	vshll.u32 v16, $0x10;
	v16 =	vand.u32 $0xFFFF0000, v16;
	v54 =	vand.u32 $0xFFFF0000, v23;
	v20 =	vld [tilespmem:s7+$0xFFFFFF50]  }
0x357: {  	v42 =	vshll.u32 v18, $0x10;
	v24 =	vld [tilespmem:s7+$0xFFFFFF70];
	[tilespmem:s10+$0xFFFFFF70] =	vst v63;
	v6 =	vadd.f32 v62, v6;
	v1 =	vadd.f32 v16, v1  }
0x358: {  	v18 =	vand.u32 $0xFFFF0000, v18;
	v8 =	vshll.u32 v12, $0x10;
	v12 =	vand.u32 $0xFFFF0000, v12;
	v41 =	vld [tilespmem:s21+$0xFFFFFFF0]  }
0x359: {  	v56 =	vshll.u32 v51, $0x10;
	v16 =	vld [tilespmem:s7+$0xFFFFFFD0];
	v6 =	vadd.f32 v8, v6;
	v1 =	vadd.f32 v12, v1  }
0x35a: {  	s19 =	simm.s32 $0x2F80;
	v43 =	vshll.u32 v14, $0x10;
	v14 =	vand.u32 $0xFFFF0000, v14;
	v45 =	vshll.u32 v10, $0x10;
	v8 =	vld [tilespmem:s7+$0xFFFFFFF0];
	[tilespmem:s10+$0x0] =	vst v44  }
0x35b: {  	v10 =	vand.u32 $0xFFFF0000, v10;
	v6 =	vadd.f32 v42, v6;
	v1 =	vadd.f32 v18, v1;
	v12 =	vld [tilespmem:s19+$0x0]  }
0x35c: {  	v55 =	vshll.u32 v20, $0x10;
	v59 =	vand.u32 $0xFFFF0000, v20;
	v60 =	vshll.u32 v24, $0x10  }
0x35d: {  	s5 =	sadd.s32 $0xFFFFFF80, s16;
	v57 =	vand.u32 $0xFFFF0000, v24;
	[tilespmem:s10+$0xFFFFFF80] =	vst v41;
	v20 =	vld [tilespmem:s19+$0x20];
	v6 =	vadd.f32 v43, v6;
	v1 =	vadd.f32 v14, v1  }
0x35e: {  	v18 =	vor.u32 s5, v0;
	v52 =	vshll.u32 v16, $0x10;
	v51 =	vand.u32 $0xFFFF0000, v16;
	v44 =	vld [tilespmem:s19+$0xFFFFFDC0]  }
0x35f: {  	v40 =	vand.u32 v2, v18;
	v14 =	vld [tilespmem:s19+$0xFFFFFD80];
	v6 =	vadd.f32 v45, v6;
	v1 =	vadd.f32 v10, v1  }
0x360: {  	v43 =	vshll.u32 v8, $0x10;
	v42 =	vand.u32 $0xFFFF0000, v8;
	v8 =	vld [tilespmem:s19+$0x40];
	v10 =	vshll.u32 v12, $0x10  }
0x361: {  	v16 =	vld [tilespmem:s19+$0x60];
	v6 =	vadd.f32 v46, v6;
	v12 =	vand.u32 $0xFFFF0000, v12;
	v61 =	vadd.f32 v21, v1  }
0x362: {  	v1 =	vld [tilespmem:s19+$0xFFFFFDA0];
	v18 =	vshll.u32 v20, $0x10;
	v20 =	vand.u32 $0xFFFF0000, v20;
	v10 =	vadd.f32 $0.0e+00, v10  }
0x363: {  	v46 =	vld [tilespmem:s19+$0xFFFFFDE0];
	v12 =	vadd.f32 $0.0e+00, v12;
	v21 =	vand.u32 $0xFFFF0000, v44;
	v62 =	vadd.f32 v55, v6  }
0x364: {  	v6 =	vshll.u32 v14, $0x10;
	v14 =	vand.u32 $0xFFFF0000, v14;
	v10 =	vadd.f32 v18, v10;
	v18 =	vld [tilespmem:s19+$0x80]  }
0x365: {  	v12 =	vadd.f32 v20, v12;
	v20 =	vshll.u32 v8, $0x10;
	v6 =	vadd.f32 $0.0e+00, v6  }
0x366: {  	v8 =	vand.u32 $0xFFFF0000, v8;
	v14 =	vadd.f32 $0.0e+00, v14;
	v10 =	vadd.f32 v20, v10;
	v20 =	vld [tilespmem:s19+$0xA0]  }
0x367: {  	v8 =	vadd.f32 v8, v12;
	v12 =	vshll.u32 v16, $0x10;
	v45 =	vshll.u32 v1, $0x10  }
0x368: {  	v16 =	vand.u32 $0xFFFF0000, v16;
	v1 =	vand.u32 $0xFFFF0000, v1;
	v10 =	vadd.f32 v12, v10;
	v12 =	vld [tilespmem:s19+$0xC0]  }
0x369: {  	v55 =	vshll.u32 v46, $0x10;
	v8 =	vadd.f32 v16, v8;
	v16 =	vshll.u32 v18, $0x10  }
0x36a: {  	v22 =	vand.u32 $0xFFFF0000, v46;
	v18 =	vand.u32 $0xFFFF0000, v18;
	v10 =	vadd.f32 v16, v10;
	v16 =	vld [tilespmem:s19+$0xE0]  }
0x36b: {  	v63 =	vld [tilespmem:s19+$0xFFFFFE20];
	v1 =	vadd.f32 v1, v14;
	v8 =	vadd.f32 v18, v8;
	v14 =	vshll.u32 v20, $0x10  }
0x36c: {  	v6 =	vadd.f32 v45, v6;
	v20 =	vand.u32 $0xFFFF0000, v20;
	v10 =	vadd.f32 v14, v10;
	v14 =	vld [tilespmem:s19+$0x100]  }
0x36d: {  	v45 =	vld [tilespmem:s19+$0xFFFFFE40];
	v18 =	vshll.u32 v44, $0x10;
	v8 =	vadd.f32 v20, v8;
	v20 =	vshll.u32 v12, $0x10  }
0x36e: {  	v6 =	vadd.f32 v18, v6;
	v18 =	vld [tilespmem:s19+$0x120];
	v12 =	vand.u32 $0xFFFF0000, v12;
	v10 =	vadd.f32 v20, v10  }
0x36f: {  	v1 =	vadd.f32 v21, v1;
	v20 =	vld [tilespmem:s19+$0xFFFFFE00];
	v8 =	vadd.f32 v12, v8;
	v12 =	vshll.u32 v16, $0x10  }
0x370: {  	v21 =	vand.u32 $0xFFFF0000, v63;
	v16 =	vand.u32 $0xFFFF0000, v16;
	v10 =	vadd.f32 v12, v10;
	v12 =	vld [tilespmem:s19+$0x140]  }
0x371: {  	v1 =	vadd.f32 v22, v1;
	v8 =	vadd.f32 v16, v8;
	v16 =	vshll.u32 v14, $0x10  }
0x372: {  	v46 =	vshll.u32 v45, $0x10;
	v14 =	vand.u32 $0xFFFF0000, v14;
	v10 =	vadd.f32 v16, v10;
	v16 =	vld [tilespmem:s19+$0x160]  }
0x373: {  	v22 =	vand.u32 $0xFFFF0000, v45;
	v8 =	vadd.f32 v14, v8;
	v14 =	vshll.u32 v18, $0x10  }
0x374: {  	v6 =	vadd.f32 v55, v6;
	v18 =	vand.u32 $0xFFFF0000, v18;
	v10 =	vadd.f32 v14, v10;
	v14 =	vld [tilespmem:s19+$0x180]  }
0x375: {  	v24 =	vld [tilespmem:s19+$0xFFFFFE80];
	v44 =	vshll.u32 v20, $0x10;
	v8 =	vadd.f32 v18, v8;
	v18 =	vshll.u32 v12, $0x10  }
0x376: {  	v20 =	vand.u32 $0xFFFF0000, v20;
	v12 =	vand.u32 $0xFFFF0000, v12;
	v10 =	vadd.f32 v18, v10;
	v18 =	vld [tilespmem:s19+$0x1A0]  }
0x377: {  	v6 =	vadd.f32 v44, v6;
	v8 =	vadd.f32 v12, v8;
	v12 =	vshll.u32 v16, $0x10  }
0x378: {  	v1 =	vadd.f32 v20, v1;
	v16 =	vand.u32 $0xFFFF0000, v16;
	v10 =	vadd.f32 v12, v10;
	v12 =	vld [tilespmem:s19+$0x1C0]  }
0x379: {  	v20 =	vshll.u32 v63, $0x10;
	v8 =	vadd.f32 v16, v8;
	v16 =	vshll.u32 v14, $0x10  }
0x37a: {  	v63 =	vand.u32 $0xFFFF0000, v24;
	v14 =	vand.u32 $0xFFFF0000, v14;
	v10 =	vadd.f32 v16, v10;
	v16 =	vld [tilespmem:s19+$0x1E0]  }
0x37b: {  	s6 =	sadd.s32 $0x0, s14;
	v6 =	vadd.f32 v20, v6;
	v20 =	vld [tilespmem:s19+$0xFFFFFE60];
	v8 =	vadd.f32 v14, v8;
	v14 =	vshll.u32 v18, $0x10  }
0x37c: {  	s7 =	sadd.s32 $0x13, s6;
	v1 =	vadd.f32 v21, v1;
	v18 =	vand.u32 $0xFFFF0000, v18;
	v10 =	vadd.f32 v14, v10;
	v14 =	vld [tilespmem:s19+$0x200]  }
0x37d: {  	v21 =	vmov s7;
	v8 =	vadd.f32 v18, v8;
	v18 =	vshll.u32 v12, $0x10  }
0x37e: {  	v6 =	vadd.f32 v46, v6;
	v12 =	vand.u32 $0xFFFF0000, v12;
	v10 =	vadd.f32 v18, v10;
	v18 =	vld [tilespmem:s19+$0x220]  }
0x37f: {  	v1 =	vadd.f32 v22, v1;
	v8 =	vadd.f32 v12, v8;
	v12 =	vshll.u32 v16, $0x10  }
0x380: {  	v55 =	vshll.u32 v20, $0x10;
	v16 =	vand.u32 $0xFFFF0000, v16;
	v10 =	vadd.f32 v12, v10;
	v12 =	vld [tilespmem:s19+$0x240]  }
0x381: {  	v20 =	vand.u32 $0xFFFF0000, v20;
	v8 =	vadd.f32 v16, v8;
	v16 =	vshll.u32 v14, $0x10  }
0x382: {  	v1 =	vadd.f32 v20, v1;
	v14 =	vand.u32 $0xFFFF0000, v14;
	v10 =	vadd.f32 v16, v10;
	v16 =	vld [tilespmem:s19+$0x260]  }
0x383: {  	v44 =	vld.idx.msk [tilespmem:v21+s30+$0x0], $0xffff;
	v6 =	vadd.f32 v55, v6;
	v8 =	vadd.f32 v14, v8;
	v14 =	vshll.u32 v18, $0x10  }
0x384: {  	v1 =	vadd.f32 v63, v1;
	v18 =	vand.u32 $0xFFFF0000, v18;
	v10 =	vadd.f32 v14, v10  }
0x385: {  	s21 =	sadd.s32 $0x100, s16;
	v20 =	vld [tilespmem:s19+$0xFFFFFEA0];
	v14 =	vshll.u32 v24, $0x10;
	v8 =	vadd.f32 v18, v8;
	v18 =	vshll.u32 v12, $0x10  }
0x386: {  	s8 =	sadd.s32 $0xFFFFFFE0, s21;
	v45 =	vld.idx.msk [tilespmem:v21+s29+$0x0], $0xffff;
	v12 =	vand.u32 $0xFFFF0000, v12;
	v6 =	vadd.f32 v14, v6;
	v10 =	vadd.f32 v18, v10  }
0x387: {  	v21 =	vld [tilespmem:s19+$0xFFFFFEC0];
	v8 =	vadd.f32 v12, v8;
	v18 =	vor.u32 s8, v0;
	v12 =	vshll.u32 v16, $0x10  }
0x388: {  	v16 =	vand.u32 $0xFFFF0000, v16;
	v10 =	vadd.f32 v12, v10;
	v12 =	vmul.f32 v33, v44  }
0x389: {  	v46 =	vld [tilespmem:s19+$0xFFFFFEE0];
	v8 =	vadd.f32 v16, v8;
	v16 =	vand.u32 v32, v18;
	v18 =	vmul.f32 v34, v44  }
0x38a: {  	v63 =	vld [tilespmem:s19+$0xFFFFFF60];
	v55 =	vshll.u32 v20, $0x10;
	v10 =	vsub.f32 v10, v12;
	v12 =	vor.u32 s8, v4  }
0x38b: {  	v20 =	vand.u32 $0xFFFF0000, v20;
	v24 =	vld [tilespmem:s19+$0xFFFFFF00];
	v6 =	vadd.f32 v55, v6;
	v8 =	vsub.f32 v8, v18  }
0x38c: {  	[tilespmem:v47+s31+$0x0] =	vst.idx.msk $0xffff, v50;
	v1 =	vadd.f32 v20, v1;
	v20 =	vshll.u32 v21, $0x10;
	v14 =	vld [tilespmem:s19+$0xFFFFFF20];
	v10 =	vmul.f32 v10, v45  }
0x38d: {  	[tilespmem:v48+s31+$0x0] =	vst.idx.msk $0xffff, v49;
	v58 =	vshll.u32 v23, $0x10;
	v6 =	vadd.f32 v20, v6;
	v18 =	vld [tilespmem:s19+$0xFFFFFF40];
	v8 =	vmul.f32 v8, v45  }
0x38e: {  	v49 =	vor.u32 s21, v0;
	v21 =	vand.u32 $0xFFFF0000, v21;
	v20 =	vshll.u32 v46, $0x10;
	[tilespmem:v16+s31+$0x0] =	vst.idx.msk $0xffff, v10  }
0x38f: {  	v1 =	vadd.f32 v21, v1;
	v21 =	vshll.u32 v63, $0x10;
	v6 =	vadd.f32 v20, v6;
	v10 =	vld [tilespmem:s19+$0xFFFFFF80];
	[tilespmem:v12+s31+$0x0] =	vst.idx.msk $0xffff, v8  }
0x390: {  	v16 =	vand.u32 $0xFFFF0000, v46;
	v46 =	vshll.u32 v24, $0x10;
	v8 =	vand.u32 $0xFFFF0000, v24;
	v20 =	vld [tilespmem:s19+$0x10]  }
0x391: {  	v12 =	vshll.u32 v14, $0x10;
	v1 =	vadd.f32 v16, v1;
	v14 =	vand.u32 $0xFFFF0000, v14  }
0x392: {  	s0 =	sadd.s32 $0x12, s6;
	v16 =	vshll.u32 v18, $0x10;
	v6 =	vadd.f32 v46, v6;
	v18 =	vand.u32 $0xFFFF0000, v18;
	v55 =	vld [tilespmem:s19+$0x30]  }
0x393: {  	v24 =	vmov s0;
	v1 =	vadd.f32 v8, v1;
	v8 =	vand.u32 $0xFFFF0000, v63  }
0x394: {  	v63 =	vand.u32 $0xFFFFFFFE, v24;
	v6 =	vadd.f32 v12, v6;
	v24 =	vld [tilespmem:s19+$0x50];
	v12 =	vshll.u32 v10, $0x10  }
0x395: {  	v1 =	vadd.f32 v14, v1;
	v10 =	vand.u32 $0xFFFF0000, v10;
	v14 =	vshll.u32 v20, $0x10  }
0x396: {  	v6 =	vadd.f32 v16, v6;
	v16 =	vand.u32 $0xFFFF0000, v20;
	v20 =	vld [tilespmem:s19+$0x70];
	v14 =	vadd.f32 $0.0e+00, v14  }
0x397: {  	v1 =	vadd.f32 v18, v1;
	v18 =	vshll.u32 v55, $0x10;
	v16 =	vadd.f32 $0.0e+00, v16  }
0x398: {  	v6 =	vadd.f32 v21, v6;
	v55 =	vand.u32 $0xFFFF0000, v55;
	v14 =	vadd.f32 v18, v14;
	v18 =	vld [tilespmem:s19+$0x90]  }
0x399: {  	v46 =	vld [tilespmem:s19+$0xFFFFFFA0];
	v1 =	vadd.f32 v8, v1;
	v8 =	vadd.f32 v55, v16;
	v16 =	vshll.u32 v24, $0x10  }
0x39a: {  	v21 =	vbroadcast v63, $0x0;
	v63 =	vand.u32 $0xFFFF0000, v24;
	v14 =	vadd.f32 v16, v14;
	v16 =	vld [tilespmem:s19+$0xB0]  }
0x39b: {  	v6 =	vadd.f32 v12, v6;
	v8 =	vadd.f32 v63, v8;
	v12 =	vshll.u32 v20, $0x10  }
0x39c: {  	v1 =	vadd.f32 v10, v1;
	v10 =	vand.u32 $0xFFFF0000, v20;
	v12 =	vadd.f32 v12, v14;
	v14 =	vld [tilespmem:s19+$0xD0]  }
0x39d: {  	v41 =	vor.u32 s5, v4;
	v55 =	vld [tilespmem:s19+$0xFFFFFFC0];
	v8 =	vadd.f32 v10, v8;
	v10 =	vshll.u32 v18, $0x10  }
0x39e: {  	v61 =	vadd.f32 v59, v61;
	v18 =	vand.u32 $0xFFFF0000, v18;
	v10 =	vadd.f32 v10, v12;
	v12 =	vld [tilespmem:s19+$0xF0]  }
0x39f: {  	v24 =	vld [tilespmem:s19+$0xFFFFFFE0];
	v20 =	vshll.u32 v46, $0x10;
	v8 =	vadd.f32 v18, v8;
	v18 =	vshll.u32 v16, $0x10  }
0x3a0: {  	v63 =	vand.u32 $0xFFFF0000, v46;
	v16 =	vand.u32 $0xFFFF0000, v16;
	v10 =	vadd.f32 v18, v10;
	v18 =	vld [tilespmem:s19+$0x110]  }
0x3a1: {  	v6 =	vadd.f32 v20, v6;
	v8 =	vadd.f32 v16, v8;
	v16 =	vshll.u32 v14, $0x10  }
0x3a2: {  	v1 =	vadd.f32 v63, v1;
	v14 =	vand.u32 $0xFFFF0000, v14;
	v10 =	vadd.f32 v16, v10;
	v16 =	vld [tilespmem:s19+$0x130]  }
0x3a3: {  	v20 =	vshll.u32 v55, $0x10;
	v8 =	vadd.f32 v14, v8;
	v14 =	vshll.u32 v12, $0x10  }
0x3a4: {  	v46 =	vand.u32 $0xFFFF0000, v55;
	v12 =	vand.u32 $0xFFFF0000, v12;
	v10 =	vadd.f32 v14, v10;
	v14 =	vld [tilespmem:s19+$0x150]  }
0x3a5: {  	v63 =	vand.u32 $0xFFFF0000, v24;
	v8 =	vadd.f32 v12, v8;
	v12 =	vshll.u32 v18, $0x10  }
0x3a6: {  	v6 =	vadd.f32 v20, v6;
	v18 =	vand.u32 $0xFFFF0000, v18;
	v10 =	vadd.f32 v12, v10;
	v12 =	vld [tilespmem:s19+$0x170]  }
0x3a7: {  	v55 =	vld.idx.msk [tilespmem:v21+s30+$0x0], $0xffff;
	v1 =	vadd.f32 v46, v1;
	v8 =	vadd.f32 v18, v8;
	v18 =	vshll.u32 v16, $0x10  }
0x3a8: {  	s9 =	sadd.s32 $0xFFFFFF60, s21;
	v20 =	vshll.u32 v24, $0x10;
	v16 =	vand.u32 $0xFFFF0000, v16;
	v10 =	vadd.f32 v18, v10;
	v18 =	vld [tilespmem:s19+$0x190]  }
0x3a9: {  	v46 =	vld.idx.msk [tilespmem:v21+s29+$0x0], $0xffff;
	v21 =	vor.u32 s9, v4;
	v8 =	vadd.f32 v16, v8;
	v16 =	vshll.u32 v14, $0x10  }
0x3aa: {  	v6 =	vadd.f32 v20, v6;
	v14 =	vand.u32 $0xFFFF0000, v14;
	v10 =	vadd.f32 v16, v10;
	v16 =	vld [tilespmem:s19+$0x1B0]  }
0x3ab: {  	v1 =	vadd.f32 v63, v1;
	v8 =	vadd.f32 v14, v8;
	v14 =	vshll.u32 v12, $0x10  }
0x3ac: {  	v20 =	vmul.f32 v33, v55;
	v12 =	vand.u32 $0xFFFF0000, v12;
	v10 =	vadd.f32 v14, v10;
	v14 =	vld [tilespmem:s19+$0x1D0]  }
0x3ad: {  	v63 =	vmul.f32 v34, v55;
	v8 =	vadd.f32 v12, v8;
	v12 =	vshll.u32 v18, $0x10  }
0x3ae: {  	v6 =	vsub.f32 v6, v20;
	v18 =	vand.u32 $0xFFFF0000, v18;
	v10 =	vadd.f32 v12, v10;
	v12 =	vld [tilespmem:s19+$0x1F0]  }
0x3af: {  	v20 =	vor.u32 s9, v0;
	v8 =	vadd.f32 v18, v8;
	v18 =	vshll.u32 v16, $0x10  }
0x3b0: {  	v20 =	vand.u32 v32, v20;
	v16 =	vand.u32 $0xFFFF0000, v16;
	v10 =	vadd.f32 v18, v10;
	v18 =	vld [tilespmem:s19+$0x210]  }
0x3b1: {  	v1 =	vsub.f32 v1, v63;
	v8 =	vadd.f32 v16, v8;
	v16 =	vshll.u32 v14, $0x10  }
0x3b2: {  	v63 =	vadd.f32 v60, v62;
	v14 =	vand.u32 $0xFFFF0000, v14;
	v10 =	vadd.f32 v16, v10;
	v16 =	vld [tilespmem:s19+$0x230]  }
0x3b3: {  	v6 =	vmul.f32 v6, v46;
	v8 =	vadd.f32 v14, v8;
	v14 =	vshll.u32 v12, $0x10  }
0x3b4: {  	v1 =	vmul.f32 v1, v46;
	v12 =	vand.u32 $0xFFFF0000, v12;
	v10 =	vadd.f32 v14, v10;
	v14 =	vld [tilespmem:s19+$0x250]  }
0x3b5: {  	v22 =	vadd.f32 v57, v61;
	[tilespmem:v20+s31+$0x0] =	vst.idx.msk $0xffff, v6;
	v6 =	vadd.f32 v12, v8;
	v8 =	vshll.u32 v18, $0x10  }
0x3b6: {  	v57 =	vld [tilespmem:s19+$0x270];
	[tilespmem:v21+s31+$0x0] =	vst.idx.msk $0xffff, v1;
	v12 =	vadd.f32 v58, v63;
	v1 =	vand.u32 $0xFFFF0000, v18;
	v8 =	vadd.f32 v8, v10  }
0x3b7: {  	v50 =	vld [tilespmem:s19+$0xFFFFFDF0];
	v10 =	vadd.f32 v54, v22;
	v1 =	vadd.f32 v1, v6;
	v6 =	vshll.u32 v16, $0x10  }
0x3b8: {  	v58 =	vld [tilespmem:s19+$0xFFFFFD90];
	v12 =	vadd.f32 v56, v12;
	v16 =	vand.u32 $0xFFFF0000, v16;
	v6 =	vadd.f32 v6, v8  }
0x3b9: {  	v56 =	vld [tilespmem:s19+$0xFFFFFDB0];
	v8 =	vadd.f32 v53, v10;
	v1 =	vadd.f32 v16, v1;
	v10 =	vshll.u32 v14, $0x10  }
0x3ba: {  	v53 =	vld [tilespmem:s19+$0xFFFFFDD0];
	v52 =	vadd.f32 v52, v12;
	v12 =	vand.u32 $0xFFFF0000, v14;
	v54 =	vadd.f32 v10, v6  }
0x3bb: {  	s6 =	simm.s32 $0x5540;
	s5 =	simm.s32 $0x2;
	s7 =	sadd.s32 $0xFFFFFF80, s21;
	v59 =	vshll.u32 v57, $0x10;
	v47 =	vadd.f32 v51, v8;
	v51 =	vld [tilespmem:s19+$0xFFFFFE10];
	v48 =	vadd.f32 v12, v1  }
.LBB2_9:
0x3bc: {  	v1 =	vld [tilespmem:s6+$0x0];
	v6 =	vand.u32 $0xFFFF0000, v57;
	v8 =	vadd.f32 v59, v54;
	v10 =	vmul.f32 v35, v44;
	s2 =	smov.u32 s5  }
0x3bd: {  	v14 =	vand.u32 v2, v49;
	v16 =	vmul.f32 v36, v44;
	v12 =	vld [tilespmem:s6+$0xFFFFFFC0];
	v6 =	vadd.f32 v6, v48  }
0x3be: {  	s5 =	sadd.s32 $0x2, s5;
	v18 =	vshll.u32 v58, $0x10;
	v20 =	vld [tilespmem:s19+$0xFFFFFE30];
	v8 =	vsub.f32 v8, v10;
	v10 =	vor.u32 s21, v4  }
0x3bf: {  	v21 =	vand.u32 $0xFFFF0000, v58;
	p0 =	slt.u32 s5, $0xE;
	v18 =	vadd.f32 $0.0e+00, v18;
	v22 =	vld [tilespmem:s19+$0xFFFFFE50];
	v6 =	vsub.f32 v6, v16  }
0x3c0: {  	s10 =	sadd.s32 $0x100, s10;
	v16 =	vadd.f32 $0.0e+00, v21;
	v21 =	vshll.u32 v56, $0x10;
	v23 =	vld [tilespmem:s19+$0xFFFFFE70];
	v8 =	vmul.f32 v8, v45  }
0x3c1: {  	v18 =	vadd.f32 v21, v18;
	[tilespmem:s10+$0xFFFFFFD0] =	vst v1;
	v1 =	vand.u32 $0xFFFF0000, v56;
	v21 =	vld [tilespmem:s19+$0xFFFFFE90];
	v6 =	vmul.f32 v6, v45  }
0x3c2: {  	v44 =	vand.u32 $0xFFFF0000, v53;
	v24 =	vld [tilespmem:s6+$0x10];
	v1 =	vadd.f32 v1, v16;
	v16 =	vshll.u32 v53, $0x10;
	[tilespmem:v14+s31+$0x0] =	vst.idx.msk $0xffff, v8  }
0x3c3: {  	v14 =	vshll.u32 v50, $0x10;
	v8 =	vadd.f32 v16, v18;
	v16 =	vand.u32 $0xFFFF0000, v50;
	v18 =	vld [tilespmem:s19+$0xFFFFFEB0];
	[tilespmem:v10+s31+$0x0] =	vst.idx.msk $0xffff, v6  }
0x3c4: {  	v6 =	vshll.u32 v51, $0x10;
	v10 =	vand.u32 $0xFFFF0000, v51;
	[tilespmem:s10+$0xFFFFFF50] =	vst v12;
	v1 =	vadd.f32 v44, v1;
	v12 =	vld [tilespmem:s19+$0xFFFFFED0]  }
0x3c5: {  	v44 =	vld [tilespmem:s6+$0xFFFFFFD0];
	v8 =	vadd.f32 v14, v8;
	v14 =	vshll.u32 v20, $0x10;
	v20 =	vand.u32 $0xFFFF0000, v20  }
0x3c6: {  	v1 =	vadd.f32 v16, v1;
	v16 =	vshll.u32 v22, $0x10;
	v22 =	vand.u32 $0xFFFF0000, v22;
	v45 =	vld [tilespmem:s19+$0xFFFFFEF0]  }
0x3c7: {  	[tilespmem:s10+$0xFFFFFFE0] =	vst v24;
	v6 =	vadd.f32 v6, v8;
	v8 =	vshll.u32 v23, $0x10;
	v23 =	vand.u32 $0xFFFF0000, v23;
	v24 =	vld [tilespmem:s19+$0xFFFFFF10]  }
0x3c8: {  	v48 =	vld [tilespmem:s6+$0x20];
	v1 =	vadd.f32 v10, v1;
	v10 =	vshll.u32 v21, $0x10;
	v21 =	vand.u32 $0xFFFF0000, v21  }
0x3c9: {  	v6 =	vadd.f32 v14, v6;
	v14 =	vshll.u32 v18, $0x10;
	v18 =	vand.u32 $0xFFFF0000, v18;
	v49 =	vld [tilespmem:s19+$0xFFFFFF30]  }
0x3ca: {  	[tilespmem:s10+$0xFFFFFF60] =	vst v44;
	v1 =	vadd.f32 v20, v1;
	v20 =	vshll.u32 v12, $0x10;
	v12 =	vand.u32 $0xFFFF0000, v12;
	v44 =	vld [tilespmem:s19+$0xFFFFFF50]  }
0x3cb: {  	v50 =	vld [tilespmem:s6+$0xFFFFFFE0];
	v6 =	vadd.f32 v16, v6;
	v16 =	vshll.u32 v45, $0x10;
	v45 =	vand.u32 $0xFFFF0000, v45  }
0x3cc: {  	v1 =	vadd.f32 v22, v1;
	v22 =	vshll.u32 v24, $0x10;
	v24 =	vand.u32 $0xFFFF0000, v24;
	v53 =	vld [tilespmem:s19+$0xFFFFFF70]  }
0x3cd: {  	v54 =	vmul.f32 v35, v55;
	v43 =	vadd.f32 v43, v52;
	[tilespmem:s10+$0xFFFFFFF0] =	vst v48;
	v6 =	vadd.f32 v8, v6;
	v8 =	vld [tilespmem:s19+$0xFFFFFF90]  }
0x3ce: {  	v57 =	vld [tilespmem:s6+$0x30];
	v1 =	vadd.f32 v23, v1;
	v23 =	vshll.u32 v49, $0x10;
	v58 =	vand.u32 $0xFFFF0000, v49  }
0x3cf: {  	v6 =	vadd.f32 v10, v6;
	v10 =	vshll.u32 v44, $0x10;
	v51 =	vand.u32 $0xFFFF0000, v44;
	v44 =	vld [tilespmem:s19+$0xFFFFFFB0]  }
0x3d0: {  	v55 =	vmul.f32 v36, v55;
	v42 =	vadd.f32 v42, v47;
	[tilespmem:s10+$0xFFFFFF70] =	vst v50;
	v1 =	vadd.f32 v21, v1;
	v21 =	vld [tilespmem:s19+$0xFFFFFFD0]  }
0x3d1: {  	v59 =	vld [tilespmem:s6+$0xFFFFFFF0];
	v6 =	vadd.f32 v14, v6;
	v56 =	vshll.u32 v53, $0x10;
	v53 =	vand.u32 $0xFFFF0000, v53  }
0x3d2: {  	v1 =	vadd.f32 v18, v1;
	v52 =	vshll.u32 v8, $0x10;
	v48 =	vand.u32 $0xFFFF0000, v8;
	v8 =	vld [tilespmem:s19+$0xFFFFFFF0]  }
0x3d3: {  	v14 =	vor.u32 s7, v0;
	s19 =	sadd.s32 $0x500, s19;
	v18 =	vsub.f32 v43, v38;
	v38 =	vmovc v54;
	[tilespmem:s10+$0x0] =	vst v57;
	v6 =	vadd.f32 v20, v6  }
0x3d4: {  	v20 =	vld [tilespmem:s19+$0x0];
	v1 =	vadd.f32 v12, v1;
	v54 =	vshll.u32 v44, $0x10;
	v50 =	vand.u32 $0xFFFF0000, v44  }
0x3d5: {  	v6 =	vadd.f32 v16, v6;
	v49 =	vshll.u32 v21, $0x10;
	v47 =	vand.u32 $0xFFFF0000, v21  }
0x3d6: {  	v16 =	vmul.f32 v18, v37;
	v18 =	vsub.f32 v42, v39;
	[tilespmem:s10+$0xFFFFFF80] =	vst v59;
	v12 =	vld [tilespmem:s19+$0x20];
	v1 =	vadd.f32 v45, v1  }
0x3d7: {  	v39 =	vmovc v55;
	v21 =	vld [tilespmem:s19+$0xFFFFFD80];
	v6 =	vadd.f32 v22, v6;
	v43 =	vshll.u32 v8, $0x10;
	v42 =	vand.u32 $0xFFFF0000, v8  }
0x3d8: {  	v14 =	vand.u32 v2, v14;
	v18 =	vmul.f32 v18, v37;
	v37 =	vmovc v46;
	v8 =	vld [tilespmem:s19+$0x40];
	v1 =	vadd.f32 v24, v1  }
0x3d9: {  	v22 =	vld [tilespmem:s19+$0xFFFFFDA0];
	v24 =	vshll.u32 v20, $0x10;
	v6 =	vadd.f32 v23, v6;
	v23 =	vor.u32 s7, v4;
	[tilespmem:v40+s31+$0x0] =	vst.idx.msk $0xffff, v16;
	v40 =	vmovc v14  }
0x3da: {  	v14 =	vand.u32 $0xFFFF0000, v20;
	v16 =	vadd.f32 $0.0e+00, v24;
	v20 =	vld [tilespmem:s19+$0x60];
	v57 =	vadd.f32 v58, v1;
	[tilespmem:v41+s31+$0x0] =	vst.idx.msk $0xffff, v18;
	v41 =	vmovc v23  }
0x3db: {  	v14 =	vadd.f32 $0.0e+00, v14;
	v1 =	vld [tilespmem:s19+$0xFFFFFDC0];
	v18 =	vshll.u32 v12, $0x10;
	v58 =	vadd.f32 v10, v6  }
0x3dc: {  	v10 =	vand.u32 $0xFFFF0000, v12;
	v6 =	vshll.u32 v21, $0x10;
	v12 =	vadd.f32 v18, v16;
	v16 =	vld [tilespmem:s19+$0x80]  }
0x3dd: {  	v18 =	vand.u32 $0xFFFF0000, v21;
	v10 =	vadd.f32 v10, v14;
	v21 =	vld [tilespmem:s19+$0xFFFFFDE0];
	v14 =	vshll.u32 v8, $0x10  }
0x3de: {  	v6 =	vadd.f32 $0.0e+00, v6;
	v8 =	vand.u32 $0xFFFF0000, v8;
	v12 =	vadd.f32 v14, v12;
	v14 =	vld [tilespmem:s19+$0xA0]  }
0x3df: {  	v18 =	vadd.f32 $0.0e+00, v18;
	v8 =	vadd.f32 v8, v10;
	v23 =	vld [tilespmem:s19+$0xFFFFFE00];
	v10 =	vshll.u32 v20, $0x10  }
0x3e0: {  	v24 =	vshll.u32 v22, $0x10;
	v20 =	vand.u32 $0xFFFF0000, v20;
	v10 =	vadd.f32 v10, v12;
	v12 =	vld [tilespmem:s19+$0xC0]  }
0x3e1: {  	v22 =	vand.u32 $0xFFFF0000, v22;
	v8 =	vadd.f32 v20, v8;
	v44 =	vld [tilespmem:s19+$0xFFFFFE20];
	v20 =	vshll.u32 v16, $0x10  }
0x3e2: {  	v6 =	vadd.f32 v24, v6;
	v16 =	vand.u32 $0xFFFF0000, v16;
	v10 =	vadd.f32 v20, v10;
	v20 =	vld [tilespmem:s19+$0xE0]  }
0x3e3: {  	v18 =	vadd.f32 v22, v18;
	v8 =	vadd.f32 v16, v8;
	v22 =	vld [tilespmem:s19+$0xFFFFFE40];
	v16 =	vshll.u32 v14, $0x10  }
0x3e4: {  	v24 =	vshll.u32 v1, $0x10;
	v14 =	vand.u32 $0xFFFF0000, v14;
	v10 =	vadd.f32 v16, v10;
	v16 =	vld [tilespmem:s19+$0x100]  }
0x3e5: {  	v1 =	vand.u32 $0xFFFF0000, v1;
	v8 =	vadd.f32 v14, v8;
	v45 =	vld [tilespmem:s19+$0xFFFFFE60];
	v14 =	vshll.u32 v12, $0x10  }
0x3e6: {  	v6 =	vadd.f32 v24, v6;
	v12 =	vand.u32 $0xFFFF0000, v12;
	v10 =	vadd.f32 v14, v10;
	v14 =	vld [tilespmem:s19+$0x120]  }
0x3e7: {  	v1 =	vadd.f32 v1, v18;
	v8 =	vadd.f32 v12, v8;
	v18 =	vld [tilespmem:s19+$0xFFFFFE80];
	v12 =	vshll.u32 v20, $0x10  }
0x3e8: {  	v24 =	vshll.u32 v21, $0x10;
	v20 =	vand.u32 $0xFFFF0000, v20;
	v10 =	vadd.f32 v12, v10;
	v12 =	vld [tilespmem:s19+$0x140]  }
0x3e9: {  	v21 =	vand.u32 $0xFFFF0000, v21;
	v8 =	vadd.f32 v20, v8;
	v55 =	vld [tilespmem:s19+$0xFFFFFEA0];
	v20 =	vshll.u32 v16, $0x10  }
0x3ea: {  	v6 =	vadd.f32 v24, v6;
	v16 =	vand.u32 $0xFFFF0000, v16;
	v10 =	vadd.f32 v20, v10;
	v20 =	vld [tilespmem:s19+$0x160]  }
0x3eb: {  	v1 =	vadd.f32 v21, v1;
	v8 =	vadd.f32 v16, v8;
	v60 =	vld [tilespmem:s19+$0xFFFFFEC0];
	v16 =	vshll.u32 v14, $0x10  }
0x3ec: {  	v21 =	vshll.u32 v23, $0x10;
	v14 =	vand.u32 $0xFFFF0000, v14;
	v10 =	vadd.f32 v16, v10;
	v16 =	vld [tilespmem:s19+$0x180]  }
0x3ed: {  	v23 =	vand.u32 $0xFFFF0000, v23;
	v8 =	vadd.f32 v14, v8;
	v61 =	vld [tilespmem:s19+$0xFFFFFEE0];
	v14 =	vshll.u32 v12, $0x10  }
0x3ee: {  	v6 =	vadd.f32 v21, v6;
	v12 =	vand.u32 $0xFFFF0000, v12;
	v10 =	vadd.f32 v14, v10;
	v14 =	vld [tilespmem:s19+$0x1A0]  }
0x3ef: {  	v1 =	vadd.f32 v23, v1;
	v8 =	vadd.f32 v12, v8;
	v21 =	vld [tilespmem:s19+$0xFFFFFF00];
	v12 =	vshll.u32 v20, $0x10  }
0x3f0: {  	v23 =	vshll.u32 v44, $0x10;
	v20 =	vand.u32 $0xFFFF0000, v20;
	v10 =	vadd.f32 v12, v10;
	v12 =	vld [tilespmem:s19+$0x1C0]  }
0x3f1: {  	v24 =	vand.u32 $0xFFFF0000, v44;
	v8 =	vadd.f32 v20, v8;
	v62 =	vld [tilespmem:s19+$0xFFFFFF20];
	v20 =	vshll.u32 v16, $0x10  }
0x3f2: {  	s0 =	sadd.s32 s2, s14;
	v6 =	vadd.f32 v23, v6;
	v16 =	vand.u32 $0xFFFF0000, v16;
	v10 =	vadd.f32 v20, v10;
	v20 =	vld [tilespmem:s19+$0x1E0]  }
0x3f3: {  	s8 =	sadd.s32 $0x12, s0;
	s0 =	sadd.s32 $0x13, s0;
	v1 =	vadd.f32 v24, v1;
	v8 =	vadd.f32 v16, v8;
	v23 =	vld [tilespmem:s19+$0xFFFFFF40];
	v16 =	vshll.u32 v14, $0x10  }
0x3f4: {  	v24 =	vmov s0;
	v14 =	vand.u32 $0xFFFF0000, v14;
	v10 =	vadd.f32 v16, v10;
	v16 =	vld [tilespmem:s19+$0x200]  }
0x3f5: {  	v44 =	vshll.u32 v22, $0x10;
	v8 =	vadd.f32 v14, v8;
	v63 =	vld [tilespmem:s19+$0xFFFFFF60];
	v14 =	vshll.u32 v12, $0x10  }
0x3f6: {  	v22 =	vand.u32 $0xFFFF0000, v22;
	v12 =	vand.u32 $0xFFFF0000, v12;
	v10 =	vadd.f32 v14, v10;
	v14 =	vld [tilespmem:s19+$0x220]  }
0x3f7: {  	v6 =	vadd.f32 v44, v6;
	v8 =	vadd.f32 v12, v8;
	v25 =	vld [tilespmem:s19+$0xFFFFFF80];
	v12 =	vshll.u32 v20, $0x10  }
0x3f8: {  	v1 =	vadd.f32 v22, v1;
	v20 =	vand.u32 $0xFFFF0000, v20;
	v10 =	vadd.f32 v12, v10;
	v12 =	vld [tilespmem:s19+$0x240]  }
0x3f9: {  	v22 =	vshll.u32 v45, $0x10;
	v8 =	vadd.f32 v20, v8;
	v44 =	vld.idx.msk [tilespmem:v24+s30+$0x0], $0xffff;
	v20 =	vshll.u32 v16, $0x10  }
0x3fa: {  	v45 =	vand.u32 $0xFFFF0000, v45;
	v16 =	vand.u32 $0xFFFF0000, v16;
	v10 =	vadd.f32 v20, v10;
	v20 =	vld [tilespmem:s19+$0x260]  }
0x3fb: {  	v6 =	vadd.f32 v22, v6;
	v8 =	vadd.f32 v16, v8;
	v22 =	vld [tilespmem:s19+$0xFFFFFFA0];
	v16 =	vshll.u32 v14, $0x10  }
0x3fc: {  	v1 =	vadd.f32 v45, v1;
	v14 =	vand.u32 $0xFFFF0000, v14;
	v46 =	vld [tilespmem:s19+$0xFFFFFFC0];
	v10 =	vadd.f32 v16, v10  }
0x3fd: {  	s21 =	sadd.s32 $0x100, s21;
	v16 =	vshll.u32 v18, $0x10;
	v8 =	vadd.f32 v14, v8;
	v59 =	vld [tilespmem:s19+$0xFFFFFFE0];
	v14 =	vshll.u32 v12, $0x10  }
0x3fe: {  	s2 =	sadd.s32 $0xFFFFFF60, s21;
	s7 =	sadd.s32 $0xFFFFFF80, s21;
	s0 =	sadd.s32 $0xFFFFFFE0, s21;
	v18 =	vand.u32 $0xFFFF0000, v18;
	v12 =	vand.u32 $0xFFFF0000, v12;
	v45 =	vld.idx.msk [tilespmem:v24+s29+$0x0], $0xffff;
	v10 =	vadd.f32 v14, v10  }
0x3ff: {  	v8 =	vadd.f32 v12, v8;
	v14 =	vor.u32 s0, v0;
	v12 =	vshll.u32 v20, $0x10  }
0x400: {  	v20 =	vand.u32 $0xFFFF0000, v20;
	v10 =	vadd.f32 v12, v10;
	v12 =	vmul.f32 v33, v44  }
0x401: {  	v14 =	vand.u32 v32, v14;
	v8 =	vadd.f32 v20, v8;
	v20 =	vmul.f32 v34, v44  }
0x402: {  	v6 =	vadd.f32 v16, v6;
	v10 =	vsub.f32 v10, v12;
	v12 =	vor.u32 s0, v4  }
0x403: {  	v1 =	vadd.f32 v18, v1;
	v16 =	vshll.u32 v55, $0x10;
	v8 =	vsub.f32 v8, v20  }
0x404: {  	v18 =	vand.u32 $0xFFFF0000, v55;
	v6 =	vadd.f32 v16, v6;
	v10 =	vmul.f32 v10, v45  }
0x405: {  	v1 =	vadd.f32 v18, v1;
	v16 =	vshll.u32 v60, $0x10;
	v8 =	vmul.f32 v8, v45  }
0x406: {  	v18 =	vand.u32 $0xFFFF0000, v60;
	v6 =	vadd.f32 v16, v6;
	v16 =	vshll.u32 v61, $0x10;
	[tilespmem:v14+s31+$0x0] =	vst.idx.msk $0xffff, v10  }
0x407: {  	v1 =	vadd.f32 v18, v1;
	v10 =	vand.u32 $0xFFFF0000, v61;
	v14 =	vshll.u32 v21, $0x10;
	[tilespmem:v12+s31+$0x0] =	vst.idx.msk $0xffff, v8  }
0x408: {  	v6 =	vadd.f32 v16, v6;
	v8 =	vand.u32 $0xFFFF0000, v21;
	v12 =	vshll.u32 v62, $0x10;
	v16 =	vld [tilespmem:s19+$0x10]  }
0x409: {  	v18 =	vshll.u32 v23, $0x10;
	v1 =	vadd.f32 v10, v1;
	v10 =	vand.u32 $0xFFFF0000, v62  }
0x40a: {  	v20 =	vshll.u32 v63, $0x10;
	v6 =	vadd.f32 v14, v6;
	v14 =	vand.u32 $0xFFFF0000, v23;
	v21 =	vld [tilespmem:s19+$0x30]  }
0x40b: {  	v23 =	vmov s8;
	v1 =	vadd.f32 v8, v1;
	v8 =	vand.u32 $0xFFFF0000, v63  }
0x40c: {  	v23 =	vand.u32 $0xFFFFFFFE, v23;
	v6 =	vadd.f32 v12, v6;
	v12 =	vshll.u32 v25, $0x10;
	v24 =	vld [tilespmem:s19+$0x50]  }
0x40d: {  	v1 =	vadd.f32 v10, v1;
	v10 =	vand.u32 $0xFFFF0000, v25;
	v25 =	vshll.u32 v16, $0x10  }
0x40e: {  	v6 =	vadd.f32 v18, v6;
	v16 =	vand.u32 $0xFFFF0000, v16;
	v18 =	vadd.f32 $0.0e+00, v25;
	v25 =	vld [tilespmem:s19+$0x70]  }
0x40f: {  	v1 =	vadd.f32 v14, v1;
	v14 =	vadd.f32 $0.0e+00, v16;
	v16 =	vshll.u32 v21, $0x10  }
0x410: {  	v6 =	vadd.f32 v20, v6;
	v20 =	vand.u32 $0xFFFF0000, v21;
	v16 =	vadd.f32 v16, v18;
	v18 =	vld [tilespmem:s19+$0x90]  }
0x411: {  	v1 =	vadd.f32 v8, v1;
	v8 =	vadd.f32 v20, v14;
	v14 =	vshll.u32 v24, $0x10  }
0x412: {  	v20 =	vbroadcast v23, $0x0;
	v21 =	vand.u32 $0xFFFF0000, v24;
	v14 =	vadd.f32 v14, v16;
	v16 =	vld [tilespmem:s19+$0xB0]  }
0x413: {  	v6 =	vadd.f32 v12, v6;
	v8 =	vadd.f32 v21, v8;
	v12 =	vshll.u32 v25, $0x10  }
0x414: {  	v1 =	vadd.f32 v10, v1;
	v10 =	vand.u32 $0xFFFF0000, v25;
	v12 =	vadd.f32 v12, v14;
	v14 =	vld [tilespmem:s19+$0xD0]  }
0x415: {  	v21 =	vshll.u32 v22, $0x10;
	v8 =	vadd.f32 v10, v8;
	v10 =	vshll.u32 v18, $0x10  }
0x416: {  	v22 =	vand.u32 $0xFFFF0000, v22;
	v18 =	vand.u32 $0xFFFF0000, v18;
	v10 =	vadd.f32 v10, v12;
	v12 =	vld [tilespmem:s19+$0xF0]  }
0x417: {  	v6 =	vadd.f32 v21, v6;
	v8 =	vadd.f32 v18, v8;
	v18 =	vshll.u32 v16, $0x10  }
0x418: {  	v1 =	vadd.f32 v22, v1;
	v16 =	vand.u32 $0xFFFF0000, v16;
	v10 =	vadd.f32 v18, v10;
	v18 =	vld [tilespmem:s19+$0x110]  }
0x419: {  	v21 =	vshll.u32 v46, $0x10;
	v8 =	vadd.f32 v16, v8;
	v55 =	vld.idx.msk [tilespmem:v20+s30+$0x0], $0xffff;
	v16 =	vshll.u32 v14, $0x10  }
0x41a: {  	v22 =	vand.u32 $0xFFFF0000, v46;
	v14 =	vand.u32 $0xFFFF0000, v14;
	v10 =	vadd.f32 v16, v10;
	v16 =	vld [tilespmem:s19+$0x130]  }
0x41b: {  	v6 =	vadd.f32 v21, v6;
	v8 =	vadd.f32 v14, v8;
	v46 =	vld.idx.msk [tilespmem:v20+s29+$0x0], $0xffff;
	v14 =	vshll.u32 v12, $0x10  }
0x41c: {  	v1 =	vadd.f32 v22, v1;
	v12 =	vand.u32 $0xFFFF0000, v12;
	v10 =	vadd.f32 v14, v10;
	v14 =	vld [tilespmem:s19+$0x150]  }
0x41d: {  	v20 =	vshll.u32 v59, $0x10;
	v8 =	vadd.f32 v12, v8;
	v12 =	vshll.u32 v18, $0x10  }
0x41e: {  	v21 =	vand.u32 $0xFFFF0000, v59;
	v18 =	vand.u32 $0xFFFF0000, v18;
	v10 =	vadd.f32 v12, v10;
	v12 =	vld [tilespmem:s19+$0x170]  }
0x41f: {  	v6 =	vadd.f32 v20, v6;
	v8 =	vadd.f32 v18, v8;
	v18 =	vshll.u32 v16, $0x10  }
0x420: {  	v1 =	vadd.f32 v21, v1;
	v16 =	vand.u32 $0xFFFF0000, v16;
	v10 =	vadd.f32 v18, v10;
	v18 =	vld [tilespmem:s19+$0x190]  }
0x421: {  	v20 =	vmul.f32 v33, v55;
	v8 =	vadd.f32 v16, v8;
	v16 =	vshll.u32 v14, $0x10  }
0x422: {  	v21 =	vmul.f32 v34, v55;
	v14 =	vand.u32 $0xFFFF0000, v14;
	v10 =	vadd.f32 v16, v10;
	v16 =	vld [tilespmem:s19+$0x1B0]  }
0x423: {  	v6 =	vsub.f32 v6, v20;
	v8 =	vadd.f32 v14, v8;
	v14 =	vshll.u32 v12, $0x10  }
0x424: {  	v1 =	vsub.f32 v1, v21;
	v12 =	vand.u32 $0xFFFF0000, v12;
	v10 =	vadd.f32 v14, v10;
	v14 =	vld [tilespmem:s19+$0x1D0]  }
0x425: {  	v6 =	vmul.f32 v6, v46;
	v8 =	vadd.f32 v12, v8;
	v12 =	vshll.u32 v18, $0x10  }
0x426: {  	v1 =	vmul.f32 v1, v46;
	v18 =	vand.u32 $0xFFFF0000, v18;
	v10 =	vadd.f32 v12, v10;
	v12 =	vld [tilespmem:s19+$0x1F0]  }
0x427: {  	v20 =	vor.u32 s2, v0;
	v8 =	vadd.f32 v18, v8;
	v18 =	vshll.u32 v16, $0x10  }
0x428: {  	v20 =	vand.u32 v32, v20;
	v16 =	vand.u32 $0xFFFF0000, v16;
	v10 =	vadd.f32 v18, v10;
	v18 =	vld [tilespmem:s19+$0x210]  }
0x429: {  	v21 =	vor.u32 s2, v4;
	v8 =	vadd.f32 v16, v8;
	v16 =	vshll.u32 v14, $0x10  }
0x42a: {  	v22 =	vadd.f32 v51, v57;
	v14 =	vand.u32 $0xFFFF0000, v14;
	v10 =	vadd.f32 v16, v10;
	v16 =	vld [tilespmem:s19+$0x230]  }
0x42b: {  	v23 =	vadd.f32 v56, v58;
	v8 =	vadd.f32 v14, v8;
	v14 =	vshll.u32 v12, $0x10  }
0x42c: {  	v22 =	vadd.f32 v53, v22;
	v12 =	vand.u32 $0xFFFF0000, v12;
	v10 =	vadd.f32 v14, v10;
	v14 =	vld [tilespmem:s19+$0x250]  }
0x42d: {  	[tilespmem:v20+s31+$0x0] =	vst.idx.msk $0xffff, v6;
	v6 =	vadd.f32 v12, v8;
	v8 =	vshll.u32 v18, $0x10;
	v12 =	vadd.f32 v52, v23  }
0x42e: {  	[tilespmem:v21+s31+$0x0] =	vst.idx.msk $0xffff, v1;
	v1 =	vand.u32 $0xFFFF0000, v18;
	v8 =	vadd.f32 v8, v10;
	v57 =	vld [tilespmem:s19+$0x270];
	v10 =	vadd.f32 v48, v22  }
.Ltmp3:
0x42f: {  	v58 =	vld [tilespmem:s19+$0xFFFFFD90];
	v1 =	vadd.f32 v1, v6;
	v6 =	vshll.u32 v16, $0x10;
	v12 =	vadd.f32 v54, v12;
	(pc) =	sbr.rel @p0 .LBB2_9-.Ltmp3, $4  }
0x430: {  	v16 =	vand.u32 $0xFFFF0000, v16;
	v56 =	vld [tilespmem:s19+$0xFFFFFDB0];
	v6 =	vadd.f32 v6, v8;
	v8 =	vadd.f32 v50, v10  }
0x431: {  	v53 =	vld [tilespmem:s19+$0xFFFFFDD0];
	v1 =	vadd.f32 v16, v1;
	v10 =	vshll.u32 v14, $0x10;
	v52 =	vadd.f32 v49, v12  }
0x432: {  	v12 =	vand.u32 $0xFFFF0000, v14;
	v50 =	vld [tilespmem:s19+$0xFFFFFDF0];
	v54 =	vadd.f32 v10, v6;
	v47 =	vadd.f32 v47, v8  }
0x433: {  	s6 =	sadd.s32 $0x80, s6;
	v49 =	vor.u32 s21, v0;
	v51 =	vld [tilespmem:s19+$0xFFFFFE10];
	v48 =	vadd.f32 v12, v1;
	v59 =	vshll.u32 v57, $0x10  }
0x434: {  	v1 =	vshll.u32 v58, $0x10  }
0x435: {  	v6 =	vand.u32 $0xFFFF0000, v58;
	v1 =	vadd.f32 $0.0e+00, v1  }
0x436: {  	v6 =	vadd.f32 $0.0e+00, v6;
	v8 =	vshll.u32 v56, $0x10  }
0x437: {  	v10 =	vand.u32 $0xFFFF0000, v56;
	v1 =	vadd.f32 v8, v1  }
0x438: {  	v6 =	vadd.f32 v10, v6;
	v8 =	vshll.u32 v53, $0x10  }
0x439: {  	v12 =	vand.u32 $0xFFFF0000, v53;
	v10 =	vld [tilespmem:s19+$0xFFFFFE30];
	v1 =	vadd.f32 v8, v1  }
0x43a: {  	v8 =	vshll.u32 v50, $0x10;
	v6 =	vadd.f32 v12, v6  }
0x43b: {  	v14 =	vand.u32 $0xFFFF0000, v50;
	v12 =	vld [tilespmem:s19+$0xFFFFFE50];
	v1 =	vadd.f32 v8, v1  }
0x43c: {  	v8 =	vshll.u32 v51, $0x10;
	v6 =	vadd.f32 v14, v6  }
0x43d: {  	v16 =	vand.u32 $0xFFFF0000, v51;
	v14 =	vld [tilespmem:s19+$0xFFFFFE70];
	v1 =	vadd.f32 v8, v1  }
0x43e: {  	v8 =	vshll.u32 v10, $0x10;
	v6 =	vadd.f32 v16, v6  }
0x43f: {  	v16 =	vld [tilespmem:s19+$0xFFFFFE90];
	v10 =	vand.u32 $0xFFFF0000, v10;
	v1 =	vadd.f32 v8, v1  }
0x440: {  	v8 =	vshll.u32 v12, $0x10;
	v6 =	vadd.f32 v10, v6  }
0x441: {  	v10 =	vld [tilespmem:s19+$0xFFFFFEB0];
	v12 =	vand.u32 $0xFFFF0000, v12;
	v1 =	vadd.f32 v8, v1  }
0x442: {  	v8 =	vshll.u32 v14, $0x10;
	v6 =	vadd.f32 v12, v6  }
0x443: {  	v12 =	vld [tilespmem:s19+$0xFFFFFED0];
	v14 =	vand.u32 $0xFFFF0000, v14;
	v1 =	vadd.f32 v8, v1  }
0x444: {  	v8 =	vshll.u32 v16, $0x10;
	v6 =	vadd.f32 v14, v6  }
0x445: {  	v14 =	vld [tilespmem:s19+$0xFFFFFEF0];
	v16 =	vand.u32 $0xFFFF0000, v16;
	v1 =	vadd.f32 v8, v1  }
0x446: {  	v8 =	vshll.u32 v10, $0x10;
	v6 =	vadd.f32 v16, v6  }
0x447: {  	v16 =	vld [tilespmem:s19+$0xFFFFFF10];
	v10 =	vand.u32 $0xFFFF0000, v10;
	v1 =	vadd.f32 v8, v1  }
0x448: {  	v8 =	vshll.u32 v12, $0x10;
	v6 =	vadd.f32 v10, v6  }
0x449: {  	v10 =	vld [tilespmem:s19+$0xFFFFFF30];
	v12 =	vand.u32 $0xFFFF0000, v12;
	v1 =	vadd.f32 v8, v1  }
0x44a: {  	v8 =	vshll.u32 v14, $0x10;
	v6 =	vadd.f32 v12, v6  }
0x44b: {  	v18 =	vld [tilespmem:s19+$0xFFFFFF50];
	v60 =	vmul.f32 v35, v55;
	v14 =	vand.u32 $0xFFFF0000, v14;
	v1 =	vadd.f32 v8, v1  }
0x44c: {  	v12 =	vand.u32 $0xFFFF0000, v57;
	v20 =	vshll.u32 v16, $0x10;
	v6 =	vadd.f32 v14, v6  }
0x44d: {  	v21 =	vld [tilespmem:s19+$0xFFFFFF70];
	v16 =	vand.u32 $0xFFFF0000, v16;
	v8 =	vadd.f32 v59, v54;
	v1 =	vadd.f32 v20, v1  }
0x44e: {  	v14 =	vmul.f32 v35, v44;
	v20 =	vshll.u32 v10, $0x10;
	v6 =	vadd.f32 v16, v6  }
0x44f: {  	v22 =	vld [tilespmem:s19+$0xFFFFFF90];
	v12 =	vadd.f32 v12, v48;
	v10 =	vand.u32 $0xFFFF0000, v10;
	v1 =	vadd.f32 v20, v1  }
0x450: {  	v23 =	vshll.u32 v18, $0x10;
	v8 =	vsub.f32 v8, v14;
	v6 =	vadd.f32 v10, v6  }
0x451: {  	v14 =	vld [tilespmem:s19+$0xFFFFFFB0];
	v20 =	vmul.f32 v36, v44;
	v10 =	vand.u32 $0xFFFF0000, v18;
	v1 =	vadd.f32 v23, v1  }
0x452: {  	v62 =	vmul.f32 v36, v55;
	v57 =	vshll.u32 v21, $0x10;
	v59 =	vld [tilespmem:s19+$0xFFFFFFF0];
	v6 =	vadd.f32 v10, v6  }
0x453: {  	v10 =	vsub.f32 v12, v20;
	v12 =	vld [tilespmem:s19+$0xFFFFFFD0];
	v20 =	vand.u32 $0xFFFF0000, v21;
	v1 =	vadd.f32 v57, v1  }
0x454: {  	v58 =	vshll.u32 v22, $0x10;
	v16 =	vand.u32 v2, v49;
	v6 =	vadd.f32 v20, v6  }
0x455: {  	v18 =	vor.u32 s21, v4;
	v20 =	vand.u32 $0xFFFF0000, v22;
	v1 =	vadd.f32 v58, v1  }
0x456: {  	v8 =	vmul.f32 v8, v45;
	v61 =	vshll.u32 v14, $0x10;
	v6 =	vadd.f32 v20, v6  }
0x457: {  	v25 =	vshll.u32 v59, $0x10;
	v14 =	vand.u32 $0xFFFF0000, v14;
	v1 =	vadd.f32 v61, v1  }
0x458: {  	v10 =	vmul.f32 v10, v45;
	v24 =	vshll.u32 v12, $0x10;
	v6 =	vadd.f32 v14, v6  }
0x459: {  	v20 =	vadd.f32 v43, v52;
	v12 =	vand.u32 $0xFFFF0000, v12;
	v1 =	vadd.f32 v24, v1  }
0x45a: {  	v14 =	vadd.f32 v42, v47;
	v24 =	vor.u32 s7, v0;
	v6 =	vadd.f32 v12, v6  }
0x45b: {  	v12 =	vsub.f32 v20, v38;
	v20 =	vand.u32 $0xFFFF0000, v59;
	v1 =	vadd.f32 v25, v1  }
0x45c: {  	s18 =	sadd.s32 $0x1, s18;
	v14 =	vsub.f32 v14, v39;
	v63 =	vand.u32 v2, v24;
	v6 =	vadd.f32 v20, v6  }
0x45d: {  	p0 =	sne.s32 s18, $0x10;
	[tilespmem:v16+s31+$0x0] =	vst.idx.msk $0xffff, v8;
	v8 =	vmul.f32 v12, v37;
	v12 =	vor.u32 s7, v4;
	v1 =	vsub.f32 v1, v60  }
.Ltmp4:
0x45e: {  	[tilespmem:v18+s31+$0x0] =	vst.idx.msk $0xffff, v10;
	v10 =	vmul.f32 v14, v37;
	v6 =	vsub.f32 v6, v62;
	(pc) =	sbr.rel @p0 .LBB2_6-.Ltmp4, $4  }
0x45f: {  	[tilespmem:v40+s31+$0x0] =	vst.idx.msk $0xffff, v8;
	v1 =	vmul.f32 v1, v46  }
0x460: {  	[tilespmem:v41+s31+$0x0] =	vst.idx.msk $0xffff, v10;
	v6 =	vmul.f32 v6, v46  }
0x461: {  	s11 =	sadd.s32 $0x1000, s11;
	s14 =	sadd.s32 $0x20, s14;
	[tilespmem:v63+s31+$0x0] =	vst.idx.msk $0xffff, v1  }
0x462: {  	s15 =	sadd.s32 $0x1000, s15;
	s16 =	sadd.s32 $0x1000, s16;
	s17 =	sadd.s32 $0x1000, s17;
	[tilespmem:v12+s31+$0x0] =	vst.idx.msk $0xffff, v6  }
0x463: {  	s9 =	simm.s32 $0x0;
	s0 =	rddreg [dreg:$0x6];
	s5 =	simm.s32 $0x3  }
0x464: {  	[hbm4b:s0+s9] =	stream.linear.scatter [tilespmem:s31], [sflag:$0x3], $0x10000, $0x38;
	[tilespmem:$0x19A20] =	vst v63  }
0x465: {  	_ =	swait.ge [sflag:s5], $0x10000  }
0x466: {  	v1 =	vld [tilespmem:$0x1FF20]  }
0x467: {  	v6 =	vld [tilespmem:$0x1FF30]  }
0x468: {  	v8 =	vld [tilespmem:$0x1FF40]  }
0x469: {  	v10 =	vld [tilespmem:$0x1FF50]  }
0x46a: {  	v12 =	vld [tilespmem:$0x1FF60]  }
0x46b: {  	v14 =	vld [tilespmem:$0x1FF70]  }
0x46c: {  	s2 =	rddreg [dreg:$0x8];
	v16 =	vld [tilespmem:$0x1FF80]  }
0x46d: {  	s21 =	rddreg [dreg:$0x7];
	v18 =	vld [tilespmem:$0x1FF90];
	s2 =	sadd.s32 $0x1, s2  }
0x46e: {  	v20 =	vld [tilespmem:$0x1FFA0];
	p0 =	sne.s32 s2, s21  }
.Ltmp5:
0x46f: {  	v21 =	vld [tilespmem:$0x1FFB0];
	(pc) =	sbr.rel @p0 .LBB2_1-.Ltmp5, $4  }
0x470: {  	v22 =	vld [tilespmem:$0x1FFC0]  }
0x471: {  	v23 =	vld [tilespmem:$0x1FFD0]  }
0x472: {  	[sflag:s5] =	ssyncset.done $0x0;
	v24 =	vld [tilespmem:$0x1FFE0]  }
0x473: {  	s6 =	simm.s32 $0x9400;
	v25 =	vld [tilespmem:$0x1FFF0];
	[sflag:s5] =	ssyncadd.s32 $0xFFFF0000  }
0x474: {  	_ =	sfence.sel $0x180000  }
0x475: {  	[bflag:$0x0] =	sbarrier.arrive $0xFFFF  }
0x476: {  	_ =	strace $0x90000047  }
0x477: {  	s0 =	stileid.u32;
	[bflag:$0x2] =	sbarrier.arrive $0xFFFF  }
0x478: {  	p0 =	sne.s32 s0, $0x0;
	s0 =	rddreg [dreg:$0x3]  }
0x479: {  	s0 =	sadd.s32 @!p0 $0x100000, s0  }
0x47a: {  	[sflag:s0] =	ssyncadd.tile.s32 @!p0 $0x1;
	_ =	shalt  }
.Lfunc_end2:
_tile_overlayer_lowered:
.L_overlay_start_2:
0x47b: {  	(tag) =	ssettag $0x2  }
0x47c: {  	s0 =	rddreg [dreg:$0x0];
	s2 =	stileid.u32  }
0x47d: {  	s1 =	rddreg [dreg:$0x1];
	p0 =	sne.s32 s2, $0x0  }
0x47e: {  	s3 =	rddreg [dreg:$0x2];
	[bflag:$0x3] =	sbarrier.arrive $0xFFFF;
	s2 =	simm.s32 @!p0 $0x1C03  }
0x47f: {  	[timem:s3], [sflag:s2] =	dma.local @!p0 [hbm:s0], s1  }
0x480: {  	s0 =	simm.s32 @!p0 $0x3  }
0x481: {  	_ =	swait.ge @!p0 [sflag:s0], s1  }
0x482: {  	s1 =	ssub.s32 @!p0 $0x0, s1;
	[sflag:s0] =	ssyncset.done @!p0 $0x0  }
0x483: {  	[sflag:s0] =	ssyncadd.s32 @!p0 s1  }
0x484: {  	[bflag:$0x3] =	sbarrier.arrive $0xFFFF  }
0x485: {  	_ =	shalt  }

</sc_bundles>
